<compile_context>
chip_gen: v7x
topology: tpu7x:2x2x1
jax: 0.10.2.dev20260603
libtpu: 0.0.44.dev20260713+nightly
codegen_flags: <defaults>
</compile_context>

<pallas_src>
import functools

import jax
import jax.numpy as jnp
from jax import lax
from jax.experimental import pallas as pl
from jax.experimental.pallas import tpu as pltpu
from jax.experimental.pallas import tpu_sc as plsc

N = 10000
K = 20
NUM_GRAPHS = 4
BN = 1000
NB = N // BN
CHUNK = 128
NW = 32
E = K * N
NTASK = (E + CHUNK - 1) // CHUNK
TAIL = E - (NTASK - 1) * CHUNK
ITERS = (NTASK + NW - 1) // NW

_F32 = jnp.float32
_BF16 = jnp.bfloat16


def _split(x):
    xh = x.astype(_BF16)
    xl = (x - xh.astype(_F32)).astype(_BF16)
    return xh, xl


def _dot1(a, b):
    return jnp.dot(a, b, preferred_element_type=_F32)


def _dot3(a2, b2):
    ah, al = a2
    bh, bl = b2
    return _dot1(ah, bh) + _dot1(ah, bl) + _dot1(al, bh)


def _sc_gather(table, idx2):
    C = table.shape[1]
    mesh = plsc.VectorSubcoreMesh(core_axis_name="c", subcore_axis_name="s")

    @functools.partial(
        pl.kernel,
        mesh=mesh,
        compiler_params=pltpu.CompilerParams(use_tc_tiling_on_sc=False),
        out_type=jax.ShapeDtypeStruct((E, C), jnp.float32),
        scratch_types=[
            pltpu.VMEM((CHUNK,), jnp.int32),
            pltpu.VMEM((CHUNK, C), jnp.float32),
            pltpu.SemaphoreType.DMA,
        ],
    )
    def gather_kernel(table_hbm, idx_hbm, out_hbm, idx_v, rows_v, sem):
        wid = lax.axis_index("s") * 2 + lax.axis_index("c")

        def body(j, carry):
            t = j * NW + wid

            @pl.when(t < NTASK)
            def _():
                pltpu.sync_copy(idx_hbm.at[t], idx_v)
                pltpu.async_copy(table_hbm.at[idx_v], rows_v, sem).wait()

                @pl.when(t < NTASK - 1)
                def _():
                    pltpu.sync_copy(rows_v, out_hbm.at[pl.ds(t * CHUNK, CHUNK)])

                @pl.when(t == NTASK - 1)
                def _():
                    pltpu.sync_copy(
                        rows_v.at[pl.ds(0, TAIL)],
                        out_hbm.at[pl.ds((NTASK - 1) * CHUNK, TAIL)],
                    )

            return carry

        lax.fori_loop(0, ITERS, body, 0)

    return gather_kernel(table, idx2)


def _conv_layer(f, g3, wd, wab, ba, wb, bb, hi=False):
    C = f.shape[1]
    Co = wb.shape[0]

    def body(f_ref, g_ref, wd_ref, wab_ref, ba_ref, wb_ref, bb_ref, o_ref):
        if hi:
            dh = lambda a, b: jnp.dot(a, b, preferred_element_type=_F32,
                                      precision=lax.Precision.HIGHEST)
            base = dh(f_ref[...], wd_ref[...]) + ba_ref[...]
            wab_v, wb_v, bb_v = wab_ref[...], wb_ref[...], bb_ref[...]
            acc = jnp.zeros((BN, Co), jnp.float32)
            for k in range(K):
                h = jnp.maximum(dh(g_ref[k], wab_v) + base, 0.0)
                h = jnp.maximum(dh(h, wb_v) + bb_v, 0.0)
                acc = jnp.maximum(acc, h)
            o_ref[...] = acc
            return
        base = _dot3(_split(f_ref[...]), _split(wd_ref[...])) + ba_ref[...]
        wab2 = _split(wab_ref[...])
        wb2 = _split(wb_ref[...])
        bb_v = bb_ref[...]
        acc = jnp.zeros((BN, Co), jnp.float32)
        for k in range(K):
            h = jnp.maximum(_dot3(_split(g_ref[k]), wab2) + base, 0.0)
            h = jnp.maximum(_dot3(_split(h), wb2) + bb_v, 0.0)
            acc = jnp.maximum(acc, h)
        o_ref[...] = acc

    return pl.pallas_call(
        body,
        grid=(NB,),
        in_specs=[
            pl.BlockSpec((BN, C), lambda i: (i, 0)),
            pl.BlockSpec((K, BN, C), lambda i: (0, i, 0)),
            pl.BlockSpec((C, Co), lambda i: (0, 0)),
            pl.BlockSpec((C, Co), lambda i: (0, 0)),
            pl.BlockSpec((1, Co), lambda i: (0, 0)),
            pl.BlockSpec((Co, Co), lambda i: (0, 0)),
            pl.BlockSpec((1, Co), lambda i: (0, 0)),
        ],
        out_specs=pl.BlockSpec((BN, Co), lambda i: (i, 0)),
        out_shape=jax.ShapeDtypeStruct((N, Co), jnp.float32),
    )(f, g3, wd, wab, ba, wb, bb)


def _head_pool(batch2, f1, f2, f3, wg1, wg2, wg3, bg):

    def body(b_ref, f1_ref, f2_ref, f3_ref, wg1_ref, wg2_ref, wg3_ref,
             bg_ref, sums_ref, cnt_ref):
        i = pl.program_id(0)

        @pl.when(i == 0)
        def _():
            sums_ref[...] = jnp.zeros_like(sums_ref)
            cnt_ref[...] = jnp.zeros_like(cnt_ref)

        b = b_ref[...]
        seg = lax.broadcasted_iota(jnp.int32, (1, 8), 1)
        oh = (b == seg).astype(_BF16)
        g = _dot3(_split(f1_ref[...]), _split(wg1_ref[...]))
        g = g + _dot3(_split(f2_ref[...]), _split(wg2_ref[...]))
        g = g + _dot3(_split(f3_ref[...]), _split(wg3_ref[...]))
        g = jnp.maximum(g + bg_ref[...], 0.0)
        gh, gl = _split(g)
        dn = (((0,), (0,)), ((), ()))
        sums_ref[...] += (
            lax.dot_general(oh, gh, dn, preferred_element_type=_F32)
            + lax.dot_general(oh, gl, dn, preferred_element_type=_F32))
        cnt_ref[...] += lax.dot_general(
            oh, jnp.ones((BN, 128), _BF16), dn, preferred_element_type=_F32)

    return pl.pallas_call(
        body,
        grid=(NB,),
        in_specs=[
            pl.BlockSpec((BN, 1), lambda i: (i, 0)),
            pl.BlockSpec((BN, 64), lambda i: (i, 0)),
            pl.BlockSpec((BN, 128), lambda i: (i, 0)),
            pl.BlockSpec((BN, 256), lambda i: (i, 0)),
            pl.BlockSpec((64, 1024), lambda i: (0, 0)),
            pl.BlockSpec((128, 1024), lambda i: (0, 0)),
            pl.BlockSpec((256, 1024), lambda i: (0, 0)),
            pl.BlockSpec((1, 1024), lambda i: (0, 0)),
        ],
        out_specs=[
            pl.BlockSpec((8, 1024), lambda i: (0, 0)),
            pl.BlockSpec((8, 128), lambda i: (0, 0)),
        ],
        out_shape=[
            jax.ShapeDtypeStruct((8, 1024), jnp.float32),
            jax.ShapeDtypeStruct((8, 128), jnp.float32),
        ],
    )(batch2, f1, f2, f3, wg1, wg2, wg3, bg)


def _head_final(batch2, f1, f2, f3, sums, cnt,
                wh1g, wh11, wh12, wh13, bh1, wh2, bh2, wh3, bh3, wh4, bh4):
    def body(b_ref, f1_ref, f2_ref, f3_ref, sums_ref, cnt_ref,
             wh1g_ref, wh11_ref, wh12_ref, wh13_ref, bh1_ref,
             wh2_ref, bh2_ref, wh3_ref, bh3_ref, wh4_ref, bh4_ref, o_ref):
        cnt1 = cnt_ref[...][:, 0:1]
        mean = sums_ref[...] * (1.0 / jnp.maximum(cnt1, 1.0))
        m1 = _dot3(_split(mean), _split(wh1g_ref[...])) + bh1_ref[...]
        b = b_ref[...]
        seg = lax.broadcasted_iota(jnp.int32, (1, 8), 1)
        oh = (b == seg).astype(_BF16)
        m1h, m1l = _split(m1)
        h = _dot1(oh, m1h) + _dot1(oh, m1l)
        h = h + _dot3(_split(f1_ref[...]), _split(wh11_ref[...]))
        h = h + _dot3(_split(f2_ref[...]), _split(wh12_ref[...]))
        h = h + _dot3(_split(f3_ref[...]), _split(wh13_ref[...]))
        h = jnp.maximum(h, 0.0)
        h = jnp.maximum(
            _dot3(_split(h), _split(wh2_ref[...])) + bh2_ref[...], 0.0)
        h = _dot3(_split(h), _split(wh3_ref[...])) + bh3_ref[...]
        h = jnp.where(h > 0, h, 0.2 * h)
        o_ref[...] = _dot3(_split(h), _split(wh4_ref[...])) + bh4_ref[...]

    return pl.pallas_call(
        body,
        grid=(NB,),
        in_specs=[
            pl.BlockSpec((BN, 1), lambda i: (i, 0)),
            pl.BlockSpec((BN, 64), lambda i: (i, 0)),
            pl.BlockSpec((BN, 128), lambda i: (i, 0)),
            pl.BlockSpec((BN, 256), lambda i: (i, 0)),
            pl.BlockSpec((8, 1024), lambda i: (0, 0)),
            pl.BlockSpec((8, 128), lambda i: (0, 0)),
            pl.BlockSpec((1024, 256), lambda i: (0, 0)),
            pl.BlockSpec((64, 256), lambda i: (0, 0)),
            pl.BlockSpec((128, 256), lambda i: (0, 0)),
            pl.BlockSpec((256, 256), lambda i: (0, 0)),
            pl.BlockSpec((1, 256), lambda i: (0, 0)),
            pl.BlockSpec((256, 256), lambda i: (0, 0)),
            pl.BlockSpec((1, 256), lambda i: (0, 0)),
            pl.BlockSpec((256, 128), lambda i: (0, 0)),
            pl.BlockSpec((1, 128), lambda i: (0, 0)),
            pl.BlockSpec((128, 1), lambda i: (0, 0)),
            pl.BlockSpec((1, 1), lambda i: (0, 0)),
        ],
        out_specs=pl.BlockSpec((BN, 1), lambda i: (i, 0)),
        out_shape=jax.ShapeDtypeStruct((N, 1), jnp.float32),
    )(batch2, f1, f2, f3, sums, cnt,
      wh1g, wh11, wh12, wh13, bh1, wh2, bh2, wh3, bh3, wh4, bh4)


def kernel(x, pos, batch, knn_idx,
           W0a, b0a, W0b, b0b,
           W1a, b1a, W1b, b1b,
           W2a, b2a, W2b, b2b,
           Wg, bg, Wh1, bh1, Wh2, bh2, Wh3, bh3, Wh4, bh4):
    knn_t = jnp.transpose(knn_idx.astype(jnp.int32)).reshape(-1)
    idx2 = jnp.concatenate(
        [knn_t, jnp.zeros((NTASK * CHUNK - E,), jnp.int32)]).reshape(NTASK, CHUNK)
    batch2 = batch.astype(jnp.int32).reshape(N, 1)

    f0 = jnp.concatenate([pos, x, jnp.zeros((N, 2), jnp.float32)], axis=1)
    zpad = jnp.zeros((2, W0a.shape[1]), jnp.float32)
    wd0 = jnp.concatenate([W0a[:6] - W0a[6:], zpad], axis=0)
    wab0 = jnp.concatenate([W0a[6:], zpad], axis=0)
    wd1, wab1 = W1a[:64] - W1a[64:], W1a[64:]
    wd2, wab2 = W2a[:128] - W2a[128:], W2a[128:]
    r1 = lambda v: v.reshape(1, -1)

    g0 = _sc_gather(f0, idx2).reshape(K, N, 8)
    f1 = _conv_layer(f0, g0, wd0, wab0, r1(b0a), W0b, r1(b0b), hi=True)
    g1 = _sc_gather(f1, idx2).reshape(K, N, 64)
    f2 = _conv_layer(f1, g1, wd1, wab1, r1(b1a), W1b, r1(b1b))
    g2 = _sc_gather(f2, idx2).reshape(K, N, 128)
    f3 = _conv_layer(f2, g2, wd2, wab2, r1(b2a), W2b, r1(b2b))

    sums, cnt = _head_pool(batch2, f1, f2, f3,
                           Wg[:64], Wg[64:192], Wg[192:], r1(bg))
    out = _head_final(batch2, f1, f2, f3, sums, cnt,
                      Wh1[:1024], Wh1[1024:1088], Wh1[1088:1216], Wh1[1216:],
                      r1(bh1), Wh2, r1(bh2), Wh3, r1(bh3), Wh4, r1(bh4))
    return out

# --- scband reference (transcript-rebuilt; emitter-appended) ---
"""Pipeline reference for scband-delta-point-pde-38070590112387 (READ-ONLY COPY).

The authoritative reference and input builder live on the scoring server;
editing this copy changes nothing except your own understanding.
"""

import jax, jax.numpy as jnp
import numpy as np

N = 10000
K = 20
NUM_GRAPHS = 4
CONV_CHANNELS = [64, 128, 256]
EMBED = 1024
OUT_CH = 1


def _lin_init(key, fan_in, fan_out):
    return jax.random.normal(key, (fan_in, fan_out), dtype=jnp.float32) / np.sqrt(fan_in)


def setup_inputs(seed: int = 0) -> dict:
    key = jax.random.key(seed)
    ks = jax.random.split(key, 32)
    inp = {}
    inp["x"] = jax.random.normal(ks[0], (N, 3), dtype=jnp.float32)
    inp["pos"] = jax.random.normal(ks[1], (N, 3), dtype=jnp.float32)
    inp["batch"] = jnp.sort(jax.random.randint(ks[2], (N,), 0, NUM_GRAPHS)).astype(jnp.int32)
    inp["knn_idx"] = jax.random.randint(ks[3], (N, K), 0, N)
    i = 4
    c_in = 6  # concat(pos, x)
    for li, c_out in enumerate(CONV_CHANNELS):
        inp[f"W{li}a"] = _lin_init(ks[i], 2 * c_in, c_out); i += 1
        inp[f"b{li}a"] = jnp.zeros((c_out,), jnp.float32)
        inp[f"W{li}b"] = _lin_init(ks[i], c_out, c_out); i += 1
        inp[f"b{li}b"] = jnp.zeros((c_out,), jnp.float32)
        c_in = c_out
    s = sum(CONV_CHANNELS)
    inp["Wg"] = _lin_init(ks[i], s, EMBED); i += 1
    inp["bg"] = jnp.zeros((EMBED,), jnp.float32)
    inp["Wh1"] = _lin_init(ks[i], EMBED + s, 256); i += 1
    inp["bh1"] = jnp.zeros((256,), jnp.float32)
    inp["Wh2"] = _lin_init(ks[i], 256, 256); i += 1
    inp["bh2"] = jnp.zeros((256,), jnp.float32)
    inp["Wh3"] = _lin_init(ks[i], 256, 128); i += 1
    inp["bh3"] = jnp.zeros((128,), jnp.float32)
    inp["Wh4"] = _lin_init(ks[i], 128, OUT_CH); i += 1
    inp["bh4"] = jnp.zeros((OUT_CH,), jnp.float32)
    return inp


def reference(x, pos, batch, knn_idx,
              W0a, b0a, W0b, b0b,
              W1a, b1a, W1b, b1b,
              W2a, b2a, W2b, b2b,
              Wg, bg, Wh1, bh1, Wh2, bh2, Wh3, bh3, Wh4, bh4):
    relu = jax.nn.relu
    f = jnp.concatenate([pos, x], axis=1)
    outs = []
    for (Wa, ba, Wb, bb) in [(W0a, b0a, W0b, b0b), (W1a, b1a, W1b, b1b), (W2a, b2a, W2b, b2b)]:
        fj = jnp.take(f, knn_idx, axis=0)              # gather neighbor features [N, K, C]
        fi = jnp.broadcast_to(f[:, None, :], fj.shape)
        e = jnp.concatenate([fi, fj - fi], axis=-1)     # edge features [N, K, 2C]
        h = relu(e @ Wa + ba)                           # mlp_depth = 2
        h = relu(h @ Wb + bb)
        f = jnp.max(h, axis=1)                          # max aggregation over neighbors
        outs.append(f)
    local = jnp.concatenate(outs, axis=1)               # [N, sum(conv_channels)]
    g = relu(local @ Wg + bg)                           # lin_global MLP
    sums = jax.ops.segment_sum(g, batch, num_segments=NUM_GRAPHS)
    cnt = jax.ops.segment_sum(jnp.ones((local.shape[0],), jnp.float32), batch, num_segments=NUM_GRAPHS)
    mean = sums / jnp.maximum(cnt, 1.0)[:, None]        # global_mean_pool
    gexp = jnp.take(mean, batch, axis=0)                # repeat_interleave (batch sorted)
    comb = jnp.concatenate([gexp, local], axis=1)
    h = relu(comb @ Wh1 + bh1)                          # MLP + Dropout(eval=identity)
    h = relu(h @ Wh2 + bh2)                             # MLP + Dropout(eval=identity)
    h = h @ Wh3 + bh3
    h = jnp.where(h > 0, h, 0.2 * h)                    # LeakyReLU(0.2)
    out = h @ Wh4 + bh4
    return out

if __name__ == "__main__":
    import jax
    _d = setup_inputs()
    print(jax.jit(kernel)(*tuple(_d.values())))

</pallas_src>

<mosaic_0001>
#map = affine_map<(d0, d1) -> (0, 0)>
module attributes {stable_mosaic.version = 14 : i64} {
  func.func @gather_kernel(%arg0: i32, %arg1: i32, %arg2: memref<10000x64xf32, #tpu.memory_space<hbm>>, %arg3: memref<1563x128xi32, #tpu.memory_space<hbm>>, %arg4: memref<200000x64xf32, #tpu.memory_space<hbm>>, %arg5: memref<128xi32, #tpu.memory_space<vmem>>, %arg6: memref<128x64xf32, #tpu.memory_space<vmem>>, %arg7: memref<!tpu.dma_semaphore, #tpu.memory_space<semaphore_mem>>) attributes {dimension_semantics = [#tpu.dimension_semantics<core_parallel>, #tpu.dimension_semantics<subcore_parallel>], iteration_bounds = array<i64: 2, 16>, scalar_prefetch = 0 : i64, scratch_operands = 3 : i64, tpu.core_type = #tpu.core_type<sc_vector_subcore>, window_params = [{transform_indices = #map}, {transform_indices = #map}, {transform_indices = #map}]} {
    %mul3A = arith.constant 2 : i32
    %mul3A_0 = arith.muli %arg1, %mul3A : i32
    %add3A = arith.addi %mul3A_0, %arg0 : i32
    %scan3A = arith.constant 0 : i32
    %scan3A_1 = arith.constant 0 : i32
    %scan3A_2 = arith.constant 49 : i32
    %scan3A_3 = arith.addi %scan3A_1, %scan3A_2 : i32
    %scan3A_4 = arith.constant 1 : i32
    scf.for %scan3A_6 = %scan3A_1 to %scan3A_3 step %scan3A_4  : i32 {
      %mul3A_7 = arith.constant 32 : i32
      %mul3A_8 = arith.muli %scan3A_6, %mul3A_7 : i32
      %add3A_9 = arith.addi %mul3A_8, %add3A : i32
      %lt3A = arith.constant 1563 : i32
      %lt3A_10 = arith.cmpi slt, %add3A_9, %lt3A : i32
      %convert_element_type3A = arith.extui %lt3A_10 : i1 to i32
      %cond3A = arith.constant 0 : i32
      %cond3A_11 = arith.cmpi ne, %convert_element_type3A, %cond3A : i32
      scf.if %cond3A_11 {
        "tpu.region"() ({
          %run_scoped3A = tpu.sem_alloc : memref<!tpu.dma_semaphore, #tpu.memory_space<semaphore_mem>>
          %dma_start3A_25 = arith.constant 0 : i32
          %dma_start3A_26 = tpu.memref_slice %arg3[%add3A_9, %dma_start3A_25] : memref<1563x128xi32, #tpu.memory_space<hbm>> -> memref<1x128xi32, #tpu.memory_space<hbm>>
          %dma_start3A_27 = tpu.memref_squeeze %dma_start3A_26 : memref<1x128xi32, #tpu.memory_space<hbm>> -> memref<128xi32, #tpu.memory_space<hbm>>
          %dma_start3A_28 = arith.constant 0 : i32
          %dma_start3A_29 = tpu.memref_slice %arg3[%add3A_9, %dma_start3A_28] : memref<1563x128xi32, #tpu.memory_space<hbm>> -> memref<1x128xi32, #tpu.memory_space<hbm>>
          %dma_start3A_30 = tpu.memref_squeeze %dma_start3A_29 : memref<1x128xi32, #tpu.memory_space<hbm>> -> memref<128xi32, #tpu.memory_space<hbm>>
          tpu.enqueue_dma source(%dma_start3A_30 : memref<128xi32, #tpu.memory_space<hbm>>) target(%arg5 : memref<128xi32, #tpu.memory_space<vmem>>) target_semaphore(%run_scoped3A : memref<!tpu.dma_semaphore, #tpu.memory_space<semaphore_mem>>)
          %dma_wait3A_31 = arith.constant 0 : i32
          %dma_wait3A_32 = tpu.memref_slice %arg3[%add3A_9, %dma_wait3A_31] : memref<1563x128xi32, #tpu.memory_space<hbm>> -> memref<1x128xi32, #tpu.memory_space<hbm>>
          %dma_wait3A_33 = tpu.memref_squeeze %dma_wait3A_32 : memref<1x128xi32, #tpu.memory_space<hbm>> -> memref<128xi32, #tpu.memory_space<hbm>>
          %dma_wait3A_34 = arith.constant 0 : i32
          %dma_wait3A_35 = tpu.memref_slice %arg3[%add3A_9, %dma_wait3A_34] : memref<1563x128xi32, #tpu.memory_space<hbm>> -> memref<1x128xi32, #tpu.memory_space<hbm>>
          %dma_wait3A_36 = tpu.memref_squeeze %dma_wait3A_35 : memref<1x128xi32, #tpu.memory_space<hbm>> -> memref<128xi32, #tpu.memory_space<hbm>>
          tpu.wait_dma2 semaphore(%run_scoped3A : memref<!tpu.dma_semaphore, #tpu.memory_space<semaphore_mem>>) src(%dma_wait3A_36 : memref<128xi32, #tpu.memory_space<hbm>>) dst(%arg5 : memref<128xi32, #tpu.memory_space<vmem>>)
          tpu.yield
        }) : () -> ()
        %dma_start3A = arith.constant 0 : i32
        %dma_start3A_12 = arith.constant 0 : i32
        %dma_start3A_13 = tpu.memref_slice %arg2[%dma_start3A, %dma_start3A_12] : memref<10000x64xf32, #tpu.memory_space<hbm>> -> memref<10000x64xf32, #tpu.memory_space<hbm>>
        tpu.enqueue_indirect_dma source(%dma_start3A_13 : memref<10000x64xf32, #tpu.memory_space<hbm>>) target(%arg6 : memref<128x64xf32, #tpu.memory_space<vmem>>) offsets(%arg5 : memref<128xi32, #tpu.memory_space<vmem>>) semaphore(%arg7 : memref<!tpu.dma_semaphore, #tpu.memory_space<semaphore_mem>>)
        %dma_wait3A = arith.constant 0 : i32
        %dma_wait3A_14 = arith.constant 0 : i32
        %dma_wait3A_15 = tpu.memref_slice %arg2[%dma_wait3A, %dma_wait3A_14] : memref<10000x64xf32, #tpu.memory_space<hbm>> -> memref<10000x64xf32, #tpu.memory_space<hbm>>
        tpu.wait_indirect_dma semaphore(%arg7 : memref<!tpu.dma_semaphore, #tpu.memory_space<semaphore_mem>>) src(%dma_wait3A_15 : memref<10000x64xf32, #tpu.memory_space<hbm>>) dst(%arg6 : memref<128x64xf32, #tpu.memory_space<vmem>>)
        %lt3A_16 = arith.constant 1562 : i32
        %lt3A_17 = arith.cmpi slt, %add3A_9, %lt3A_16 : i32
        %convert_element_type3A_18 = arith.extui %lt3A_17 : i1 to i32
        %cond3A_19 = arith.constant 0 : i32
        %cond3A_20 = arith.cmpi ne, %convert_element_type3A_18, %cond3A_19 : i32
        scf.if %cond3A_20 {
          %mul3A_25 = arith.constant 128 : i32
          %mul3A_26 = arith.muli %add3A_9, %mul3A_25 : i32
          "tpu.region"() ({
            %run_scoped3A = tpu.sem_alloc : memref<!tpu.dma_semaphore, #tpu.memory_space<semaphore_mem>>
            %dma_start3A_27 = arith.constant 0 : i32
            %dma_start3A_28 = tpu.memref_slice %arg4[%mul3A_26, %dma_start3A_27] : memref<200000x64xf32, #tpu.memory_space<hbm>> -> memref<128x64xf32, #tpu.memory_space<hbm>>
            %dma_start3A_29 = arith.constant 0 : i32
            %dma_start3A_30 = tpu.memref_slice %arg4[%mul3A_26, %dma_start3A_29] : memref<200000x64xf32, #tpu.memory_space<hbm>> -> memref<128x64xf32, #tpu.memory_space<hbm>>
            tpu.enqueue_dma source(%arg6 : memref<128x64xf32, #tpu.memory_space<vmem>>) target(%dma_start3A_30 : memref<128x64xf32, #tpu.memory_space<hbm>>) target_semaphore(%run_scoped3A : memref<!tpu.dma_semaphore, #tpu.memory_space<semaphore_mem>>)
            %dma_wait3A_31 = arith.constant 0 : i32
            %dma_wait3A_32 = tpu.memref_slice %arg4[%mul3A_26, %dma_wait3A_31] : memref<200000x64xf32, #tpu.memory_space<hbm>> -> memref<128x64xf32, #tpu.memory_space<hbm>>
            %dma_wait3A_33 = arith.constant 0 : i32
            %dma_wait3A_34 = tpu.memref_slice %arg4[%mul3A_26, %dma_wait3A_33] : memref<200000x64xf32, #tpu.memory_space<hbm>> -> memref<128x64xf32, #tpu.memory_space<hbm>>
            tpu.wait_dma2 semaphore(%run_scoped3A : memref<!tpu.dma_semaphore, #tpu.memory_space<semaphore_mem>>) src(%arg6 : memref<128x64xf32, #tpu.memory_space<vmem>>) dst(%dma_wait3A_34 : memref<128x64xf32, #tpu.memory_space<hbm>>)
            tpu.yield
          }) : () -> ()
        } else {
        }
        %eq3A = arith.constant 1562 : i32
        %eq3A_21 = arith.cmpi eq, %add3A_9, %eq3A : i32
        %convert_element_type3A_22 = arith.extui %eq3A_21 : i1 to i32
        %cond3A_23 = arith.constant 0 : i32
        %cond3A_24 = arith.cmpi ne, %convert_element_type3A_22, %cond3A_23 : i32
        scf.if %cond3A_24 {
          "tpu.region"() ({
            %run_scoped3A = tpu.sem_alloc : memref<!tpu.dma_semaphore, #tpu.memory_space<semaphore_mem>>
            %dma_start3A_25 = arith.constant 0 : i32
            %dma_start3A_26 = arith.constant 0 : i32
            %dma_start3A_27 = tpu.memref_slice %arg6[%dma_start3A_25, %dma_start3A_26] : memref<128x64xf32, #tpu.memory_space<vmem>> -> memref<64x64xf32, #tpu.memory_space<vmem>>
            %dma_start3A_28 = arith.constant 199936 : i32
            %dma_start3A_29 = arith.constant 0 : i32
            %dma_start3A_30 = tpu.memref_slice %arg4[%dma_start3A_28, %dma_start3A_29] : memref<200000x64xf32, #tpu.memory_space<hbm>> -> memref<64x64xf32, #tpu.memory_space<hbm>>
            %dma_start3A_31 = arith.constant 199936 : i32
            %dma_start3A_32 = arith.constant 0 : i32
            %dma_start3A_33 = tpu.memref_slice %arg4[%dma_start3A_31, %dma_start3A_32] : memref<200000x64xf32, #tpu.memory_space<hbm>> -> memref<64x64xf32, #tpu.memory_space<hbm>>
            %dma_start3A_34 = arith.constant 0 : i32
            %dma_start3A_35 = arith.constant 0 : i32
            %dma_start3A_36 = tpu.memref_slice %arg6[%dma_start3A_34, %dma_start3A_35] : memref<128x64xf32, #tpu.memory_space<vmem>> -> memref<64x64xf32, #tpu.memory_space<vmem>>
            tpu.enqueue_dma source(%dma_start3A_36 : memref<64x64xf32, #tpu.memory_space<vmem>>) target(%dma_start3A_33 : memref<64x64xf32, #tpu.memory_space<hbm>>) target_semaphore(%run_scoped3A : memref<!tpu.dma_semaphore, #tpu.memory_space<semaphore_mem>>)
            %dma_wait3A_37 = arith.constant 0 : i32
            %dma_wait3A_38 = arith.constant 0 : i32
            %dma_wait3A_39 = tpu.memref_slice %arg6[%dma_wait3A_37, %dma_wait3A_38] : memref<128x64xf32, #tpu.memory_space<vmem>> -> memref<64x64xf32, #tpu.memory_space<vmem>>
            %dma_wait3A_40 = arith.constant 199936 : i32
            %dma_wait3A_41 = arith.constant 0 : i32
            %dma_wait3A_42 = tpu.memref_slice %arg4[%dma_wait3A_40, %dma_wait3A_41] : memref<200000x64xf32, #tpu.memory_space<hbm>> -> memref<64x64xf32, #tpu.memory_space<hbm>>
            %dma_wait3A_43 = arith.constant 199936 : i32
            %dma_wait3A_44 = arith.constant 0 : i32
            %dma_wait3A_45 = tpu.memref_slice %arg4[%dma_wait3A_43, %dma_wait3A_44] : memref<200000x64xf32, #tpu.memory_space<hbm>> -> memref<64x64xf32, #tpu.memory_space<hbm>>
            %dma_wait3A_46 = arith.constant 0 : i32
            %dma_wait3A_47 = arith.constant 0 : i32
            %dma_wait3A_48 = tpu.memref_slice %arg6[%dma_wait3A_46, %dma_wait3A_47] : memref<128x64xf32, #tpu.memory_space<vmem>> -> memref<64x64xf32, #tpu.memory_space<vmem>>
            tpu.wait_dma2 semaphore(%run_scoped3A : memref<!tpu.dma_semaphore, #tpu.memory_space<semaphore_mem>>) src(%dma_wait3A_48 : memref<64x64xf32, #tpu.memory_space<vmem>>) dst(%dma_wait3A_45 : memref<64x64xf32, #tpu.memory_space<hbm>>)
            tpu.yield
          }) : () -> ()
        } else {
        }
      } else {
      }
    }
    %scan3A_5 = arith.constant 49 : i32
    return
  }
}

#map = affine_map<(d0, d1) -> (0, 0)>
module attributes {stable_mosaic.version = 14 : i64} {
  func.func @gather_kernel(%arg0: i32, %arg1: i32, %arg2: memref<10000x128xf32, #tpu.memory_space<hbm>>, %arg3: memref<1563x128xi32, #tpu.memory_space<hbm>>, %arg4: memref<200000x128xf32, #tpu.memory_space<hbm>>, %arg5: memref<128xi32, #tpu.memory_space<vmem>>, %arg6: memref<128x128xf32, #tpu.memory_space<vmem>>, %arg7: memref<!tpu.dma_semaphore, #tpu.memory_space<semaphore_mem>>) attributes {dimension_semantics = [#tpu.dimension_semantics<core_parallel>, #tpu.dimension_semantics<subcore_parallel>], iteration_bounds = array<i64: 2, 16>, scalar_prefetch = 0 : i64, scratch_operands = 3 : i64, tpu.core_type = #tpu.core_type<sc_vector_subcore>, window_params = [{transform_indices = #map}, {transform_indices = #map}, {transform_indices = #map}]} {
    %mul3A = arith.constant 2 : i32
    %mul3A_0 = arith.muli %arg1, %mul3A : i32
    %add3A = arith.addi %mul3A_0, %arg0 : i32
    %scan3A = arith.constant 0 : i32
    %scan3A_1 = arith.constant 0 : i32
    %scan3A_2 = arith.constant 49 : i32
    %scan3A_3 = arith.addi %scan3A_1, %scan3A_2 : i32
    %scan3A_4 = arith.constant 1 : i32
    scf.for %scan3A_6 = %scan3A_1 to %scan3A_3 step %scan3A_4  : i32 {
      %mul3A_7 = arith.constant 32 : i32
      %mul3A_8 = arith.muli %scan3A_6, %mul3A_7 : i32
      %add3A_9 = arith.addi %mul3A_8, %add3A : i32
      %lt3A = arith.constant 1563 : i32
      %lt3A_10 = arith.cmpi slt, %add3A_9, %lt3A : i32
      %convert_element_type3A = arith.extui %lt3A_10 : i1 to i32
      %cond3A = arith.constant 0 : i32
      %cond3A_11 = arith.cmpi ne, %convert_element_type3A, %cond3A : i32
      scf.if %cond3A_11 {
        "tpu.region"() ({
          %run_scoped3A = tpu.sem_alloc : memref<!tpu.dma_semaphore, #tpu.memory_space<semaphore_mem>>
          %dma_start3A_25 = arith.constant 0 : i32
          %dma_start3A_26 = tpu.memref_slice %arg3[%add3A_9, %dma_start3A_25] : memref<1563x128xi32, #tpu.memory_space<hbm>> -> memref<1x128xi32, #tpu.memory_space<hbm>>
          %dma_start3A_27 = tpu.memref_squeeze %dma_start3A_26 : memref<1x128xi32, #tpu.memory_space<hbm>> -> memref<128xi32, #tpu.memory_space<hbm>>
          %dma_start3A_28 = arith.constant 0 : i32
          %dma_start3A_29 = tpu.memref_slice %arg3[%add3A_9, %dma_start3A_28] : memref<1563x128xi32, #tpu.memory_space<hbm>> -> memref<1x128xi32, #tpu.memory_space<hbm>>
          %dma_start3A_30 = tpu.memref_squeeze %dma_start3A_29 : memref<1x128xi32, #tpu.memory_space<hbm>> -> memref<128xi32, #tpu.memory_space<hbm>>
          tpu.enqueue_dma source(%dma_start3A_30 : memref<128xi32, #tpu.memory_space<hbm>>) target(%arg5 : memref<128xi32, #tpu.memory_space<vmem>>) target_semaphore(%run_scoped3A : memref<!tpu.dma_semaphore, #tpu.memory_space<semaphore_mem>>)
          %dma_wait3A_31 = arith.constant 0 : i32
          %dma_wait3A_32 = tpu.memref_slice %arg3[%add3A_9, %dma_wait3A_31] : memref<1563x128xi32, #tpu.memory_space<hbm>> -> memref<1x128xi32, #tpu.memory_space<hbm>>
          %dma_wait3A_33 = tpu.memref_squeeze %dma_wait3A_32 : memref<1x128xi32, #tpu.memory_space<hbm>> -> memref<128xi32, #tpu.memory_space<hbm>>
          %dma_wait3A_34 = arith.constant 0 : i32
          %dma_wait3A_35 = tpu.memref_slice %arg3[%add3A_9, %dma_wait3A_34] : memref<1563x128xi32, #tpu.memory_space<hbm>> -> memref<1x128xi32, #tpu.memory_space<hbm>>
          %dma_wait3A_36 = tpu.memref_squeeze %dma_wait3A_35 : memref<1x128xi32, #tpu.memory_space<hbm>> -> memref<128xi32, #tpu.memory_space<hbm>>
          tpu.wait_dma2 semaphore(%run_scoped3A : memref<!tpu.dma_semaphore, #tpu.memory_space<semaphore_mem>>) src(%dma_wait3A_36 : memref<128xi32, #tpu.memory_space<hbm>>) dst(%arg5 : memref<128xi32, #tpu.memory_space<vmem>>)
          tpu.yield
        }) : () -> ()
        %dma_start3A = arith.constant 0 : i32
        %dma_start3A_12 = arith.constant 0 : i32
        %dma_start3A_13 = tpu.memref_slice %arg2[%dma_start3A, %dma_start3A_12] : memref<10000x128xf32, #tpu.memory_space<hbm>> -> memref<10000x128xf32, #tpu.memory_space<hbm>>
        tpu.enqueue_indirect_dma source(%dma_start3A_13 : memref<10000x128xf32, #tpu.memory_space<hbm>>) target(%arg6 : memref<128x128xf32, #tpu.memory_space<vmem>>) offsets(%arg5 : memref<128xi32, #tpu.memory_space<vmem>>) semaphore(%arg7 : memref<!tpu.dma_semaphore, #tpu.memory_space<semaphore_mem>>)
        %dma_wait3A = arith.constant 0 : i32
        %dma_wait3A_14 = arith.constant 0 : i32
        %dma_wait3A_15 = tpu.memref_slice %arg2[%dma_wait3A, %dma_wait3A_14] : memref<10000x128xf32, #tpu.memory_space<hbm>> -> memref<10000x128xf32, #tpu.memory_space<hbm>>
        tpu.wait_indirect_dma semaphore(%arg7 : memref<!tpu.dma_semaphore, #tpu.memory_space<semaphore_mem>>) src(%dma_wait3A_15 : memref<10000x128xf32, #tpu.memory_space<hbm>>) dst(%arg6 : memref<128x128xf32, #tpu.memory_space<vmem>>)
        %lt3A_16 = arith.constant 1562 : i32
        %lt3A_17 = arith.cmpi slt, %add3A_9, %lt3A_16 : i32
        %convert_element_type3A_18 = arith.extui %lt3A_17 : i1 to i32
        %cond3A_19 = arith.constant 0 : i32
        %cond3A_20 = arith.cmpi ne, %convert_element_type3A_18, %cond3A_19 : i32
        scf.if %cond3A_20 {
          %mul3A_25 = arith.constant 128 : i32
          %mul3A_26 = arith.muli %add3A_9, %mul3A_25 : i32
          "tpu.region"() ({
            %run_scoped3A = tpu.sem_alloc : memref<!tpu.dma_semaphore, #tpu.memory_space<semaphore_mem>>
            %dma_start3A_27 = arith.constant 0 : i32
            %dma_start3A_28 = tpu.memref_slice %arg4[%mul3A_26, %dma_start3A_27] : memref<200000x128xf32, #tpu.memory_space<hbm>> -> memref<128x128xf32, #tpu.memory_space<hbm>>
            %dma_start3A_29 = arith.constant 0 : i32
            %dma_start3A_30 = tpu.memref_slice %arg4[%mul3A_26, %dma_start3A_29] : memref<200000x128xf32, #tpu.memory_space<hbm>> -> memref<128x128xf32, #tpu.memory_space<hbm>>
            tpu.enqueue_dma source(%arg6 : memref<128x128xf32, #tpu.memory_space<vmem>>) target(%dma_start3A_30 : memref<128x128xf32, #tpu.memory_space<hbm>>) target_semaphore(%run_scoped3A : memref<!tpu.dma_semaphore, #tpu.memory_space<semaphore_mem>>)
            %dma_wait3A_31 = arith.constant 0 : i32
            %dma_wait3A_32 = tpu.memref_slice %arg4[%mul3A_26, %dma_wait3A_31] : memref<200000x128xf32, #tpu.memory_space<hbm>> -> memref<128x128xf32, #tpu.memory_space<hbm>>
            %dma_wait3A_33 = arith.constant 0 : i32
            %dma_wait3A_34 = tpu.memref_slice %arg4[%mul3A_26, %dma_wait3A_33] : memref<200000x128xf32, #tpu.memory_space<hbm>> -> memref<128x128xf32, #tpu.memory_space<hbm>>
            tpu.wait_dma2 semaphore(%run_scoped3A : memref<!tpu.dma_semaphore, #tpu.memory_space<semaphore_mem>>) src(%arg6 : memref<128x128xf32, #tpu.memory_space<vmem>>) dst(%dma_wait3A_34 : memref<128x128xf32, #tpu.memory_space<hbm>>)
            tpu.yield
          }) : () -> ()
        } else {
        }
        %eq3A = arith.constant 1562 : i32
        %eq3A_21 = arith.cmpi eq, %add3A_9, %eq3A : i32
        %convert_element_type3A_22 = arith.extui %eq3A_21 : i1 to i32
        %cond3A_23 = arith.constant 0 : i32
        %cond3A_24 = arith.cmpi ne, %convert_element_type3A_22, %cond3A_23 : i32
        scf.if %cond3A_24 {
          "tpu.region"() ({
            %run_scoped3A = tpu.sem_alloc : memref<!tpu.dma_semaphore, #tpu.memory_space<semaphore_mem>>
            %dma_start3A_25 = arith.constant 0 : i32
            %dma_start3A_26 = arith.constant 0 : i32
            %dma_start3A_27 = tpu.memref_slice %arg6[%dma_start3A_25, %dma_start3A_26] : memref<128x128xf32, #tpu.memory_space<vmem>> -> memref<64x128xf32, #tpu.memory_space<vmem>>
            %dma_start3A_28 = arith.constant 199936 : i32
            %dma_start3A_29 = arith.constant 0 : i32
            %dma_start3A_30 = tpu.memref_slice %arg4[%dma_start3A_28, %dma_start3A_29] : memref<200000x128xf32, #tpu.memory_space<hbm>> -> memref<64x128xf32, #tpu.memory_space<hbm>>
            %dma_start3A_31 = arith.constant 199936 : i32
            %dma_start3A_32 = arith.constant 0 : i32
            %dma_start3A_33 = tpu.memref_slice %arg4[%dma_start3A_31, %dma_start3A_32] : memref<200000x128xf32, #tpu.memory_space<hbm>> -> memref<64x128xf32, #tpu.memory_space<hbm>>
            %dma_start3A_34 = arith.constant 0 : i32
            %dma_start3A_35 = arith.constant 0 : i32
            %dma_start3A_36 = tpu.memref_slice %arg6[%dma_start3A_34, %dma_start3A_35] : memref<128x128xf32, #tpu.memory_space<vmem>> -> memref<64x128xf32, #tpu.memory_space<vmem>>
            tpu.enqueue_dma source(%dma_start3A_36 : memref<64x128xf32, #tpu.memory_space<vmem>>) target(%dma_start3A_33 : memref<64x128xf32, #tpu.memory_space<hbm>>) target_semaphore(%run_scoped3A : memref<!tpu.dma_semaphore, #tpu.memory_space<semaphore_mem>>)
            %dma_wait3A_37 = arith.constant 0 : i32
            %dma_wait3A_38 = arith.constant 0 : i32
            %dma_wait3A_39 = tpu.memref_slice %arg6[%dma_wait3A_37, %dma_wait3A_38] : memref<128x128xf32, #tpu.memory_space<vmem>> -> memref<64x128xf32, #tpu.memory_space<vmem>>
            %dma_wait3A_40 = arith.constant 199936 : i32
            %dma_wait3A_41 = arith.constant 0 : i32
            %dma_wait3A_42 = tpu.memref_slice %arg4[%dma_wait3A_40, %dma_wait3A_41] : memref<200000x128xf32, #tpu.memory_space<hbm>> -> memref<64x128xf32, #tpu.memory_space<hbm>>
            %dma_wait3A_43 = arith.constant 199936 : i32
            %dma_wait3A_44 = arith.constant 0 : i32
            %dma_wait3A_45 = tpu.memref_slice %arg4[%dma_wait3A_43, %dma_wait3A_44] : memref<200000x128xf32, #tpu.memory_space<hbm>> -> memref<64x128xf32, #tpu.memory_space<hbm>>
            %dma_wait3A_46 = arith.constant 0 : i32
            %dma_wait3A_47 = arith.constant 0 : i32
            %dma_wait3A_48 = tpu.memref_slice %arg6[%dma_wait3A_46, %dma_wait3A_47] : memref<128x128xf32, #tpu.memory_space<vmem>> -> memref<64x128xf32, #tpu.memory_space<vmem>>
            tpu.wait_dma2 semaphore(%run_scoped3A : memref<!tpu.dma_semaphore, #tpu.memory_space<semaphore_mem>>) src(%dma_wait3A_48 : memref<64x128xf32, #tpu.memory_space<vmem>>) dst(%dma_wait3A_45 : memref<64x128xf32, #tpu.memory_space<hbm>>)
            tpu.yield
          }) : () -> ()
        } else {
        }
      } else {
      }
    }
    %scan3A_5 = arith.constant 49 : i32
    return
  }
}

#map = affine_map<(d0, d1) -> (0, 0)>
module attributes {stable_mosaic.version = 14 : i64} {
  func.func @gather_kernel(%arg0: i32, %arg1: i32, %arg2: memref<10000x8xf32, #tpu.memory_space<hbm>>, %arg3: memref<1563x128xi32, #tpu.memory_space<hbm>>, %arg4: memref<200000x8xf32, #tpu.memory_space<hbm>>, %arg5: memref<128xi32, #tpu.memory_space<vmem>>, %arg6: memref<128x8xf32, #tpu.memory_space<vmem>>, %arg7: memref<!tpu.dma_semaphore, #tpu.memory_space<semaphore_mem>>) attributes {dimension_semantics = [#tpu.dimension_semantics<core_parallel>, #tpu.dimension_semantics<subcore_parallel>], iteration_bounds = array<i64: 2, 16>, scalar_prefetch = 0 : i64, scratch_operands = 3 : i64, tpu.core_type = #tpu.core_type<sc_vector_subcore>, window_params = [{transform_indices = #map}, {transform_indices = #map}, {transform_indices = #map}]} {
    %mul3A = arith.constant 2 : i32
    %mul3A_0 = arith.muli %arg1, %mul3A : i32
    %add3A = arith.addi %mul3A_0, %arg0 : i32
    %scan3A = arith.constant 0 : i32
    %scan3A_1 = arith.constant 0 : i32
    %scan3A_2 = arith.constant 49 : i32
    %scan3A_3 = arith.addi %scan3A_1, %scan3A_2 : i32
    %scan3A_4 = arith.constant 1 : i32
    scf.for %scan3A_6 = %scan3A_1 to %scan3A_3 step %scan3A_4  : i32 {
      %mul3A_7 = arith.constant 32 : i32
      %mul3A_8 = arith.muli %scan3A_6, %mul3A_7 : i32
      %add3A_9 = arith.addi %mul3A_8, %add3A : i32
      %lt3A = arith.constant 1563 : i32
      %lt3A_10 = arith.cmpi slt, %add3A_9, %lt3A : i32
      %convert_element_type3A = arith.extui %lt3A_10 : i1 to i32
      %cond3A = arith.constant 0 : i32
      %cond3A_11 = arith.cmpi ne, %convert_element_type3A, %cond3A : i32
      scf.if %cond3A_11 {
        "tpu.region"() ({
          %run_scoped3A = tpu.sem_alloc : memref<!tpu.dma_semaphore, #tpu.memory_space<semaphore_mem>>
          %dma_start3A_25 = arith.constant 0 : i32
          %dma_start3A_26 = tpu.memref_slice %arg3[%add3A_9, %dma_start3A_25] : memref<1563x128xi32, #tpu.memory_space<hbm>> -> memref<1x128xi32, #tpu.memory_space<hbm>>
          %dma_start3A_27 = tpu.memref_squeeze %dma_start3A_26 : memref<1x128xi32, #tpu.memory_space<hbm>> -> memref<128xi32, #tpu.memory_space<hbm>>
          %dma_start3A_28 = arith.constant 0 : i32
          %dma_start3A_29 = tpu.memref_slice %arg3[%add3A_9, %dma_start3A_28] : memref<1563x128xi32, #tpu.memory_space<hbm>> -> memref<1x128xi32, #tpu.memory_space<hbm>>
          %dma_start3A_30 = tpu.memref_squeeze %dma_start3A_29 : memref<1x128xi32, #tpu.memory_space<hbm>> -> memref<128xi32, #tpu.memory_space<hbm>>
          tpu.enqueue_dma source(%dma_start3A_30 : memref<128xi32, #tpu.memory_space<hbm>>) target(%arg5 : memref<128xi32, #tpu.memory_space<vmem>>) target_semaphore(%run_scoped3A : memref<!tpu.dma_semaphore, #tpu.memory_space<semaphore_mem>>)
          %dma_wait3A_31 = arith.constant 0 : i32
          %dma_wait3A_32 = tpu.memref_slice %arg3[%add3A_9, %dma_wait3A_31] : memref<1563x128xi32, #tpu.memory_space<hbm>> -> memref<1x128xi32, #tpu.memory_space<hbm>>
          %dma_wait3A_33 = tpu.memref_squeeze %dma_wait3A_32 : memref<1x128xi32, #tpu.memory_space<hbm>> -> memref<128xi32, #tpu.memory_space<hbm>>
          %dma_wait3A_34 = arith.constant 0 : i32
          %dma_wait3A_35 = tpu.memref_slice %arg3[%add3A_9, %dma_wait3A_34] : memref<1563x128xi32, #tpu.memory_space<hbm>> -> memref<1x128xi32, #tpu.memory_space<hbm>>
          %dma_wait3A_36 = tpu.memref_squeeze %dma_wait3A_35 : memref<1x128xi32, #tpu.memory_space<hbm>> -> memref<128xi32, #tpu.memory_space<hbm>>
          tpu.wait_dma2 semaphore(%run_scoped3A : memref<!tpu.dma_semaphore, #tpu.memory_space<semaphore_mem>>) src(%dma_wait3A_36 : memref<128xi32, #tpu.memory_space<hbm>>) dst(%arg5 : memref<128xi32, #tpu.memory_space<vmem>>)
          tpu.yield
        }) : () -> ()
        %dma_start3A = arith.constant 0 : i32
        %dma_start3A_12 = arith.constant 0 : i32
        %dma_start3A_13 = tpu.memref_slice %arg2[%dma_start3A, %dma_start3A_12] : memref<10000x8xf32, #tpu.memory_space<hbm>> -> memref<10000x8xf32, #tpu.memory_space<hbm>>
        tpu.enqueue_indirect_dma source(%dma_start3A_13 : memref<10000x8xf32, #tpu.memory_space<hbm>>) target(%arg6 : memref<128x8xf32, #tpu.memory_space<vmem>>) offsets(%arg5 : memref<128xi32, #tpu.memory_space<vmem>>) semaphore(%arg7 : memref<!tpu.dma_semaphore, #tpu.memory_space<semaphore_mem>>)
        %dma_wait3A = arith.constant 0 : i32
        %dma_wait3A_14 = arith.constant 0 : i32
        %dma_wait3A_15 = tpu.memref_slice %arg2[%dma_wait3A, %dma_wait3A_14] : memref<10000x8xf32, #tpu.memory_space<hbm>> -> memref<10000x8xf32, #tpu.memory_space<hbm>>
        tpu.wait_indirect_dma semaphore(%arg7 : memref<!tpu.dma_semaphore, #tpu.memory_space<semaphore_mem>>) src(%dma_wait3A_15 : memref<10000x8xf32, #tpu.memory_space<hbm>>) dst(%arg6 : memref<128x8xf32, #tpu.memory_space<vmem>>)
        %lt3A_16 = arith.constant 1562 : i32
        %lt3A_17 = arith.cmpi slt, %add3A_9, %lt3A_16 : i32
        %convert_element_type3A_18 = arith.extui %lt3A_17 : i1 to i32
        %cond3A_19 = arith.constant 0 : i32
        %cond3A_20 = arith.cmpi ne, %convert_element_type3A_18, %cond3A_19 : i32
        scf.if %cond3A_20 {
          %mul3A_25 = arith.constant 128 : i32
          %mul3A_26 = arith.muli %add3A_9, %mul3A_25 : i32
          "tpu.region"() ({
            %run_scoped3A = tpu.sem_alloc : memref<!tpu.dma_semaphore, #tpu.memory_space<semaphore_mem>>
            %dma_start3A_27 = arith.constant 0 : i32
            %dma_start3A_28 = tpu.memref_slice %arg4[%mul3A_26, %dma_start3A_27] : memref<200000x8xf32, #tpu.memory_space<hbm>> -> memref<128x8xf32, #tpu.memory_space<hbm>>
            %dma_start3A_29 = arith.constant 0 : i32
            %dma_start3A_30 = tpu.memref_slice %arg4[%mul3A_26, %dma_start3A_29] : memref<200000x8xf32, #tpu.memory_space<hbm>> -> memref<128x8xf32, #tpu.memory_space<hbm>>
            tpu.enqueue_dma source(%arg6 : memref<128x8xf32, #tpu.memory_space<vmem>>) target(%dma_start3A_30 : memref<128x8xf32, #tpu.memory_space<hbm>>) target_semaphore(%run_scoped3A : memref<!tpu.dma_semaphore, #tpu.memory_space<semaphore_mem>>)
            %dma_wait3A_31 = arith.constant 0 : i32
            %dma_wait3A_32 = tpu.memref_slice %arg4[%mul3A_26, %dma_wait3A_31] : memref<200000x8xf32, #tpu.memory_space<hbm>> -> memref<128x8xf32, #tpu.memory_space<hbm>>
            %dma_wait3A_33 = arith.constant 0 : i32
            %dma_wait3A_34 = tpu.memref_slice %arg4[%mul3A_26, %dma_wait3A_33] : memref<200000x8xf32, #tpu.memory_space<hbm>> -> memref<128x8xf32, #tpu.memory_space<hbm>>
            tpu.wait_dma2 semaphore(%run_scoped3A : memref<!tpu.dma_semaphore, #tpu.memory_space<semaphore_mem>>) src(%arg6 : memref<128x8xf32, #tpu.memory_space<vmem>>) dst(%dma_wait3A_34 : memref<128x8xf32, #tpu.memory_space<hbm>>)
            tpu.yield
          }) : () -> ()
        } else {
        }
        %eq3A = arith.constant 1562 : i32
        %eq3A_21 = arith.cmpi eq, %add3A_9, %eq3A : i32
        %convert_element_type3A_22 = arith.extui %eq3A_21 : i1 to i32
        %cond3A_23 = arith.constant 0 : i32
        %cond3A_24 = arith.cmpi ne, %convert_element_type3A_22, %cond3A_23 : i32
        scf.if %cond3A_24 {
          "tpu.region"() ({
            %run_scoped3A = tpu.sem_alloc : memref<!tpu.dma_semaphore, #tpu.memory_space<semaphore_mem>>
            %dma_start3A_25 = arith.constant 0 : i32
            %dma_start3A_26 = arith.constant 0 : i32
            %dma_start3A_27 = tpu.memref_slice %arg6[%dma_start3A_25, %dma_start3A_26] : memref<128x8xf32, #tpu.memory_space<vmem>> -> memref<64x8xf32, #tpu.memory_space<vmem>>
            %dma_start3A_28 = arith.constant 199936 : i32
            %dma_start3A_29 = arith.constant 0 : i32
            %dma_start3A_30 = tpu.memref_slice %arg4[%dma_start3A_28, %dma_start3A_29] : memref<200000x8xf32, #tpu.memory_space<hbm>> -> memref<64x8xf32, #tpu.memory_space<hbm>>
            %dma_start3A_31 = arith.constant 199936 : i32
            %dma_start3A_32 = arith.constant 0 : i32
            %dma_start3A_33 = tpu.memref_slice %arg4[%dma_start3A_31, %dma_start3A_32] : memref<200000x8xf32, #tpu.memory_space<hbm>> -> memref<64x8xf32, #tpu.memory_space<hbm>>
            %dma_start3A_34 = arith.constant 0 : i32
            %dma_start3A_35 = arith.constant 0 : i32
            %dma_start3A_36 = tpu.memref_slice %arg6[%dma_start3A_34, %dma_start3A_35] : memref<128x8xf32, #tpu.memory_space<vmem>> -> memref<64x8xf32, #tpu.memory_space<vmem>>
            tpu.enqueue_dma source(%dma_start3A_36 : memref<64x8xf32, #tpu.memory_space<vmem>>) target(%dma_start3A_33 : memref<64x8xf32, #tpu.memory_space<hbm>>) target_semaphore(%run_scoped3A : memref<!tpu.dma_semaphore, #tpu.memory_space<semaphore_mem>>)
            %dma_wait3A_37 = arith.constant 0 : i32
            %dma_wait3A_38 = arith.constant 0 : i32
            %dma_wait3A_39 = tpu.memref_slice %arg6[%dma_wait3A_37, %dma_wait3A_38] : memref<128x8xf32, #tpu.memory_space<vmem>> -> memref<64x8xf32, #tpu.memory_space<vmem>>
            %dma_wait3A_40 = arith.constant 199936 : i32
            %dma_wait3A_41 = arith.constant 0 : i32
            %dma_wait3A_42 = tpu.memref_slice %arg4[%dma_wait3A_40, %dma_wait3A_41] : memref<200000x8xf32, #tpu.memory_space<hbm>> -> memref<64x8xf32, #tpu.memory_space<hbm>>
            %dma_wait3A_43 = arith.constant 199936 : i32
            %dma_wait3A_44 = arith.constant 0 : i32
            %dma_wait3A_45 = tpu.memref_slice %arg4[%dma_wait3A_43, %dma_wait3A_44] : memref<200000x8xf32, #tpu.memory_space<hbm>> -> memref<64x8xf32, #tpu.memory_space<hbm>>
            %dma_wait3A_46 = arith.constant 0 : i32
            %dma_wait3A_47 = arith.constant 0 : i32
            %dma_wait3A_48 = tpu.memref_slice %arg6[%dma_wait3A_46, %dma_wait3A_47] : memref<128x8xf32, #tpu.memory_space<vmem>> -> memref<64x8xf32, #tpu.memory_space<vmem>>
            tpu.wait_dma2 semaphore(%run_scoped3A : memref<!tpu.dma_semaphore, #tpu.memory_space<semaphore_mem>>) src(%dma_wait3A_48 : memref<64x8xf32, #tpu.memory_space<vmem>>) dst(%dma_wait3A_45 : memref<64x8xf32, #tpu.memory_space<hbm>>)
            tpu.yield
          }) : () -> ()
        } else {
        }
      } else {
      }
    }
    %scan3A_5 = arith.constant 49 : i32
    return
  }
}

module attributes {stable_mosaic.version = 14 : i64} {
  func.func @body(%arg0: i32, %arg1: memref<1000x8xf32, #tpu.memory_space<vmem>>, %arg2: memref<20x1000x8xf32, #tpu.memory_space<vmem>>, %arg3: memref<8x64xf32, #tpu.memory_space<vmem>>, %arg4: memref<8x64xf32, #tpu.memory_space<vmem>>, %arg5: memref<1x64xf32, #tpu.memory_space<vmem>>, %arg6: memref<64x64xf32, #tpu.memory_space<vmem>>, %arg7: memref<1x64xf32, #tpu.memory_space<vmem>>, %arg8: memref<1000x64xf32, #tpu.memory_space<vmem>>) attributes {dimension_semantics = [#tpu.dimension_semantics<arbitrary>], iteration_bounds = array<i64: 10>, scalar_prefetch = 0 : i64, scratch_operands = 0 : i64, tpu.core_type = #tpu.core_type<tc>, window_params = [{transform_indices = @transform_0, window_bounds = array<i64: 1000, 8>}, {transform_indices = @transform_1, window_bounds = array<i64: 20, 1000, 8>}, {pipeline_mode = #tpu.pipeline_mode<synchronous>, transform_indices = @transform_2, window_bounds = array<i64: 8, 64>}, {pipeline_mode = #tpu.pipeline_mode<synchronous>, transform_indices = @transform_3, window_bounds = array<i64: 8, 64>}, {pipeline_mode = #tpu.pipeline_mode<synchronous>, transform_indices = @transform_4, window_bounds = array<i64: 1, 64>}, {pipeline_mode = #tpu.pipeline_mode<synchronous>, transform_indices = @transform_5, window_bounds = array<i64: 64, 64>}, {pipeline_mode = #tpu.pipeline_mode<synchronous>, transform_indices = @transform_6, window_bounds = array<i64: 1, 64>}, {transform_indices = @transform_7, window_bounds = array<i64: 1000, 64>}]} {
    %get3A = arith.constant 0 : index
    %get3A_0 = arith.constant 0 : index
    %get3A_1 = vector.load %arg1[%get3A, %get3A_0] : memref<1000x8xf32, #tpu.memory_space<vmem>>, vector<1000x8xf32>
    %get3A_2 = arith.constant 0 : index
    %get3A_3 = arith.constant 0 : index
    %get3A_4 = vector.load %arg3[%get3A_2, %get3A_3] : memref<8x64xf32, #tpu.memory_space<vmem>>, vector<8x64xf32>
    %dot_general3A = arith.constant dense<0.000000e+00> : vector<1000x64xf32>
    %dot_general3A_5 = tpu.matmul %get3A_1, %get3A_4, %dot_general3A {dimension_numbers = #tpu.dot_dimension_numbers<[1], [0], [0], [1], [0, 0, 1, 1], [], []>, precision = #tpu.contract_precision<fp32>, transpose_lhs_hint = false} : vector<1000x8xf32>, vector<8x64xf32>, vector<1000x64xf32> -> vector<1000x64xf32>
    %get3A_6 = arith.constant 0 : index
    %get3A_7 = arith.constant 0 : index
    %get3A_8 = vector.load %arg5[%get3A_6, %get3A_7] : memref<1x64xf32, #tpu.memory_space<vmem>>, vector<1x64xf32>
    %add3A = vector.broadcast %get3A_8 : vector<1x64xf32> to vector<1000x64xf32>
    %add3A_9 = arith.addf %dot_general3A_5, %add3A : vector<1000x64xf32>
    %get3A_10 = arith.constant 0 : index
    %get3A_11 = arith.constant 0 : index
    %get3A_12 = vector.load %arg4[%get3A_10, %get3A_11] : memref<8x64xf32, #tpu.memory_space<vmem>>, vector<8x64xf32>
    %get3A_13 = arith.constant 0 : index
    %get3A_14 = arith.constant 0 : index
    %get3A_15 = vector.load %arg6[%get3A_13, %get3A_14] : memref<64x64xf32, #tpu.memory_space<vmem>>, vector<64x64xf32>
    %get3A_16 = arith.constant 0 : index
    %get3A_17 = arith.constant 0 : index
    %get3A_18 = vector.load %arg7[%get3A_16, %get3A_17] : memref<1x64xf32, #tpu.memory_space<vmem>>, vector<1x64xf32>
    %broadcast_in_dim3A = arith.constant 0.000000e+00 : f32
    %broadcast_in_dim3A_19 = vector.broadcast %broadcast_in_dim3A : f32 to vector<1000x64xf32>
    %get3A_20 = arith.constant 0 : index
    %get3A_21 = arith.constant 0 : index
    %get3A_22 = arith.constant 0 : index
    %get3A_23 = vector.load %arg2[%get3A_20, %get3A_21, %get3A_22] : memref<20x1000x8xf32, #tpu.memory_space<vmem>>, vector<1x1000x8xf32>
    %get3A_24 = vector.shape_cast %get3A_23 : vector<1x1000x8xf32> to vector<1000x8xf32>
    %dot_general3A_25 = arith.constant dense<0.000000e+00> : vector<1000x64xf32>
    %dot_general3A_26 = tpu.matmul %get3A_24, %get3A_12, %dot_general3A_25 {dimension_numbers = #tpu.dot_dimension_numbers<[1], [0], [0], [1], [0, 0, 1, 1], [], []>, precision = #tpu.contract_precision<fp32>, transpose_lhs_hint = false} : vector<1000x8xf32>, vector<8x64xf32>, vector<1000x64xf32> -> vector<1000x64xf32>
    %add3A_27 = arith.addf %dot_general3A_26, %add3A_9 : vector<1000x64xf32>
    %max3A = arith.constant 0.000000e+00 : f32
    %max3A_28 = vector.broadcast %max3A : f32 to vector<1000x64xf32>
    %max3A_29 = arith.maximumf %add3A_27, %max3A_28 : vector<1000x64xf32>
    %dot_general3A_30 = arith.constant dense<0.000000e+00> : vector<1000x64xf32>
    %dot_general3A_31 = tpu.matmul %max3A_29, %get3A_15, %dot_general3A_30 {dimension_numbers = #tpu.dot_dimension_numbers<[1], [0], [0], [1], [0, 0, 1, 1], [], []>, precision = #tpu.contract_precision<fp32>, transpose_lhs_hint = false} : vector<1000x64xf32>, vector<64x64xf32>, vector<1000x64xf32> -> vector<1000x64xf32>
    %add3A_32 = vector.broadcast %get3A_18 : vector<1x64xf32> to vector<1000x64xf32>
    %add3A_33 = arith.addf %dot_general3A_31, %add3A_32 : vector<1000x64xf32>
    %max3A_34 = arith.constant 0.000000e+00 : f32
    %max3A_35 = vector.broadcast %max3A_34 : f32 to vector<1000x64xf32>
    %max3A_36 = arith.maximumf %add3A_33, %max3A_35 : vector<1000x64xf32>
    %max3A_37 = arith.maximumf %broadcast_in_dim3A_19, %max3A_36 : vector<1000x64xf32>
    %get3A_38 = arith.constant 1 : index
    %get3A_39 = arith.constant 0 : index
    %get3A_40 = arith.constant 0 : index
    %get3A_41 = vector.load %arg2[%get3A_38, %get3A_39, %get3A_40] : memref<20x1000x8xf32, #tpu.memory_space<vmem>>, vector<1x1000x8xf32>
    %get3A_42 = vector.shape_cast %get3A_41 : vector<1x1000x8xf32> to vector<1000x8xf32>
    %dot_general3A_43 = arith.constant dense<0.000000e+00> : vector<1000x64xf32>
    %dot_general3A_44 = tpu.matmul %get3A_42, %get3A_12, %dot_general3A_43 {dimension_numbers = #tpu.dot_dimension_numbers<[1], [0], [0], [1], [0, 0, 1, 1], [], []>, precision = #tpu.contract_precision<fp32>, transpose_lhs_hint = false} : vector<1000x8xf32>, vector<8x64xf32>, vector<1000x64xf32> -> vector<1000x64xf32>
    %add3A_45 = arith.addf %dot_general3A_44, %add3A_9 : vector<1000x64xf32>
    %max3A_46 = arith.constant 0.000000e+00 : f32
    %max3A_47 = vector.broadcast %max3A_46 : f32 to vector<1000x64xf32>
    %max3A_48 = arith.maximumf %add3A_45, %max3A_47 : vector<1000x64xf32>
    %dot_general3A_49 = arith.constant dense<0.000000e+00> : vector<1000x64xf32>
    %dot_general3A_50 = tpu.matmul %max3A_48, %get3A_15, %dot_general3A_49 {dimension_numbers = #tpu.dot_dimension_numbers<[1], [0], [0], [1], [0, 0, 1, 1], [], []>, precision = #tpu.contract_precision<fp32>, transpose_lhs_hint = false} : vector<1000x64xf32>, vector<64x64xf32>, vector<1000x64xf32> -> vector<1000x64xf32>
    %add3A_51 = vector.broadcast %get3A_18 : vector<1x64xf32> to vector<1000x64xf32>
    %add3A_52 = arith.addf %dot_general3A_50, %add3A_51 : vector<1000x64xf32>
    %max3A_53 = arith.constant 0.000000e+00 : f32
    %max3A_54 = vector.broadcast %max3A_53 : f32 to vector<1000x64xf32>
    %max3A_55 = arith.maximumf %add3A_52, %max3A_54 : vector<1000x64xf32>
    %max3A_56 = arith.maximumf %max3A_37, %max3A_55 : vector<1000x64xf32>
    %get3A_57 = arith.constant 2 : index
    %get3A_58 = arith.constant 0 : index
    %get3A_59 = arith.constant 0 : index
    %get3A_60 = vector.load %arg2[%get3A_57, %get3A_58, %get3A_59] : memref<20x1000x8xf32, #tpu.memory_space<vmem>>, vector<1x1000x8xf32>
    %get3A_61 = vector.shape_cast %get3A_60 : vector<1x1000x8xf32> to vector<1000x8xf32>
    %dot_general3A_62 = arith.constant dense<0.000000e+00> : vector<1000x64xf32>
    %dot_general3A_63 = tpu.matmul %get3A_61, %get3A_12, %dot_general3A_62 {dimension_numbers = #tpu.dot_dimension_numbers<[1], [0], [0], [1], [0, 0, 1, 1], [], []>, precision = #tpu.contract_precision<fp32>, transpose_lhs_hint = false} : vector<1000x8xf32>, vector<8x64xf32>, vector<1000x64xf32> -> vector<1000x64xf32>
    %add3A_64 = arith.addf %dot_general3A_63, %add3A_9 : vector<1000x64xf32>
    %max3A_65 = arith.constant 0.000000e+00 : f32
    %max3A_66 = vector.broadcast %max3A_65 : f32 to vector<1000x64xf32>
    %max3A_67 = arith.maximumf %add3A_64, %max3A_66 : vector<1000x64xf32>
    %dot_general3A_68 = arith.constant dense<0.000000e+00> : vector<1000x64xf32>
    %dot_general3A_69 = tpu.matmul %max3A_67, %get3A_15, %dot_general3A_68 {dimension_numbers = #tpu.dot_dimension_numbers<[1], [0], [0], [1], [0, 0, 1, 1], [], []>, precision = #tpu.contract_precision<fp32>, transpose_lhs_hint = false} : vector<1000x64xf32>, vector<64x64xf32>, vector<1000x64xf32> -> vector<1000x64xf32>
    %add3A_70 = vector.broadcast %get3A_18 : vector<1x64xf32> to vector<1000x64xf32>
    %add3A_71 = arith.addf %dot_general3A_69, %add3A_70 : vector<1000x64xf32>
    %max3A_72 = arith.constant 0.000000e+00 : f32
    %max3A_73 = vector.broadcast %max3A_72 : f32 to vector<1000x64xf32>
    %max3A_74 = arith.maximumf %add3A_71, %max3A_73 : vector<1000x64xf32>
    %max3A_75 = arith.maximumf %max3A_56, %max3A_74 : vector<1000x64xf32>
    %get3A_76 = arith.constant 3 : index
    %get3A_77 = arith.constant 0 : index
    %get3A_78 = arith.constant 0 : index
    %get3A_79 = vector.load %arg2[%get3A_76, %get3A_77, %get3A_78] : memref<20x1000x8xf32, #tpu.memory_space<vmem>>, vector<1x1000x8xf32>
    %get3A_80 = vector.shape_cast %get3A_79 : vector<1x1000x8xf32> to vector<1000x8xf32>
    %dot_general3A_81 = arith.constant dense<0.000000e+00> : vector<1000x64xf32>
    %dot_general3A_82 = tpu.matmul %get3A_80, %get3A_12, %dot_general3A_81 {dimension_numbers = #tpu.dot_dimension_numbers<[1], [0], [0], [1], [0, 0, 1, 1], [], []>, precision = #tpu.contract_precision<fp32>, transpose_lhs_hint = false} : vector<1000x8xf32>, vector<8x64xf32>, vector<1000x64xf32> -> vector<1000x64xf32>
    %add3A_83 = arith.addf %dot_general3A_82, %add3A_9 : vector<1000x64xf32>
    %max3A_84 = arith.constant 0.000000e+00 : f32
    %max3A_85 = vector.broadcast %max3A_84 : f32 to vector<1000x64xf32>
    %max3A_86 = arith.maximumf %add3A_83, %max3A_85 : vector<1000x64xf32>
    %dot_general3A_87 = arith.constant dense<0.000000e+00> : vector<1000x64xf32>
    %dot_general3A_88 = tpu.matmul %max3A_86, %get3A_15, %dot_general3A_87 {dimension_numbers = #tpu.dot_dimension_numbers<[1], [0], [0], [1], [0, 0, 1, 1], [], []>, precision = #tpu.contract_precision<fp32>, transpose_lhs_hint = false} : vector<1000x64xf32>, vector<64x64xf32>, vector<1000x64xf32> -> vector<1000x64xf32>
    %add3A_89 = vector.broadcast %get3A_18 : vector<1x64xf32> to vector<1000x64xf32>
    %add3A_90 = arith.addf %dot_general3A_88, %add3A_89 : vector<1000x64xf32>
    %max3A_91 = arith.constant 0.000000e+00 : f32
    %max3A_92 = vector.broadcast %max3A_91 : f32 to vector<1000x64xf32>
    %max3A_93 = arith.maximumf %add3A_90, %max3A_92 : vector<1000x64xf32>
    %max3A_94 = arith.maximumf %max3A_75, %max3A_93 : vector<1000x64xf32>
    %get3A_95 = arith.constant 4 : index
    %get3A_96 = arith.constant 0 : index
    %get3A_97 = arith.constant 0 : index
    %get3A_98 = vector.load %arg2[%get3A_95, %get3A_96, %get3A_97] : memref<20x1000x8xf32, #tpu.memory_space<vmem>>, vector<1x1000x8xf32>
    %get3A_99 = vector.shape_cast %get3A_98 : vector<1x1000x8xf32> to vector<1000x8xf32>
    %dot_general3A_100 = arith.constant dense<0.000000e+00> : vector<1000x64xf32>
    %dot_general3A_101 = tpu.matmul %get3A_99, %get3A_12, %dot_general3A_100 {dimension_numbers = #tpu.dot_dimension_numbers<[1], [0], [0], [1], [0, 0, 1, 1], [], []>, precision = #tpu.contract_precision<fp32>, transpose_lhs_hint = false} : vector<1000x8xf32>, vector<8x64xf32>, vector<1000x64xf32> -> vector<1000x64xf32>
    %add3A_102 = arith.addf %dot_general3A_101, %add3A_9 : vector<1000x64xf32>
    %max3A_103 = arith.constant 0.000000e+00 : f32
    %max3A_104 = vector.broadcast %max3A_103 : f32 to vector<1000x64xf32>
    %max3A_105 = arith.maximumf %add3A_102, %max3A_104 : vector<1000x64xf32>
    %dot_general3A_106 = arith.constant dense<0.000000e+00> : vector<1000x64xf32>
    %dot_general3A_107 = tpu.matmul %max3A_105, %get3A_15, %dot_general3A_106 {dimension_numbers = #tpu.dot_dimension_numbers<[1], [0], [0], [1], [0, 0, 1, 1], [], []>, precision = #tpu.contract_precision<fp32>, transpose_lhs_hint = false} : vector<1000x64xf32>, vector<64x64xf32>, vector<1000x64xf32> -> vector<1000x64xf32>
    %add3A_108 = vector.broadcast %get3A_18 : vector<1x64xf32> to vector<1000x64xf32>
    %add3A_109 = arith.addf %dot_general3A_107, %add3A_108 : vector<1000x64xf32>
    %max3A_110 = arith.constant 0.000000e+00 : f32
    %max3A_111 = vector.broadcast %max3A_110 : f32 to vector<1000x64xf32>
    %max3A_112 = arith.maximumf %add3A_109, %max3A_111 : vector<1000x64xf32>
    %max3A_113 = arith.maximumf %max3A_94, %max3A_112 : vector<1000x64xf32>
    %get3A_114 = arith.constant 5 : index
    %get3A_115 = arith.constant 0 : index
    %get3A_116 = arith.constant 0 : index
    %get3A_117 = vector.load %arg2[%get3A_114, %get3A_115, %get3A_116] : memref<20x1000x8xf32, #tpu.memory_space<vmem>>, vector<1x1000x8xf32>
    %get3A_118 = vector.shape_cast %get3A_117 : vector<1x1000x8xf32> to vector<1000x8xf32>
    %dot_general3A_119 = arith.constant dense<0.000000e+00> : vector<1000x64xf32>
    %dot_general3A_120 = tpu.matmul %get3A_118, %get3A_12, %dot_general3A_119 {dimension_numbers = #tpu.dot_dimension_numbers<[1], [0], [0], [1], [0, 0, 1, 1], [], []>, precision = #tpu.contract_precision<fp32>, transpose_lhs_hint = false} : vector<1000x8xf32>, vector<8x64xf32>, vector<1000x64xf32> -> vector<1000x64xf32>
    %add3A_121 = arith.addf %dot_general3A_120, %add3A_9 : vector<1000x64xf32>
    %max3A_122 = arith.constant 0.000000e+00 : f32
    %max3A_123 = vector.broadcast %max3A_122 : f32 to vector<1000x64xf32>
    %max3A_124 = arith.maximumf %add3A_121, %max3A_123 : vector<1000x64xf32>
    %dot_general3A_125 = arith.constant dense<0.000000e+00> : vector<1000x64xf32>
    %dot_general3A_126 = tpu.matmul %max3A_124, %get3A_15, %dot_general3A_125 {dimension_numbers = #tpu.dot_dimension_numbers<[1], [0], [0], [1], [0, 0, 1, 1], [], []>, precision = #tpu.contract_precision<fp32>, transpose_lhs_hint = false} : vector<1000x64xf32>, vector<64x64xf32>, vector<1000x64xf32> -> vector<1000x64xf32>
    %add3A_127 = vector.broadcast %get3A_18 : vector<1x64xf32> to vector<1000x64xf32>
    %add3A_128 = arith.addf %dot_general3A_126, %add3A_127 : vector<1000x64xf32>
    %max3A_129 = arith.constant 0.000000e+00 : f32
    %max3A_130 = vector.broadcast %max3A_129 : f32 to vector<1000x64xf32>
    %max3A_131 = arith.maximumf %add3A_128, %max3A_130 : vector<1000x64xf32>
    %max3A_132 = arith.maximumf %max3A_113, %max3A_131 : vector<1000x64xf32>
    %get3A_133 = arith.constant 6 : index
    %get3A_134 = arith.constant 0 : index
    %get3A_135 = arith.constant 0 : index
    %get3A_136 = vector.load %arg2[%get3A_133, %get3A_134, %get3A_135] : memref<20x1000x8xf32, #tpu.memory_space<vmem>>, vector<1x1000x8xf32>
    %get3A_137 = vector.shape_cast %get3A_136 : vector<1x1000x8xf32> to vector<1000x8xf32>
    %dot_general3A_138 = arith.constant dense<0.000000e+00> : vector<1000x64xf32>
    %dot_general3A_139 = tpu.matmul %get3A_137, %get3A_12, %dot_general3A_138 {dimension_numbers = #tpu.dot_dimension_numbers<[1], [0], [0], [1], [0, 0, 1, 1], [], []>, precision = #tpu.contract_precision<fp32>, transpose_lhs_hint = false} : vector<1000x8xf32>, vector<8x64xf32>, vector<1000x64xf32> -> vector<1000x64xf32>
    %add3A_140 = arith.addf %dot_general3A_139, %add3A_9 : vector<1000x64xf32>
    %max3A_141 = arith.constant 0.000000e+00 : f32
    %max3A_142 = vector.broadcast %max3A_141 : f32 to vector<1000x64xf32>
    %max3A_143 = arith.maximumf %add3A_140, %max3A_142 : vector<1000x64xf32>
    %dot_general3A_144 = arith.constant dense<0.000000e+00> : vector<1000x64xf32>
    %dot_general3A_145 = tpu.matmul %max3A_143, %get3A_15, %dot_general3A_144 {dimension_numbers = #tpu.dot_dimension_numbers<[1], [0], [0], [1], [0, 0, 1, 1], [], []>, precision = #tpu.contract_precision<fp32>, transpose_lhs_hint = false} : vector<1000x64xf32>, vector<64x64xf32>, vector<1000x64xf32> -> vector<1000x64xf32>
    %add3A_146 = vector.broadcast %get3A_18 : vector<1x64xf32> to vector<1000x64xf32>
    %add3A_147 = arith.addf %dot_general3A_145, %add3A_146 : vector<1000x64xf32>
    %max3A_148 = arith.constant 0.000000e+00 : f32
    %max3A_149 = vector.broadcast %max3A_148 : f32 to vector<1000x64xf32>
    %max3A_150 = arith.maximumf %add3A_147, %max3A_149 : vector<1000x64xf32>
    %max3A_151 = arith.maximumf %max3A_132, %max3A_150 : vector<1000x64xf32>
    %get3A_152 = arith.constant 7 : index
    %get3A_153 = arith.constant 0 : index
    %get3A_154 = arith.constant 0 : index
    %get3A_155 = vector.load %arg2[%get3A_152, %get3A_153, %get3A_154] : memref<20x1000x8xf32, #tpu.memory_space<vmem>>, vector<1x1000x8xf32>
    %get3A_156 = vector.shape_cast %get3A_155 : vector<1x1000x8xf32> to vector<1000x8xf32>
    %dot_general3A_157 = arith.constant dense<0.000000e+00> : vector<1000x64xf32>
    %dot_general3A_158 = tpu.matmul %get3A_156, %get3A_12, %dot_general3A_157 {dimension_numbers = #tpu.dot_dimension_numbers<[1], [0], [0], [1], [0, 0, 1, 1], [], []>, precision = #tpu.contract_precision<fp32>, transpose_lhs_hint = false} : vector<1000x8xf32>, vector<8x64xf32>, vector<1000x64xf32> -> vector<1000x64xf32>
    %add3A_159 = arith.addf %dot_general3A_158, %add3A_9 : vector<1000x64xf32>
    %max3A_160 = arith.constant 0.000000e+00 : f32
    %max3A_161 = vector.broadcast %max3A_160 : f32 to vector<1000x64xf32>
    %max3A_162 = arith.maximumf %add3A_159, %max3A_161 : vector<1000x64xf32>
    %dot_general3A_163 = arith.constant dense<0.000000e+00> : vector<1000x64xf32>
    %dot_general3A_164 = tpu.matmul %max3A_162, %get3A_15, %dot_general3A_163 {dimension_numbers = #tpu.dot_dimension_numbers<[1], [0], [0], [1], [0, 0, 1, 1], [], []>, precision = #tpu.contract_precision<fp32>, transpose_lhs_hint = false} : vector<1000x64xf32>, vector<64x64xf32>, vector<1000x64xf32> -> vector<1000x64xf32>
    %add3A_165 = vector.broadcast %get3A_18 : vector<1x64xf32> to vector<1000x64xf32>
    %add3A_166 = arith.addf %dot_general3A_164, %add3A_165 : vector<1000x64xf32>
    %max3A_167 = arith.constant 0.000000e+00 : f32
    %max3A_168 = vector.broadcast %max3A_167 : f32 to vector<1000x64xf32>
    %max3A_169 = arith.maximumf %add3A_166, %max3A_168 : vector<1000x64xf32>
    %max3A_170 = arith.maximumf %max3A_151, %max3A_169 : vector<1000x64xf32>
    %get3A_171 = arith.constant 8 : index
    %get3A_172 = arith.constant 0 : index
    %get3A_173 = arith.constant 0 : index
    %get3A_174 = vector.load %arg2[%get3A_171, %get3A_172, %get3A_173] : memref<20x1000x8xf32, #tpu.memory_space<vmem>>, vector<1x1000x8xf32>
    %get3A_175 = vector.shape_cast %get3A_174 : vector<1x1000x8xf32> to vector<1000x8xf32>
    %dot_general3A_176 = arith.constant dense<0.000000e+00> : vector<1000x64xf32>
    %dot_general3A_177 = tpu.matmul %get3A_175, %get3A_12, %dot_general3A_176 {dimension_numbers = #tpu.dot_dimension_numbers<[1], [0], [0], [1], [0, 0, 1, 1], [], []>, precision = #tpu.contract_precision<fp32>, transpose_lhs_hint = false} : vector<1000x8xf32>, vector<8x64xf32>, vector<1000x64xf32> -> vector<1000x64xf32>
    %add3A_178 = arith.addf %dot_general3A_177, %add3A_9 : vector<1000x64xf32>
    %max3A_179 = arith.constant 0.000000e+00 : f32
    %max3A_180 = vector.broadcast %max3A_179 : f32 to vector<1000x64xf32>
    %max3A_181 = arith.maximumf %add3A_178, %max3A_180 : vector<1000x64xf32>
    %dot_general3A_182 = arith.constant dense<0.000000e+00> : vector<1000x64xf32>
    %dot_general3A_183 = tpu.matmul %max3A_181, %get3A_15, %dot_general3A_182 {dimension_numbers = #tpu.dot_dimension_numbers<[1], [0], [0], [1], [0, 0, 1, 1], [], []>, precision = #tpu.contract_precision<fp32>, transpose_lhs_hint = false} : vector<1000x64xf32>, vector<64x64xf32>, vector<1000x64xf32> -> vector<1000x64xf32>
    %add3A_184 = vector.broadcast %get3A_18 : vector<1x64xf32> to vector<1000x64xf32>
    %add3A_185 = arith.addf %dot_general3A_183, %add3A_184 : vector<1000x64xf32>
    %max3A_186 = arith.constant 0.000000e+00 : f32
    %max3A_187 = vector.broadcast %max3A_186 : f32 to vector<1000x64xf32>
    %max3A_188 = arith.maximumf %add3A_185, %max3A_187 : vector<1000x64xf32>
    %max3A_189 = arith.maximumf %max3A_170, %max3A_188 : vector<1000x64xf32>
    %get3A_190 = arith.constant 9 : index
    %get3A_191 = arith.constant 0 : index
    %get3A_192 = arith.constant 0 : index
    %get3A_193 = vector.load %arg2[%get3A_190, %get3A_191, %get3A_192] : memref<20x1000x8xf32, #tpu.memory_space<vmem>>, vector<1x1000x8xf32>
    %get3A_194 = vector.shape_cast %get3A_193 : vector<1x1000x8xf32> to vector<1000x8xf32>
    %dot_general3A_195 = arith.constant dense<0.000000e+00> : vector<1000x64xf32>
    %dot_general3A_196 = tpu.matmul %get3A_194, %get3A_12, %dot_general3A_195 {dimension_numbers = #tpu.dot_dimension_numbers<[1], [0], [0], [1], [0, 0, 1, 1], [], []>, precision = #tpu.contract_precision<fp32>, transpose_lhs_hint = false} : vector<1000x8xf32>, vector<8x64xf32>, vector<1000x64xf32> -> vector<1000x64xf32>
    %add3A_197 = arith.addf %dot_general3A_196, %add3A_9 : vector<1000x64xf32>
    %max3A_198 = arith.constant 0.000000e+00 : f32
    %max3A_199 = vector.broadcast %max3A_198 : f32 to vector<1000x64xf32>
    %max3A_200 = arith.maximumf %add3A_197, %max3A_199 : vector<1000x64xf32>
    %dot_general3A_201 = arith.constant dense<0.000000e+00> : vector<1000x64xf32>
    %dot_general3A_202 = tpu.matmul %max3A_200, %get3A_15, %dot_general3A_201 {dimension_numbers = #tpu.dot_dimension_numbers<[1], [0], [0], [1], [0, 0, 1, 1], [], []>, precision = #tpu.contract_precision<fp32>, transpose_lhs_hint = false} : vector<1000x64xf32>, vector<64x64xf32>, vector<1000x64xf32> -> vector<1000x64xf32>
    %add3A_203 = vector.broadcast %get3A_18 : vector<1x64xf32> to vector<1000x64xf32>
    %add3A_204 = arith.addf %dot_general3A_202, %add3A_203 : vector<1000x64xf32>
    %max3A_205 = arith.constant 0.000000e+00 : f32
    %max3A_206 = vector.broadcast %max3A_205 : f32 to vector<1000x64xf32>
    %max3A_207 = arith.maximumf %add3A_204, %max3A_206 : vector<1000x64xf32>
    %max3A_208 = arith.maximumf %max3A_189, %max3A_207 : vector<1000x64xf32>
    %get3A_209 = arith.constant 10 : index
    %get3A_210 = arith.constant 0 : index
    %get3A_211 = arith.constant 0 : index
    %get3A_212 = vector.load %arg2[%get3A_209, %get3A_210, %get3A_211] : memref<20x1000x8xf32, #tpu.memory_space<vmem>>, vector<1x1000x8xf32>
    %get3A_213 = vector.shape_cast %get3A_212 : vector<1x1000x8xf32> to vector<1000x8xf32>
    %dot_general3A_214 = arith.constant dense<0.000000e+00> : vector<1000x64xf32>
    %dot_general3A_215 = tpu.matmul %get3A_213, %get3A_12, %dot_general3A_214 {dimension_numbers = #tpu.dot_dimension_numbers<[1], [0], [0], [1], [0, 0, 1, 1], [], []>, precision = #tpu.contract_precision<fp32>, transpose_lhs_hint = false} : vector<1000x8xf32>, vector<8x64xf32>, vector<1000x64xf32> -> vector<1000x64xf32>
    %add3A_216 = arith.addf %dot_general3A_215, %add3A_9 : vector<1000x64xf32>
    %max3A_217 = arith.constant 0.000000e+00 : f32
    %max3A_218 = vector.broadcast %max3A_217 : f32 to vector<1000x64xf32>
    %max3A_219 = arith.maximumf %add3A_216, %max3A_218 : vector<1000x64xf32>
    %dot_general3A_220 = arith.constant dense<0.000000e+00> : vector<1000x64xf32>
    %dot_general3A_221 = tpu.matmul %max3A_219, %get3A_15, %dot_general3A_220 {dimension_numbers = #tpu.dot_dimension_numbers<[1], [0], [0], [1], [0, 0, 1, 1], [], []>, precision = #tpu.contract_precision<fp32>, transpose_lhs_hint = false} : vector<1000x64xf32>, vector<64x64xf32>, vector<1000x64xf32> -> vector<1000x64xf32>
    %add3A_222 = vector.broadcast %get3A_18 : vector<1x64xf32> to vector<1000x64xf32>
    %add3A_223 = arith.addf %dot_general3A_221, %add3A_222 : vector<1000x64xf32>
    %max3A_224 = arith.constant 0.000000e+00 : f32
    %max3A_225 = vector.broadcast %max3A_224 : f32 to vector<1000x64xf32>
    %max3A_226 = arith.maximumf %add3A_223, %max3A_225 : vector<1000x64xf32>
    %max3A_227 = arith.maximumf %max3A_208, %max3A_226 : vector<1000x64xf32>
    %get3A_228 = arith.constant 11 : index
    %get3A_229 = arith.constant 0 : index
    %get3A_230 = arith.constant 0 : index
    %get3A_231 = vector.load %arg2[%get3A_228, %get3A_229, %get3A_230] : memref<20x1000x8xf32, #tpu.memory_space<vmem>>, vector<1x1000x8xf32>
    %get3A_232 = vector.shape_cast %get3A_231 : vector<1x1000x8xf32> to vector<1000x8xf32>
    %dot_general3A_233 = arith.constant dense<0.000000e+00> : vector<1000x64xf32>
    %dot_general3A_234 = tpu.matmul %get3A_232, %get3A_12, %dot_general3A_233 {dimension_numbers = #tpu.dot_dimension_numbers<[1], [0], [0], [1], [0, 0, 1, 1], [], []>, precision = #tpu.contract_precision<fp32>, transpose_lhs_hint = false} : vector<1000x8xf32>, vector<8x64xf32>, vector<1000x64xf32> -> vector<1000x64xf32>
    %add3A_235 = arith.addf %dot_general3A_234, %add3A_9 : vector<1000x64xf32>
    %max3A_236 = arith.constant 0.000000e+00 : f32
    %max3A_237 = vector.broadcast %max3A_236 : f32 to vector<1000x64xf32>
    %max3A_238 = arith.maximumf %add3A_235, %max3A_237 : vector<1000x64xf32>
    %dot_general3A_239 = arith.constant dense<0.000000e+00> : vector<1000x64xf32>
    %dot_general3A_240 = tpu.matmul %max3A_238, %get3A_15, %dot_general3A_239 {dimension_numbers = #tpu.dot_dimension_numbers<[1], [0], [0], [1], [0, 0, 1, 1], [], []>, precision = #tpu.contract_precision<fp32>, transpose_lhs_hint = false} : vector<1000x64xf32>, vector<64x64xf32>, vector<1000x64xf32> -> vector<1000x64xf32>
    %add3A_241 = vector.broadcast %get3A_18 : vector<1x64xf32> to vector<1000x64xf32>
    %add3A_242 = arith.addf %dot_general3A_240, %add3A_241 : vector<1000x64xf32>
    %max3A_243 = arith.constant 0.000000e+00 : f32
    %max3A_244 = vector.broadcast %max3A_243 : f32 to vector<1000x64xf32>
    %max3A_245 = arith.maximumf %add3A_242, %max3A_244 : vector<1000x64xf32>
    %max3A_246 = arith.maximumf %max3A_227, %max3A_245 : vector<1000x64xf32>
    %get3A_247 = arith.constant 12 : index
    %get3A_248 = arith.constant 0 : index
    %get3A_249 = arith.constant 0 : index
    %get3A_250 = vector.load %arg2[%get3A_247, %get3A_248, %get3A_249] : memref<20x1000x8xf32, #tpu.memory_space<vmem>>, vector<1x1000x8xf32>
    %get3A_251 = vector.shape_cast %get3A_250 : vector<1x1000x8xf32> to vector<1000x8xf32>
    %dot_general3A_252 = arith.constant dense<0.000000e+00> : vector<1000x64xf32>
    %dot_general3A_253 = tpu.matmul %get3A_251, %get3A_12, %dot_general3A_252 {dimension_numbers = #tpu.dot_dimension_numbers<[1], [0], [0], [1], [0, 0, 1, 1], [], []>, precision = #tpu.contract_precision<fp32>, transpose_lhs_hint = false} : vector<1000x8xf32>, vector<8x64xf32>, vector<1000x64xf32> -> vector<1000x64xf32>
    %add3A_254 = arith.addf %dot_general3A_253, %add3A_9 : vector<1000x64xf32>
    %max3A_255 = arith.constant 0.000000e+00 : f32
    %max3A_256 = vector.broadcast %max3A_255 : f32 to vector<1000x64xf32>
    %max3A_257 = arith.maximumf %add3A_254, %max3A_256 : vector<1000x64xf32>
    %dot_general3A_258 = arith.constant dense<0.000000e+00> : vector<1000x64xf32>
    %dot_general3A_259 = tpu.matmul %max3A_257, %get3A_15, %dot_general3A_258 {dimension_numbers = #tpu.dot_dimension_numbers<[1], [0], [0], [1], [0, 0, 1, 1], [], []>, precision = #tpu.contract_precision<fp32>, transpose_lhs_hint = false} : vector<1000x64xf32>, vector<64x64xf32>, vector<1000x64xf32> -> vector<1000x64xf32>
    %add3A_260 = vector.broadcast %get3A_18 : vector<1x64xf32> to vector<1000x64xf32>
    %add3A_261 = arith.addf %dot_general3A_259, %add3A_260 : vector<1000x64xf32>
    %max3A_262 = arith.constant 0.000000e+00 : f32
    %max3A_263 = vector.broadcast %max3A_262 : f32 to vector<1000x64xf32>
    %max3A_264 = arith.maximumf %add3A_261, %max3A_263 : vector<1000x64xf32>
    %max3A_265 = arith.maximumf %max3A_246, %max3A_264 : vector<1000x64xf32>
    %get3A_266 = arith.constant 13 : index
    %get3A_267 = arith.constant 0 : index
    %get3A_268 = arith.constant 0 : index
    %get3A_269 = vector.load %arg2[%get3A_266, %get3A_267, %get3A_268] : memref<20x1000x8xf32, #tpu.memory_space<vmem>>, vector<1x1000x8xf32>
    %get3A_270 = vector.shape_cast %get3A_269 : vector<1x1000x8xf32> to vector<1000x8xf32>
    %dot_general3A_271 = arith.constant dense<0.000000e+00> : vector<1000x64xf32>
    %dot_general3A_272 = tpu.matmul %get3A_270, %get3A_12, %dot_general3A_271 {dimension_numbers = #tpu.dot_dimension_numbers<[1], [0], [0], [1], [0, 0, 1, 1], [], []>, precision = #tpu.contract_precision<fp32>, transpose_lhs_hint = false} : vector<1000x8xf32>, vector<8x64xf32>, vector<1000x64xf32> -> vector<1000x64xf32>
    %add3A_273 = arith.addf %dot_general3A_272, %add3A_9 : vector<1000x64xf32>
    %max3A_274 = arith.constant 0.000000e+00 : f32
    %max3A_275 = vector.broadcast %max3A_274 : f32 to vector<1000x64xf32>
    %max3A_276 = arith.maximumf %add3A_273, %max3A_275 : vector<1000x64xf32>
    %dot_general3A_277 = arith.constant dense<0.000000e+00> : vector<1000x64xf32>
    %dot_general3A_278 = tpu.matmul %max3A_276, %get3A_15, %dot_general3A_277 {dimension_numbers = #tpu.dot_dimension_numbers<[1], [0], [0], [1], [0, 0, 1, 1], [], []>, precision = #tpu.contract_precision<fp32>, transpose_lhs_hint = false} : vector<1000x64xf32>, vector<64x64xf32>, vector<1000x64xf32> -> vector<1000x64xf32>
    %add3A_279 = vector.broadcast %get3A_18 : vector<1x64xf32> to vector<1000x64xf32>
    %add3A_280 = arith.addf %dot_general3A_278, %add3A_279 : vector<1000x64xf32>
    %max3A_281 = arith.constant 0.000000e+00 : f32
    %max3A_282 = vector.broadcast %max3A_281 : f32 to vector<1000x64xf32>
    %max3A_283 = arith.maximumf %add3A_280, %max3A_282 : vector<1000x64xf32>
    %max3A_284 = arith.maximumf %max3A_265, %max3A_283 : vector<1000x64xf32>
    %get3A_285 = arith.constant 14 : index
    %get3A_286 = arith.constant 0 : index
    %get3A_287 = arith.constant 0 : index
    %get3A_288 = vector.load %arg2[%get3A_285, %get3A_286, %get3A_287] : memref<20x1000x8xf32, #tpu.memory_space<vmem>>, vector<1x1000x8xf32>
    %get3A_289 = vector.shape_cast %get3A_288 : vector<1x1000x8xf32> to vector<1000x8xf32>
    %dot_general3A_290 = arith.constant dense<0.000000e+00> : vector<1000x64xf32>
    %dot_general3A_291 = tpu.matmul %get3A_289, %get3A_12, %dot_general3A_290 {dimension_numbers = #tpu.dot_dimension_numbers<[1], [0], [0], [1], [0, 0, 1, 1], [], []>, precision = #tpu.contract_precision<fp32>, transpose_lhs_hint = false} : vector<1000x8xf32>, vector<8x64xf32>, vector<1000x64xf32> -> vector<1000x64xf32>
    %add3A_292 = arith.addf %dot_general3A_291, %add3A_9 : vector<1000x64xf32>
    %max3A_293 = arith.constant 0.000000e+00 : f32
    %max3A_294 = vector.broadcast %max3A_293 : f32 to vector<1000x64xf32>
    %max3A_295 = arith.maximumf %add3A_292, %max3A_294 : vector<1000x64xf32>
    %dot_general3A_296 = arith.constant dense<0.000000e+00> : vector<1000x64xf32>
    %dot_general3A_297 = tpu.matmul %max3A_295, %get3A_15, %dot_general3A_296 {dimension_numbers = #tpu.dot_dimension_numbers<[1], [0], [0], [1], [0, 0, 1, 1], [], []>, precision = #tpu.contract_precision<fp32>, transpose_lhs_hint = false} : vector<1000x64xf32>, vector<64x64xf32>, vector<1000x64xf32> -> vector<1000x64xf32>
    %add3A_298 = vector.broadcast %get3A_18 : vector<1x64xf32> to vector<1000x64xf32>
    %add3A_299 = arith.addf %dot_general3A_297, %add3A_298 : vector<1000x64xf32>
    %max3A_300 = arith.constant 0.000000e+00 : f32
    %max3A_301 = vector.broadcast %max3A_300 : f32 to vector<1000x64xf32>
    %max3A_302 = arith.maximumf %add3A_299, %max3A_301 : vector<1000x64xf32>
    %max3A_303 = arith.maximumf %max3A_284, %max3A_302 : vector<1000x64xf32>
    %get3A_304 = arith.constant 15 : index
    %get3A_305 = arith.constant 0 : index
    %get3A_306 = arith.constant 0 : index
    %get3A_307 = vector.load %arg2[%get3A_304, %get3A_305, %get3A_306] : memref<20x1000x8xf32, #tpu.memory_space<vmem>>, vector<1x1000x8xf32>
    %get3A_308 = vector.shape_cast %get3A_307 : vector<1x1000x8xf32> to vector<1000x8xf32>
    %dot_general3A_309 = arith.constant dense<0.000000e+00> : vector<1000x64xf32>
    %dot_general3A_310 = tpu.matmul %get3A_308, %get3A_12, %dot_general3A_309 {dimension_numbers = #tpu.dot_dimension_numbers<[1], [0], [0], [1], [0, 0, 1, 1], [], []>, precision = #tpu.contract_precision<fp32>, transpose_lhs_hint = false} : vector<1000x8xf32>, vector<8x64xf32>, vector<1000x64xf32> -> vector<1000x64xf32>
    %add3A_311 = arith.addf %dot_general3A_310, %add3A_9 : vector<1000x64xf32>
    %max3A_312 = arith.constant 0.000000e+00 : f32
    %max3A_313 = vector.broadcast %max3A_312 : f32 to vector<1000x64xf32>
    %max3A_314 = arith.maximumf %add3A_311, %max3A_313 : vector<1000x64xf32>
    %dot_general3A_315 = arith.constant dense<0.000000e+00> : vector<1000x64xf32>
    %dot_general3A_316 = tpu.matmul %max3A_314, %get3A_15, %dot_general3A_315 {dimension_numbers = #tpu.dot_dimension_numbers<[1], [0], [0], [1], [0, 0, 1, 1], [], []>, precision = #tpu.contract_precision<fp32>, transpose_lhs_hint = false} : vector<1000x64xf32>, vector<64x64xf32>, vector<1000x64xf32> -> vector<1000x64xf32>
    %add3A_317 = vector.broadcast %get3A_18 : vector<1x64xf32> to vector<1000x64xf32>
    %add3A_318 = arith.addf %dot_general3A_316, %add3A_317 : vector<1000x64xf32>
    %max3A_319 = arith.constant 0.000000e+00 : f32
    %max3A_320 = vector.broadcast %max3A_319 : f32 to vector<1000x64xf32>
    %max3A_321 = arith.maximumf %add3A_318, %max3A_320 : vector<1000x64xf32>
    %max3A_322 = arith.maximumf %max3A_303, %max3A_321 : vector<1000x64xf32>
    %get3A_323 = arith.constant 16 : index
    %get3A_324 = arith.constant 0 : index
    %get3A_325 = arith.constant 0 : index
    %get3A_326 = vector.load %arg2[%get3A_323, %get3A_324, %get3A_325] : memref<20x1000x8xf32, #tpu.memory_space<vmem>>, vector<1x1000x8xf32>
    %get3A_327 = vector.shape_cast %get3A_326 : vector<1x1000x8xf32> to vector<1000x8xf32>
    %dot_general3A_328 = arith.constant dense<0.000000e+00> : vector<1000x64xf32>
    %dot_general3A_329 = tpu.matmul %get3A_327, %get3A_12, %dot_general3A_328 {dimension_numbers = #tpu.dot_dimension_numbers<[1], [0], [0], [1], [0, 0, 1, 1], [], []>, precision = #tpu.contract_precision<fp32>, transpose_lhs_hint = false} : vector<1000x8xf32>, vector<8x64xf32>, vector<1000x64xf32> -> vector<1000x64xf32>
    %add3A_330 = arith.addf %dot_general3A_329, %add3A_9 : vector<1000x64xf32>
    %max3A_331 = arith.constant 0.000000e+00 : f32
    %max3A_332 = vector.broadcast %max3A_331 : f32 to vector<1000x64xf32>
    %max3A_333 = arith.maximumf %add3A_330, %max3A_332 : vector<1000x64xf32>
    %dot_general3A_334 = arith.constant dense<0.000000e+00> : vector<1000x64xf32>
    %dot_general3A_335 = tpu.matmul %max3A_333, %get3A_15, %dot_general3A_334 {dimension_numbers = #tpu.dot_dimension_numbers<[1], [0], [0], [1], [0, 0, 1, 1], [], []>, precision = #tpu.contract_precision<fp32>, transpose_lhs_hint = false} : vector<1000x64xf32>, vector<64x64xf32>, vector<1000x64xf32> -> vector<1000x64xf32>
    %add3A_336 = vector.broadcast %get3A_18 : vector<1x64xf32> to vector<1000x64xf32>
    %add3A_337 = arith.addf %dot_general3A_335, %add3A_336 : vector<1000x64xf32>
    %max3A_338 = arith.constant 0.000000e+00 : f32
    %max3A_339 = vector.broadcast %max3A_338 : f32 to vector<1000x64xf32>
    %max3A_340 = arith.maximumf %add3A_337, %max3A_339 : vector<1000x64xf32>
    %max3A_341 = arith.maximumf %max3A_322, %max3A_340 : vector<1000x64xf32>
    %get3A_342 = arith.constant 17 : index
    %get3A_343 = arith.constant 0 : index
    %get3A_344 = arith.constant 0 : index
    %get3A_345 = vector.load %arg2[%get3A_342, %get3A_343, %get3A_344] : memref<20x1000x8xf32, #tpu.memory_space<vmem>>, vector<1x1000x8xf32>
    %get3A_346 = vector.shape_cast %get3A_345 : vector<1x1000x8xf32> to vector<1000x8xf32>
    %dot_general3A_347 = arith.constant dense<0.000000e+00> : vector<1000x64xf32>
    %dot_general3A_348 = tpu.matmul %get3A_346, %get3A_12, %dot_general3A_347 {dimension_numbers = #tpu.dot_dimension_numbers<[1], [0], [0], [1], [0, 0, 1, 1], [], []>, precision = #tpu.contract_precision<fp32>, transpose_lhs_hint = false} : vector<1000x8xf32>, vector<8x64xf32>, vector<1000x64xf32> -> vector<1000x64xf32>
    %add3A_349 = arith.addf %dot_general3A_348, %add3A_9 : vector<1000x64xf32>
    %max3A_350 = arith.constant 0.000000e+00 : f32
    %max3A_351 = vector.broadcast %max3A_350 : f32 to vector<1000x64xf32>
    %max3A_352 = arith.maximumf %add3A_349, %max3A_351 : vector<1000x64xf32>
    %dot_general3A_353 = arith.constant dense<0.000000e+00> : vector<1000x64xf32>
    %dot_general3A_354 = tpu.matmul %max3A_352, %get3A_15, %dot_general3A_353 {dimension_numbers = #tpu.dot_dimension_numbers<[1], [0], [0], [1], [0, 0, 1, 1], [], []>, precision = #tpu.contract_precision<fp32>, transpose_lhs_hint = false} : vector<1000x64xf32>, vector<64x64xf32>, vector<1000x64xf32> -> vector<1000x64xf32>
    %add3A_355 = vector.broadcast %get3A_18 : vector<1x64xf32> to vector<1000x64xf32>
    %add3A_356 = arith.addf %dot_general3A_354, %add3A_355 : vector<1000x64xf32>
    %max3A_357 = arith.constant 0.000000e+00 : f32
    %max3A_358 = vector.broadcast %max3A_357 : f32 to vector<1000x64xf32>
    %max3A_359 = arith.maximumf %add3A_356, %max3A_358 : vector<1000x64xf32>
    %max3A_360 = arith.maximumf %max3A_341, %max3A_359 : vector<1000x64xf32>
    %get3A_361 = arith.constant 18 : index
    %get3A_362 = arith.constant 0 : index
    %get3A_363 = arith.constant 0 : index
    %get3A_364 = vector.load %arg2[%get3A_361, %get3A_362, %get3A_363] : memref<20x1000x8xf32, #tpu.memory_space<vmem>>, vector<1x1000x8xf32>
    %get3A_365 = vector.shape_cast %get3A_364 : vector<1x1000x8xf32> to vector<1000x8xf32>
    %dot_general3A_366 = arith.constant dense<0.000000e+00> : vector<1000x64xf32>
    %dot_general3A_367 = tpu.matmul %get3A_365, %get3A_12, %dot_general3A_366 {dimension_numbers = #tpu.dot_dimension_numbers<[1], [0], [0], [1], [0, 0, 1, 1], [], []>, precision = #tpu.contract_precision<fp32>, transpose_lhs_hint = false} : vector<1000x8xf32>, vector<8x64xf32>, vector<1000x64xf32> -> vector<1000x64xf32>
    %add3A_368 = arith.addf %dot_general3A_367, %add3A_9 : vector<1000x64xf32>
    %max3A_369 = arith.constant 0.000000e+00 : f32
    %max3A_370 = vector.broadcast %max3A_369 : f32 to vector<1000x64xf32>
    %max3A_371 = arith.maximumf %add3A_368, %max3A_370 : vector<1000x64xf32>
    %dot_general3A_372 = arith.constant dense<0.000000e+00> : vector<1000x64xf32>
    %dot_general3A_373 = tpu.matmul %max3A_371, %get3A_15, %dot_general3A_372 {dimension_numbers = #tpu.dot_dimension_numbers<[1], [0], [0], [1], [0, 0, 1, 1], [], []>, precision = #tpu.contract_precision<fp32>, transpose_lhs_hint = false} : vector<1000x64xf32>, vector<64x64xf32>, vector<1000x64xf32> -> vector<1000x64xf32>
    %add3A_374 = vector.broadcast %get3A_18 : vector<1x64xf32> to vector<1000x64xf32>
    %add3A_375 = arith.addf %dot_general3A_373, %add3A_374 : vector<1000x64xf32>
    %max3A_376 = arith.constant 0.000000e+00 : f32
    %max3A_377 = vector.broadcast %max3A_376 : f32 to vector<1000x64xf32>
    %max3A_378 = arith.maximumf %add3A_375, %max3A_377 : vector<1000x64xf32>
    %max3A_379 = arith.maximumf %max3A_360, %max3A_378 : vector<1000x64xf32>
    %get3A_380 = arith.constant 19 : index
    %get3A_381 = arith.constant 0 : index
    %get3A_382 = arith.constant 0 : index
    %get3A_383 = vector.load %arg2[%get3A_380, %get3A_381, %get3A_382] : memref<20x1000x8xf32, #tpu.memory_space<vmem>>, vector<1x1000x8xf32>
    %get3A_384 = vector.shape_cast %get3A_383 : vector<1x1000x8xf32> to vector<1000x8xf32>
    %dot_general3A_385 = arith.constant dense<0.000000e+00> : vector<1000x64xf32>
    %dot_general3A_386 = tpu.matmul %get3A_384, %get3A_12, %dot_general3A_385 {dimension_numbers = #tpu.dot_dimension_numbers<[1], [0], [0], [1], [0, 0, 1, 1], [], []>, precision = #tpu.contract_precision<fp32>, transpose_lhs_hint = false} : vector<1000x8xf32>, vector<8x64xf32>, vector<1000x64xf32> -> vector<1000x64xf32>
    %add3A_387 = arith.addf %dot_general3A_386, %add3A_9 : vector<1000x64xf32>
    %max3A_388 = arith.constant 0.000000e+00 : f32
    %max3A_389 = vector.broadcast %max3A_388 : f32 to vector<1000x64xf32>
    %max3A_390 = arith.maximumf %add3A_387, %max3A_389 : vector<1000x64xf32>
    %dot_general3A_391 = arith.constant dense<0.000000e+00> : vector<1000x64xf32>
    %dot_general3A_392 = tpu.matmul %max3A_390, %get3A_15, %dot_general3A_391 {dimension_numbers = #tpu.dot_dimension_numbers<[1], [0], [0], [1], [0, 0, 1, 1], [], []>, precision = #tpu.contract_precision<fp32>, transpose_lhs_hint = false} : vector<1000x64xf32>, vector<64x64xf32>, vector<1000x64xf32> -> vector<1000x64xf32>
    %add3A_393 = vector.broadcast %get3A_18 : vector<1x64xf32> to vector<1000x64xf32>
    %add3A_394 = arith.addf %dot_general3A_392, %add3A_393 : vector<1000x64xf32>
    %max3A_395 = arith.constant 0.000000e+00 : f32
    %max3A_396 = vector.broadcast %max3A_395 : f32 to vector<1000x64xf32>
    %max3A_397 = arith.maximumf %add3A_394, %max3A_396 : vector<1000x64xf32>
    %max3A_398 = arith.maximumf %max3A_379, %max3A_397 : vector<1000x64xf32>
    %swap3A = arith.constant 0 : index
    %swap3A_399 = arith.constant 0 : index
    %swap3A_400 = vector.load %arg8[%swap3A, %swap3A_399] : memref<1000x64xf32, #tpu.memory_space<vmem>>, vector<1000x64xf32>
    tpu.vector_store %arg8[%swap3A, %swap3A_399], %max3A_398 {strides = array<i32>} : memref<1000x64xf32, #tpu.memory_space<vmem>>, vector<1000x64xf32>,
    return
  }
  func.func @transform_0(%arg0: i32) -> (i32, i32) {
    %c0_i32 = arith.constant 0 : i32
    %c0_i32_0 = arith.constant 0 : i32
    return %arg0, %c0_i32 : i32, i32
  }
  func.func @transform_1(%arg0: i32) -> (i32, i32, i32) {
    %c0_i32 = arith.constant 0 : i32
    %c0_i32_0 = arith.constant 0 : i32
    %c0_i32_1 = arith.constant 0 : i32
    return %c0_i32, %arg0, %c0_i32_0 : i32, i32, i32
  }
  func.func @transform_2(%arg0: i32) -> (i32, i32) {
    %c0_i32 = arith.constant 0 : i32
    %c0_i32_0 = arith.constant 0 : i32
    %c0_i32_1 = arith.constant 0 : i32
    return %c0_i32, %c0_i32_0 : i32, i32
  }
  func.func @transform_3(%arg0: i32) -> (i32, i32) {
    %c0_i32 = arith.constant 0 : i32
    %c0_i32_0 = arith.constant 0 : i32
    %c0_i32_1 = arith.constant 0 : i32
    return %c0_i32, %c0_i32_0 : i32, i32
  }
  func.func @transform_4(%arg0: i32) -> (i32, i32) {
    %c0_i32 = arith.constant 0 : i32
    %c0_i32_0 = arith.constant 0 : i32
    %c0_i32_1 = arith.constant 0 : i32
    return %c0_i32, %c0_i32_0 : i32, i32
  }
  func.func @transform_5(%arg0: i32) -> (i32, i32) {
    %c0_i32 = arith.constant 0 : i32
    %c0_i32_0 = arith.constant 0 : i32
    %c0_i32_1 = arith.constant 0 : i32
    return %c0_i32, %c0_i32_0 : i32, i32
  }
  func.func @transform_6(%arg0: i32) -> (i32, i32) {
    %c0_i32 = arith.constant 0 : i32
    %c0_i32_0 = arith.constant 0 : i32
    %c0_i32_1 = arith.constant 0 : i32
    return %c0_i32, %c0_i32_0 : i32, i32
  }
  func.func @transform_7(%arg0: i32) -> (i32, i32) {
    %c0_i32 = arith.constant 0 : i32
    %c0_i32_0 = arith.constant 0 : i32
    return %arg0, %c0_i32 : i32, i32
  }
}

module attributes {stable_mosaic.version = 14 : i64} {
  func.func @body(%arg0: i32, %arg1: memref<1000x64xf32, #tpu.memory_space<vmem>>, %arg2: memref<20x1000x64xf32, #tpu.memory_space<vmem>>, %arg3: memref<64x128xf32, #tpu.memory_space<vmem>>, %arg4: memref<64x128xf32, #tpu.memory_space<vmem>>, %arg5: memref<1x128xf32, #tpu.memory_space<vmem>>, %arg6: memref<128x128xf32, #tpu.memory_space<vmem>>, %arg7: memref<1x128xf32, #tpu.memory_space<vmem>>, %arg8: memref<1000x128xf32, #tpu.memory_space<vmem>>) attributes {dimension_semantics = [#tpu.dimension_semantics<arbitrary>], iteration_bounds = array<i64: 10>, scalar_prefetch = 0 : i64, scratch_operands = 0 : i64, tpu.core_type = #tpu.core_type<tc>, window_params = [{transform_indices = @transform_0, window_bounds = array<i64: 1000, 64>}, {transform_indices = @transform_1, window_bounds = array<i64: 20, 1000, 64>}, {pipeline_mode = #tpu.pipeline_mode<synchronous>, transform_indices = @transform_2, window_bounds = array<i64: 64, 128>}, {pipeline_mode = #tpu.pipeline_mode<synchronous>, transform_indices = @transform_3, window_bounds = array<i64: 64, 128>}, {pipeline_mode = #tpu.pipeline_mode<synchronous>, transform_indices = @transform_4, window_bounds = array<i64: 1, 128>}, {pipeline_mode = #tpu.pipeline_mode<synchronous>, transform_indices = @transform_5, window_bounds = array<i64: 128, 128>}, {pipeline_mode = #tpu.pipeline_mode<synchronous>, transform_indices = @transform_6, window_bounds = array<i64: 1, 128>}, {transform_indices = @transform_7, window_bounds = array<i64: 1000, 128>}]} {
    %get3A = arith.constant 0 : index
    %get3A_0 = arith.constant 0 : index
    %get3A_1 = vector.load %arg1[%get3A, %get3A_0] : memref<1000x64xf32, #tpu.memory_space<vmem>>, vector<1000x64xf32>
    %convert_element_type3A = arith.truncf %get3A_1 : vector<1000x64xf32> to vector<1000x64xbf16>
    %convert_element_type3A_2 = arith.extf %convert_element_type3A : vector<1000x64xbf16> to vector<1000x64xf32>
    %sub3A = arith.subf %get3A_1, %convert_element_type3A_2 : vector<1000x64xf32>
    %convert_element_type3A_3 = arith.truncf %sub3A : vector<1000x64xf32> to vector<1000x64xbf16>
    %get3A_4 = arith.constant 0 : index
    %get3A_5 = arith.constant 0 : index
    %get3A_6 = vector.load %arg3[%get3A_4, %get3A_5] : memref<64x128xf32, #tpu.memory_space<vmem>>, vector<64x128xf32>
    %convert_element_type3A_7 = arith.truncf %get3A_6 : vector<64x128xf32> to vector<64x128xbf16>
    %convert_element_type3A_8 = arith.extf %convert_element_type3A_7 : vector<64x128xbf16> to vector<64x128xf32>
    %sub3A_9 = arith.subf %get3A_6, %convert_element_type3A_8 : vector<64x128xf32>
    %convert_element_type3A_10 = arith.truncf %sub3A_9 : vector<64x128xf32> to vector<64x128xbf16>
    %dot_general3A = arith.constant dense<0.000000e+00> : vector<1000x128xf32>
    %dot_general3A_11 = tpu.matmul %convert_element_type3A, %convert_element_type3A_7, %dot_general3A {dimension_numbers = #tpu.dot_dimension_numbers<[1], [0], [0], [1], [0, 0, 1, 1], [], []>, transpose_lhs_hint = false} : vector<1000x64xbf16>, vector<64x128xbf16>, vector<1000x128xf32> -> vector<1000x128xf32>
    %dot_general3A_12 = arith.constant dense<0.000000e+00> : vector<1000x128xf32>
    %dot_general3A_13 = tpu.matmul %convert_element_type3A, %convert_element_type3A_10, %dot_general3A_12 {dimension_numbers = #tpu.dot_dimension_numbers<[1], [0], [0], [1], [0, 0, 1, 1], [], []>, transpose_lhs_hint = false} : vector<1000x64xbf16>, vector<64x128xbf16>, vector<1000x128xf32> -> vector<1000x128xf32>
    %add3A = arith.addf %dot_general3A_11, %dot_general3A_13 : vector<1000x128xf32>
    %dot_general3A_14 = arith.constant dense<0.000000e+00> : vector<1000x128xf32>
    %dot_general3A_15 = tpu.matmul %convert_element_type3A_3, %convert_element_type3A_7, %dot_general3A_14 {dimension_numbers = #tpu.dot_dimension_numbers<[1], [0], [0], [1], [0, 0, 1, 1], [], []>, transpose_lhs_hint = false} : vector<1000x64xbf16>, vector<64x128xbf16>, vector<1000x128xf32> -> vector<1000x128xf32>
    %add3A_16 = arith.addf %add3A, %dot_general3A_15 : vector<1000x128xf32>
    %get3A_17 = arith.constant 0 : index
    %get3A_18 = arith.constant 0 : index
    %get3A_19 = vector.load %arg5[%get3A_17, %get3A_18] : memref<1x128xf32, #tpu.memory_space<vmem>>, vector<1x128xf32>
    %add3A_20 = vector.broadcast %get3A_19 : vector<1x128xf32> to vector<1000x128xf32>
    %add3A_21 = arith.addf %add3A_16, %add3A_20 : vector<1000x128xf32>
    %get3A_22 = arith.constant 0 : index
    %get3A_23 = arith.constant 0 : index
    %get3A_24 = vector.load %arg4[%get3A_22, %get3A_23] : memref<64x128xf32, #tpu.memory_space<vmem>>, vector<64x128xf32>
    %convert_element_type3A_25 = arith.truncf %get3A_24 : vector<64x128xf32> to vector<64x128xbf16>
    %convert_element_type3A_26 = arith.extf %convert_element_type3A_25 : vector<64x128xbf16> to vector<64x128xf32>
    %sub3A_27 = arith.subf %get3A_24, %convert_element_type3A_26 : vector<64x128xf32>
    %convert_element_type3A_28 = arith.truncf %sub3A_27 : vector<64x128xf32> to vector<64x128xbf16>
    %get3A_29 = arith.constant 0 : index
    %get3A_30 = arith.constant 0 : index
    %get3A_31 = vector.load %arg6[%get3A_29, %get3A_30] : memref<128x128xf32, #tpu.memory_space<vmem>>, vector<128x128xf32>
    %convert_element_type3A_32 = arith.truncf %get3A_31 : vector<128x128xf32> to vector<128x128xbf16>
    %convert_element_type3A_33 = arith.extf %convert_element_type3A_32 : vector<128x128xbf16> to vector<128x128xf32>
    %sub3A_34 = arith.subf %get3A_31, %convert_element_type3A_33 : vector<128x128xf32>
    %convert_element_type3A_35 = arith.truncf %sub3A_34 : vector<128x128xf32> to vector<128x128xbf16>
    %get3A_36 = arith.constant 0 : index
    %get3A_37 = arith.constant 0 : index
    %get3A_38 = vector.load %arg7[%get3A_36, %get3A_37] : memref<1x128xf32, #tpu.memory_space<vmem>>, vector<1x128xf32>
    %broadcast_in_dim3A = arith.constant 0.000000e+00 : f32
    %broadcast_in_dim3A_39 = vector.broadcast %broadcast_in_dim3A : f32 to vector<1000x128xf32>
    %get3A_40 = arith.constant 0 : index
    %get3A_41 = arith.constant 0 : index
    %get3A_42 = arith.constant 0 : index
    %get3A_43 = vector.load %arg2[%get3A_40, %get3A_41, %get3A_42] : memref<20x1000x64xf32, #tpu.memory_space<vmem>>, vector<1x1000x64xf32>
    %get3A_44 = vector.shape_cast %get3A_43 : vector<1x1000x64xf32> to vector<1000x64xf32>
    %convert_element_type3A_45 = arith.truncf %get3A_44 : vector<1000x64xf32> to vector<1000x64xbf16>
    %convert_element_type3A_46 = arith.extf %convert_element_type3A_45 : vector<1000x64xbf16> to vector<1000x64xf32>
    %sub3A_47 = arith.subf %get3A_44, %convert_element_type3A_46 : vector<1000x64xf32>
    %convert_element_type3A_48 = arith.truncf %sub3A_47 : vector<1000x64xf32> to vector<1000x64xbf16>
    %dot_general3A_49 = arith.constant dense<0.000000e+00> : vector<1000x128xf32>
    %dot_general3A_50 = tpu.matmul %convert_element_type3A_45, %convert_element_type3A_25, %dot_general3A_49 {dimension_numbers = #tpu.dot_dimension_numbers<[1], [0], [0], [1], [0, 0, 1, 1], [], []>, transpose_lhs_hint = false} : vector<1000x64xbf16>, vector<64x128xbf16>, vector<1000x128xf32> -> vector<1000x128xf32>
    %dot_general3A_51 = arith.constant dense<0.000000e+00> : vector<1000x128xf32>
    %dot_general3A_52 = tpu.matmul %convert_element_type3A_45, %convert_element_type3A_28, %dot_general3A_51 {dimension_numbers = #tpu.dot_dimension_numbers<[1], [0], [0], [1], [0, 0, 1, 1], [], []>, transpose_lhs_hint = false} : vector<1000x64xbf16>, vector<64x128xbf16>, vector<1000x128xf32> -> vector<1000x128xf32>
    %add3A_53 = arith.addf %dot_general3A_50, %dot_general3A_52 : vector<1000x128xf32>
    %dot_general3A_54 = arith.constant dense<0.000000e+00> : vector<1000x128xf32>
    %dot_general3A_55 = tpu.matmul %convert_element_type3A_48, %convert_element_type3A_25, %dot_general3A_54 {dimension_numbers = #tpu.dot_dimension_numbers<[1], [0], [0], [1], [0, 0, 1, 1], [], []>, transpose_lhs_hint = false} : vector<1000x64xbf16>, vector<64x128xbf16>, vector<1000x128xf32> -> vector<1000x128xf32>
    %add3A_56 = arith.addf %add3A_53, %dot_general3A_55 : vector<1000x128xf32>
    %add3A_57 = arith.addf %add3A_56, %add3A_21 : vector<1000x128xf32>
    %max3A = arith.constant 0.000000e+00 : f32
    %max3A_58 = vector.broadcast %max3A : f32 to vector<1000x128xf32>
    %max3A_59 = arith.maximumf %add3A_57, %max3A_58 : vector<1000x128xf32>
    %convert_element_type3A_60 = arith.truncf %max3A_59 : vector<1000x128xf32> to vector<1000x128xbf16>
    %convert_element_type3A_61 = arith.extf %convert_element_type3A_60 : vector<1000x128xbf16> to vector<1000x128xf32>
    %sub3A_62 = arith.subf %max3A_59, %convert_element_type3A_61 : vector<1000x128xf32>
    %convert_element_type3A_63 = arith.truncf %sub3A_62 : vector<1000x128xf32> to vector<1000x128xbf16>
    %dot_general3A_64 = arith.constant dense<0.000000e+00> : vector<1000x128xf32>
    %dot_general3A_65 = tpu.matmul %convert_element_type3A_60, %convert_element_type3A_32, %dot_general3A_64 {dimension_numbers = #tpu.dot_dimension_numbers<[1], [0], [0], [1], [0, 0, 1, 1], [], []>, transpose_lhs_hint = false} : vector<1000x128xbf16>, vector<128x128xbf16>, vector<1000x128xf32> -> vector<1000x128xf32>
    %dot_general3A_66 = arith.constant dense<0.000000e+00> : vector<1000x128xf32>
    %dot_general3A_67 = tpu.matmul %convert_element_type3A_60, %convert_element_type3A_35, %dot_general3A_66 {dimension_numbers = #tpu.dot_dimension_numbers<[1], [0], [0], [1], [0, 0, 1, 1], [], []>, transpose_lhs_hint = false} : vector<1000x128xbf16>, vector<128x128xbf16>, vector<1000x128xf32> -> vector<1000x128xf32>
    %add3A_68 = arith.addf %dot_general3A_65, %dot_general3A_67 : vector<1000x128xf32>
    %dot_general3A_69 = arith.constant dense<0.000000e+00> : vector<1000x128xf32>
    %dot_general3A_70 = tpu.matmul %convert_element_type3A_63, %convert_element_type3A_32, %dot_general3A_69 {dimension_numbers = #tpu.dot_dimension_numbers<[1], [0], [0], [1], [0, 0, 1, 1], [], []>, transpose_lhs_hint = false} : vector<1000x128xbf16>, vector<128x128xbf16>, vector<1000x128xf32> -> vector<1000x128xf32>
    %add3A_71 = arith.addf %add3A_68, %dot_general3A_70 : vector<1000x128xf32>
    %add3A_72 = vector.broadcast %get3A_38 : vector<1x128xf32> to vector<1000x128xf32>
    %add3A_73 = arith.addf %add3A_71, %add3A_72 : vector<1000x128xf32>
    %max3A_74 = arith.constant 0.000000e+00 : f32
    %max3A_75 = vector.broadcast %max3A_74 : f32 to vector<1000x128xf32>
    %max3A_76 = arith.maximumf %add3A_73, %max3A_75 : vector<1000x128xf32>
    %max3A_77 = arith.maximumf %broadcast_in_dim3A_39, %max3A_76 : vector<1000x128xf32>
    %get3A_78 = arith.constant 1 : index
    %get3A_79 = arith.constant 0 : index
    %get3A_80 = arith.constant 0 : index
    %get3A_81 = vector.load %arg2[%get3A_78, %get3A_79, %get3A_80] : memref<20x1000x64xf32, #tpu.memory_space<vmem>>, vector<1x1000x64xf32>
    %get3A_82 = vector.shape_cast %get3A_81 : vector<1x1000x64xf32> to vector<1000x64xf32>
    %convert_element_type3A_83 = arith.truncf %get3A_82 : vector<1000x64xf32> to vector<1000x64xbf16>
    %convert_element_type3A_84 = arith.extf %convert_element_type3A_83 : vector<1000x64xbf16> to vector<1000x64xf32>
    %sub3A_85 = arith.subf %get3A_82, %convert_element_type3A_84 : vector<1000x64xf32>
    %convert_element_type3A_86 = arith.truncf %sub3A_85 : vector<1000x64xf32> to vector<1000x64xbf16>
    %dot_general3A_87 = arith.constant dense<0.000000e+00> : vector<1000x128xf32>
    %dot_general3A_88 = tpu.matmul %convert_element_type3A_83, %convert_element_type3A_25, %dot_general3A_87 {dimension_numbers = #tpu.dot_dimension_numbers<[1], [0], [0], [1], [0, 0, 1, 1], [], []>, transpose_lhs_hint = false} : vector<1000x64xbf16>, vector<64x128xbf16>, vector<1000x128xf32> -> vector<1000x128xf32>
    %dot_general3A_89 = arith.constant dense<0.000000e+00> : vector<1000x128xf32>
    %dot_general3A_90 = tpu.matmul %convert_element_type3A_83, %convert_element_type3A_28, %dot_general3A_89 {dimension_numbers = #tpu.dot_dimension_numbers<[1], [0], [0], [1], [0, 0, 1, 1], [], []>, transpose_lhs_hint = false} : vector<1000x64xbf16>, vector<64x128xbf16>, vector<1000x128xf32> -> vector<1000x128xf32>
    %add3A_91 = arith.addf %dot_general3A_88, %dot_general3A_90 : vector<1000x128xf32>
    %dot_general3A_92 = arith.constant dense<0.000000e+00> : vector<1000x128xf32>
    %dot_general3A_93 = tpu.matmul %convert_element_type3A_86, %convert_element_type3A_25, %dot_general3A_92 {dimension_numbers = #tpu.dot_dimension_numbers<[1], [0], [0], [1], [0, 0, 1, 1], [], []>, transpose_lhs_hint = false} : vector<1000x64xbf16>, vector<64x128xbf16>, vector<1000x128xf32> -> vector<1000x128xf32>
    %add3A_94 = arith.addf %add3A_91, %dot_general3A_93 : vector<1000x128xf32>
    %add3A_95 = arith.addf %add3A_94, %add3A_21 : vector<1000x128xf32>
    %max3A_96 = arith.constant 0.000000e+00 : f32
    %max3A_97 = vector.broadcast %max3A_96 : f32 to vector<1000x128xf32>
    %max3A_98 = arith.maximumf %add3A_95, %max3A_97 : vector<1000x128xf32>
    %convert_element_type3A_99 = arith.truncf %max3A_98 : vector<1000x128xf32> to vector<1000x128xbf16>
    %convert_element_type3A_100 = arith.extf %convert_element_type3A_99 : vector<1000x128xbf16> to vector<1000x128xf32>
    %sub3A_101 = arith.subf %max3A_98, %convert_element_type3A_100 : vector<1000x128xf32>
    %convert_element_type3A_102 = arith.truncf %sub3A_101 : vector<1000x128xf32> to vector<1000x128xbf16>
    %dot_general3A_103 = arith.constant dense<0.000000e+00> : vector<1000x128xf32>
    %dot_general3A_104 = tpu.matmul %convert_element_type3A_99, %convert_element_type3A_32, %dot_general3A_103 {dimension_numbers = #tpu.dot_dimension_numbers<[1], [0], [0], [1], [0, 0, 1, 1], [], []>, transpose_lhs_hint = false} : vector<1000x128xbf16>, vector<128x128xbf16>, vector<1000x128xf32> -> vector<1000x128xf32>
    %dot_general3A_105 = arith.constant dense<0.000000e+00> : vector<1000x128xf32>
    %dot_general3A_106 = tpu.matmul %convert_element_type3A_99, %convert_element_type3A_35, %dot_general3A_105 {dimension_numbers = #tpu.dot_dimension_numbers<[1], [0], [0], [1], [0, 0, 1, 1], [], []>, transpose_lhs_hint = false} : vector<1000x128xbf16>, vector<128x128xbf16>, vector<1000x128xf32> -> vector<1000x128xf32>
    %add3A_107 = arith.addf %dot_general3A_104, %dot_general3A_106 : vector<1000x128xf32>
    %dot_general3A_108 = arith.constant dense<0.000000e+00> : vector<1000x128xf32>
    %dot_general3A_109 = tpu.matmul %convert_element_type3A_102, %convert_element_type3A_32, %dot_general3A_108 {dimension_numbers = #tpu.dot_dimension_numbers<[1], [0], [0], [1], [0, 0, 1, 1], [], []>, transpose_lhs_hint = false} : vector<1000x128xbf16>, vector<128x128xbf16>, vector<1000x128xf32> -> vector<1000x128xf32>
    %add3A_110 = arith.addf %add3A_107, %dot_general3A_109 : vector<1000x128xf32>
    %add3A_111 = vector.broadcast %get3A_38 : vector<1x128xf32> to vector<1000x128xf32>
    %add3A_112 = arith.addf %add3A_110, %add3A_111 : vector<1000x128xf32>
    %max3A_113 = arith.constant 0.000000e+00 : f32
    %max3A_114 = vector.broadcast %max3A_113 : f32 to vector<1000x128xf32>
    %max3A_115 = arith.maximumf %add3A_112, %max3A_114 : vector<1000x128xf32>
    %max3A_116 = arith.maximumf %max3A_77, %max3A_115 : vector<1000x128xf32>
    %get3A_117 = arith.constant 2 : index
    %get3A_118 = arith.constant 0 : index
    %get3A_119 = arith.constant 0 : index
    %get3A_120 = vector.load %arg2[%get3A_117, %get3A_118, %get3A_119] : memref<20x1000x64xf32, #tpu.memory_space<vmem>>, vector<1x1000x64xf32>
    %get3A_121 = vector.shape_cast %get3A_120 : vector<1x1000x64xf32> to vector<1000x64xf32>
    %convert_element_type3A_122 = arith.truncf %get3A_121 : vector<1000x64xf32> to vector<1000x64xbf16>
    %convert_element_type3A_123 = arith.extf %convert_element_type3A_122 : vector<1000x64xbf16> to vector<1000x64xf32>
    %sub3A_124 = arith.subf %get3A_121, %convert_element_type3A_123 : vector<1000x64xf32>
    %convert_element_type3A_125 = arith.truncf %sub3A_124 : vector<1000x64xf32> to vector<1000x64xbf16>
    %dot_general3A_126 = arith.constant dense<0.000000e+00> : vector<1000x128xf32>
    %dot_general3A_127 = tpu.matmul %convert_element_type3A_122, %convert_element_type3A_25, %dot_general3A_126 {dimension_numbers = #tpu.dot_dimension_numbers<[1], [0], [0], [1], [0, 0, 1, 1], [], []>, transpose_lhs_hint = false} : vector<1000x64xbf16>, vector<64x128xbf16>, vector<1000x128xf32> -> vector<1000x128xf32>
    %dot_general3A_128 = arith.constant dense<0.000000e+00> : vector<1000x128xf32>
    %dot_general3A_129 = tpu.matmul %convert_element_type3A_122, %convert_element_type3A_28, %dot_general3A_128 {dimension_numbers = #tpu.dot_dimension_numbers<[1], [0], [0], [1], [0, 0, 1, 1], [], []>, transpose_lhs_hint = false} : vector<1000x64xbf16>, vector<64x128xbf16>, vector<1000x128xf32> -> vector<1000x128xf32>
    %add3A_130 = arith.addf %dot_general3A_127, %dot_general3A_129 : vector<1000x128xf32>
    %dot_general3A_131 = arith.constant dense<0.000000e+00> : vector<1000x128xf32>
    %dot_general3A_132 = tpu.matmul %convert_element_type3A_125, %convert_element_type3A_25, %dot_general3A_131 {dimension_numbers = #tpu.dot_dimension_numbers<[1], [0], [0], [1], [0, 0, 1, 1], [], []>, transpose_lhs_hint = false} : vector<1000x64xbf16>, vector<64x128xbf16>, vector<1000x128xf32> -> vector<1000x128xf32>
    %add3A_133 = arith.addf %add3A_130, %dot_general3A_132 : vector<1000x128xf32>
    %add3A_134 = arith.addf %add3A_133, %add3A_21 : vector<1000x128xf32>
    %max3A_135 = arith.constant 0.000000e+00 : f32
    %max3A_136 = vector.broadcast %max3A_135 : f32 to vector<1000x128xf32>
    %max3A_137 = arith.maximumf %add3A_134, %max3A_136 : vector<1000x128xf32>
    %convert_element_type3A_138 = arith.truncf %max3A_137 : vector<1000x128xf32> to vector<1000x128xbf16>
    %convert_element_type3A_139 = arith.extf %convert_element_type3A_138 : vector<1000x128xbf16> to vector<1000x128xf32>
    %sub3A_140 = arith.subf %max3A_137, %convert_element_type3A_139 : vector<1000x128xf32>
    %convert_element_type3A_141 = arith.truncf %sub3A_140 : vector<1000x128xf32> to vector<1000x128xbf16>
    %dot_general3A_142 = arith.constant dense<0.000000e+00> : vector<1000x128xf32>
    %dot_general3A_143 = tpu.matmul %convert_element_type3A_138, %convert_element_type3A_32, %dot_general3A_142 {dimension_numbers = #tpu.dot_dimension_numbers<[1], [0], [0], [1], [0, 0, 1, 1], [], []>, transpose_lhs_hint = false} : vector<1000x128xbf16>, vector<128x128xbf16>, vector<1000x128xf32> -> vector<1000x128xf32>
    %dot_general3A_144 = arith.constant dense<0.000000e+00> : vector<1000x128xf32>
    %dot_general3A_145 = tpu.matmul %convert_element_type3A_138, %convert_element_type3A_35, %dot_general3A_144 {dimension_numbers = #tpu.dot_dimension_numbers<[1], [0], [0], [1], [0, 0, 1, 1], [], []>, transpose_lhs_hint = false} : vector<1000x128xbf16>, vector<128x128xbf16>, vector<1000x128xf32> -> vector<1000x128xf32>
    %add3A_146 = arith.addf %dot_general3A_143, %dot_general3A_145 : vector<1000x128xf32>
    %dot_general3A_147 = arith.constant dense<0.000000e+00> : vector<1000x128xf32>
    %dot_general3A_148 = tpu.matmul %convert_element_type3A_141, %convert_element_type3A_32, %dot_general3A_147 {dimension_numbers = #tpu.dot_dimension_numbers<[1], [0], [0], [1], [0, 0, 1, 1], [], []>, transpose_lhs_hint = false} : vector<1000x128xbf16>, vector<128x128xbf16>, vector<1000x128xf32> -> vector<1000x128xf32>
    %add3A_149 = arith.addf %add3A_146, %dot_general3A_148 : vector<1000x128xf32>
    %add3A_150 = vector.broadcast %get3A_38 : vector<1x128xf32> to vector<1000x128xf32>
    %add3A_151 = arith.addf %add3A_149, %add3A_150 : vector<1000x128xf32>
    %max3A_152 = arith.constant 0.000000e+00 : f32
    %max3A_153 = vector.broadcast %max3A_152 : f32 to vector<1000x128xf32>
    %max3A_154 = arith.maximumf %add3A_151, %max3A_153 : vector<1000x128xf32>
    %max3A_155 = arith.maximumf %max3A_116, %max3A_154 : vector<1000x128xf32>
    %get3A_156 = arith.constant 3 : index
    %get3A_157 = arith.constant 0 : index
    %get3A_158 = arith.constant 0 : index
    %get3A_159 = vector.load %arg2[%get3A_156, %get3A_157, %get3A_158] : memref<20x1000x64xf32, #tpu.memory_space<vmem>>, vector<1x1000x64xf32>
    %get3A_160 = vector.shape_cast %get3A_159 : vector<1x1000x64xf32> to vector<1000x64xf32>
    %convert_element_type3A_161 = arith.truncf %get3A_160 : vector<1000x64xf32> to vector<1000x64xbf16>
    %convert_element_type3A_162 = arith.extf %convert_element_type3A_161 : vector<1000x64xbf16> to vector<1000x64xf32>
    %sub3A_163 = arith.subf %get3A_160, %convert_element_type3A_162 : vector<1000x64xf32>
    %convert_element_type3A_164 = arith.truncf %sub3A_163 : vector<1000x64xf32> to vector<1000x64xbf16>
    %dot_general3A_165 = arith.constant dense<0.000000e+00> : vector<1000x128xf32>
    %dot_general3A_166 = tpu.matmul %convert_element_type3A_161, %convert_element_type3A_25, %dot_general3A_165 {dimension_numbers = #tpu.dot_dimension_numbers<[1], [0], [0], [1], [0, 0, 1, 1], [], []>, transpose_lhs_hint = false} : vector<1000x64xbf16>, vector<64x128xbf16>, vector<1000x128xf32> -> vector<1000x128xf32>
    %dot_general3A_167 = arith.constant dense<0.000000e+00> : vector<1000x128xf32>
    %dot_general3A_168 = tpu.matmul %convert_element_type3A_161, %convert_element_type3A_28, %dot_general3A_167 {dimension_numbers = #tpu.dot_dimension_numbers<[1], [0], [0], [1], [0, 0, 1, 1], [], []>, transpose_lhs_hint = false} : vector<1000x64xbf16>, vector<64x128xbf16>, vector<1000x128xf32> -> vector<1000x128xf32>
    %add3A_169 = arith.addf %dot_general3A_166, %dot_general3A_168 : vector<1000x128xf32>
    %dot_general3A_170 = arith.constant dense<0.000000e+00> : vector<1000x128xf32>
    %dot_general3A_171 = tpu.matmul %convert_element_type3A_164, %convert_element_type3A_25, %dot_general3A_170 {dimension_numbers = #tpu.dot_dimension_numbers<[1], [0], [0], [1], [0, 0, 1, 1], [], []>, transpose_lhs_hint = false} : vector<1000x64xbf16>, vector<64x128xbf16>, vector<1000x128xf32> -> vector<1000x128xf32>
    %add3A_172 = arith.addf %add3A_169, %dot_general3A_171 : vector<1000x128xf32>
    %add3A_173 = arith.addf %add3A_172, %add3A_21 : vector<1000x128xf32>
    %max3A_174 = arith.constant 0.000000e+00 : f32
    %max3A_175 = vector.broadcast %max3A_174 : f32 to vector<1000x128xf32>
    %max3A_176 = arith.maximumf %add3A_173, %max3A_175 : vector<1000x128xf32>
    %convert_element_type3A_177 = arith.truncf %max3A_176 : vector<1000x128xf32> to vector<1000x128xbf16>
    %convert_element_type3A_178 = arith.extf %convert_element_type3A_177 : vector<1000x128xbf16> to vector<1000x128xf32>
    %sub3A_179 = arith.subf %max3A_176, %convert_element_type3A_178 : vector<1000x128xf32>
    %convert_element_type3A_180 = arith.truncf %sub3A_179 : vector<1000x128xf32> to vector<1000x128xbf16>
    %dot_general3A_181 = arith.constant dense<0.000000e+00> : vector<1000x128xf32>
    %dot_general3A_182 = tpu.matmul %convert_element_type3A_177, %convert_element_type3A_32, %dot_general3A_181 {dimension_numbers = #tpu.dot_dimension_numbers<[1], [0], [0], [1], [0, 0, 1, 1], [], []>, transpose_lhs_hint = false} : vector<1000x128xbf16>, vector<128x128xbf16>, vector<1000x128xf32> -> vector<1000x128xf32>
    %dot_general3A_183 = arith.constant dense<0.000000e+00> : vector<1000x128xf32>
    %dot_general3A_184 = tpu.matmul %convert_element_type3A_177, %convert_element_type3A_35, %dot_general3A_183 {dimension_numbers = #tpu.dot_dimension_numbers<[1], [0], [0], [1], [0, 0, 1, 1], [], []>, transpose_lhs_hint = false} : vector<1000x128xbf16>, vector<128x128xbf16>, vector<1000x128xf32> -> vector<1000x128xf32>
    %add3A_185 = arith.addf %dot_general3A_182, %dot_general3A_184 : vector<1000x128xf32>
    %dot_general3A_186 = arith.constant dense<0.000000e+00> : vector<1000x128xf32>
    %dot_general3A_187 = tpu.matmul %convert_element_type3A_180, %convert_element_type3A_32, %dot_general3A_186 {dimension_numbers = #tpu.dot_dimension_numbers<[1], [0], [0], [1], [0, 0, 1, 1], [], []>, transpose_lhs_hint = false} : vector<1000x128xbf16>, vector<128x128xbf16>, vector<1000x128xf32> -> vector<1000x128xf32>
    %add3A_188 = arith.addf %add3A_185, %dot_general3A_187 : vector<1000x128xf32>
    %add3A_189 = vector.broadcast %get3A_38 : vector<1x128xf32> to vector<1000x128xf32>
    %add3A_190 = arith.addf %add3A_188, %add3A_189 : vector<1000x128xf32>
    %max3A_191 = arith.constant 0.000000e+00 : f32
    %max3A_192 = vector.broadcast %max3A_191 : f32 to vector<1000x128xf32>
    %max3A_193 = arith.maximumf %add3A_190, %max3A_192 : vector<1000x128xf32>
    %max3A_194 = arith.maximumf %max3A_155, %max3A_193 : vector<1000x128xf32>
    %get3A_195 = arith.constant 4 : index
    %get3A_196 = arith.constant 0 : index
    %get3A_197 = arith.constant 0 : index
    %get3A_198 = vector.load %arg2[%get3A_195, %get3A_196, %get3A_197] : memref<20x1000x64xf32, #tpu.memory_space<vmem>>, vector<1x1000x64xf32>
    %get3A_199 = vector.shape_cast %get3A_198 : vector<1x1000x64xf32> to vector<1000x64xf32>
    %convert_element_type3A_200 = arith.truncf %get3A_199 : vector<1000x64xf32> to vector<1000x64xbf16>
    %convert_element_type3A_201 = arith.extf %convert_element_type3A_200 : vector<1000x64xbf16> to vector<1000x64xf32>
    %sub3A_202 = arith.subf %get3A_199, %convert_element_type3A_201 : vector<1000x64xf32>
    %convert_element_type3A_203 = arith.truncf %sub3A_202 : vector<1000x64xf32> to vector<1000x64xbf16>
    %dot_general3A_204 = arith.constant dense<0.000000e+00> : vector<1000x128xf32>
    %dot_general3A_205 = tpu.matmul %convert_element_type3A_200, %convert_element_type3A_25, %dot_general3A_204 {dimension_numbers = #tpu.dot_dimension_numbers<[1], [0], [0], [1], [0, 0, 1, 1], [], []>, transpose_lhs_hint = false} : vector<1000x64xbf16>, vector<64x128xbf16>, vector<1000x128xf32> -> vector<1000x128xf32>
    %dot_general3A_206 = arith.constant dense<0.000000e+00> : vector<1000x128xf32>
    %dot_general3A_207 = tpu.matmul %convert_element_type3A_200, %convert_element_type3A_28, %dot_general3A_206 {dimension_numbers = #tpu.dot_dimension_numbers<[1], [0], [0], [1], [0, 0, 1, 1], [], []>, transpose_lhs_hint = false} : vector<1000x64xbf16>, vector<64x128xbf16>, vector<1000x128xf32> -> vector<1000x128xf32>
    %add3A_208 = arith.addf %dot_general3A_205, %dot_general3A_207 : vector<1000x128xf32>
    %dot_general3A_209 = arith.constant dense<0.000000e+00> : vector<1000x128xf32>
    %dot_general3A_210 = tpu.matmul %convert_element_type3A_203, %convert_element_type3A_25, %dot_general3A_209 {dimension_numbers = #tpu.dot_dimension_numbers<[1], [0], [0], [1], [0, 0, 1, 1], [], []>, transpose_lhs_hint = false} : vector<1000x64xbf16>, vector<64x128xbf16>, vector<1000x128xf32> -> vector<1000x128xf32>
    %add3A_211 = arith.addf %add3A_208, %dot_general3A_210 : vector<1000x128xf32>
    %add3A_212 = arith.addf %add3A_211, %add3A_21 : vector<1000x128xf32>
    %max3A_213 = arith.constant 0.000000e+00 : f32
    %max3A_214 = vector.broadcast %max3A_213 : f32 to vector<1000x128xf32>
    %max3A_215 = arith.maximumf %add3A_212, %max3A_214 : vector<1000x128xf32>
    %convert_element_type3A_216 = arith.truncf %max3A_215 : vector<1000x128xf32> to vector<1000x128xbf16>
    %convert_element_type3A_217 = arith.extf %convert_element_type3A_216 : vector<1000x128xbf16> to vector<1000x128xf32>
    %sub3A_218 = arith.subf %max3A_215, %convert_element_type3A_217 : vector<1000x128xf32>
    %convert_element_type3A_219 = arith.truncf %sub3A_218 : vector<1000x128xf32> to vector<1000x128xbf16>
    %dot_general3A_220 = arith.constant dense<0.000000e+00> : vector<1000x128xf32>
    %dot_general3A_221 = tpu.matmul %convert_element_type3A_216, %convert_element_type3A_32, %dot_general3A_220 {dimension_numbers = #tpu.dot_dimension_numbers<[1], [0], [0], [1], [0, 0, 1, 1], [], []>, transpose_lhs_hint = false} : vector<1000x128xbf16>, vector<128x128xbf16>, vector<1000x128xf32> -> vector<1000x128xf32>
    %dot_general3A_222 = arith.constant dense<0.000000e+00> : vector<1000x128xf32>
    %dot_general3A_223 = tpu.matmul %convert_element_type3A_216, %convert_element_type3A_35, %dot_general3A_222 {dimension_numbers = #tpu.dot_dimension_numbers<[1], [0], [0], [1], [0, 0, 1, 1], [], []>, transpose_lhs_hint = false} : vector<1000x128xbf16>, vector<128x128xbf16>, vector<1000x128xf32> -> vector<1000x128xf32>
    %add3A_224 = arith.addf %dot_general3A_221, %dot_general3A_223 : vector<1000x128xf32>
    %dot_general3A_225 = arith.constant dense<0.000000e+00> : vector<1000x128xf32>
    %dot_general3A_226 = tpu.matmul %convert_element_type3A_219, %convert_element_type3A_32, %dot_general3A_225 {dimension_numbers = #tpu.dot_dimension_numbers<[1], [0], [0], [1], [0, 0, 1, 1], [], []>, transpose_lhs_hint = false} : vector<1000x128xbf16>, vector<128x128xbf16>, vector<1000x128xf32> -> vector<1000x128xf32>
    %add3A_227 = arith.addf %add3A_224, %dot_general3A_226 : vector<1000x128xf32>
    %add3A_228 = vector.broadcast %get3A_38 : vector<1x128xf32> to vector<1000x128xf32>
    %add3A_229 = arith.addf %add3A_227, %add3A_228 : vector<1000x128xf32>
    %max3A_230 = arith.constant 0.000000e+00 : f32
    %max3A_231 = vector.broadcast %max3A_230 : f32 to vector<1000x128xf32>
    %max3A_232 = arith.maximumf %add3A_229, %max3A_231 : vector<1000x128xf32>
    %max3A_233 = arith.maximumf %max3A_194, %max3A_232 : vector<1000x128xf32>
    %get3A_234 = arith.constant 5 : index
    %get3A_235 = arith.constant 0 : index
    %get3A_236 = arith.constant 0 : index
    %get3A_237 = vector.load %arg2[%get3A_234, %get3A_235, %get3A_236] : memref<20x1000x64xf32, #tpu.memory_space<vmem>>, vector<1x1000x64xf32>
    %get3A_238 = vector.shape_cast %get3A_237 : vector<1x1000x64xf32> to vector<1000x64xf32>
    %convert_element_type3A_239 = arith.truncf %get3A_238 : vector<1000x64xf32> to vector<1000x64xbf16>
    %convert_element_type3A_240 = arith.extf %convert_element_type3A_239 : vector<1000x64xbf16> to vector<1000x64xf32>
    %sub3A_241 = arith.subf %get3A_238, %convert_element_type3A_240 : vector<1000x64xf32>
    %convert_element_type3A_242 = arith.truncf %sub3A_241 : vector<1000x64xf32> to vector<1000x64xbf16>
    %dot_general3A_243 = arith.constant dense<0.000000e+00> : vector<1000x128xf32>
    %dot_general3A_244 = tpu.matmul %convert_element_type3A_239, %convert_element_type3A_25, %dot_general3A_243 {dimension_numbers = #tpu.dot_dimension_numbers<[1], [0], [0], [1], [0, 0, 1, 1], [], []>, transpose_lhs_hint = false} : vector<1000x64xbf16>, vector<64x128xbf16>, vector<1000x128xf32> -> vector<1000x128xf32>
    %dot_general3A_245 = arith.constant dense<0.000000e+00> : vector<1000x128xf32>
    %dot_general3A_246 = tpu.matmul %convert_element_type3A_239, %convert_element_type3A_28, %dot_general3A_245 {dimension_numbers = #tpu.dot_dimension_numbers<[1], [0], [0], [1], [0, 0, 1, 1], [], []>, transpose_lhs_hint = false} : vector<1000x64xbf16>, vector<64x128xbf16>, vector<1000x128xf32> -> vector<1000x128xf32>
    %add3A_247 = arith.addf %dot_general3A_244, %dot_general3A_246 : vector<1000x128xf32>
    %dot_general3A_248 = arith.constant dense<0.000000e+00> : vector<1000x128xf32>
    %dot_general3A_249 = tpu.matmul %convert_element_type3A_242, %convert_element_type3A_25, %dot_general3A_248 {dimension_numbers = #tpu.dot_dimension_numbers<[1], [0], [0], [1], [0, 0, 1, 1], [], []>, transpose_lhs_hint = false} : vector<1000x64xbf16>, vector<64x128xbf16>, vector<1000x128xf32> -> vector<1000x128xf32>
    %add3A_250 = arith.addf %add3A_247, %dot_general3A_249 : vector<1000x128xf32>
    %add3A_251 = arith.addf %add3A_250, %add3A_21 : vector<1000x128xf32>
    %max3A_252 = arith.constant 0.000000e+00 : f32
    %max3A_253 = vector.broadcast %max3A_252 : f32 to vector<1000x128xf32>
    %max3A_254 = arith.maximumf %add3A_251, %max3A_253 : vector<1000x128xf32>
    %convert_element_type3A_255 = arith.truncf %max3A_254 : vector<1000x128xf32> to vector<1000x128xbf16>
    %convert_element_type3A_256 = arith.extf %convert_element_type3A_255 : vector<1000x128xbf16> to vector<1000x128xf32>
    %sub3A_257 = arith.subf %max3A_254, %convert_element_type3A_256 : vector<1000x128xf32>
    %convert_element_type3A_258 = arith.truncf %sub3A_257 : vector<1000x128xf32> to vector<1000x128xbf16>
    %dot_general3A_259 = arith.constant dense<0.000000e+00> : vector<1000x128xf32>
    %dot_general3A_260 = tpu.matmul %convert_element_type3A_255, %convert_element_type3A_32, %dot_general3A_259 {dimension_numbers = #tpu.dot_dimension_numbers<[1], [0], [0], [1], [0, 0, 1, 1], [], []>, transpose_lhs_hint = false} : vector<1000x128xbf16>, vector<128x128xbf16>, vector<1000x128xf32> -> vector<1000x128xf32>
    %dot_general3A_261 = arith.constant dense<0.000000e+00> : vector<1000x128xf32>
    %dot_general3A_262 = tpu.matmul %convert_element_type3A_255, %convert_element_type3A_35, %dot_general3A_261 {dimension_numbers = #tpu.dot_dimension_numbers<[1], [0], [0], [1], [0, 0, 1, 1], [], []>, transpose_lhs_hint = false} : vector<1000x128xbf16>, vector<128x128xbf16>, vector<1000x128xf32> -> vector<1000x128xf32>
    %add3A_263 = arith.addf %dot_general3A_260, %dot_general3A_262 : vector<1000x128xf32>
    %dot_general3A_264 = arith.constant dense<0.000000e+00> : vector<1000x128xf32>
    %dot_general3A_265 = tpu.matmul %convert_element_type3A_258, %convert_element_type3A_32, %dot_general3A_264 {dimension_numbers = #tpu.dot_dimension_numbers<[1], [0], [0], [1], [0, 0, 1, 1], [], []>, transpose_lhs_hint = false} : vector<1000x128xbf16>, vector<128x128xbf16>, vector<1000x128xf32> -> vector<1000x128xf32>
    %add3A_266 = arith.addf %add3A_263, %dot_general3A_265 : vector<1000x128xf32>
    %add3A_267 = vector.broadcast %get3A_38 : vector<1x128xf32> to vector<1000x128xf32>
    %add3A_268 = arith.addf %add3A_266, %add3A_267 : vector<1000x128xf32>
    %max3A_269 = arith.constant 0.000000e+00 : f32
    %max3A_270 = vector.broadcast %max3A_269 : f32 to vector<1000x128xf32>
    %max3A_271 = arith.maximumf %add3A_268, %max3A_270 : vector<1000x128xf32>
    %max3A_272 = arith.maximumf %max3A_233, %max3A_271 : vector<1000x128xf32>
    %get3A_273 = arith.constant 6 : index
    %get3A_274 = arith.constant 0 : index
    %get3A_275 = arith.constant 0 : index
    %get3A_276 = vector.load %arg2[%get3A_273, %get3A_274, %get3A_275] : memref<20x1000x64xf32, #tpu.memory_space<vmem>>, vector<1x1000x64xf32>
    %get3A_277 = vector.shape_cast %get3A_276 : vector<1x1000x64xf32> to vector<1000x64xf32>
    %convert_element_type3A_278 = arith.truncf %get3A_277 : vector<1000x64xf32> to vector<1000x64xbf16>
    %convert_element_type3A_279 = arith.extf %convert_element_type3A_278 : vector<1000x64xbf16> to vector<1000x64xf32>
    %sub3A_280 = arith.subf %get3A_277, %convert_element_type3A_279 : vector<1000x64xf32>
    %convert_element_type3A_281 = arith.truncf %sub3A_280 : vector<1000x64xf32> to vector<1000x64xbf16>
    %dot_general3A_282 = arith.constant dense<0.000000e+00> : vector<1000x128xf32>
    %dot_general3A_283 = tpu.matmul %convert_element_type3A_278, %convert_element_type3A_25, %dot_general3A_282 {dimension_numbers = #tpu.dot_dimension_numbers<[1], [0], [0], [1], [0, 0, 1, 1], [], []>, transpose_lhs_hint = false} : vector<1000x64xbf16>, vector<64x128xbf16>, vector<1000x128xf32> -> vector<1000x128xf32>
    %dot_general3A_284 = arith.constant dense<0.000000e+00> : vector<1000x128xf32>
    %dot_general3A_285 = tpu.matmul %convert_element_type3A_278, %convert_element_type3A_28, %dot_general3A_284 {dimension_numbers = #tpu.dot_dimension_numbers<[1], [0], [0], [1], [0, 0, 1, 1], [], []>, transpose_lhs_hint = false} : vector<1000x64xbf16>, vector<64x128xbf16>, vector<1000x128xf32> -> vector<1000x128xf32>
    %add3A_286 = arith.addf %dot_general3A_283, %dot_general3A_285 : vector<1000x128xf32>
    %dot_general3A_287 = arith.constant dense<0.000000e+00> : vector<1000x128xf32>
    %dot_general3A_288 = tpu.matmul %convert_element_type3A_281, %convert_element_type3A_25, %dot_general3A_287 {dimension_numbers = #tpu.dot_dimension_numbers<[1], [0], [0], [1], [0, 0, 1, 1], [], []>, transpose_lhs_hint = false} : vector<1000x64xbf16>, vector<64x128xbf16>, vector<1000x128xf32> -> vector<1000x128xf32>
    %add3A_289 = arith.addf %add3A_286, %dot_general3A_288 : vector<1000x128xf32>
    %add3A_290 = arith.addf %add3A_289, %add3A_21 : vector<1000x128xf32>
    %max3A_291 = arith.constant 0.000000e+00 : f32
    %max3A_292 = vector.broadcast %max3A_291 : f32 to vector<1000x128xf32>
    %max3A_293 = arith.maximumf %add3A_290, %max3A_292 : vector<1000x128xf32>
    %convert_element_type3A_294 = arith.truncf %max3A_293 : vector<1000x128xf32> to vector<1000x128xbf16>
    %convert_element_type3A_295 = arith.extf %convert_element_type3A_294 : vector<1000x128xbf16> to vector<1000x128xf32>
    %sub3A_296 = arith.subf %max3A_293, %convert_element_type3A_295 : vector<1000x128xf32>
    %convert_element_type3A_297 = arith.truncf %sub3A_296 : vector<1000x128xf32> to vector<1000x128xbf16>
    %dot_general3A_298 = arith.constant dense<0.000000e+00> : vector<1000x128xf32>
    %dot_general3A_299 = tpu.matmul %convert_element_type3A_294, %convert_element_type3A_32, %dot_general3A_298 {dimension_numbers = #tpu.dot_dimension_numbers<[1], [0], [0], [1], [0, 0, 1, 1], [], []>, transpose_lhs_hint = false} : vector<1000x128xbf16>, vector<128x128xbf16>, vector<1000x128xf32> -> vector<1000x128xf32>
    %dot_general3A_300 = arith.constant dense<0.000000e+00> : vector<1000x128xf32>
    %dot_general3A_301 = tpu.matmul %convert_element_type3A_294, %convert_element_type3A_35, %dot_general3A_300 {dimension_numbers = #tpu.dot_dimension_numbers<[1], [0], [0], [1], [0, 0, 1, 1], [], []>, transpose_lhs_hint = false} : vector<1000x128xbf16>, vector<128x128xbf16>, vector<1000x128xf32> -> vector<1000x128xf32>
    %add3A_302 = arith.addf %dot_general3A_299, %dot_general3A_301 : vector<1000x128xf32>
    %dot_general3A_303 = arith.constant dense<0.000000e+00> : vector<1000x128xf32>
    %dot_general3A_304 = tpu.matmul %convert_element_type3A_297, %convert_element_type3A_32, %dot_general3A_303 {dimension_numbers = #tpu.dot_dimension_numbers<[1], [0], [0], [1], [0, 0, 1, 1], [], []>, transpose_lhs_hint = false} : vector<1000x128xbf16>, vector<128x128xbf16>, vector<1000x128xf32> -> vector<1000x128xf32>
    %add3A_305 = arith.addf %add3A_302, %dot_general3A_304 : vector<1000x128xf32>
    %add3A_306 = vector.broadcast %get3A_38 : vector<1x128xf32> to vector<1000x128xf32>
    %add3A_307 = arith.addf %add3A_305, %add3A_306 : vector<1000x128xf32>
    %max3A_308 = arith.constant 0.000000e+00 : f32
    %max3A_309 = vector.broadcast %max3A_308 : f32 to vector<1000x128xf32>
    %max3A_310 = arith.maximumf %add3A_307, %max3A_309 : vector<1000x128xf32>
    %max3A_311 = arith.maximumf %max3A_272, %max3A_310 : vector<1000x128xf32>
    %get3A_312 = arith.constant 7 : index
    %get3A_313 = arith.constant 0 : index
    %get3A_314 = arith.constant 0 : index
    %get3A_315 = vector.load %arg2[%get3A_312, %get3A_313, %get3A_314] : memref<20x1000x64xf32, #tpu.memory_space<vmem>>, vector<1x1000x64xf32>
    %get3A_316 = vector.shape_cast %get3A_315 : vector<1x1000x64xf32> to vector<1000x64xf32>
    %convert_element_type3A_317 = arith.truncf %get3A_316 : vector<1000x64xf32> to vector<1000x64xbf16>
    %convert_element_type3A_318 = arith.extf %convert_element_type3A_317 : vector<1000x64xbf16> to vector<1000x64xf32>
    %sub3A_319 = arith.subf %get3A_316, %convert_element_type3A_318 : vector<1000x64xf32>
    %convert_element_type3A_320 = arith.truncf %sub3A_319 : vector<1000x64xf32> to vector<1000x64xbf16>
    %dot_general3A_321 = arith.constant dense<0.000000e+00> : vector<1000x128xf32>
    %dot_general3A_322 = tpu.matmul %convert_element_type3A_317, %convert_element_type3A_25, %dot_general3A_321 {dimension_numbers = #tpu.dot_dimension_numbers<[1], [0], [0], [1], [0, 0, 1, 1], [], []>, transpose_lhs_hint = false} : vector<1000x64xbf16>, vector<64x128xbf16>, vector<1000x128xf32> -> vector<1000x128xf32>
    %dot_general3A_323 = arith.constant dense<0.000000e+00> : vector<1000x128xf32>
    %dot_general3A_324 = tpu.matmul %convert_element_type3A_317, %convert_element_type3A_28, %dot_general3A_323 {dimension_numbers = #tpu.dot_dimension_numbers<[1], [0], [0], [1], [0, 0, 1, 1], [], []>, transpose_lhs_hint = false} : vector<1000x64xbf16>, vector<64x128xbf16>, vector<1000x128xf32> -> vector<1000x128xf32>
    %add3A_325 = arith.addf %dot_general3A_322, %dot_general3A_324 : vector<1000x128xf32>
    %dot_general3A_326 = arith.constant dense<0.000000e+00> : vector<1000x128xf32>
    %dot_general3A_327 = tpu.matmul %convert_element_type3A_320, %convert_element_type3A_25, %dot_general3A_326 {dimension_numbers = #tpu.dot_dimension_numbers<[1], [0], [0], [1], [0, 0, 1, 1], [], []>, transpose_lhs_hint = false} : vector<1000x64xbf16>, vector<64x128xbf16>, vector<1000x128xf32> -> vector<1000x128xf32>
    %add3A_328 = arith.addf %add3A_325, %dot_general3A_327 : vector<1000x128xf32>
    %add3A_329 = arith.addf %add3A_328, %add3A_21 : vector<1000x128xf32>
    %max3A_330 = arith.constant 0.000000e+00 : f32
    %max3A_331 = vector.broadcast %max3A_330 : f32 to vector<1000x128xf32>
    %max3A_332 = arith.maximumf %add3A_329, %max3A_331 : vector<1000x128xf32>
    %convert_element_type3A_333 = arith.truncf %max3A_332 : vector<1000x128xf32> to vector<1000x128xbf16>
    %convert_element_type3A_334 = arith.extf %convert_element_type3A_333 : vector<1000x128xbf16> to vector<1000x128xf32>
    %sub3A_335 = arith.subf %max3A_332, %convert_element_type3A_334 : vector<1000x128xf32>
    %convert_element_type3A_336 = arith.truncf %sub3A_335 : vector<1000x128xf32> to vector<1000x128xbf16>
    %dot_general3A_337 = arith.constant dense<0.000000e+00> : vector<1000x128xf32>
    %dot_general3A_338 = tpu.matmul %convert_element_type3A_333, %convert_element_type3A_32, %dot_general3A_337 {dimension_numbers = #tpu.dot_dimension_numbers<[1], [0], [0], [1], [0, 0, 1, 1], [], []>, transpose_lhs_hint = false} : vector<1000x128xbf16>, vector<128x128xbf16>, vector<1000x128xf32> -> vector<1000x128xf32>
    %dot_general3A_339 = arith.constant dense<0.000000e+00> : vector<1000x128xf32>
    %dot_general3A_340 = tpu.matmul %convert_element_type3A_333, %convert_element_type3A_35, %dot_general3A_339 {dimension_numbers = #tpu.dot_dimension_numbers<[1], [0], [0], [1], [0, 0, 1, 1], [], []>, transpose_lhs_hint = false} : vector<1000x128xbf16>, vector<128x128xbf16>, vector<1000x128xf32> -> vector<1000x128xf32>
    %add3A_341 = arith.addf %dot_general3A_338, %dot_general3A_340 : vector<1000x128xf32>
    %dot_general3A_342 = arith.constant dense<0.000000e+00> : vector<1000x128xf32>
    %dot_general3A_343 = tpu.matmul %convert_element_type3A_336, %convert_element_type3A_32, %dot_general3A_342 {dimension_numbers = #tpu.dot_dimension_numbers<[1], [0], [0], [1], [0, 0, 1, 1], [], []>, transpose_lhs_hint = false} : vector<1000x128xbf16>, vector<128x128xbf16>, vector<1000x128xf32> -> vector<1000x128xf32>
    %add3A_344 = arith.addf %add3A_341, %dot_general3A_343 : vector<1000x128xf32>
    %add3A_345 = vector.broadcast %get3A_38 : vector<1x128xf32> to vector<1000x128xf32>
    %add3A_346 = arith.addf %add3A_344, %add3A_345 : vector<1000x128xf32>
    %max3A_347 = arith.constant 0.000000e+00 : f32
    %max3A_348 = vector.broadcast %max3A_347 : f32 to vector<1000x128xf32>
    %max3A_349 = arith.maximumf %add3A_346, %max3A_348 : vector<1000x128xf32>
    %max3A_350 = arith.maximumf %max3A_311, %max3A_349 : vector<1000x128xf32>
    %get3A_351 = arith.constant 8 : index
    %get3A_352 = arith.constant 0 : index
    %get3A_353 = arith.constant 0 : index
    %get3A_354 = vector.load %arg2[%get3A_351, %get3A_352, %get3A_353] : memref<20x1000x64xf32, #tpu.memory_space<vmem>>, vector<1x1000x64xf32>
    %get3A_355 = vector.shape_cast %get3A_354 : vector<1x1000x64xf32> to vector<1000x64xf32>
    %convert_element_type3A_356 = arith.truncf %get3A_355 : vector<1000x64xf32> to vector<1000x64xbf16>
    %convert_element_type3A_357 = arith.extf %convert_element_type3A_356 : vector<1000x64xbf16> to vector<1000x64xf32>
    %sub3A_358 = arith.subf %get3A_355, %convert_element_type3A_357 : vector<1000x64xf32>
    %convert_element_type3A_359 = arith.truncf %sub3A_358 : vector<1000x64xf32> to vector<1000x64xbf16>
    %dot_general3A_360 = arith.constant dense<0.000000e+00> : vector<1000x128xf32>
    %dot_general3A_361 = tpu.matmul %convert_element_type3A_356, %convert_element_type3A_25, %dot_general3A_360 {dimension_numbers = #tpu.dot_dimension_numbers<[1], [0], [0], [1], [0, 0, 1, 1], [], []>, transpose_lhs_hint = false} : vector<1000x64xbf16>, vector<64x128xbf16>, vector<1000x128xf32> -> vector<1000x128xf32>
    %dot_general3A_362 = arith.constant dense<0.000000e+00> : vector<1000x128xf32>
    %dot_general3A_363 = tpu.matmul %convert_element_type3A_356, %convert_element_type3A_28, %dot_general3A_362 {dimension_numbers = #tpu.dot_dimension_numbers<[1], [0], [0], [1], [0, 0, 1, 1], [], []>, transpose_lhs_hint = false} : vector<1000x64xbf16>, vector<64x128xbf16>, vector<1000x128xf32> -> vector<1000x128xf32>
    %add3A_364 = arith.addf %dot_general3A_361, %dot_general3A_363 : vector<1000x128xf32>
    %dot_general3A_365 = arith.constant dense<0.000000e+00> : vector<1000x128xf32>
    %dot_general3A_366 = tpu.matmul %convert_element_type3A_359, %convert_element_type3A_25, %dot_general3A_365 {dimension_numbers = #tpu.dot_dimension_numbers<[1], [0], [0], [1], [0, 0, 1, 1], [], []>, transpose_lhs_hint = false} : vector<1000x64xbf16>, vector<64x128xbf16>, vector<1000x128xf32> -> vector<1000x128xf32>
    %add3A_367 = arith.addf %add3A_364, %dot_general3A_366 : vector<1000x128xf32>
    %add3A_368 = arith.addf %add3A_367, %add3A_21 : vector<1000x128xf32>
    %max3A_369 = arith.constant 0.000000e+00 : f32
    %max3A_370 = vector.broadcast %max3A_369 : f32 to vector<1000x128xf32>
    %max3A_371 = arith.maximumf %add3A_368, %max3A_370 : vector<1000x128xf32>
    %convert_element_type3A_372 = arith.truncf %max3A_371 : vector<1000x128xf32> to vector<1000x128xbf16>
    %convert_element_type3A_373 = arith.extf %convert_element_type3A_372 : vector<1000x128xbf16> to vector<1000x128xf32>
    %sub3A_374 = arith.subf %max3A_371, %convert_element_type3A_373 : vector<1000x128xf32>
    %convert_element_type3A_375 = arith.truncf %sub3A_374 : vector<1000x128xf32> to vector<1000x128xbf16>
    %dot_general3A_376 = arith.constant dense<0.000000e+00> : vector<1000x128xf32>
    %dot_general3A_377 = tpu.matmul %convert_element_type3A_372, %convert_element_type3A_32, %dot_general3A_376 {dimension_numbers = #tpu.dot_dimension_numbers<[1], [0], [0], [1], [0, 0, 1, 1], [], []>, transpose_lhs_hint = false} : vector<1000x128xbf16>, vector<128x128xbf16>, vector<1000x128xf32> -> vector<1000x128xf32>
    %dot_general3A_378 = arith.constant dense<0.000000e+00> : vector<1000x128xf32>
    %dot_general3A_379 = tpu.matmul %convert_element_type3A_372, %convert_element_type3A_35, %dot_general3A_378 {dimension_numbers = #tpu.dot_dimension_numbers<[1], [0], [0], [1], [0, 0, 1, 1], [], []>, transpose_lhs_hint = false} : vector<1000x128xbf16>, vector<128x128xbf16>, vector<1000x128xf32> -> vector<1000x128xf32>
    %add3A_380 = arith.addf %dot_general3A_377, %dot_general3A_379 : vector<1000x128xf32>
    %dot_general3A_381 = arith.constant dense<0.000000e+00> : vector<1000x128xf32>
    %dot_general3A_382 = tpu.matmul %convert_element_type3A_375, %convert_element_type3A_32, %dot_general3A_381 {dimension_numbers = #tpu.dot_dimension_numbers<[1], [0], [0], [1], [0, 0, 1, 1], [], []>, transpose_lhs_hint = false} : vector<1000x128xbf16>, vector<128x128xbf16>, vector<1000x128xf32> -> vector<1000x128xf32>
    %add3A_383 = arith.addf %add3A_380, %dot_general3A_382 : vector<1000x128xf32>
    %add3A_384 = vector.broadcast %get3A_38 : vector<1x128xf32> to vector<1000x128xf32>
    %add3A_385 = arith.addf %add3A_383, %add3A_384 : vector<1000x128xf32>
    %max3A_386 = arith.constant 0.000000e+00 : f32
    %max3A_387 = vector.broadcast %max3A_386 : f32 to vector<1000x128xf32>
    %max3A_388 = arith.maximumf %add3A_385, %max3A_387 : vector<1000x128xf32>
    %max3A_389 = arith.maximumf %max3A_350, %max3A_388 : vector<1000x128xf32>
    %get3A_390 = arith.constant 9 : index
    %get3A_391 = arith.constant 0 : index
    %get3A_392 = arith.constant 0 : index
    %get3A_393 = vector.load %arg2[%get3A_390, %get3A_391, %get3A_392] : memref<20x1000x64xf32, #tpu.memory_space<vmem>>, vector<1x1000x64xf32>
    %get3A_394 = vector.shape_cast %get3A_393 : vector<1x1000x64xf32> to vector<1000x64xf32>
    %convert_element_type3A_395 = arith.truncf %get3A_394 : vector<1000x64xf32> to vector<1000x64xbf16>
    %convert_element_type3A_396 = arith.extf %convert_element_type3A_395 : vector<1000x64xbf16> to vector<1000x64xf32>
    %sub3A_397 = arith.subf %get3A_394, %convert_element_type3A_396 : vector<1000x64xf32>
    %convert_element_type3A_398 = arith.truncf %sub3A_397 : vector<1000x64xf32> to vector<1000x64xbf16>
    %dot_general3A_399 = arith.constant dense<0.000000e+00> : vector<1000x128xf32>
    %dot_general3A_400 = tpu.matmul %convert_element_type3A_395, %convert_element_type3A_25, %dot_general3A_399 {dimension_numbers = #tpu.dot_dimension_numbers<[1], [0], [0], [1], [0, 0, 1, 1], [], []>, transpose_lhs_hint = false} : vector<1000x64xbf16>, vector<64x128xbf16>, vector<1000x128xf32> -> vector<1000x128xf32>
    %dot_general3A_401 = arith.constant dense<0.000000e+00> : vector<1000x128xf32>
    %dot_general3A_402 = tpu.matmul %convert_element_type3A_395, %convert_element_type3A_28, %dot_general3A_401 {dimension_numbers = #tpu.dot_dimension_numbers<[1], [0], [0], [1], [0, 0, 1, 1], [], []>, transpose_lhs_hint = false} : vector<1000x64xbf16>, vector<64x128xbf16>, vector<1000x128xf32> -> vector<1000x128xf32>
    %add3A_403 = arith.addf %dot_general3A_400, %dot_general3A_402 : vector<1000x128xf32>
    %dot_general3A_404 = arith.constant dense<0.000000e+00> : vector<1000x128xf32>
    %dot_general3A_405 = tpu.matmul %convert_element_type3A_398, %convert_element_type3A_25, %dot_general3A_404 {dimension_numbers = #tpu.dot_dimension_numbers<[1], [0], [0], [1], [0, 0, 1, 1], [], []>, transpose_lhs_hint = false} : vector<1000x64xbf16>, vector<64x128xbf16>, vector<1000x128xf32> -> vector<1000x128xf32>
    %add3A_406 = arith.addf %add3A_403, %dot_general3A_405 : vector<1000x128xf32>
    %add3A_407 = arith.addf %add3A_406, %add3A_21 : vector<1000x128xf32>
    %max3A_408 = arith.constant 0.000000e+00 : f32
    %max3A_409 = vector.broadcast %max3A_408 : f32 to vector<1000x128xf32>
    %max3A_410 = arith.maximumf %add3A_407, %max3A_409 : vector<1000x128xf32>
    %convert_element_type3A_411 = arith.truncf %max3A_410 : vector<1000x128xf32> to vector<1000x128xbf16>
    %convert_element_type3A_412 = arith.extf %convert_element_type3A_411 : vector<1000x128xbf16> to vector<1000x128xf32>
    %sub3A_413 = arith.subf %max3A_410, %convert_element_type3A_412 : vector<1000x128xf32>
    %convert_element_type3A_414 = arith.truncf %sub3A_413 : vector<1000x128xf32> to vector<1000x128xbf16>
    %dot_general3A_415 = arith.constant dense<0.000000e+00> : vector<1000x128xf32>
    %dot_general3A_416 = tpu.matmul %convert_element_type3A_411, %convert_element_type3A_32, %dot_general3A_415 {dimension_numbers = #tpu.dot_dimension_numbers<[1], [0], [0], [1], [0, 0, 1, 1], [], []>, transpose_lhs_hint = false} : vector<1000x128xbf16>, vector<128x128xbf16>, vector<1000x128xf32> -> vector<1000x128xf32>
    %dot_general3A_417 = arith.constant dense<0.000000e+00> : vector<1000x128xf32>
    %dot_general3A_418 = tpu.matmul %convert_element_type3A_411, %convert_element_type3A_35, %dot_general3A_417 {dimension_numbers = #tpu.dot_dimension_numbers<[1], [0], [0], [1], [0, 0, 1, 1], [], []>, transpose_lhs_hint = false} : vector<1000x128xbf16>, vector<128x128xbf16>, vector<1000x128xf32> -> vector<1000x128xf32>
    %add3A_419 = arith.addf %dot_general3A_416, %dot_general3A_418 : vector<1000x128xf32>
    %dot_general3A_420 = arith.constant dense<0.000000e+00> : vector<1000x128xf32>
    %dot_general3A_421 = tpu.matmul %convert_element_type3A_414, %convert_element_type3A_32, %dot_general3A_420 {dimension_numbers = #tpu.dot_dimension_numbers<[1], [0], [0], [1], [0, 0, 1, 1], [], []>, transpose_lhs_hint = false} : vector<1000x128xbf16>, vector<128x128xbf16>, vector<1000x128xf32> -> vector<1000x128xf32>
    %add3A_422 = arith.addf %add3A_419, %dot_general3A_421 : vector<1000x128xf32>
    %add3A_423 = vector.broadcast %get3A_38 : vector<1x128xf32> to vector<1000x128xf32>
    %add3A_424 = arith.addf %add3A_422, %add3A_423 : vector<1000x128xf32>
    %max3A_425 = arith.constant 0.000000e+00 : f32
    %max3A_426 = vector.broadcast %max3A_425 : f32 to vector<1000x128xf32>
    %max3A_427 = arith.maximumf %add3A_424, %max3A_426 : vector<1000x128xf32>
    %max3A_428 = arith.maximumf %max3A_389, %max3A_427 : vector<1000x128xf32>
    %get3A_429 = arith.constant 10 : index
    %get3A_430 = arith.constant 0 : index
    %get3A_431 = arith.constant 0 : index
    %get3A_432 = vector.load %arg2[%get3A_429, %get3A_430, %get3A_431] : memref<20x1000x64xf32, #tpu.memory_space<vmem>>, vector<1x1000x64xf32>
    %get3A_433 = vector.shape_cast %get3A_432 : vector<1x1000x64xf32> to vector<1000x64xf32>
    %convert_element_type3A_434 = arith.truncf %get3A_433 : vector<1000x64xf32> to vector<1000x64xbf16>
    %convert_element_type3A_435 = arith.extf %convert_element_type3A_434 : vector<1000x64xbf16> to vector<1000x64xf32>
    %sub3A_436 = arith.subf %get3A_433, %convert_element_type3A_435 : vector<1000x64xf32>
    %convert_element_type3A_437 = arith.truncf %sub3A_436 : vector<1000x64xf32> to vector<1000x64xbf16>
    %dot_general3A_438 = arith.constant dense<0.000000e+00> : vector<1000x128xf32>
    %dot_general3A_439 = tpu.matmul %convert_element_type3A_434, %convert_element_type3A_25, %dot_general3A_438 {dimension_numbers = #tpu.dot_dimension_numbers<[1], [0], [0], [1], [0, 0, 1, 1], [], []>, transpose_lhs_hint = false} : vector<1000x64xbf16>, vector<64x128xbf16>, vector<1000x128xf32> -> vector<1000x128xf32>
    %dot_general3A_440 = arith.constant dense<0.000000e+00> : vector<1000x128xf32>
    %dot_general3A_441 = tpu.matmul %convert_element_type3A_434, %convert_element_type3A_28, %dot_general3A_440 {dimension_numbers = #tpu.dot_dimension_numbers<[1], [0], [0], [1], [0, 0, 1, 1], [], []>, transpose_lhs_hint = false} : vector<1000x64xbf16>, vector<64x128xbf16>, vector<1000x128xf32> -> vector<1000x128xf32>
    %add3A_442 = arith.addf %dot_general3A_439, %dot_general3A_441 : vector<1000x128xf32>
    %dot_general3A_443 = arith.constant dense<0.000000e+00> : vector<1000x128xf32>
    %dot_general3A_444 = tpu.matmul %convert_element_type3A_437, %convert_element_type3A_25, %dot_general3A_443 {dimension_numbers = #tpu.dot_dimension_numbers<[1], [0], [0], [1], [0, 0, 1, 1], [], []>, transpose_lhs_hint = false} : vector<1000x64xbf16>, vector<64x128xbf16>, vector<1000x128xf32> -> vector<1000x128xf32>
    %add3A_445 = arith.addf %add3A_442, %dot_general3A_444 : vector<1000x128xf32>
    %add3A_446 = arith.addf %add3A_445, %add3A_21 : vector<1000x128xf32>
    %max3A_447 = arith.constant 0.000000e+00 : f32
    %max3A_448 = vector.broadcast %max3A_447 : f32 to vector<1000x128xf32>
    %max3A_449 = arith.maximumf %add3A_446, %max3A_448 : vector<1000x128xf32>
    %convert_element_type3A_450 = arith.truncf %max3A_449 : vector<1000x128xf32> to vector<1000x128xbf16>
    %convert_element_type3A_451 = arith.extf %convert_element_type3A_450 : vector<1000x128xbf16> to vector<1000x128xf32>
    %sub3A_452 = arith.subf %max3A_449, %convert_element_type3A_451 : vector<1000x128xf32>
    %convert_element_type3A_453 = arith.truncf %sub3A_452 : vector<1000x128xf32> to vector<1000x128xbf16>
    %dot_general3A_454 = arith.constant dense<0.000000e+00> : vector<1000x128xf32>
    %dot_general3A_455 = tpu.matmul %convert_element_type3A_450, %convert_element_type3A_32, %dot_general3A_454 {dimension_numbers = #tpu.dot_dimension_numbers<[1], [0], [0], [1], [0, 0, 1, 1], [], []>, transpose_lhs_hint = false} : vector<1000x128xbf16>, vector<128x128xbf16>, vector<1000x128xf32> -> vector<1000x128xf32>
    %dot_general3A_456 = arith.constant dense<0.000000e+00> : vector<1000x128xf32>
    %dot_general3A_457 = tpu.matmul %convert_element_type3A_450, %convert_element_type3A_35, %dot_general3A_456 {dimension_numbers = #tpu.dot_dimension_numbers<[1], [0], [0], [1], [0, 0, 1, 1], [], []>, transpose_lhs_hint = false} : vector<1000x128xbf16>, vector<128x128xbf16>, vector<1000x128xf32> -> vector<1000x128xf32>
    %add3A_458 = arith.addf %dot_general3A_455, %dot_general3A_457 : vector<1000x128xf32>
    %dot_general3A_459 = arith.constant dense<0.000000e+00> : vector<1000x128xf32>
    %dot_general3A_460 = tpu.matmul %convert_element_type3A_453, %convert_element_type3A_32, %dot_general3A_459 {dimension_numbers = #tpu.dot_dimension_numbers<[1], [0], [0], [1], [0, 0, 1, 1], [], []>, transpose_lhs_hint = false} : vector<1000x128xbf16>, vector<128x128xbf16>, vector<1000x128xf32> -> vector<1000x128xf32>
    %add3A_461 = arith.addf %add3A_458, %dot_general3A_460 : vector<1000x128xf32>
    %add3A_462 = vector.broadcast %get3A_38 : vector<1x128xf32> to vector<1000x128xf32>
    %add3A_463 = arith.addf %add3A_461, %add3A_462 : vector<1000x128xf32>
    %max3A_464 = arith.constant 0.000000e+00 : f32
    %max3A_465 = vector.broadcast %max3A_464 : f32 to vector<1000x128xf32>
    %max3A_466 = arith.maximumf %add3A_463, %max3A_465 : vector<1000x128xf32>
    %max3A_467 = arith.maximumf %max3A_428, %max3A_466 : vector<1000x128xf32>
    %get3A_468 = arith.constant 11 : index
    %get3A_469 = arith.constant 0 : index
    %get3A_470 = arith.constant 0 : index
    %get3A_471 = vector.load %arg2[%get3A_468, %get3A_469, %get3A_470] : memref<20x1000x64xf32, #tpu.memory_space<vmem>>, vector<1x1000x64xf32>
    %get3A_472 = vector.shape_cast %get3A_471 : vector<1x1000x64xf32> to vector<1000x64xf32>
    %convert_element_type3A_473 = arith.truncf %get3A_472 : vector<1000x64xf32> to vector<1000x64xbf16>
    %convert_element_type3A_474 = arith.extf %convert_element_type3A_473 : vector<1000x64xbf16> to vector<1000x64xf32>
    %sub3A_475 = arith.subf %get3A_472, %convert_element_type3A_474 : vector<1000x64xf32>
    %convert_element_type3A_476 = arith.truncf %sub3A_475 : vector<1000x64xf32> to vector<1000x64xbf16>
    %dot_general3A_477 = arith.constant dense<0.000000e+00> : vector<1000x128xf32>
    %dot_general3A_478 = tpu.matmul %convert_element_type3A_473, %convert_element_type3A_25, %dot_general3A_477 {dimension_numbers = #tpu.dot_dimension_numbers<[1], [0], [0], [1], [0, 0, 1, 1], [], []>, transpose_lhs_hint = false} : vector<1000x64xbf16>, vector<64x128xbf16>, vector<1000x128xf32> -> vector<1000x128xf32>
    %dot_general3A_479 = arith.constant dense<0.000000e+00> : vector<1000x128xf32>
    %dot_general3A_480 = tpu.matmul %convert_element_type3A_473, %convert_element_type3A_28, %dot_general3A_479 {dimension_numbers = #tpu.dot_dimension_numbers<[1], [0], [0], [1], [0, 0, 1, 1], [], []>, transpose_lhs_hint = false} : vector<1000x64xbf16>, vector<64x128xbf16>, vector<1000x128xf32> -> vector<1000x128xf32>
    %add3A_481 = arith.addf %dot_general3A_478, %dot_general3A_480 : vector<1000x128xf32>
    %dot_general3A_482 = arith.constant dense<0.000000e+00> : vector<1000x128xf32>
    %dot_general3A_483 = tpu.matmul %convert_element_type3A_476, %convert_element_type3A_25, %dot_general3A_482 {dimension_numbers = #tpu.dot_dimension_numbers<[1], [0], [0], [1], [0, 0, 1, 1], [], []>, transpose_lhs_hint = false} : vector<1000x64xbf16>, vector<64x128xbf16>, vector<1000x128xf32> -> vector<1000x128xf32>
    %add3A_484 = arith.addf %add3A_481, %dot_general3A_483 : vector<1000x128xf32>
    %add3A_485 = arith.addf %add3A_484, %add3A_21 : vector<1000x128xf32>
    %max3A_486 = arith.constant 0.000000e+00 : f32
    %max3A_487 = vector.broadcast %max3A_486 : f32 to vector<1000x128xf32>
    %max3A_488 = arith.maximumf %add3A_485, %max3A_487 : vector<1000x128xf32>
    %convert_element_type3A_489 = arith.truncf %max3A_488 : vector<1000x128xf32> to vector<1000x128xbf16>
    %convert_element_type3A_490 = arith.extf %convert_element_type3A_489 : vector<1000x128xbf16> to vector<1000x128xf32>
    %sub3A_491 = arith.subf %max3A_488, %convert_element_type3A_490 : vector<1000x128xf32>
    %convert_element_type3A_492 = arith.truncf %sub3A_491 : vector<1000x128xf32> to vector<1000x128xbf16>
    %dot_general3A_493 = arith.constant dense<0.000000e+00> : vector<1000x128xf32>
    %dot_general3A_494 = tpu.matmul %convert_element_type3A_489, %convert_element_type3A_32, %dot_general3A_493 {dimension_numbers = #tpu.dot_dimension_numbers<[1], [0], [0], [1], [0, 0, 1, 1], [], []>, transpose_lhs_hint = false} : vector<1000x128xbf16>, vector<128x128xbf16>, vector<1000x128xf32> -> vector<1000x128xf32>
    %dot_general3A_495 = arith.constant dense<0.000000e+00> : vector<1000x128xf32>
    %dot_general3A_496 = tpu.matmul %convert_element_type3A_489, %convert_element_type3A_35, %dot_general3A_495 {dimension_numbers = #tpu.dot_dimension_numbers<[1], [0], [0], [1], [0, 0, 1, 1], [], []>, transpose_lhs_hint = false} : vector<1000x128xbf16>, vector<128x128xbf16>, vector<1000x128xf32> -> vector<1000x128xf32>
    %add3A_497 = arith.addf %dot_general3A_494, %dot_general3A_496 : vector<1000x128xf32>
    %dot_general3A_498 = arith.constant dense<0.000000e+00> : vector<1000x128xf32>
    %dot_general3A_499 = tpu.matmul %convert_element_type3A_492, %convert_element_type3A_32, %dot_general3A_498 {dimension_numbers = #tpu.dot_dimension_numbers<[1], [0], [0], [1], [0, 0, 1, 1], [], []>, transpose_lhs_hint = false} : vector<1000x128xbf16>, vector<128x128xbf16>, vector<1000x128xf32> -> vector<1000x128xf32>
    %add3A_500 = arith.addf %add3A_497, %dot_general3A_499 : vector<1000x128xf32>
    %add3A_501 = vector.broadcast %get3A_38 : vector<1x128xf32> to vector<1000x128xf32>
    %add3A_502 = arith.addf %add3A_500, %add3A_501 : vector<1000x128xf32>
    %max3A_503 = arith.constant 0.000000e+00 : f32
    %max3A_504 = vector.broadcast %max3A_503 : f32 to vector<1000x128xf32>
    %max3A_505 = arith.maximumf %add3A_502, %max3A_504 : vector<1000x128xf32>
    %max3A_506 = arith.maximumf %max3A_467, %max3A_505 : vector<1000x128xf32>
    %get3A_507 = arith.constant 12 : index
    %get3A_508 = arith.constant 0 : index
    %get3A_509 = arith.constant 0 : index
    %get3A_510 = vector.load %arg2[%get3A_507, %get3A_508, %get3A_509] : memref<20x1000x64xf32, #tpu.memory_space<vmem>>, vector<1x1000x64xf32>
    %get3A_511 = vector.shape_cast %get3A_510 : vector<1x1000x64xf32> to vector<1000x64xf32>
    %convert_element_type3A_512 = arith.truncf %get3A_511 : vector<1000x64xf32> to vector<1000x64xbf16>
    %convert_element_type3A_513 = arith.extf %convert_element_type3A_512 : vector<1000x64xbf16> to vector<1000x64xf32>
    %sub3A_514 = arith.subf %get3A_511, %convert_element_type3A_513 : vector<1000x64xf32>
    %convert_element_type3A_515 = arith.truncf %sub3A_514 : vector<1000x64xf32> to vector<1000x64xbf16>
    %dot_general3A_516 = arith.constant dense<0.000000e+00> : vector<1000x128xf32>
    %dot_general3A_517 = tpu.matmul %convert_element_type3A_512, %convert_element_type3A_25, %dot_general3A_516 {dimension_numbers = #tpu.dot_dimension_numbers<[1], [0], [0], [1], [0, 0, 1, 1], [], []>, transpose_lhs_hint = false} : vector<1000x64xbf16>, vector<64x128xbf16>, vector<1000x128xf32> -> vector<1000x128xf32>
    %dot_general3A_518 = arith.constant dense<0.000000e+00> : vector<1000x128xf32>
    %dot_general3A_519 = tpu.matmul %convert_element_type3A_512, %convert_element_type3A_28, %dot_general3A_518 {dimension_numbers = #tpu.dot_dimension_numbers<[1], [0], [0], [1], [0, 0, 1, 1], [], []>, transpose_lhs_hint = false} : vector<1000x64xbf16>, vector<64x128xbf16>, vector<1000x128xf32> -> vector<1000x128xf32>
    %add3A_520 = arith.addf %dot_general3A_517, %dot_general3A_519 : vector<1000x128xf32>
    %dot_general3A_521 = arith.constant dense<0.000000e+00> : vector<1000x128xf32>
    %dot_general3A_522 = tpu.matmul %convert_element_type3A_515, %convert_element_type3A_25, %dot_general3A_521 {dimension_numbers = #tpu.dot_dimension_numbers<[1], [0], [0], [1], [0, 0, 1, 1], [], []>, transpose_lhs_hint = false} : vector<1000x64xbf16>, vector<64x128xbf16>, vector<1000x128xf32> -> vector<1000x128xf32>
    %add3A_523 = arith.addf %add3A_520, %dot_general3A_522 : vector<1000x128xf32>
    %add3A_524 = arith.addf %add3A_523, %add3A_21 : vector<1000x128xf32>
    %max3A_525 = arith.constant 0.000000e+00 : f32
    %max3A_526 = vector.broadcast %max3A_525 : f32 to vector<1000x128xf32>
    %max3A_527 = arith.maximumf %add3A_524, %max3A_526 : vector<1000x128xf32>
    %convert_element_type3A_528 = arith.truncf %max3A_527 : vector<1000x128xf32> to vector<1000x128xbf16>
    %convert_element_type3A_529 = arith.extf %convert_element_type3A_528 : vector<1000x128xbf16> to vector<1000x128xf32>
    %sub3A_530 = arith.subf %max3A_527, %convert_element_type3A_529 : vector<1000x128xf32>
    %convert_element_type3A_531 = arith.truncf %sub3A_530 : vector<1000x128xf32> to vector<1000x128xbf16>
    %dot_general3A_532 = arith.constant dense<0.000000e+00> : vector<1000x128xf32>
    %dot_general3A_533 = tpu.matmul %convert_element_type3A_528, %convert_element_type3A_32, %dot_general3A_532 {dimension_numbers = #tpu.dot_dimension_numbers<[1], [0], [0], [1], [0, 0, 1, 1], [], []>, transpose_lhs_hint = false} : vector<1000x128xbf16>, vector<128x128xbf16>, vector<1000x128xf32> -> vector<1000x128xf32>
    %dot_general3A_534 = arith.constant dense<0.000000e+00> : vector<1000x128xf32>
    %dot_general3A_535 = tpu.matmul %convert_element_type3A_528, %convert_element_type3A_35, %dot_general3A_534 {dimension_numbers = #tpu.dot_dimension_numbers<[1], [0], [0], [1], [0, 0, 1, 1], [], []>, transpose_lhs_hint = false} : vector<1000x128xbf16>, vector<128x128xbf16>, vector<1000x128xf32> -> vector<1000x128xf32>
    %add3A_536 = arith.addf %dot_general3A_533, %dot_general3A_535 : vector<1000x128xf32>
    %dot_general3A_537 = arith.constant dense<0.000000e+00> : vector<1000x128xf32>
    %dot_general3A_538 = tpu.matmul %convert_element_type3A_531, %convert_element_type3A_32, %dot_general3A_537 {dimension_numbers = #tpu.dot_dimension_numbers<[1], [0], [0], [1], [0, 0, 1, 1], [], []>, transpose_lhs_hint = false} : vector<1000x128xbf16>, vector<128x128xbf16>, vector<1000x128xf32> -> vector<1000x128xf32>
    %add3A_539 = arith.addf %add3A_536, %dot_general3A_538 : vector<1000x128xf32>
    %add3A_540 = vector.broadcast %get3A_38 : vector<1x128xf32> to vector<1000x128xf32>
    %add3A_541 = arith.addf %add3A_539, %add3A_540 : vector<1000x128xf32>
    %max3A_542 = arith.constant 0.000000e+00 : f32
    %max3A_543 = vector.broadcast %max3A_542 : f32 to vector<1000x128xf32>
    %max3A_544 = arith.maximumf %add3A_541, %max3A_543 : vector<1000x128xf32>
    %max3A_545 = arith.maximumf %max3A_506, %max3A_544 : vector<1000x128xf32>
    %get3A_546 = arith.constant 13 : index
    %get3A_547 = arith.constant 0 : index
    %get3A_548 = arith.constant 0 : index
    %get3A_549 = vector.load %arg2[%get3A_546, %get3A_547, %get3A_548] : memref<20x1000x64xf32, #tpu.memory_space<vmem>>, vector<1x1000x64xf32>
    %get3A_550 = vector.shape_cast %get3A_549 : vector<1x1000x64xf32> to vector<1000x64xf32>
    %convert_element_type3A_551 = arith.truncf %get3A_550 : vector<1000x64xf32> to vector<1000x64xbf16>
    %convert_element_type3A_552 = arith.extf %convert_element_type3A_551 : vector<1000x64xbf16> to vector<1000x64xf32>
    %sub3A_553 = arith.subf %get3A_550, %convert_element_type3A_552 : vector<1000x64xf32>
    %convert_element_type3A_554 = arith.truncf %sub3A_553 : vector<1000x64xf32> to vector<1000x64xbf16>
    %dot_general3A_555 = arith.constant dense<0.000000e+00> : vector<1000x128xf32>
    %dot_general3A_556 = tpu.matmul %convert_element_type3A_551, %convert_element_type3A_25, %dot_general3A_555 {dimension_numbers = #tpu.dot_dimension_numbers<[1], [0], [0], [1], [0, 0, 1, 1], [], []>, transpose_lhs_hint = false} : vector<1000x64xbf16>, vector<64x128xbf16>, vector<1000x128xf32> -> vector<1000x128xf32>
    %dot_general3A_557 = arith.constant dense<0.000000e+00> : vector<1000x128xf32>
    %dot_general3A_558 = tpu.matmul %convert_element_type3A_551, %convert_element_type3A_28, %dot_general3A_557 {dimension_numbers = #tpu.dot_dimension_numbers<[1], [0], [0], [1], [0, 0, 1, 1], [], []>, transpose_lhs_hint = false} : vector<1000x64xbf16>, vector<64x128xbf16>, vector<1000x128xf32> -> vector<1000x128xf32>
    %add3A_559 = arith.addf %dot_general3A_556, %dot_general3A_558 : vector<1000x128xf32>
    %dot_general3A_560 = arith.constant dense<0.000000e+00> : vector<1000x128xf32>
    %dot_general3A_561 = tpu.matmul %convert_element_type3A_554, %convert_element_type3A_25, %dot_general3A_560 {dimension_numbers = #tpu.dot_dimension_numbers<[1], [0], [0], [1], [0, 0, 1, 1], [], []>, transpose_lhs_hint = false} : vector<1000x64xbf16>, vector<64x128xbf16>, vector<1000x128xf32> -> vector<1000x128xf32>
    %add3A_562 = arith.addf %add3A_559, %dot_general3A_561 : vector<1000x128xf32>
    %add3A_563 = arith.addf %add3A_562, %add3A_21 : vector<1000x128xf32>
    %max3A_564 = arith.constant 0.000000e+00 : f32
    %max3A_565 = vector.broadcast %max3A_564 : f32 to vector<1000x128xf32>
    %max3A_566 = arith.maximumf %add3A_563, %max3A_565 : vector<1000x128xf32>
    %convert_element_type3A_567 = arith.truncf %max3A_566 : vector<1000x128xf32> to vector<1000x128xbf16>
    %convert_element_type3A_568 = arith.extf %convert_element_type3A_567 : vector<1000x128xbf16> to vector<1000x128xf32>
    %sub3A_569 = arith.subf %max3A_566, %convert_element_type3A_568 : vector<1000x128xf32>
    %convert_element_type3A_570 = arith.truncf %sub3A_569 : vector<1000x128xf32> to vector<1000x128xbf16>
    %dot_general3A_571 = arith.constant dense<0.000000e+00> : vector<1000x128xf32>
    %dot_general3A_572 = tpu.matmul %convert_element_type3A_567, %convert_element_type3A_32, %dot_general3A_571 {dimension_numbers = #tpu.dot_dimension_numbers<[1], [0], [0], [1], [0, 0, 1, 1], [], []>, transpose_lhs_hint = false} : vector<1000x128xbf16>, vector<128x128xbf16>, vector<1000x128xf32> -> vector<1000x128xf32>
    %dot_general3A_573 = arith.constant dense<0.000000e+00> : vector<1000x128xf32>
    %dot_general3A_574 = tpu.matmul %convert_element_type3A_567, %convert_element_type3A_35, %dot_general3A_573 {dimension_numbers = #tpu.dot_dimension_numbers<[1], [0], [0], [1], [0, 0, 1, 1], [], []>, transpose_lhs_hint = false} : vector<1000x128xbf16>, vector<128x128xbf16>, vector<1000x128xf32> -> vector<1000x128xf32>
    %add3A_575 = arith.addf %dot_general3A_572, %dot_general3A_574 : vector<1000x128xf32>
    %dot_general3A_576 = arith.constant dense<0.000000e+00> : vector<1000x128xf32>
    %dot_general3A_577 = tpu.matmul %convert_element_type3A_570, %convert_element_type3A_32, %dot_general3A_576 {dimension_numbers = #tpu.dot_dimension_numbers<[1], [0], [0], [1], [0, 0, 1, 1], [], []>, transpose_lhs_hint = false} : vector<1000x128xbf16>, vector<128x128xbf16>, vector<1000x128xf32> -> vector<1000x128xf32>
    %add3A_578 = arith.addf %add3A_575, %dot_general3A_577 : vector<1000x128xf32>
    %add3A_579 = vector.broadcast %get3A_38 : vector<1x128xf32> to vector<1000x128xf32>
    %add3A_580 = arith.addf %add3A_578, %add3A_579 : vector<1000x128xf32>
    %max3A_581 = arith.constant 0.000000e+00 : f32
    %max3A_582 = vector.broadcast %max3A_581 : f32 to vector<1000x128xf32>
    %max3A_583 = arith.maximumf %add3A_580, %max3A_582 : vector<1000x128xf32>
    %max3A_584 = arith.maximumf %max3A_545, %max3A_583 : vector<1000x128xf32>
    %get3A_585 = arith.constant 14 : index
    %get3A_586 = arith.constant 0 : index
    %get3A_587 = arith.constant 0 : index
    %get3A_588 = vector.load %arg2[%get3A_585, %get3A_586, %get3A_587] : memref<20x1000x64xf32, #tpu.memory_space<vmem>>, vector<1x1000x64xf32>
    %get3A_589 = vector.shape_cast %get3A_588 : vector<1x1000x64xf32> to vector<1000x64xf32>
    %convert_element_type3A_590 = arith.truncf %get3A_589 : vector<1000x64xf32> to vector<1000x64xbf16>
    %convert_element_type3A_591 = arith.extf %convert_element_type3A_590 : vector<1000x64xbf16> to vector<1000x64xf32>
    %sub3A_592 = arith.subf %get3A_589, %convert_element_type3A_591 : vector<1000x64xf32>
    %convert_element_type3A_593 = arith.truncf %sub3A_592 : vector<1000x64xf32> to vector<1000x64xbf16>
    %dot_general3A_594 = arith.constant dense<0.000000e+00> : vector<1000x128xf32>
    %dot_general3A_595 = tpu.matmul %convert_element_type3A_590, %convert_element_type3A_25, %dot_general3A_594 {dimension_numbers = #tpu.dot_dimension_numbers<[1], [0], [0], [1], [0, 0, 1, 1], [], []>, transpose_lhs_hint = false} : vector<1000x64xbf16>, vector<64x128xbf16>, vector<1000x128xf32> -> vector<1000x128xf32>
    %dot_general3A_596 = arith.constant dense<0.000000e+00> : vector<1000x128xf32>
    %dot_general3A_597 = tpu.matmul %convert_element_type3A_590, %convert_element_type3A_28, %dot_general3A_596 {dimension_numbers = #tpu.dot_dimension_numbers<[1], [0], [0], [1], [0, 0, 1, 1], [], []>, transpose_lhs_hint = false} : vector<1000x64xbf16>, vector<64x128xbf16>, vector<1000x128xf32> -> vector<1000x128xf32>
    %add3A_598 = arith.addf %dot_general3A_595, %dot_general3A_597 : vector<1000x128xf32>
    %dot_general3A_599 = arith.constant dense<0.000000e+00> : vector<1000x128xf32>
    %dot_general3A_600 = tpu.matmul %convert_element_type3A_593, %convert_element_type3A_25, %dot_general3A_599 {dimension_numbers = #tpu.dot_dimension_numbers<[1], [0], [0], [1], [0, 0, 1, 1], [], []>, transpose_lhs_hint = false} : vector<1000x64xbf16>, vector<64x128xbf16>, vector<1000x128xf32> -> vector<1000x128xf32>
    %add3A_601 = arith.addf %add3A_598, %dot_general3A_600 : vector<1000x128xf32>
    %add3A_602 = arith.addf %add3A_601, %add3A_21 : vector<1000x128xf32>
    %max3A_603 = arith.constant 0.000000e+00 : f32
    %max3A_604 = vector.broadcast %max3A_603 : f32 to vector<1000x128xf32>
    %max3A_605 = arith.maximumf %add3A_602, %max3A_604 : vector<1000x128xf32>
    %convert_element_type3A_606 = arith.truncf %max3A_605 : vector<1000x128xf32> to vector<1000x128xbf16>
    %convert_element_type3A_607 = arith.extf %convert_element_type3A_606 : vector<1000x128xbf16> to vector<1000x128xf32>
    %sub3A_608 = arith.subf %max3A_605, %convert_element_type3A_607 : vector<1000x128xf32>
    %convert_element_type3A_609 = arith.truncf %sub3A_608 : vector<1000x128xf32> to vector<1000x128xbf16>
    %dot_general3A_610 = arith.constant dense<0.000000e+00> : vector<1000x128xf32>
    %dot_general3A_611 = tpu.matmul %convert_element_type3A_606, %convert_element_type3A_32, %dot_general3A_610 {dimension_numbers = #tpu.dot_dimension_numbers<[1], [0], [0], [1], [0, 0, 1, 1], [], []>, transpose_lhs_hint = false} : vector<1000x128xbf16>, vector<128x128xbf16>, vector<1000x128xf32> -> vector<1000x128xf32>
    %dot_general3A_612 = arith.constant dense<0.000000e+00> : vector<1000x128xf32>
    %dot_general3A_613 = tpu.matmul %convert_element_type3A_606, %convert_element_type3A_35, %dot_general3A_612 {dimension_numbers = #tpu.dot_dimension_numbers<[1], [0], [0], [1], [0, 0, 1, 1], [], []>, transpose_lhs_hint = false} : vector<1000x128xbf16>, vector<128x128xbf16>, vector<1000x128xf32> -> vector<1000x128xf32>
    %add3A_614 = arith.addf %dot_general3A_611, %dot_general3A_613 : vector<1000x128xf32>
    %dot_general3A_615 = arith.constant dense<0.000000e+00> : vector<1000x128xf32>
    %dot_general3A_616 = tpu.matmul %convert_element_type3A_609, %convert_element_type3A_32, %dot_general3A_615 {dimension_numbers = #tpu.dot_dimension_numbers<[1], [0], [0], [1], [0, 0, 1, 1], [], []>, transpose_lhs_hint = false} : vector<1000x128xbf16>, vector<128x128xbf16>, vector<1000x128xf32> -> vector<1000x128xf32>
    %add3A_617 = arith.addf %add3A_614, %dot_general3A_616 : vector<1000x128xf32>
    %add3A_618 = vector.broadcast %get3A_38 : vector<1x128xf32> to vector<1000x128xf32>
    %add3A_619 = arith.addf %add3A_617, %add3A_618 : vector<1000x128xf32>
    %max3A_620 = arith.constant 0.000000e+00 : f32
    %max3A_621 = vector.broadcast %max3A_620 : f32 to vector<1000x128xf32>
    %max3A_622 = arith.maximumf %add3A_619, %max3A_621 : vector<1000x128xf32>
    %max3A_623 = arith.maximumf %max3A_584, %max3A_622 : vector<1000x128xf32>
    %get3A_624 = arith.constant 15 : index
    %get3A_625 = arith.constant 0 : index
    %get3A_626 = arith.constant 0 : index
    %get3A_627 = vector.load %arg2[%get3A_624, %get3A_625, %get3A_626] : memref<20x1000x64xf32, #tpu.memory_space<vmem>>, vector<1x1000x64xf32>
    %get3A_628 = vector.shape_cast %get3A_627 : vector<1x1000x64xf32> to vector<1000x64xf32>
    %convert_element_type3A_629 = arith.truncf %get3A_628 : vector<1000x64xf32> to vector<1000x64xbf16>
    %convert_element_type3A_630 = arith.extf %convert_element_type3A_629 : vector<1000x64xbf16> to vector<1000x64xf32>
    %sub3A_631 = arith.subf %get3A_628, %convert_element_type3A_630 : vector<1000x64xf32>
    %convert_element_type3A_632 = arith.truncf %sub3A_631 : vector<1000x64xf32> to vector<1000x64xbf16>
    %dot_general3A_633 = arith.constant dense<0.000000e+00> : vector<1000x128xf32>
    %dot_general3A_634 = tpu.matmul %convert_element_type3A_629, %convert_element_type3A_25, %dot_general3A_633 {dimension_numbers = #tpu.dot_dimension_numbers<[1], [0], [0], [1], [0, 0, 1, 1], [], []>, transpose_lhs_hint = false} : vector<1000x64xbf16>, vector<64x128xbf16>, vector<1000x128xf32> -> vector<1000x128xf32>
    %dot_general3A_635 = arith.constant dense<0.000000e+00> : vector<1000x128xf32>
    %dot_general3A_636 = tpu.matmul %convert_element_type3A_629, %convert_element_type3A_28, %dot_general3A_635 {dimension_numbers = #tpu.dot_dimension_numbers<[1], [0], [0], [1], [0, 0, 1, 1], [], []>, transpose_lhs_hint = false} : vector<1000x64xbf16>, vector<64x128xbf16>, vector<1000x128xf32> -> vector<1000x128xf32>
    %add3A_637 = arith.addf %dot_general3A_634, %dot_general3A_636 : vector<1000x128xf32>
    %dot_general3A_638 = arith.constant dense<0.000000e+00> : vector<1000x128xf32>
    %dot_general3A_639 = tpu.matmul %convert_element_type3A_632, %convert_element_type3A_25, %dot_general3A_638 {dimension_numbers = #tpu.dot_dimension_numbers<[1], [0], [0], [1], [0, 0, 1, 1], [], []>, transpose_lhs_hint = false} : vector<1000x64xbf16>, vector<64x128xbf16>, vector<1000x128xf32> -> vector<1000x128xf32>
    %add3A_640 = arith.addf %add3A_637, %dot_general3A_639 : vector<1000x128xf32>
    %add3A_641 = arith.addf %add3A_640, %add3A_21 : vector<1000x128xf32>
    %max3A_642 = arith.constant 0.000000e+00 : f32
    %max3A_643 = vector.broadcast %max3A_642 : f32 to vector<1000x128xf32>
    %max3A_644 = arith.maximumf %add3A_641, %max3A_643 : vector<1000x128xf32>
    %convert_element_type3A_645 = arith.truncf %max3A_644 : vector<1000x128xf32> to vector<1000x128xbf16>
    %convert_element_type3A_646 = arith.extf %convert_element_type3A_645 : vector<1000x128xbf16> to vector<1000x128xf32>
    %sub3A_647 = arith.subf %max3A_644, %convert_element_type3A_646 : vector<1000x128xf32>
    %convert_element_type3A_648 = arith.truncf %sub3A_647 : vector<1000x128xf32> to vector<1000x128xbf16>
    %dot_general3A_649 = arith.constant dense<0.000000e+00> : vector<1000x128xf32>
    %dot_general3A_650 = tpu.matmul %convert_element_type3A_645, %convert_element_type3A_32, %dot_general3A_649 {dimension_numbers = #tpu.dot_dimension_numbers<[1], [0], [0], [1], [0, 0, 1, 1], [], []>, transpose_lhs_hint = false} : vector<1000x128xbf16>, vector<128x128xbf16>, vector<1000x128xf32> -> vector<1000x128xf32>
    %dot_general3A_651 = arith.constant dense<0.000000e+00> : vector<1000x128xf32>
    %dot_general3A_652 = tpu.matmul %convert_element_type3A_645, %convert_element_type3A_35, %dot_general3A_651 {dimension_numbers = #tpu.dot_dimension_numbers<[1], [0], [0], [1], [0, 0, 1, 1], [], []>, transpose_lhs_hint = false} : vector<1000x128xbf16>, vector<128x128xbf16>, vector<1000x128xf32> -> vector<1000x128xf32>
    %add3A_653 = arith.addf %dot_general3A_650, %dot_general3A_652 : vector<1000x128xf32>
    %dot_general3A_654 = arith.constant dense<0.000000e+00> : vector<1000x128xf32>
    %dot_general3A_655 = tpu.matmul %convert_element_type3A_648, %convert_element_type3A_32, %dot_general3A_654 {dimension_numbers = #tpu.dot_dimension_numbers<[1], [0], [0], [1], [0, 0, 1, 1], [], []>, transpose_lhs_hint = false} : vector<1000x128xbf16>, vector<128x128xbf16>, vector<1000x128xf32> -> vector<1000x128xf32>
    %add3A_656 = arith.addf %add3A_653, %dot_general3A_655 : vector<1000x128xf32>
    %add3A_657 = vector.broadcast %get3A_38 : vector<1x128xf32> to vector<1000x128xf32>
    %add3A_658 = arith.addf %add3A_656, %add3A_657 : vector<1000x128xf32>
    %max3A_659 = arith.constant 0.000000e+00 : f32
    %max3A_660 = vector.broadcast %max3A_659 : f32 to vector<1000x128xf32>
    %max3A_661 = arith.maximumf %add3A_658, %max3A_660 : vector<1000x128xf32>
    %max3A_662 = arith.maximumf %max3A_623, %max3A_661 : vector<1000x128xf32>
    %get3A_663 = arith.constant 16 : index
    %get3A_664 = arith.constant 0 : index
    %get3A_665 = arith.constant 0 : index
    %get3A_666 = vector.load %arg2[%get3A_663, %get3A_664, %get3A_665] : memref<20x1000x64xf32, #tpu.memory_space<vmem>>, vector<1x1000x64xf32>
    %get3A_667 = vector.shape_cast %get3A_666 : vector<1x1000x64xf32> to vector<1000x64xf32>
    %convert_element_type3A_668 = arith.truncf %get3A_667 : vector<1000x64xf32> to vector<1000x64xbf16>
    %convert_element_type3A_669 = arith.extf %convert_element_type3A_668 : vector<1000x64xbf16> to vector<1000x64xf32>
    %sub3A_670 = arith.subf %get3A_667, %convert_element_type3A_669 : vector<1000x64xf32>
    %convert_element_type3A_671 = arith.truncf %sub3A_670 : vector<1000x64xf32> to vector<1000x64xbf16>
    %dot_general3A_672 = arith.constant dense<0.000000e+00> : vector<1000x128xf32>
    %dot_general3A_673 = tpu.matmul %convert_element_type3A_668, %convert_element_type3A_25, %dot_general3A_672 {dimension_numbers = #tpu.dot_dimension_numbers<[1], [0], [0], [1], [0, 0, 1, 1], [], []>, transpose_lhs_hint = false} : vector<1000x64xbf16>, vector<64x128xbf16>, vector<1000x128xf32> -> vector<1000x128xf32>
    %dot_general3A_674 = arith.constant dense<0.000000e+00> : vector<1000x128xf32>
    %dot_general3A_675 = tpu.matmul %convert_element_type3A_668, %convert_element_type3A_28, %dot_general3A_674 {dimension_numbers = #tpu.dot_dimension_numbers<[1], [0], [0], [1], [0, 0, 1, 1], [], []>, transpose_lhs_hint = false} : vector<1000x64xbf16>, vector<64x128xbf16>, vector<1000x128xf32> -> vector<1000x128xf32>
    %add3A_676 = arith.addf %dot_general3A_673, %dot_general3A_675 : vector<1000x128xf32>
    %dot_general3A_677 = arith.constant dense<0.000000e+00> : vector<1000x128xf32>
    %dot_general3A_678 = tpu.matmul %convert_element_type3A_671, %convert_element_type3A_25, %dot_general3A_677 {dimension_numbers = #tpu.dot_dimension_numbers<[1], [0], [0], [1], [0, 0, 1, 1], [], []>, transpose_lhs_hint = false} : vector<1000x64xbf16>, vector<64x128xbf16>, vector<1000x128xf32> -> vector<1000x128xf32>
    %add3A_679 = arith.addf %add3A_676, %dot_general3A_678 : vector<1000x128xf32>
    %add3A_680 = arith.addf %add3A_679, %add3A_21 : vector<1000x128xf32>
    %max3A_681 = arith.constant 0.000000e+00 : f32
    %max3A_682 = vector.broadcast %max3A_681 : f32 to vector<1000x128xf32>
    %max3A_683 = arith.maximumf %add3A_680, %max3A_682 : vector<1000x128xf32>
    %convert_element_type3A_684 = arith.truncf %max3A_683 : vector<1000x128xf32> to vector<1000x128xbf16>
    %convert_element_type3A_685 = arith.extf %convert_element_type3A_684 : vector<1000x128xbf16> to vector<1000x128xf32>
    %sub3A_686 = arith.subf %max3A_683, %convert_element_type3A_685 : vector<1000x128xf32>
    %convert_element_type3A_687 = arith.truncf %sub3A_686 : vector<1000x128xf32> to vector<1000x128xbf16>
    %dot_general3A_688 = arith.constant dense<0.000000e+00> : vector<1000x128xf32>
    %dot_general3A_689 = tpu.matmul %convert_element_type3A_684, %convert_element_type3A_32, %dot_general3A_688 {dimension_numbers = #tpu.dot_dimension_numbers<[1], [0], [0], [1], [0, 0, 1, 1], [], []>, transpose_lhs_hint = false} : vector<1000x128xbf16>, vector<128x128xbf16>, vector<1000x128xf32> -> vector<1000x128xf32>
    %dot_general3A_690 = arith.constant dense<0.000000e+00> : vector<1000x128xf32>
    %dot_general3A_691 = tpu.matmul %convert_element_type3A_684, %convert_element_type3A_35, %dot_general3A_690 {dimension_numbers = #tpu.dot_dimension_numbers<[1], [0], [0], [1], [0, 0, 1, 1], [], []>, transpose_lhs_hint = false} : vector<1000x128xbf16>, vector<128x128xbf16>, vector<1000x128xf32> -> vector<1000x128xf32>
    %add3A_692 = arith.addf %dot_general3A_689, %dot_general3A_691 : vector<1000x128xf32>
    %dot_general3A_693 = arith.constant dense<0.000000e+00> : vector<1000x128xf32>
    %dot_general3A_694 = tpu.matmul %convert_element_type3A_687, %convert_element_type3A_32, %dot_general3A_693 {dimension_numbers = #tpu.dot_dimension_numbers<[1], [0], [0], [1], [0, 0, 1, 1], [], []>, transpose_lhs_hint = false} : vector<1000x128xbf16>, vector<128x128xbf16>, vector<1000x128xf32> -> vector<1000x128xf32>
    %add3A_695 = arith.addf %add3A_692, %dot_general3A_694 : vector<1000x128xf32>
    %add3A_696 = vector.broadcast %get3A_38 : vector<1x128xf32> to vector<1000x128xf32>
    %add3A_697 = arith.addf %add3A_695, %add3A_696 : vector<1000x128xf32>
    %max3A_698 = arith.constant 0.000000e+00 : f32
    %max3A_699 = vector.broadcast %max3A_698 : f32 to vector<1000x128xf32>
    %max3A_700 = arith.maximumf %add3A_697, %max3A_699 : vector<1000x128xf32>
    %max3A_701 = arith.maximumf %max3A_662, %max3A_700 : vector<1000x128xf32>
    %get3A_702 = arith.constant 17 : index
    %get3A_703 = arith.constant 0 : index
    %get3A_704 = arith.constant 0 : index
    %get3A_705 = vector.load %arg2[%get3A_702, %get3A_703, %get3A_704] : memref<20x1000x64xf32, #tpu.memory_space<vmem>>, vector<1x1000x64xf32>
    %get3A_706 = vector.shape_cast %get3A_705 : vector<1x1000x64xf32> to vector<1000x64xf32>
    %convert_element_type3A_707 = arith.truncf %get3A_706 : vector<1000x64xf32> to vector<1000x64xbf16>
    %convert_element_type3A_708 = arith.extf %convert_element_type3A_707 : vector<1000x64xbf16> to vector<1000x64xf32>
    %sub3A_709 = arith.subf %get3A_706, %convert_element_type3A_708 : vector<1000x64xf32>
    %convert_element_type3A_710 = arith.truncf %sub3A_709 : vector<1000x64xf32> to vector<1000x64xbf16>
    %dot_general3A_711 = arith.constant dense<0.000000e+00> : vector<1000x128xf32>
    %dot_general3A_712 = tpu.matmul %convert_element_type3A_707, %convert_element_type3A_25, %dot_general3A_711 {dimension_numbers = #tpu.dot_dimension_numbers<[1], [0], [0], [1], [0, 0, 1, 1], [], []>, transpose_lhs_hint = false} : vector<1000x64xbf16>, vector<64x128xbf16>, vector<1000x128xf32> -> vector<1000x128xf32>
    %dot_general3A_713 = arith.constant dense<0.000000e+00> : vector<1000x128xf32>
    %dot_general3A_714 = tpu.matmul %convert_element_type3A_707, %convert_element_type3A_28, %dot_general3A_713 {dimension_numbers = #tpu.dot_dimension_numbers<[1], [0], [0], [1], [0, 0, 1, 1], [], []>, transpose_lhs_hint = false} : vector<1000x64xbf16>, vector<64x128xbf16>, vector<1000x128xf32> -> vector<1000x128xf32>
    %add3A_715 = arith.addf %dot_general3A_712, %dot_general3A_714 : vector<1000x128xf32>
    %dot_general3A_716 = arith.constant dense<0.000000e+00> : vector<1000x128xf32>
    %dot_general3A_717 = tpu.matmul %convert_element_type3A_710, %convert_element_type3A_25, %dot_general3A_716 {dimension_numbers = #tpu.dot_dimension_numbers<[1], [0], [0], [1], [0, 0, 1, 1], [], []>, transpose_lhs_hint = false} : vector<1000x64xbf16>, vector<64x128xbf16>, vector<1000x128xf32> -> vector<1000x128xf32>
    %add3A_718 = arith.addf %add3A_715, %dot_general3A_717 : vector<1000x128xf32>
    %add3A_719 = arith.addf %add3A_718, %add3A_21 : vector<1000x128xf32>
    %max3A_720 = arith.constant 0.000000e+00 : f32
    %max3A_721 = vector.broadcast %max3A_720 : f32 to vector<1000x128xf32>
    %max3A_722 = arith.maximumf %add3A_719, %max3A_721 : vector<1000x128xf32>
    %convert_element_type3A_723 = arith.truncf %max3A_722 : vector<1000x128xf32> to vector<1000x128xbf16>
    %convert_element_type3A_724 = arith.extf %convert_element_type3A_723 : vector<1000x128xbf16> to vector<1000x128xf32>
    %sub3A_725 = arith.subf %max3A_722, %convert_element_type3A_724 : vector<1000x128xf32>
    %convert_element_type3A_726 = arith.truncf %sub3A_725 : vector<1000x128xf32> to vector<1000x128xbf16>
    %dot_general3A_727 = arith.constant dense<0.000000e+00> : vector<1000x128xf32>
    %dot_general3A_728 = tpu.matmul %convert_element_type3A_723, %convert_element_type3A_32, %dot_general3A_727 {dimension_numbers = #tpu.dot_dimension_numbers<[1], [0], [0], [1], [0, 0, 1, 1], [], []>, transpose_lhs_hint = false} : vector<1000x128xbf16>, vector<128x128xbf16>, vector<1000x128xf32> -> vector<1000x128xf32>
    %dot_general3A_729 = arith.constant dense<0.000000e+00> : vector<1000x128xf32>
    %dot_general3A_730 = tpu.matmul %convert_element_type3A_723, %convert_element_type3A_35, %dot_general3A_729 {dimension_numbers = #tpu.dot_dimension_numbers<[1], [0], [0], [1], [0, 0, 1, 1], [], []>, transpose_lhs_hint = false} : vector<1000x128xbf16>, vector<128x128xbf16>, vector<1000x128xf32> -> vector<1000x128xf32>
    %add3A_731 = arith.addf %dot_general3A_728, %dot_general3A_730 : vector<1000x128xf32>
    %dot_general3A_732 = arith.constant dense<0.000000e+00> : vector<1000x128xf32>
    %dot_general3A_733 = tpu.matmul %convert_element_type3A_726, %convert_element_type3A_32, %dot_general3A_732 {dimension_numbers = #tpu.dot_dimension_numbers<[1], [0], [0], [1], [0, 0, 1, 1], [], []>, transpose_lhs_hint = false} : vector<1000x128xbf16>, vector<128x128xbf16>, vector<1000x128xf32> -> vector<1000x128xf32>
    %add3A_734 = arith.addf %add3A_731, %dot_general3A_733 : vector<1000x128xf32>
    %add3A_735 = vector.broadcast %get3A_38 : vector<1x128xf32> to vector<1000x128xf32>
    %add3A_736 = arith.addf %add3A_734, %add3A_735 : vector<1000x128xf32>
    %max3A_737 = arith.constant 0.000000e+00 : f32
    %max3A_738 = vector.broadcast %max3A_737 : f32 to vector<1000x128xf32>
    %max3A_739 = arith.maximumf %add3A_736, %max3A_738 : vector<1000x128xf32>
    %max3A_740 = arith.maximumf %max3A_701, %max3A_739 : vector<1000x128xf32>
    %get3A_741 = arith.constant 18 : index
    %get3A_742 = arith.constant 0 : index
    %get3A_743 = arith.constant 0 : index
    %get3A_744 = vector.load %arg2[%get3A_741, %get3A_742, %get3A_743] : memref<20x1000x64xf32, #tpu.memory_space<vmem>>, vector<1x1000x64xf32>
    %get3A_745 = vector.shape_cast %get3A_744 : vector<1x1000x64xf32> to vector<1000x64xf32>
    %convert_element_type3A_746 = arith.truncf %get3A_745 : vector<1000x64xf32> to vector<1000x64xbf16>
    %convert_element_type3A_747 = arith.extf %convert_element_type3A_746 : vector<1000x64xbf16> to vector<1000x64xf32>
    %sub3A_748 = arith.subf %get3A_745, %convert_element_type3A_747 : vector<1000x64xf32>
    %convert_element_type3A_749 = arith.truncf %sub3A_748 : vector<1000x64xf32> to vector<1000x64xbf16>
    %dot_general3A_750 = arith.constant dense<0.000000e+00> : vector<1000x128xf32>
    %dot_general3A_751 = tpu.matmul %convert_element_type3A_746, %convert_element_type3A_25, %dot_general3A_750 {dimension_numbers = #tpu.dot_dimension_numbers<[1], [0], [0], [1], [0, 0, 1, 1], [], []>, transpose_lhs_hint = false} : vector<1000x64xbf16>, vector<64x128xbf16>, vector<1000x128xf32> -> vector<1000x128xf32>
    %dot_general3A_752 = arith.constant dense<0.000000e+00> : vector<1000x128xf32>
    %dot_general3A_753 = tpu.matmul %convert_element_type3A_746, %convert_element_type3A_28, %dot_general3A_752 {dimension_numbers = #tpu.dot_dimension_numbers<[1], [0], [0], [1], [0, 0, 1, 1], [], []>, transpose_lhs_hint = false} : vector<1000x64xbf16>, vector<64x128xbf16>, vector<1000x128xf32> -> vector<1000x128xf32>
    %add3A_754 = arith.addf %dot_general3A_751, %dot_general3A_753 : vector<1000x128xf32>
    %dot_general3A_755 = arith.constant dense<0.000000e+00> : vector<1000x128xf32>
    %dot_general3A_756 = tpu.matmul %convert_element_type3A_749, %convert_element_type3A_25, %dot_general3A_755 {dimension_numbers = #tpu.dot_dimension_numbers<[1], [0], [0], [1], [0, 0, 1, 1], [], []>, transpose_lhs_hint = false} : vector<1000x64xbf16>, vector<64x128xbf16>, vector<1000x128xf32> -> vector<1000x128xf32>
    %add3A_757 = arith.addf %add3A_754, %dot_general3A_756 : vector<1000x128xf32>
    %add3A_758 = arith.addf %add3A_757, %add3A_21 : vector<1000x128xf32>
    %max3A_759 = arith.constant 0.000000e+00 : f32
    %max3A_760 = vector.broadcast %max3A_759 : f32 to vector<1000x128xf32>
    %max3A_761 = arith.maximumf %add3A_758, %max3A_760 : vector<1000x128xf32>
    %convert_element_type3A_762 = arith.truncf %max3A_761 : vector<1000x128xf32> to vector<1000x128xbf16>
    %convert_element_type3A_763 = arith.extf %convert_element_type3A_762 : vector<1000x128xbf16> to vector<1000x128xf32>
    %sub3A_764 = arith.subf %max3A_761, %convert_element_type3A_763 : vector<1000x128xf32>
    %convert_element_type3A_765 = arith.truncf %sub3A_764 : vector<1000x128xf32> to vector<1000x128xbf16>
    %dot_general3A_766 = arith.constant dense<0.000000e+00> : vector<1000x128xf32>
    %dot_general3A_767 = tpu.matmul %convert_element_type3A_762, %convert_element_type3A_32, %dot_general3A_766 {dimension_numbers = #tpu.dot_dimension_numbers<[1], [0], [0], [1], [0, 0, 1, 1], [], []>, transpose_lhs_hint = false} : vector<1000x128xbf16>, vector<128x128xbf16>, vector<1000x128xf32> -> vector<1000x128xf32>
    %dot_general3A_768 = arith.constant dense<0.000000e+00> : vector<1000x128xf32>
    %dot_general3A_769 = tpu.matmul %convert_element_type3A_762, %convert_element_type3A_35, %dot_general3A_768 {dimension_numbers = #tpu.dot_dimension_numbers<[1], [0], [0], [1], [0, 0, 1, 1], [], []>, transpose_lhs_hint = false} : vector<1000x128xbf16>, vector<128x128xbf16>, vector<1000x128xf32> -> vector<1000x128xf32>
    %add3A_770 = arith.addf %dot_general3A_767, %dot_general3A_769 : vector<1000x128xf32>
    %dot_general3A_771 = arith.constant dense<0.000000e+00> : vector<1000x128xf32>
    %dot_general3A_772 = tpu.matmul %convert_element_type3A_765, %convert_element_type3A_32, %dot_general3A_771 {dimension_numbers = #tpu.dot_dimension_numbers<[1], [0], [0], [1], [0, 0, 1, 1], [], []>, transpose_lhs_hint = false} : vector<1000x128xbf16>, vector<128x128xbf16>, vector<1000x128xf32> -> vector<1000x128xf32>
    %add3A_773 = arith.addf %add3A_770, %dot_general3A_772 : vector<1000x128xf32>
    %add3A_774 = vector.broadcast %get3A_38 : vector<1x128xf32> to vector<1000x128xf32>
    %add3A_775 = arith.addf %add3A_773, %add3A_774 : vector<1000x128xf32>
    %max3A_776 = arith.constant 0.000000e+00 : f32
    %max3A_777 = vector.broadcast %max3A_776 : f32 to vector<1000x128xf32>
    %max3A_778 = arith.maximumf %add3A_775, %max3A_777 : vector<1000x128xf32>
    %max3A_779 = arith.maximumf %max3A_740, %max3A_778 : vector<1000x128xf32>
    %get3A_780 = arith.constant 19 : index
    %get3A_781 = arith.constant 0 : index
    %get3A_782 = arith.constant 0 : index
    %get3A_783 = vector.load %arg2[%get3A_780, %get3A_781, %get3A_782] : memref<20x1000x64xf32, #tpu.memory_space<vmem>>, vector<1x1000x64xf32>
    %get3A_784 = vector.shape_cast %get3A_783 : vector<1x1000x64xf32> to vector<1000x64xf32>
    %convert_element_type3A_785 = arith.truncf %get3A_784 : vector<1000x64xf32> to vector<1000x64xbf16>
    %convert_element_type3A_786 = arith.extf %convert_element_type3A_785 : vector<1000x64xbf16> to vector<1000x64xf32>
    %sub3A_787 = arith.subf %get3A_784, %convert_element_type3A_786 : vector<1000x64xf32>
    %convert_element_type3A_788 = arith.truncf %sub3A_787 : vector<1000x64xf32> to vector<1000x64xbf16>
    %dot_general3A_789 = arith.constant dense<0.000000e+00> : vector<1000x128xf32>
    %dot_general3A_790 = tpu.matmul %convert_element_type3A_785, %convert_element_type3A_25, %dot_general3A_789 {dimension_numbers = #tpu.dot_dimension_numbers<[1], [0], [0], [1], [0, 0, 1, 1], [], []>, transpose_lhs_hint = false} : vector<1000x64xbf16>, vector<64x128xbf16>, vector<1000x128xf32> -> vector<1000x128xf32>
    %dot_general3A_791 = arith.constant dense<0.000000e+00> : vector<1000x128xf32>
    %dot_general3A_792 = tpu.matmul %convert_element_type3A_785, %convert_element_type3A_28, %dot_general3A_791 {dimension_numbers = #tpu.dot_dimension_numbers<[1], [0], [0], [1], [0, 0, 1, 1], [], []>, transpose_lhs_hint = false} : vector<1000x64xbf16>, vector<64x128xbf16>, vector<1000x128xf32> -> vector<1000x128xf32>
    %add3A_793 = arith.addf %dot_general3A_790, %dot_general3A_792 : vector<1000x128xf32>
    %dot_general3A_794 = arith.constant dense<0.000000e+00> : vector<1000x128xf32>
    %dot_general3A_795 = tpu.matmul %convert_element_type3A_788, %convert_element_type3A_25, %dot_general3A_794 {dimension_numbers = #tpu.dot_dimension_numbers<[1], [0], [0], [1], [0, 0, 1, 1], [], []>, transpose_lhs_hint = false} : vector<1000x64xbf16>, vector<64x128xbf16>, vector<1000x128xf32> -> vector<1000x128xf32>
    %add3A_796 = arith.addf %add3A_793, %dot_general3A_795 : vector<1000x128xf32>
    %add3A_797 = arith.addf %add3A_796, %add3A_21 : vector<1000x128xf32>
    %max3A_798 = arith.constant 0.000000e+00 : f32
    %max3A_799 = vector.broadcast %max3A_798 : f32 to vector<1000x128xf32>
    %max3A_800 = arith.maximumf %add3A_797, %max3A_799 : vector<1000x128xf32>
    %convert_element_type3A_801 = arith.truncf %max3A_800 : vector<1000x128xf32> to vector<1000x128xbf16>
    %convert_element_type3A_802 = arith.extf %convert_element_type3A_801 : vector<1000x128xbf16> to vector<1000x128xf32>
    %sub3A_803 = arith.subf %max3A_800, %convert_element_type3A_802 : vector<1000x128xf32>
    %convert_element_type3A_804 = arith.truncf %sub3A_803 : vector<1000x128xf32> to vector<1000x128xbf16>
    %dot_general3A_805 = arith.constant dense<0.000000e+00> : vector<1000x128xf32>
    %dot_general3A_806 = tpu.matmul %convert_element_type3A_801, %convert_element_type3A_32, %dot_general3A_805 {dimension_numbers = #tpu.dot_dimension_numbers<[1], [0], [0], [1], [0, 0, 1, 1], [], []>, transpose_lhs_hint = false} : vector<1000x128xbf16>, vector<128x128xbf16>, vector<1000x128xf32> -> vector<1000x128xf32>
    %dot_general3A_807 = arith.constant dense<0.000000e+00> : vector<1000x128xf32>
    %dot_general3A_808 = tpu.matmul %convert_element_type3A_801, %convert_element_type3A_35, %dot_general3A_807 {dimension_numbers = #tpu.dot_dimension_numbers<[1], [0], [0], [1], [0, 0, 1, 1], [], []>, transpose_lhs_hint = false} : vector<1000x128xbf16>, vector<128x128xbf16>, vector<1000x128xf32> -> vector<1000x128xf32>
    %add3A_809 = arith.addf %dot_general3A_806, %dot_general3A_808 : vector<1000x128xf32>
    %dot_general3A_810 = arith.constant dense<0.000000e+00> : vector<1000x128xf32>
    %dot_general3A_811 = tpu.matmul %convert_element_type3A_804, %convert_element_type3A_32, %dot_general3A_810 {dimension_numbers = #tpu.dot_dimension_numbers<[1], [0], [0], [1], [0, 0, 1, 1], [], []>, transpose_lhs_hint = false} : vector<1000x128xbf16>, vector<128x128xbf16>, vector<1000x128xf32> -> vector<1000x128xf32>
    %add3A_812 = arith.addf %add3A_809, %dot_general3A_811 : vector<1000x128xf32>
    %add3A_813 = vector.broadcast %get3A_38 : vector<1x128xf32> to vector<1000x128xf32>
    %add3A_814 = arith.addf %add3A_812, %add3A_813 : vector<1000x128xf32>
    %max3A_815 = arith.constant 0.000000e+00 : f32
    %max3A_816 = vector.broadcast %max3A_815 : f32 to vector<1000x128xf32>
    %max3A_817 = arith.maximumf %add3A_814, %max3A_816 : vector<1000x128xf32>
    %max3A_818 = arith.maximumf %max3A_779, %max3A_817 : vector<1000x128xf32>
    %swap3A = arith.constant 0 : index
    %swap3A_819 = arith.constant 0 : index
    %swap3A_820 = vector.load %arg8[%swap3A, %swap3A_819] : memref<1000x128xf32, #tpu.memory_space<vmem>>, vector<1000x128xf32>
    tpu.vector_store %arg8[%swap3A, %swap3A_819], %max3A_818 {strides = array<i32>} : memref<1000x128xf32, #tpu.memory_space<vmem>>, vector<1000x128xf32>,
    return
  }
  func.func @transform_0(%arg0: i32) -> (i32, i32) {
    %c0_i32 = arith.constant 0 : i32
    %c0_i32_0 = arith.constant 0 : i32
    return %arg0, %c0_i32 : i32, i32
  }
  func.func @transform_1(%arg0: i32) -> (i32, i32, i32) {
    %c0_i32 = arith.constant 0 : i32
    %c0_i32_0 = arith.constant 0 : i32
    %c0_i32_1 = arith.constant 0 : i32
    return %c0_i32, %arg0, %c0_i32_0 : i32, i32, i32
  }
  func.func @transform_2(%arg0: i32) -> (i32, i32) {
    %c0_i32 = arith.constant 0 : i32
    %c0_i32_0 = arith.constant 0 : i32
    %c0_i32_1 = arith.constant 0 : i32
    return %c0_i32, %c0_i32_0 : i32, i32
  }
  func.func @transform_3(%arg0: i32) -> (i32, i32) {
    %c0_i32 = arith.constant 0 : i32
    %c0_i32_0 = arith.constant 0 : i32
    %c0_i32_1 = arith.constant 0 : i32
    return %c0_i32, %c0_i32_0 : i32, i32
  }
  func.func @transform_4(%arg0: i32) -> (i32, i32) {
    %c0_i32 = arith.constant 0 : i32
    %c0_i32_0 = arith.constant 0 : i32
    %c0_i32_1 = arith.constant 0 : i32
    return %c0_i32, %c0_i32_0 : i32, i32
  }
  func.func @transform_5(%arg0: i32) -> (i32, i32) {
    %c0_i32 = arith.constant 0 : i32
    %c0_i32_0 = arith.constant 0 : i32
    %c0_i32_1 = arith.constant 0 : i32
    return %c0_i32, %c0_i32_0 : i32, i32
  }
  func.func @transform_6(%arg0: i32) -> (i32, i32) {
    %c0_i32 = arith.constant 0 : i32
    %c0_i32_0 = arith.constant 0 : i32
    %c0_i32_1 = arith.constant 0 : i32
    return %c0_i32, %c0_i32_0 : i32, i32
  }
  func.func @transform_7(%arg0: i32) -> (i32, i32) {
    %c0_i32 = arith.constant 0 : i32
    %c0_i32_0 = arith.constant 0 : i32
    return %arg0, %c0_i32 : i32, i32
  }
}

module attributes {stable_mosaic.version = 14 : i64} {
  func.func @body(%arg0: i32, %arg1: memref<1000x128xf32, #tpu.memory_space<vmem>>, %arg2: memref<20x1000x128xf32, #tpu.memory_space<vmem>>, %arg3: memref<128x256xf32, #tpu.memory_space<vmem>>, %arg4: memref<128x256xf32, #tpu.memory_space<vmem>>, %arg5: memref<1x256xf32, #tpu.memory_space<vmem>>, %arg6: memref<256x256xf32, #tpu.memory_space<vmem>>, %arg7: memref<1x256xf32, #tpu.memory_space<vmem>>, %arg8: memref<1000x256xf32, #tpu.memory_space<vmem>>) attributes {dimension_semantics = [#tpu.dimension_semantics<arbitrary>], iteration_bounds = array<i64: 10>, scalar_prefetch = 0 : i64, scratch_operands = 0 : i64, tpu.core_type = #tpu.core_type<tc>, window_params = [{transform_indices = @transform_0, window_bounds = array<i64: 1000, 128>}, {transform_indices = @transform_1, window_bounds = array<i64: 20, 1000, 128>}, {pipeline_mode = #tpu.pipeline_mode<synchronous>, transform_indices = @transform_2, window_bounds = array<i64: 128, 256>}, {pipeline_mode = #tpu.pipeline_mode<synchronous>, transform_indices = @transform_3, window_bounds = array<i64: 128, 256>}, {pipeline_mode = #tpu.pipeline_mode<synchronous>, transform_indices = @transform_4, window_bounds = array<i64: 1, 256>}, {pipeline_mode = #tpu.pipeline_mode<synchronous>, transform_indices = @transform_5, window_bounds = array<i64: 256, 256>}, {pipeline_mode = #tpu.pipeline_mode<synchronous>, transform_indices = @transform_6, window_bounds = array<i64: 1, 256>}, {transform_indices = @transform_7, window_bounds = array<i64: 1000, 256>}]} {
    %get3A = arith.constant 0 : index
    %get3A_0 = arith.constant 0 : index
    %get3A_1 = vector.load %arg1[%get3A, %get3A_0] : memref<1000x128xf32, #tpu.memory_space<vmem>>, vector<1000x128xf32>
    %convert_element_type3A = arith.truncf %get3A_1 : vector<1000x128xf32> to vector<1000x128xbf16>
    %convert_element_type3A_2 = arith.extf %convert_element_type3A : vector<1000x128xbf16> to vector<1000x128xf32>
    %sub3A = arith.subf %get3A_1, %convert_element_type3A_2 : vector<1000x128xf32>
    %convert_element_type3A_3 = arith.truncf %sub3A : vector<1000x128xf32> to vector<1000x128xbf16>
    %get3A_4 = arith.constant 0 : index
    %get3A_5 = arith.constant 0 : index
    %get3A_6 = vector.load %arg3[%get3A_4, %get3A_5] : memref<128x256xf32, #tpu.memory_space<vmem>>, vector<128x256xf32>
    %convert_element_type3A_7 = arith.truncf %get3A_6 : vector<128x256xf32> to vector<128x256xbf16>
    %convert_element_type3A_8 = arith.extf %convert_element_type3A_7 : vector<128x256xbf16> to vector<128x256xf32>
    %sub3A_9 = arith.subf %get3A_6, %convert_element_type3A_8 : vector<128x256xf32>
    %convert_element_type3A_10 = arith.truncf %sub3A_9 : vector<128x256xf32> to vector<128x256xbf16>
    %dot_general3A = arith.constant dense<0.000000e+00> : vector<1000x256xf32>
    %dot_general3A_11 = tpu.matmul %convert_element_type3A, %convert_element_type3A_7, %dot_general3A {dimension_numbers = #tpu.dot_dimension_numbers<[1], [0], [0], [1], [0, 0, 1, 1], [], []>, transpose_lhs_hint = false} : vector<1000x128xbf16>, vector<128x256xbf16>, vector<1000x256xf32> -> vector<1000x256xf32>
    %dot_general3A_12 = arith.constant dense<0.000000e+00> : vector<1000x256xf32>
    %dot_general3A_13 = tpu.matmul %convert_element_type3A, %convert_element_type3A_10, %dot_general3A_12 {dimension_numbers = #tpu.dot_dimension_numbers<[1], [0], [0], [1], [0, 0, 1, 1], [], []>, transpose_lhs_hint = false} : vector<1000x128xbf16>, vector<128x256xbf16>, vector<1000x256xf32> -> vector<1000x256xf32>
    %add3A = arith.addf %dot_general3A_11, %dot_general3A_13 : vector<1000x256xf32>
    %dot_general3A_14 = arith.constant dense<0.000000e+00> : vector<1000x256xf32>
    %dot_general3A_15 = tpu.matmul %convert_element_type3A_3, %convert_element_type3A_7, %dot_general3A_14 {dimension_numbers = #tpu.dot_dimension_numbers<[1], [0], [0], [1], [0, 0, 1, 1], [], []>, transpose_lhs_hint = false} : vector<1000x128xbf16>, vector<128x256xbf16>, vector<1000x256xf32> -> vector<1000x256xf32>
    %add3A_16 = arith.addf %add3A, %dot_general3A_15 : vector<1000x256xf32>
    %get3A_17 = arith.constant 0 : index
    %get3A_18 = arith.constant 0 : index
    %get3A_19 = vector.load %arg5[%get3A_17, %get3A_18] : memref<1x256xf32, #tpu.memory_space<vmem>>, vector<1x256xf32>
    %add3A_20 = vector.broadcast %get3A_19 : vector<1x256xf32> to vector<1000x256xf32>
    %add3A_21 = arith.addf %add3A_16, %add3A_20 : vector<1000x256xf32>
    %get3A_22 = arith.constant 0 : index
    %get3A_23 = arith.constant 0 : index
    %get3A_24 = vector.load %arg4[%get3A_22, %get3A_23] : memref<128x256xf32, #tpu.memory_space<vmem>>, vector<128x256xf32>
    %convert_element_type3A_25 = arith.truncf %get3A_24 : vector<128x256xf32> to vector<128x256xbf16>
    %convert_element_type3A_26 = arith.extf %convert_element_type3A_25 : vector<128x256xbf16> to vector<128x256xf32>
    %sub3A_27 = arith.subf %get3A_24, %convert_element_type3A_26 : vector<128x256xf32>
    %convert_element_type3A_28 = arith.truncf %sub3A_27 : vector<128x256xf32> to vector<128x256xbf16>
    %get3A_29 = arith.constant 0 : index
    %get3A_30 = arith.constant 0 : index
    %get3A_31 = vector.load %arg6[%get3A_29, %get3A_30] : memref<256x256xf32, #tpu.memory_space<vmem>>, vector<256x256xf32>
    %convert_element_type3A_32 = arith.truncf %get3A_31 : vector<256x256xf32> to vector<256x256xbf16>
    %convert_element_type3A_33 = arith.extf %convert_element_type3A_32 : vector<256x256xbf16> to vector<256x256xf32>
    %sub3A_34 = arith.subf %get3A_31, %convert_element_type3A_33 : vector<256x256xf32>
    %convert_element_type3A_35 = arith.truncf %sub3A_34 : vector<256x256xf32> to vector<256x256xbf16>
    %get3A_36 = arith.constant 0 : index
    %get3A_37 = arith.constant 0 : index
    %get3A_38 = vector.load %arg7[%get3A_36, %get3A_37] : memref<1x256xf32, #tpu.memory_space<vmem>>, vector<1x256xf32>
    %broadcast_in_dim3A = arith.constant 0.000000e+00 : f32
    %broadcast_in_dim3A_39 = vector.broadcast %broadcast_in_dim3A : f32 to vector<1000x256xf32>
    %get3A_40 = arith.constant 0 : index
    %get3A_41 = arith.constant 0 : index
    %get3A_42 = arith.constant 0 : index
    %get3A_43 = vector.load %arg2[%get3A_40, %get3A_41, %get3A_42] : memref<20x1000x128xf32, #tpu.memory_space<vmem>>, vector<1x1000x128xf32>
    %get3A_44 = vector.shape_cast %get3A_43 : vector<1x1000x128xf32> to vector<1000x128xf32>
    %convert_element_type3A_45 = arith.truncf %get3A_44 : vector<1000x128xf32> to vector<1000x128xbf16>
    %convert_element_type3A_46 = arith.extf %convert_element_type3A_45 : vector<1000x128xbf16> to vector<1000x128xf32>
    %sub3A_47 = arith.subf %get3A_44, %convert_element_type3A_46 : vector<1000x128xf32>
    %convert_element_type3A_48 = arith.truncf %sub3A_47 : vector<1000x128xf32> to vector<1000x128xbf16>
    %dot_general3A_49 = arith.constant dense<0.000000e+00> : vector<1000x256xf32>
    %dot_general3A_50 = tpu.matmul %convert_element_type3A_45, %convert_element_type3A_25, %dot_general3A_49 {dimension_numbers = #tpu.dot_dimension_numbers<[1], [0], [0], [1], [0, 0, 1, 1], [], []>, transpose_lhs_hint = false} : vector<1000x128xbf16>, vector<128x256xbf16>, vector<1000x256xf32> -> vector<1000x256xf32>
    %dot_general3A_51 = arith.constant dense<0.000000e+00> : vector<1000x256xf32>
    %dot_general3A_52 = tpu.matmul %convert_element_type3A_45, %convert_element_type3A_28, %dot_general3A_51 {dimension_numbers = #tpu.dot_dimension_numbers<[1], [0], [0], [1], [0, 0, 1, 1], [], []>, transpose_lhs_hint = false} : vector<1000x128xbf16>, vector<128x256xbf16>, vector<1000x256xf32> -> vector<1000x256xf32>
    %add3A_53 = arith.addf %dot_general3A_50, %dot_general3A_52 : vector<1000x256xf32>
    %dot_general3A_54 = arith.constant dense<0.000000e+00> : vector<1000x256xf32>
    %dot_general3A_55 = tpu.matmul %convert_element_type3A_48, %convert_element_type3A_25, %dot_general3A_54 {dimension_numbers = #tpu.dot_dimension_numbers<[1], [0], [0], [1], [0, 0, 1, 1], [], []>, transpose_lhs_hint = false} : vector<1000x128xbf16>, vector<128x256xbf16>, vector<1000x256xf32> -> vector<1000x256xf32>
    %add3A_56 = arith.addf %add3A_53, %dot_general3A_55 : vector<1000x256xf32>
    %add3A_57 = arith.addf %add3A_56, %add3A_21 : vector<1000x256xf32>
    %max3A = arith.constant 0.000000e+00 : f32
    %max3A_58 = vector.broadcast %max3A : f32 to vector<1000x256xf32>
    %max3A_59 = arith.maximumf %add3A_57, %max3A_58 : vector<1000x256xf32>
    %convert_element_type3A_60 = arith.truncf %max3A_59 : vector<1000x256xf32> to vector<1000x256xbf16>
    %convert_element_type3A_61 = arith.extf %convert_element_type3A_60 : vector<1000x256xbf16> to vector<1000x256xf32>
    %sub3A_62 = arith.subf %max3A_59, %convert_element_type3A_61 : vector<1000x256xf32>
    %convert_element_type3A_63 = arith.truncf %sub3A_62 : vector<1000x256xf32> to vector<1000x256xbf16>
    %dot_general3A_64 = arith.constant dense<0.000000e+00> : vector<1000x256xf32>
    %dot_general3A_65 = tpu.matmul %convert_element_type3A_60, %convert_element_type3A_32, %dot_general3A_64 {dimension_numbers = #tpu.dot_dimension_numbers<[1], [0], [0], [1], [0, 0, 1, 1], [], []>, transpose_lhs_hint = false} : vector<1000x256xbf16>, vector<256x256xbf16>, vector<1000x256xf32> -> vector<1000x256xf32>
    %dot_general3A_66 = arith.constant dense<0.000000e+00> : vector<1000x256xf32>
    %dot_general3A_67 = tpu.matmul %convert_element_type3A_60, %convert_element_type3A_35, %dot_general3A_66 {dimension_numbers = #tpu.dot_dimension_numbers<[1], [0], [0], [1], [0, 0, 1, 1], [], []>, transpose_lhs_hint = false} : vector<1000x256xbf16>, vector<256x256xbf16>, vector<1000x256xf32> -> vector<1000x256xf32>
    %add3A_68 = arith.addf %dot_general3A_65, %dot_general3A_67 : vector<1000x256xf32>
    %dot_general3A_69 = arith.constant dense<0.000000e+00> : vector<1000x256xf32>
    %dot_general3A_70 = tpu.matmul %convert_element_type3A_63, %convert_element_type3A_32, %dot_general3A_69 {dimension_numbers = #tpu.dot_dimension_numbers<[1], [0], [0], [1], [0, 0, 1, 1], [], []>, transpose_lhs_hint = false} : vector<1000x256xbf16>, vector<256x256xbf16>, vector<1000x256xf32> -> vector<1000x256xf32>
    %add3A_71 = arith.addf %add3A_68, %dot_general3A_70 : vector<1000x256xf32>
    %add3A_72 = vector.broadcast %get3A_38 : vector<1x256xf32> to vector<1000x256xf32>
    %add3A_73 = arith.addf %add3A_71, %add3A_72 : vector<1000x256xf32>
    %max3A_74 = arith.constant 0.000000e+00 : f32
    %max3A_75 = vector.broadcast %max3A_74 : f32 to vector<1000x256xf32>
    %max3A_76 = arith.maximumf %add3A_73, %max3A_75 : vector<1000x256xf32>
    %max3A_77 = arith.maximumf %broadcast_in_dim3A_39, %max3A_76 : vector<1000x256xf32>
    %get3A_78 = arith.constant 1 : index
    %get3A_79 = arith.constant 0 : index
    %get3A_80 = arith.constant 0 : index
    %get3A_81 = vector.load %arg2[%get3A_78, %get3A_79, %get3A_80] : memref<20x1000x128xf32, #tpu.memory_space<vmem>>, vector<1x1000x128xf32>
    %get3A_82 = vector.shape_cast %get3A_81 : vector<1x1000x128xf32> to vector<1000x128xf32>
    %convert_element_type3A_83 = arith.truncf %get3A_82 : vector<1000x128xf32> to vector<1000x128xbf16>
    %convert_element_type3A_84 = arith.extf %convert_element_type3A_83 : vector<1000x128xbf16> to vector<1000x128xf32>
    %sub3A_85 = arith.subf %get3A_82, %convert_element_type3A_84 : vector<1000x128xf32>
    %convert_element_type3A_86 = arith.truncf %sub3A_85 : vector<1000x128xf32> to vector<1000x128xbf16>
    %dot_general3A_87 = arith.constant dense<0.000000e+00> : vector<1000x256xf32>
    %dot_general3A_88 = tpu.matmul %convert_element_type3A_83, %convert_element_type3A_25, %dot_general3A_87 {dimension_numbers = #tpu.dot_dimension_numbers<[1], [0], [0], [1], [0, 0, 1, 1], [], []>, transpose_lhs_hint = false} : vector<1000x128xbf16>, vector<128x256xbf16>, vector<1000x256xf32> -> vector<1000x256xf32>
    %dot_general3A_89 = arith.constant dense<0.000000e+00> : vector<1000x256xf32>
    %dot_general3A_90 = tpu.matmul %convert_element_type3A_83, %convert_element_type3A_28, %dot_general3A_89 {dimension_numbers = #tpu.dot_dimension_numbers<[1], [0], [0], [1], [0, 0, 1, 1], [], []>, transpose_lhs_hint = false} : vector<1000x128xbf16>, vector<128x256xbf16>, vector<1000x256xf32> -> vector<1000x256xf32>
    %add3A_91 = arith.addf %dot_general3A_88, %dot_general3A_90 : vector<1000x256xf32>
    %dot_general3A_92 = arith.constant dense<0.000000e+00> : vector<1000x256xf32>
    %dot_general3A_93 = tpu.matmul %convert_element_type3A_86, %convert_element_type3A_25, %dot_general3A_92 {dimension_numbers = #tpu.dot_dimension_numbers<[1], [0], [0], [1], [0, 0, 1, 1], [], []>, transpose_lhs_hint = false} : vector<1000x128xbf16>, vector<128x256xbf16>, vector<1000x256xf32> -> vector<1000x256xf32>
    %add3A_94 = arith.addf %add3A_91, %dot_general3A_93 : vector<1000x256xf32>
    %add3A_95 = arith.addf %add3A_94, %add3A_21 : vector<1000x256xf32>
    %max3A_96 = arith.constant 0.000000e+00 : f32
    %max3A_97 = vector.broadcast %max3A_96 : f32 to vector<1000x256xf32>
    %max3A_98 = arith.maximumf %add3A_95, %max3A_97 : vector<1000x256xf32>
    %convert_element_type3A_99 = arith.truncf %max3A_98 : vector<1000x256xf32> to vector<1000x256xbf16>
    %convert_element_type3A_100 = arith.extf %convert_element_type3A_99 : vector<1000x256xbf16> to vector<1000x256xf32>
    %sub3A_101 = arith.subf %max3A_98, %convert_element_type3A_100 : vector<1000x256xf32>
    %convert_element_type3A_102 = arith.truncf %sub3A_101 : vector<1000x256xf32> to vector<1000x256xbf16>
    %dot_general3A_103 = arith.constant dense<0.000000e+00> : vector<1000x256xf32>
    %dot_general3A_104 = tpu.matmul %convert_element_type3A_99, %convert_element_type3A_32, %dot_general3A_103 {dimension_numbers = #tpu.dot_dimension_numbers<[1], [0], [0], [1], [0, 0, 1, 1], [], []>, transpose_lhs_hint = false} : vector<1000x256xbf16>, vector<256x256xbf16>, vector<1000x256xf32> -> vector<1000x256xf32>
    %dot_general3A_105 = arith.constant dense<0.000000e+00> : vector<1000x256xf32>
    %dot_general3A_106 = tpu.matmul %convert_element_type3A_99, %convert_element_type3A_35, %dot_general3A_105 {dimension_numbers = #tpu.dot_dimension_numbers<[1], [0], [0], [1], [0, 0, 1, 1], [], []>, transpose_lhs_hint = false} : vector<1000x256xbf16>, vector<256x256xbf16>, vector<1000x256xf32> -> vector<1000x256xf32>
    %add3A_107 = arith.addf %dot_general3A_104, %dot_general3A_106 : vector<1000x256xf32>
    %dot_general3A_108 = arith.constant dense<0.000000e+00> : vector<1000x256xf32>
    %dot_general3A_109 = tpu.matmul %convert_element_type3A_102, %convert_element_type3A_32, %dot_general3A_108 {dimension_numbers = #tpu.dot_dimension_numbers<[1], [0], [0], [1], [0, 0, 1, 1], [], []>, transpose_lhs_hint = false} : vector<1000x256xbf16>, vector<256x256xbf16>, vector<1000x256xf32> -> vector<1000x256xf32>
    %add3A_110 = arith.addf %add3A_107, %dot_general3A_109 : vector<1000x256xf32>
    %add3A_111 = vector.broadcast %get3A_38 : vector<1x256xf32> to vector<1000x256xf32>
    %add3A_112 = arith.addf %add3A_110, %add3A_111 : vector<1000x256xf32>
    %max3A_113 = arith.constant 0.000000e+00 : f32
    %max3A_114 = vector.broadcast %max3A_113 : f32 to vector<1000x256xf32>
    %max3A_115 = arith.maximumf %add3A_112, %max3A_114 : vector<1000x256xf32>
    %max3A_116 = arith.maximumf %max3A_77, %max3A_115 : vector<1000x256xf32>
    %get3A_117 = arith.constant 2 : index
    %get3A_118 = arith.constant 0 : index
    %get3A_119 = arith.constant 0 : index
    %get3A_120 = vector.load %arg2[%get3A_117, %get3A_118, %get3A_119] : memref<20x1000x128xf32, #tpu.memory_space<vmem>>, vector<1x1000x128xf32>
    %get3A_121 = vector.shape_cast %get3A_120 : vector<1x1000x128xf32> to vector<1000x128xf32>
    %convert_element_type3A_122 = arith.truncf %get3A_121 : vector<1000x128xf32> to vector<1000x128xbf16>
    %convert_element_type3A_123 = arith.extf %convert_element_type3A_122 : vector<1000x128xbf16> to vector<1000x128xf32>
    %sub3A_124 = arith.subf %get3A_121, %convert_element_type3A_123 : vector<1000x128xf32>
    %convert_element_type3A_125 = arith.truncf %sub3A_124 : vector<1000x128xf32> to vector<1000x128xbf16>
    %dot_general3A_126 = arith.constant dense<0.000000e+00> : vector<1000x256xf32>
    %dot_general3A_127 = tpu.matmul %convert_element_type3A_122, %convert_element_type3A_25, %dot_general3A_126 {dimension_numbers = #tpu.dot_dimension_numbers<[1], [0], [0], [1], [0, 0, 1, 1], [], []>, transpose_lhs_hint = false} : vector<1000x128xbf16>, vector<128x256xbf16>, vector<1000x256xf32> -> vector<1000x256xf32>
    %dot_general3A_128 = arith.constant dense<0.000000e+00> : vector<1000x256xf32>
    %dot_general3A_129 = tpu.matmul %convert_element_type3A_122, %convert_element_type3A_28, %dot_general3A_128 {dimension_numbers = #tpu.dot_dimension_numbers<[1], [0], [0], [1], [0, 0, 1, 1], [], []>, transpose_lhs_hint = false} : vector<1000x128xbf16>, vector<128x256xbf16>, vector<1000x256xf32> -> vector<1000x256xf32>
    %add3A_130 = arith.addf %dot_general3A_127, %dot_general3A_129 : vector<1000x256xf32>
    %dot_general3A_131 = arith.constant dense<0.000000e+00> : vector<1000x256xf32>
    %dot_general3A_132 = tpu.matmul %convert_element_type3A_125, %convert_element_type3A_25, %dot_general3A_131 {dimension_numbers = #tpu.dot_dimension_numbers<[1], [0], [0], [1], [0, 0, 1, 1], [], []>, transpose_lhs_hint = false} : vector<1000x128xbf16>, vector<128x256xbf16>, vector<1000x256xf32> -> vector<1000x256xf32>
    %add3A_133 = arith.addf %add3A_130, %dot_general3A_132 : vector<1000x256xf32>
    %add3A_134 = arith.addf %add3A_133, %add3A_21 : vector<1000x256xf32>
    %max3A_135 = arith.constant 0.000000e+00 : f32
    %max3A_136 = vector.broadcast %max3A_135 : f32 to vector<1000x256xf32>
    %max3A_137 = arith.maximumf %add3A_134, %max3A_136 : vector<1000x256xf32>
    %convert_element_type3A_138 = arith.truncf %max3A_137 : vector<1000x256xf32> to vector<1000x256xbf16>
    %convert_element_type3A_139 = arith.extf %convert_element_type3A_138 : vector<1000x256xbf16> to vector<1000x256xf32>
    %sub3A_140 = arith.subf %max3A_137, %convert_element_type3A_139 : vector<1000x256xf32>
    %convert_element_type3A_141 = arith.truncf %sub3A_140 : vector<1000x256xf32> to vector<1000x256xbf16>
    %dot_general3A_142 = arith.constant dense<0.000000e+00> : vector<1000x256xf32>
    %dot_general3A_143 = tpu.matmul %convert_element_type3A_138, %convert_element_type3A_32, %dot_general3A_142 {dimension_numbers = #tpu.dot_dimension_numbers<[1], [0], [0], [1], [0, 0, 1, 1], [], []>, transpose_lhs_hint = false} : vector<1000x256xbf16>, vector<256x256xbf16>, vector<1000x256xf32> -> vector<1000x256xf32>
    %dot_general3A_144 = arith.constant dense<0.000000e+00> : vector<1000x256xf32>
    %dot_general3A_145 = tpu.matmul %convert_element_type3A_138, %convert_element_type3A_35, %dot_general3A_144 {dimension_numbers = #tpu.dot_dimension_numbers<[1], [0], [0], [1], [0, 0, 1, 1], [], []>, transpose_lhs_hint = false} : vector<1000x256xbf16>, vector<256x256xbf16>, vector<1000x256xf32> -> vector<1000x256xf32>
    %add3A_146 = arith.addf %dot_general3A_143, %dot_general3A_145 : vector<1000x256xf32>
    %dot_general3A_147 = arith.constant dense<0.000000e+00> : vector<1000x256xf32>
    %dot_general3A_148 = tpu.matmul %convert_element_type3A_141, %convert_element_type3A_32, %dot_general3A_147 {dimension_numbers = #tpu.dot_dimension_numbers<[1], [0], [0], [1], [0, 0, 1, 1], [], []>, transpose_lhs_hint = false} : vector<1000x256xbf16>, vector<256x256xbf16>, vector<1000x256xf32> -> vector<1000x256xf32>
    %add3A_149 = arith.addf %add3A_146, %dot_general3A_148 : vector<1000x256xf32>
    %add3A_150 = vector.broadcast %get3A_38 : vector<1x256xf32> to vector<1000x256xf32>
    %add3A_151 = arith.addf %add3A_149, %add3A_150 : vector<1000x256xf32>
    %max3A_152 = arith.constant 0.000000e+00 : f32
    %max3A_153 = vector.broadcast %max3A_152 : f32 to vector<1000x256xf32>
    %max3A_154 = arith.maximumf %add3A_151, %max3A_153 : vector<1000x256xf32>
    %max3A_155 = arith.maximumf %max3A_116, %max3A_154 : vector<1000x256xf32>
    %get3A_156 = arith.constant 3 : index
    %get3A_157 = arith.constant 0 : index
    %get3A_158 = arith.constant 0 : index
    %get3A_159 = vector.load %arg2[%get3A_156, %get3A_157, %get3A_158] : memref<20x1000x128xf32, #tpu.memory_space<vmem>>, vector<1x1000x128xf32>
    %get3A_160 = vector.shape_cast %get3A_159 : vector<1x1000x128xf32> to vector<1000x128xf32>
    %convert_element_type3A_161 = arith.truncf %get3A_160 : vector<1000x128xf32> to vector<1000x128xbf16>
    %convert_element_type3A_162 = arith.extf %convert_element_type3A_161 : vector<1000x128xbf16> to vector<1000x128xf32>
    %sub3A_163 = arith.subf %get3A_160, %convert_element_type3A_162 : vector<1000x128xf32>
    %convert_element_type3A_164 = arith.truncf %sub3A_163 : vector<1000x128xf32> to vector<1000x128xbf16>
    %dot_general3A_165 = arith.constant dense<0.000000e+00> : vector<1000x256xf32>
    %dot_general3A_166 = tpu.matmul %convert_element_type3A_161, %convert_element_type3A_25, %dot_general3A_165 {dimension_numbers = #tpu.dot_dimension_numbers<[1], [0], [0], [1], [0, 0, 1, 1], [], []>, transpose_lhs_hint = false} : vector<1000x128xbf16>, vector<128x256xbf16>, vector<1000x256xf32> -> vector<1000x256xf32>
    %dot_general3A_167 = arith.constant dense<0.000000e+00> : vector<1000x256xf32>
    %dot_general3A_168 = tpu.matmul %convert_element_type3A_161, %convert_element_type3A_28, %dot_general3A_167 {dimension_numbers = #tpu.dot_dimension_numbers<[1], [0], [0], [1], [0, 0, 1, 1], [], []>, transpose_lhs_hint = false} : vector<1000x128xbf16>, vector<128x256xbf16>, vector<1000x256xf32> -> vector<1000x256xf32>
    %add3A_169 = arith.addf %dot_general3A_166, %dot_general3A_168 : vector<1000x256xf32>
    %dot_general3A_170 = arith.constant dense<0.000000e+00> : vector<1000x256xf32>
    %dot_general3A_171 = tpu.matmul %convert_element_type3A_164, %convert_element_type3A_25, %dot_general3A_170 {dimension_numbers = #tpu.dot_dimension_numbers<[1], [0], [0], [1], [0, 0, 1, 1], [], []>, transpose_lhs_hint = false} : vector<1000x128xbf16>, vector<128x256xbf16>, vector<1000x256xf32> -> vector<1000x256xf32>
    %add3A_172 = arith.addf %add3A_169, %dot_general3A_171 : vector<1000x256xf32>
    %add3A_173 = arith.addf %add3A_172, %add3A_21 : vector<1000x256xf32>
    %max3A_174 = arith.constant 0.000000e+00 : f32
    %max3A_175 = vector.broadcast %max3A_174 : f32 to vector<1000x256xf32>
    %max3A_176 = arith.maximumf %add3A_173, %max3A_175 : vector<1000x256xf32>
    %convert_element_type3A_177 = arith.truncf %max3A_176 : vector<1000x256xf32> to vector<1000x256xbf16>
    %convert_element_type3A_178 = arith.extf %convert_element_type3A_177 : vector<1000x256xbf16> to vector<1000x256xf32>
    %sub3A_179 = arith.subf %max3A_176, %convert_element_type3A_178 : vector<1000x256xf32>
    %convert_element_type3A_180 = arith.truncf %sub3A_179 : vector<1000x256xf32> to vector<1000x256xbf16>
    %dot_general3A_181 = arith.constant dense<0.000000e+00> : vector<1000x256xf32>
    %dot_general3A_182 = tpu.matmul %convert_element_type3A_177, %convert_element_type3A_32, %dot_general3A_181 {dimension_numbers = #tpu.dot_dimension_numbers<[1], [0], [0], [1], [0, 0, 1, 1], [], []>, transpose_lhs_hint = false} : vector<1000x256xbf16>, vector<256x256xbf16>, vector<1000x256xf32> -> vector<1000x256xf32>
    %dot_general3A_183 = arith.constant dense<0.000000e+00> : vector<1000x256xf32>
    %dot_general3A_184 = tpu.matmul %convert_element_type3A_177, %convert_element_type3A_35, %dot_general3A_183 {dimension_numbers = #tpu.dot_dimension_numbers<[1], [0], [0], [1], [0, 0, 1, 1], [], []>, transpose_lhs_hint = false} : vector<1000x256xbf16>, vector<256x256xbf16>, vector<1000x256xf32> -> vector<1000x256xf32>
    %add3A_185 = arith.addf %dot_general3A_182, %dot_general3A_184 : vector<1000x256xf32>
    %dot_general3A_186 = arith.constant dense<0.000000e+00> : vector<1000x256xf32>
    %dot_general3A_187 = tpu.matmul %convert_element_type3A_180, %convert_element_type3A_32, %dot_general3A_186 {dimension_numbers = #tpu.dot_dimension_numbers<[1], [0], [0], [1], [0, 0, 1, 1], [], []>, transpose_lhs_hint = false} : vector<1000x256xbf16>, vector<256x256xbf16>, vector<1000x256xf32> -> vector<1000x256xf32>
    %add3A_188 = arith.addf %add3A_185, %dot_general3A_187 : vector<1000x256xf32>
    %add3A_189 = vector.broadcast %get3A_38 : vector<1x256xf32> to vector<1000x256xf32>
    %add3A_190 = arith.addf %add3A_188, %add3A_189 : vector<1000x256xf32>
    %max3A_191 = arith.constant 0.000000e+00 : f32
    %max3A_192 = vector.broadcast %max3A_191 : f32 to vector<1000x256xf32>
    %max3A_193 = arith.maximumf %add3A_190, %max3A_192 : vector<1000x256xf32>
    %max3A_194 = arith.maximumf %max3A_155, %max3A_193 : vector<1000x256xf32>
    %get3A_195 = arith.constant 4 : index
    %get3A_196 = arith.constant 0 : index
    %get3A_197 = arith.constant 0 : index
    %get3A_198 = vector.load %arg2[%get3A_195, %get3A_196, %get3A_197] : memref<20x1000x128xf32, #tpu.memory_space<vmem>>, vector<1x1000x128xf32>
    %get3A_199 = vector.shape_cast %get3A_198 : vector<1x1000x128xf32> to vector<1000x128xf32>
    %convert_element_type3A_200 = arith.truncf %get3A_199 : vector<1000x128xf32> to vector<1000x128xbf16>
    %convert_element_type3A_201 = arith.extf %convert_element_type3A_200 : vector<1000x128xbf16> to vector<1000x128xf32>
    %sub3A_202 = arith.subf %get3A_199, %convert_element_type3A_201 : vector<1000x128xf32>
    %convert_element_type3A_203 = arith.truncf %sub3A_202 : vector<1000x128xf32> to vector<1000x128xbf16>
    %dot_general3A_204 = arith.constant dense<0.000000e+00> : vector<1000x256xf32>
    %dot_general3A_205 = tpu.matmul %convert_element_type3A_200, %convert_element_type3A_25, %dot_general3A_204 {dimension_numbers = #tpu.dot_dimension_numbers<[1], [0], [0], [1], [0, 0, 1, 1], [], []>, transpose_lhs_hint = false} : vector<1000x128xbf16>, vector<128x256xbf16>, vector<1000x256xf32> -> vector<1000x256xf32>
    %dot_general3A_206 = arith.constant dense<0.000000e+00> : vector<1000x256xf32>
    %dot_general3A_207 = tpu.matmul %convert_element_type3A_200, %convert_element_type3A_28, %dot_general3A_206 {dimension_numbers = #tpu.dot_dimension_numbers<[1], [0], [0], [1], [0, 0, 1, 1], [], []>, transpose_lhs_hint = false} : vector<1000x128xbf16>, vector<128x256xbf16>, vector<1000x256xf32> -> vector<1000x256xf32>
    %add3A_208 = arith.addf %dot_general3A_205, %dot_general3A_207 : vector<1000x256xf32>
    %dot_general3A_209 = arith.constant dense<0.000000e+00> : vector<1000x256xf32>
    %dot_general3A_210 = tpu.matmul %convert_element_type3A_203, %convert_element_type3A_25, %dot_general3A_209 {dimension_numbers = #tpu.dot_dimension_numbers<[1], [0], [0], [1], [0, 0, 1, 1], [], []>, transpose_lhs_hint = false} : vector<1000x128xbf16>, vector<128x256xbf16>, vector<1000x256xf32> -> vector<1000x256xf32>
    %add3A_211 = arith.addf %add3A_208, %dot_general3A_210 : vector<1000x256xf32>
    %add3A_212 = arith.addf %add3A_211, %add3A_21 : vector<1000x256xf32>
    %max3A_213 = arith.constant 0.000000e+00 : f32
    %max3A_214 = vector.broadcast %max3A_213 : f32 to vector<1000x256xf32>
    %max3A_215 = arith.maximumf %add3A_212, %max3A_214 : vector<1000x256xf32>
    %convert_element_type3A_216 = arith.truncf %max3A_215 : vector<1000x256xf32> to vector<1000x256xbf16>
    %convert_element_type3A_217 = arith.extf %convert_element_type3A_216 : vector<1000x256xbf16> to vector<1000x256xf32>
    %sub3A_218 = arith.subf %max3A_215, %convert_element_type3A_217 : vector<1000x256xf32>
    %convert_element_type3A_219 = arith.truncf %sub3A_218 : vector<1000x256xf32> to vector<1000x256xbf16>
    %dot_general3A_220 = arith.constant dense<0.000000e+00> : vector<1000x256xf32>
    %dot_general3A_221 = tpu.matmul %convert_element_type3A_216, %convert_element_type3A_32, %dot_general3A_220 {dimension_numbers = #tpu.dot_dimension_numbers<[1], [0], [0], [1], [0, 0, 1, 1], [], []>, transpose_lhs_hint = false} : vector<1000x256xbf16>, vector<256x256xbf16>, vector<1000x256xf32> -> vector<1000x256xf32>
    %dot_general3A_222 = arith.constant dense<0.000000e+00> : vector<1000x256xf32>
    %dot_general3A_223 = tpu.matmul %convert_element_type3A_216, %convert_element_type3A_35, %dot_general3A_222 {dimension_numbers = #tpu.dot_dimension_numbers<[1], [0], [0], [1], [0, 0, 1, 1], [], []>, transpose_lhs_hint = false} : vector<1000x256xbf16>, vector<256x256xbf16>, vector<1000x256xf32> -> vector<1000x256xf32>
    %add3A_224 = arith.addf %dot_general3A_221, %dot_general3A_223 : vector<1000x256xf32>
    %dot_general3A_225 = arith.constant dense<0.000000e+00> : vector<1000x256xf32>
    %dot_general3A_226 = tpu.matmul %convert_element_type3A_219, %convert_element_type3A_32, %dot_general3A_225 {dimension_numbers = #tpu.dot_dimension_numbers<[1], [0], [0], [1], [0, 0, 1, 1], [], []>, transpose_lhs_hint = false} : vector<1000x256xbf16>, vector<256x256xbf16>, vector<1000x256xf32> -> vector<1000x256xf32>
    %add3A_227 = arith.addf %add3A_224, %dot_general3A_226 : vector<1000x256xf32>
    %add3A_228 = vector.broadcast %get3A_38 : vector<1x256xf32> to vector<1000x256xf32>
    %add3A_229 = arith.addf %add3A_227, %add3A_228 : vector<1000x256xf32>
    %max3A_230 = arith.constant 0.000000e+00 : f32
    %max3A_231 = vector.broadcast %max3A_230 : f32 to vector<1000x256xf32>
    %max3A_232 = arith.maximumf %add3A_229, %max3A_231 : vector<1000x256xf32>
    %max3A_233 = arith.maximumf %max3A_194, %max3A_232 : vector<1000x256xf32>
    %get3A_234 = arith.constant 5 : index
    %get3A_235 = arith.constant 0 : index
    %get3A_236 = arith.constant 0 : index
    %get3A_237 = vector.load %arg2[%get3A_234, %get3A_235, %get3A_236] : memref<20x1000x128xf32, #tpu.memory_space<vmem>>, vector<1x1000x128xf32>
    %get3A_238 = vector.shape_cast %get3A_237 : vector<1x1000x128xf32> to vector<1000x128xf32>
    %convert_element_type3A_239 = arith.truncf %get3A_238 : vector<1000x128xf32> to vector<1000x128xbf16>
    %convert_element_type3A_240 = arith.extf %convert_element_type3A_239 : vector<1000x128xbf16> to vector<1000x128xf32>
    %sub3A_241 = arith.subf %get3A_238, %convert_element_type3A_240 : vector<1000x128xf32>
    %convert_element_type3A_242 = arith.truncf %sub3A_241 : vector<1000x128xf32> to vector<1000x128xbf16>
    %dot_general3A_243 = arith.constant dense<0.000000e+00> : vector<1000x256xf32>
    %dot_general3A_244 = tpu.matmul %convert_element_type3A_239, %convert_element_type3A_25, %dot_general3A_243 {dimension_numbers = #tpu.dot_dimension_numbers<[1], [0], [0], [1], [0, 0, 1, 1], [], []>, transpose_lhs_hint = false} : vector<1000x128xbf16>, vector<128x256xbf16>, vector<1000x256xf32> -> vector<1000x256xf32>
    %dot_general3A_245 = arith.constant dense<0.000000e+00> : vector<1000x256xf32>
    %dot_general3A_246 = tpu.matmul %convert_element_type3A_239, %convert_element_type3A_28, %dot_general3A_245 {dimension_numbers = #tpu.dot_dimension_numbers<[1], [0], [0], [1], [0, 0, 1, 1], [], []>, transpose_lhs_hint = false} : vector<1000x128xbf16>, vector<128x256xbf16>, vector<1000x256xf32> -> vector<1000x256xf32>
    %add3A_247 = arith.addf %dot_general3A_244, %dot_general3A_246 : vector<1000x256xf32>
    %dot_general3A_248 = arith.constant dense<0.000000e+00> : vector<1000x256xf32>
    %dot_general3A_249 = tpu.matmul %convert_element_type3A_242, %convert_element_type3A_25, %dot_general3A_248 {dimension_numbers = #tpu.dot_dimension_numbers<[1], [0], [0], [1], [0, 0, 1, 1], [], []>, transpose_lhs_hint = false} : vector<1000x128xbf16>, vector<128x256xbf16>, vector<1000x256xf32> -> vector<1000x256xf32>
    %add3A_250 = arith.addf %add3A_247, %dot_general3A_249 : vector<1000x256xf32>
    %add3A_251 = arith.addf %add3A_250, %add3A_21 : vector<1000x256xf32>
    %max3A_252 = arith.constant 0.000000e+00 : f32
    %max3A_253 = vector.broadcast %max3A_252 : f32 to vector<1000x256xf32>
    %max3A_254 = arith.maximumf %add3A_251, %max3A_253 : vector<1000x256xf32>
    %convert_element_type3A_255 = arith.truncf %max3A_254 : vector<1000x256xf32> to vector<1000x256xbf16>
    %convert_element_type3A_256 = arith.extf %convert_element_type3A_255 : vector<1000x256xbf16> to vector<1000x256xf32>
    %sub3A_257 = arith.subf %max3A_254, %convert_element_type3A_256 : vector<1000x256xf32>
    %convert_element_type3A_258 = arith.truncf %sub3A_257 : vector<1000x256xf32> to vector<1000x256xbf16>
    %dot_general3A_259 = arith.constant dense<0.000000e+00> : vector<1000x256xf32>
    %dot_general3A_260 = tpu.matmul %convert_element_type3A_255, %convert_element_type3A_32, %dot_general3A_259 {dimension_numbers = #tpu.dot_dimension_numbers<[1], [0], [0], [1], [0, 0, 1, 1], [], []>, transpose_lhs_hint = false} : vector<1000x256xbf16>, vector<256x256xbf16>, vector<1000x256xf32> -> vector<1000x256xf32>
    %dot_general3A_261 = arith.constant dense<0.000000e+00> : vector<1000x256xf32>
    %dot_general3A_262 = tpu.matmul %convert_element_type3A_255, %convert_element_type3A_35, %dot_general3A_261 {dimension_numbers = #tpu.dot_dimension_numbers<[1], [0], [0], [1], [0, 0, 1, 1], [], []>, transpose_lhs_hint = false} : vector<1000x256xbf16>, vector<256x256xbf16>, vector<1000x256xf32> -> vector<1000x256xf32>
    %add3A_263 = arith.addf %dot_general3A_260, %dot_general3A_262 : vector<1000x256xf32>
    %dot_general3A_264 = arith.constant dense<0.000000e+00> : vector<1000x256xf32>
    %dot_general3A_265 = tpu.matmul %convert_element_type3A_258, %convert_element_type3A_32, %dot_general3A_264 {dimension_numbers = #tpu.dot_dimension_numbers<[1], [0], [0], [1], [0, 0, 1, 1], [], []>, transpose_lhs_hint = false} : vector<1000x256xbf16>, vector<256x256xbf16>, vector<1000x256xf32> -> vector<1000x256xf32>
    %add3A_266 = arith.addf %add3A_263, %dot_general3A_265 : vector<1000x256xf32>
    %add3A_267 = vector.broadcast %get3A_38 : vector<1x256xf32> to vector<1000x256xf32>
    %add3A_268 = arith.addf %add3A_266, %add3A_267 : vector<1000x256xf32>
    %max3A_269 = arith.constant 0.000000e+00 : f32
    %max3A_270 = vector.broadcast %max3A_269 : f32 to vector<1000x256xf32>
    %max3A_271 = arith.maximumf %add3A_268, %max3A_270 : vector<1000x256xf32>
    %max3A_272 = arith.maximumf %max3A_233, %max3A_271 : vector<1000x256xf32>
    %get3A_273 = arith.constant 6 : index
    %get3A_274 = arith.constant 0 : index
    %get3A_275 = arith.constant 0 : index
    %get3A_276 = vector.load %arg2[%get3A_273, %get3A_274, %get3A_275] : memref<20x1000x128xf32, #tpu.memory_space<vmem>>, vector<1x1000x128xf32>
    %get3A_277 = vector.shape_cast %get3A_276 : vector<1x1000x128xf32> to vector<1000x128xf32>
    %convert_element_type3A_278 = arith.truncf %get3A_277 : vector<1000x128xf32> to vector<1000x128xbf16>
    %convert_element_type3A_279 = arith.extf %convert_element_type3A_278 : vector<1000x128xbf16> to vector<1000x128xf32>
    %sub3A_280 = arith.subf %get3A_277, %convert_element_type3A_279 : vector<1000x128xf32>
    %convert_element_type3A_281 = arith.truncf %sub3A_280 : vector<1000x128xf32> to vector<1000x128xbf16>
    %dot_general3A_282 = arith.constant dense<0.000000e+00> : vector<1000x256xf32>
    %dot_general3A_283 = tpu.matmul %convert_element_type3A_278, %convert_element_type3A_25, %dot_general3A_282 {dimension_numbers = #tpu.dot_dimension_numbers<[1], [0], [0], [1], [0, 0, 1, 1], [], []>, transpose_lhs_hint = false} : vector<1000x128xbf16>, vector<128x256xbf16>, vector<1000x256xf32> -> vector<1000x256xf32>
    %dot_general3A_284 = arith.constant dense<0.000000e+00> : vector<1000x256xf32>
    %dot_general3A_285 = tpu.matmul %convert_element_type3A_278, %convert_element_type3A_28, %dot_general3A_284 {dimension_numbers = #tpu.dot_dimension_numbers<[1], [0], [0], [1], [0, 0, 1, 1], [], []>, transpose_lhs_hint = false} : vector<1000x128xbf16>, vector<128x256xbf16>, vector<1000x256xf32> -> vector<1000x256xf32>
    %add3A_286 = arith.addf %dot_general3A_283, %dot_general3A_285 : vector<1000x256xf32>
    %dot_general3A_287 = arith.constant dense<0.000000e+00> : vector<1000x256xf32>
    %dot_general3A_288 = tpu.matmul %convert_element_type3A_281, %convert_element_type3A_25, %dot_general3A_287 {dimension_numbers = #tpu.dot_dimension_numbers<[1], [0], [0], [1], [0, 0, 1, 1], [], []>, transpose_lhs_hint = false} : vector<1000x128xbf16>, vector<128x256xbf16>, vector<1000x256xf32> -> vector<1000x256xf32>
    %add3A_289 = arith.addf %add3A_286, %dot_general3A_288 : vector<1000x256xf32>
    %add3A_290 = arith.addf %add3A_289, %add3A_21 : vector<1000x256xf32>
    %max3A_291 = arith.constant 0.000000e+00 : f32
    %max3A_292 = vector.broadcast %max3A_291 : f32 to vector<1000x256xf32>
    %max3A_293 = arith.maximumf %add3A_290, %max3A_292 : vector<1000x256xf32>
    %convert_element_type3A_294 = arith.truncf %max3A_293 : vector<1000x256xf32> to vector<1000x256xbf16>
    %convert_element_type3A_295 = arith.extf %convert_element_type3A_294 : vector<1000x256xbf16> to vector<1000x256xf32>
    %sub3A_296 = arith.subf %max3A_293, %convert_element_type3A_295 : vector<1000x256xf32>
    %convert_element_type3A_297 = arith.truncf %sub3A_296 : vector<1000x256xf32> to vector<1000x256xbf16>
    %dot_general3A_298 = arith.constant dense<0.000000e+00> : vector<1000x256xf32>
    %dot_general3A_299 = tpu.matmul %convert_element_type3A_294, %convert_element_type3A_32, %dot_general3A_298 {dimension_numbers = #tpu.dot_dimension_numbers<[1], [0], [0], [1], [0, 0, 1, 1], [], []>, transpose_lhs_hint = false} : vector<1000x256xbf16>, vector<256x256xbf16>, vector<1000x256xf32> -> vector<1000x256xf32>
    %dot_general3A_300 = arith.constant dense<0.000000e+00> : vector<1000x256xf32>
    %dot_general3A_301 = tpu.matmul %convert_element_type3A_294, %convert_element_type3A_35, %dot_general3A_300 {dimension_numbers = #tpu.dot_dimension_numbers<[1], [0], [0], [1], [0, 0, 1, 1], [], []>, transpose_lhs_hint = false} : vector<1000x256xbf16>, vector<256x256xbf16>, vector<1000x256xf32> -> vector<1000x256xf32>
    %add3A_302 = arith.addf %dot_general3A_299, %dot_general3A_301 : vector<1000x256xf32>
    %dot_general3A_303 = arith.constant dense<0.000000e+00> : vector<1000x256xf32>
    %dot_general3A_304 = tpu.matmul %convert_element_type3A_297, %convert_element_type3A_32, %dot_general3A_303 {dimension_numbers = #tpu.dot_dimension_numbers<[1], [0], [0], [1], [0, 0, 1, 1], [], []>, transpose_lhs_hint = false} : vector<1000x256xbf16>, vector<256x256xbf16>, vector<1000x256xf32> -> vector<1000x256xf32>
    %add3A_305 = arith.addf %add3A_302, %dot_general3A_304 : vector<1000x256xf32>
    %add3A_306 = vector.broadcast %get3A_38 : vector<1x256xf32> to vector<1000x256xf32>
    %add3A_307 = arith.addf %add3A_305, %add3A_306 : vector<1000x256xf32>
    %max3A_308 = arith.constant 0.000000e+00 : f32
    %max3A_309 = vector.broadcast %max3A_308 : f32 to vector<1000x256xf32>
    %max3A_310 = arith.maximumf %add3A_307, %max3A_309 : vector<1000x256xf32>
    %max3A_311 = arith.maximumf %max3A_272, %max3A_310 : vector<1000x256xf32>
    %get3A_312 = arith.constant 7 : index
    %get3A_313 = arith.constant 0 : index
    %get3A_314 = arith.constant 0 : index
    %get3A_315 = vector.load %arg2[%get3A_312, %get3A_313, %get3A_314] : memref<20x1000x128xf32, #tpu.memory_space<vmem>>, vector<1x1000x128xf32>
    %get3A_316 = vector.shape_cast %get3A_315 : vector<1x1000x128xf32> to vector<1000x128xf32>
    %convert_element_type3A_317 = arith.truncf %get3A_316 : vector<1000x128xf32> to vector<1000x128xbf16>
    %convert_element_type3A_318 = arith.extf %convert_element_type3A_317 : vector<1000x128xbf16> to vector<1000x128xf32>
    %sub3A_319 = arith.subf %get3A_316, %convert_element_type3A_318 : vector<1000x128xf32>
    %convert_element_type3A_320 = arith.truncf %sub3A_319 : vector<1000x128xf32> to vector<1000x128xbf16>
    %dot_general3A_321 = arith.constant dense<0.000000e+00> : vector<1000x256xf32>
    %dot_general3A_322 = tpu.matmul %convert_element_type3A_317, %convert_element_type3A_25, %dot_general3A_321 {dimension_numbers = #tpu.dot_dimension_numbers<[1], [0], [0], [1], [0, 0, 1, 1], [], []>, transpose_lhs_hint = false} : vector<1000x128xbf16>, vector<128x256xbf16>, vector<1000x256xf32> -> vector<1000x256xf32>
    %dot_general3A_323 = arith.constant dense<0.000000e+00> : vector<1000x256xf32>
    %dot_general3A_324 = tpu.matmul %convert_element_type3A_317, %convert_element_type3A_28, %dot_general3A_323 {dimension_numbers = #tpu.dot_dimension_numbers<[1], [0], [0], [1], [0, 0, 1, 1], [], []>, transpose_lhs_hint = false} : vector<1000x128xbf16>, vector<128x256xbf16>, vector<1000x256xf32> -> vector<1000x256xf32>
    %add3A_325 = arith.addf %dot_general3A_322, %dot_general3A_324 : vector<1000x256xf32>
    %dot_general3A_326 = arith.constant dense<0.000000e+00> : vector<1000x256xf32>
    %dot_general3A_327 = tpu.matmul %convert_element_type3A_320, %convert_element_type3A_25, %dot_general3A_326 {dimension_numbers = #tpu.dot_dimension_numbers<[1], [0], [0], [1], [0, 0, 1, 1], [], []>, transpose_lhs_hint = false} : vector<1000x128xbf16>, vector<128x256xbf16>, vector<1000x256xf32> -> vector<1000x256xf32>
    %add3A_328 = arith.addf %add3A_325, %dot_general3A_327 : vector<1000x256xf32>
    %add3A_329 = arith.addf %add3A_328, %add3A_21 : vector<1000x256xf32>
    %max3A_330 = arith.constant 0.000000e+00 : f32
    %max3A_331 = vector.broadcast %max3A_330 : f32 to vector<1000x256xf32>
    %max3A_332 = arith.maximumf %add3A_329, %max3A_331 : vector<1000x256xf32>
    %convert_element_type3A_333 = arith.truncf %max3A_332 : vector<1000x256xf32> to vector<1000x256xbf16>
    %convert_element_type3A_334 = arith.extf %convert_element_type3A_333 : vector<1000x256xbf16> to vector<1000x256xf32>
    %sub3A_335 = arith.subf %max3A_332, %convert_element_type3A_334 : vector<1000x256xf32>
    %convert_element_type3A_336 = arith.truncf %sub3A_335 : vector<1000x256xf32> to vector<1000x256xbf16>
    %dot_general3A_337 = arith.constant dense<0.000000e+00> : vector<1000x256xf32>
    %dot_general3A_338 = tpu.matmul %convert_element_type3A_333, %convert_element_type3A_32, %dot_general3A_337 {dimension_numbers = #tpu.dot_dimension_numbers<[1], [0], [0], [1], [0, 0, 1, 1], [], []>, transpose_lhs_hint = false} : vector<1000x256xbf16>, vector<256x256xbf16>, vector<1000x256xf32> -> vector<1000x256xf32>
    %dot_general3A_339 = arith.constant dense<0.000000e+00> : vector<1000x256xf32>
    %dot_general3A_340 = tpu.matmul %convert_element_type3A_333, %convert_element_type3A_35, %dot_general3A_339 {dimension_numbers = #tpu.dot_dimension_numbers<[1], [0], [0], [1], [0, 0, 1, 1], [], []>, transpose_lhs_hint = false} : vector<1000x256xbf16>, vector<256x256xbf16>, vector<1000x256xf32> -> vector<1000x256xf32>
    %add3A_341 = arith.addf %dot_general3A_338, %dot_general3A_340 : vector<1000x256xf32>
    %dot_general3A_342 = arith.constant dense<0.000000e+00> : vector<1000x256xf32>
    %dot_general3A_343 = tpu.matmul %convert_element_type3A_336, %convert_element_type3A_32, %dot_general3A_342 {dimension_numbers = #tpu.dot_dimension_numbers<[1], [0], [0], [1], [0, 0, 1, 1], [], []>, transpose_lhs_hint = false} : vector<1000x256xbf16>, vector<256x256xbf16>, vector<1000x256xf32> -> vector<1000x256xf32>
    %add3A_344 = arith.addf %add3A_341, %dot_general3A_343 : vector<1000x256xf32>
    %add3A_345 = vector.broadcast %get3A_38 : vector<1x256xf32> to vector<1000x256xf32>
    %add3A_346 = arith.addf %add3A_344, %add3A_345 : vector<1000x256xf32>
    %max3A_347 = arith.constant 0.000000e+00 : f32
    %max3A_348 = vector.broadcast %max3A_347 : f32 to vector<1000x256xf32>
    %max3A_349 = arith.maximumf %add3A_346, %max3A_348 : vector<1000x256xf32>
    %max3A_350 = arith.maximumf %max3A_311, %max3A_349 : vector<1000x256xf32>
    %get3A_351 = arith.constant 8 : index
    %get3A_352 = arith.constant 0 : index
    %get3A_353 = arith.constant 0 : index
    %get3A_354 = vector.load %arg2[%get3A_351, %get3A_352, %get3A_353] : memref<20x1000x128xf32, #tpu.memory_space<vmem>>, vector<1x1000x128xf32>
    %get3A_355 = vector.shape_cast %get3A_354 : vector<1x1000x128xf32> to vector<1000x128xf32>
    %convert_element_type3A_356 = arith.truncf %get3A_355 : vector<1000x128xf32> to vector<1000x128xbf16>
    %convert_element_type3A_357 = arith.extf %convert_element_type3A_356 : vector<1000x128xbf16> to vector<1000x128xf32>
    %sub3A_358 = arith.subf %get3A_355, %convert_element_type3A_357 : vector<1000x128xf32>
    %convert_element_type3A_359 = arith.truncf %sub3A_358 : vector<1000x128xf32> to vector<1000x128xbf16>
    %dot_general3A_360 = arith.constant dense<0.000000e+00> : vector<1000x256xf32>
    %dot_general3A_361 = tpu.matmul %convert_element_type3A_356, %convert_element_type3A_25, %dot_general3A_360 {dimension_numbers = #tpu.dot_dimension_numbers<[1], [0], [0], [1], [0, 0, 1, 1], [], []>, transpose_lhs_hint = false} : vector<1000x128xbf16>, vector<128x256xbf16>, vector<1000x256xf32> -> vector<1000x256xf32>
    %dot_general3A_362 = arith.constant dense<0.000000e+00> : vector<1000x256xf32>
    %dot_general3A_363 = tpu.matmul %convert_element_type3A_356, %convert_element_type3A_28, %dot_general3A_362 {dimension_numbers = #tpu.dot_dimension_numbers<[1], [0], [0], [1], [0, 0, 1, 1], [], []>, transpose_lhs_hint = false} : vector<1000x128xbf16>, vector<128x256xbf16>, vector<1000x256xf32> -> vector<1000x256xf32>
    %add3A_364 = arith.addf %dot_general3A_361, %dot_general3A_363 : vector<1000x256xf32>
    %dot_general3A_365 = arith.constant dense<0.000000e+00> : vector<1000x256xf32>
    %dot_general3A_366 = tpu.matmul %convert_element_type3A_359, %convert_element_type3A_25, %dot_general3A_365 {dimension_numbers = #tpu.dot_dimension_numbers<[1], [0], [0], [1], [0, 0, 1, 1], [], []>, transpose_lhs_hint = false} : vector<1000x128xbf16>, vector<128x256xbf16>, vector<1000x256xf32> -> vector<1000x256xf32>
    %add3A_367 = arith.addf %add3A_364, %dot_general3A_366 : vector<1000x256xf32>
    %add3A_368 = arith.addf %add3A_367, %add3A_21 : vector<1000x256xf32>
    %max3A_369 = arith.constant 0.000000e+00 : f32
    %max3A_370 = vector.broadcast %max3A_369 : f32 to vector<1000x256xf32>
    %max3A_371 = arith.maximumf %add3A_368, %max3A_370 : vector<1000x256xf32>
    %convert_element_type3A_372 = arith.truncf %max3A_371 : vector<1000x256xf32> to vector<1000x256xbf16>
    %convert_element_type3A_373 = arith.extf %convert_element_type3A_372 : vector<1000x256xbf16> to vector<1000x256xf32>
    %sub3A_374 = arith.subf %max3A_371, %convert_element_type3A_373 : vector<1000x256xf32>
    %convert_element_type3A_375 = arith.truncf %sub3A_374 : vector<1000x256xf32> to vector<1000x256xbf16>
    %dot_general3A_376 = arith.constant dense<0.000000e+00> : vector<1000x256xf32>
    %dot_general3A_377 = tpu.matmul %convert_element_type3A_372, %convert_element_type3A_32, %dot_general3A_376 {dimension_numbers = #tpu.dot_dimension_numbers<[1], [0], [0], [1], [0, 0, 1, 1], [], []>, transpose_lhs_hint = false} : vector<1000x256xbf16>, vector<256x256xbf16>, vector<1000x256xf32> -> vector<1000x256xf32>
    %dot_general3A_378 = arith.constant dense<0.000000e+00> : vector<1000x256xf32>
    %dot_general3A_379 = tpu.matmul %convert_element_type3A_372, %convert_element_type3A_35, %dot_general3A_378 {dimension_numbers = #tpu.dot_dimension_numbers<[1], [0], [0], [1], [0, 0, 1, 1], [], []>, transpose_lhs_hint = false} : vector<1000x256xbf16>, vector<256x256xbf16>, vector<1000x256xf32> -> vector<1000x256xf32>
    %add3A_380 = arith.addf %dot_general3A_377, %dot_general3A_379 : vector<1000x256xf32>
    %dot_general3A_381 = arith.constant dense<0.000000e+00> : vector<1000x256xf32>
    %dot_general3A_382 = tpu.matmul %convert_element_type3A_375, %convert_element_type3A_32, %dot_general3A_381 {dimension_numbers = #tpu.dot_dimension_numbers<[1], [0], [0], [1], [0, 0, 1, 1], [], []>, transpose_lhs_hint = false} : vector<1000x256xbf16>, vector<256x256xbf16>, vector<1000x256xf32> -> vector<1000x256xf32>
    %add3A_383 = arith.addf %add3A_380, %dot_general3A_382 : vector<1000x256xf32>
    %add3A_384 = vector.broadcast %get3A_38 : vector<1x256xf32> to vector<1000x256xf32>
    %add3A_385 = arith.addf %add3A_383, %add3A_384 : vector<1000x256xf32>
    %max3A_386 = arith.constant 0.000000e+00 : f32
    %max3A_387 = vector.broadcast %max3A_386 : f32 to vector<1000x256xf32>
    %max3A_388 = arith.maximumf %add3A_385, %max3A_387 : vector<1000x256xf32>
    %max3A_389 = arith.maximumf %max3A_350, %max3A_388 : vector<1000x256xf32>
    %get3A_390 = arith.constant 9 : index
    %get3A_391 = arith.constant 0 : index
    %get3A_392 = arith.constant 0 : index
    %get3A_393 = vector.load %arg2[%get3A_390, %get3A_391, %get3A_392] : memref<20x1000x128xf32, #tpu.memory_space<vmem>>, vector<1x1000x128xf32>
    %get3A_394 = vector.shape_cast %get3A_393 : vector<1x1000x128xf32> to vector<1000x128xf32>
    %convert_element_type3A_395 = arith.truncf %get3A_394 : vector<1000x128xf32> to vector<1000x128xbf16>
    %convert_element_type3A_396 = arith.extf %convert_element_type3A_395 : vector<1000x128xbf16> to vector<1000x128xf32>
    %sub3A_397 = arith.subf %get3A_394, %convert_element_type3A_396 : vector<1000x128xf32>
    %convert_element_type3A_398 = arith.truncf %sub3A_397 : vector<1000x128xf32> to vector<1000x128xbf16>
    %dot_general3A_399 = arith.constant dense<0.000000e+00> : vector<1000x256xf32>
    %dot_general3A_400 = tpu.matmul %convert_element_type3A_395, %convert_element_type3A_25, %dot_general3A_399 {dimension_numbers = #tpu.dot_dimension_numbers<[1], [0], [0], [1], [0, 0, 1, 1], [], []>, transpose_lhs_hint = false} : vector<1000x128xbf16>, vector<128x256xbf16>, vector<1000x256xf32> -> vector<1000x256xf32>
    %dot_general3A_401 = arith.constant dense<0.000000e+00> : vector<1000x256xf32>
    %dot_general3A_402 = tpu.matmul %convert_element_type3A_395, %convert_element_type3A_28, %dot_general3A_401 {dimension_numbers = #tpu.dot_dimension_numbers<[1], [0], [0], [1], [0, 0, 1, 1], [], []>, transpose_lhs_hint = false} : vector<1000x128xbf16>, vector<128x256xbf16>, vector<1000x256xf32> -> vector<1000x256xf32>
    %add3A_403 = arith.addf %dot_general3A_400, %dot_general3A_402 : vector<1000x256xf32>
    %dot_general3A_404 = arith.constant dense<0.000000e+00> : vector<1000x256xf32>
    %dot_general3A_405 = tpu.matmul %convert_element_type3A_398, %convert_element_type3A_25, %dot_general3A_404 {dimension_numbers = #tpu.dot_dimension_numbers<[1], [0], [0], [1], [0, 0, 1, 1], [], []>, transpose_lhs_hint = false} : vector<1000x128xbf16>, vector<128x256xbf16>, vector<1000x256xf32> -> vector<1000x256xf32>
    %add3A_406 = arith.addf %add3A_403, %dot_general3A_405 : vector<1000x256xf32>
    %add3A_407 = arith.addf %add3A_406, %add3A_21 : vector<1000x256xf32>
    %max3A_408 = arith.constant 0.000000e+00 : f32
    %max3A_409 = vector.broadcast %max3A_408 : f32 to vector<1000x256xf32>
    %max3A_410 = arith.maximumf %add3A_407, %max3A_409 : vector<1000x256xf32>
    %convert_element_type3A_411 = arith.truncf %max3A_410 : vector<1000x256xf32> to vector<1000x256xbf16>
    %convert_element_type3A_412 = arith.extf %convert_element_type3A_411 : vector<1000x256xbf16> to vector<1000x256xf32>
    %sub3A_413 = arith.subf %max3A_410, %convert_element_type3A_412 : vector<1000x256xf32>
    %convert_element_type3A_414 = arith.truncf %sub3A_413 : vector<1000x256xf32> to vector<1000x256xbf16>
    %dot_general3A_415 = arith.constant dense<0.000000e+00> : vector<1000x256xf32>
    %dot_general3A_416 = tpu.matmul %convert_element_type3A_411, %convert_element_type3A_32, %dot_general3A_415 {dimension_numbers = #tpu.dot_dimension_numbers<[1], [0], [0], [1], [0, 0, 1, 1], [], []>, transpose_lhs_hint = false} : vector<1000x256xbf16>, vector<256x256xbf16>, vector<1000x256xf32> -> vector<1000x256xf32>
    %dot_general3A_417 = arith.constant dense<0.000000e+00> : vector<1000x256xf32>
    %dot_general3A_418 = tpu.matmul %convert_element_type3A_411, %convert_element_type3A_35, %dot_general3A_417 {dimension_numbers = #tpu.dot_dimension_numbers<[1], [0], [0], [1], [0, 0, 1, 1], [], []>, transpose_lhs_hint = false} : vector<1000x256xbf16>, vector<256x256xbf16>, vector<1000x256xf32> -> vector<1000x256xf32>
    %add3A_419 = arith.addf %dot_general3A_416, %dot_general3A_418 : vector<1000x256xf32>
    %dot_general3A_420 = arith.constant dense<0.000000e+00> : vector<1000x256xf32>
    %dot_general3A_421 = tpu.matmul %convert_element_type3A_414, %convert_element_type3A_32, %dot_general3A_420 {dimension_numbers = #tpu.dot_dimension_numbers<[1], [0], [0], [1], [0, 0, 1, 1], [], []>, transpose_lhs_hint = false} : vector<1000x256xbf16>, vector<256x256xbf16>, vector<1000x256xf32> -> vector<1000x256xf32>
    %add3A_422 = arith.addf %add3A_419, %dot_general3A_421 : vector<1000x256xf32>
    %add3A_423 = vector.broadcast %get3A_38 : vector<1x256xf32> to vector<1000x256xf32>
    %add3A_424 = arith.addf %add3A_422, %add3A_423 : vector<1000x256xf32>
    %max3A_425 = arith.constant 0.000000e+00 : f32
    %max3A_426 = vector.broadcast %max3A_425 : f32 to vector<1000x256xf32>
    %max3A_427 = arith.maximumf %add3A_424, %max3A_426 : vector<1000x256xf32>
    %max3A_428 = arith.maximumf %max3A_389, %max3A_427 : vector<1000x256xf32>
    %get3A_429 = arith.constant 10 : index
    %get3A_430 = arith.constant 0 : index
    %get3A_431 = arith.constant 0 : index
    %get3A_432 = vector.load %arg2[%get3A_429, %get3A_430, %get3A_431] : memref<20x1000x128xf32, #tpu.memory_space<vmem>>, vector<1x1000x128xf32>
    %get3A_433 = vector.shape_cast %get3A_432 : vector<1x1000x128xf32> to vector<1000x128xf32>
    %convert_element_type3A_434 = arith.truncf %get3A_433 : vector<1000x128xf32> to vector<1000x128xbf16>
    %convert_element_type3A_435 = arith.extf %convert_element_type3A_434 : vector<1000x128xbf16> to vector<1000x128xf32>
    %sub3A_436 = arith.subf %get3A_433, %convert_element_type3A_435 : vector<1000x128xf32>
    %convert_element_type3A_437 = arith.truncf %sub3A_436 : vector<1000x128xf32> to vector<1000x128xbf16>
    %dot_general3A_438 = arith.constant dense<0.000000e+00> : vector<1000x256xf32>
    %dot_general3A_439 = tpu.matmul %convert_element_type3A_434, %convert_element_type3A_25, %dot_general3A_438 {dimension_numbers = #tpu.dot_dimension_numbers<[1], [0], [0], [1], [0, 0, 1, 1], [], []>, transpose_lhs_hint = false} : vector<1000x128xbf16>, vector<128x256xbf16>, vector<1000x256xf32> -> vector<1000x256xf32>
    %dot_general3A_440 = arith.constant dense<0.000000e+00> : vector<1000x256xf32>
    %dot_general3A_441 = tpu.matmul %convert_element_type3A_434, %convert_element_type3A_28, %dot_general3A_440 {dimension_numbers = #tpu.dot_dimension_numbers<[1], [0], [0], [1], [0, 0, 1, 1], [], []>, transpose_lhs_hint = false} : vector<1000x128xbf16>, vector<128x256xbf16>, vector<1000x256xf32> -> vector<1000x256xf32>
    %add3A_442 = arith.addf %dot_general3A_439, %dot_general3A_441 : vector<1000x256xf32>
    %dot_general3A_443 = arith.constant dense<0.000000e+00> : vector<1000x256xf32>
    %dot_general3A_444 = tpu.matmul %convert_element_type3A_437, %convert_element_type3A_25, %dot_general3A_443 {dimension_numbers = #tpu.dot_dimension_numbers<[1], [0], [0], [1], [0, 0, 1, 1], [], []>, transpose_lhs_hint = false} : vector<1000x128xbf16>, vector<128x256xbf16>, vector<1000x256xf32> -> vector<1000x256xf32>
    %add3A_445 = arith.addf %add3A_442, %dot_general3A_444 : vector<1000x256xf32>
    %add3A_446 = arith.addf %add3A_445, %add3A_21 : vector<1000x256xf32>
    %max3A_447 = arith.constant 0.000000e+00 : f32
    %max3A_448 = vector.broadcast %max3A_447 : f32 to vector<1000x256xf32>
    %max3A_449 = arith.maximumf %add3A_446, %max3A_448 : vector<1000x256xf32>
    %convert_element_type3A_450 = arith.truncf %max3A_449 : vector<1000x256xf32> to vector<1000x256xbf16>
    %convert_element_type3A_451 = arith.extf %convert_element_type3A_450 : vector<1000x256xbf16> to vector<1000x256xf32>
    %sub3A_452 = arith.subf %max3A_449, %convert_element_type3A_451 : vector<1000x256xf32>
    %convert_element_type3A_453 = arith.truncf %sub3A_452 : vector<1000x256xf32> to vector<1000x256xbf16>
    %dot_general3A_454 = arith.constant dense<0.000000e+00> : vector<1000x256xf32>
    %dot_general3A_455 = tpu.matmul %convert_element_type3A_450, %convert_element_type3A_32, %dot_general3A_454 {dimension_numbers = #tpu.dot_dimension_numbers<[1], [0], [0], [1], [0, 0, 1, 1], [], []>, transpose_lhs_hint = false} : vector<1000x256xbf16>, vector<256x256xbf16>, vector<1000x256xf32> -> vector<1000x256xf32>
    %dot_general3A_456 = arith.constant dense<0.000000e+00> : vector<1000x256xf32>
    %dot_general3A_457 = tpu.matmul %convert_element_type3A_450, %convert_element_type3A_35, %dot_general3A_456 {dimension_numbers = #tpu.dot_dimension_numbers<[1], [0], [0], [1], [0, 0, 1, 1], [], []>, transpose_lhs_hint = false} : vector<1000x256xbf16>, vector<256x256xbf16>, vector<1000x256xf32> -> vector<1000x256xf32>
    %add3A_458 = arith.addf %dot_general3A_455, %dot_general3A_457 : vector<1000x256xf32>
    %dot_general3A_459 = arith.constant dense<0.000000e+00> : vector<1000x256xf32>
    %dot_general3A_460 = tpu.matmul %convert_element_type3A_453, %convert_element_type3A_32, %dot_general3A_459 {dimension_numbers = #tpu.dot_dimension_numbers<[1], [0], [0], [1], [0, 0, 1, 1], [], []>, transpose_lhs_hint = false} : vector<1000x256xbf16>, vector<256x256xbf16>, vector<1000x256xf32> -> vector<1000x256xf32>
    %add3A_461 = arith.addf %add3A_458, %dot_general3A_460 : vector<1000x256xf32>
    %add3A_462 = vector.broadcast %get3A_38 : vector<1x256xf32> to vector<1000x256xf32>
    %add3A_463 = arith.addf %add3A_461, %add3A_462 : vector<1000x256xf32>
    %max3A_464 = arith.constant 0.000000e+00 : f32
    %max3A_465 = vector.broadcast %max3A_464 : f32 to vector<1000x256xf32>
    %max3A_466 = arith.maximumf %add3A_463, %max3A_465 : vector<1000x256xf32>
    %max3A_467 = arith.maximumf %max3A_428, %max3A_466 : vector<1000x256xf32>
    %get3A_468 = arith.constant 11 : index
    %get3A_469 = arith.constant 0 : index
    %get3A_470 = arith.constant 0 : index
    %get3A_471 = vector.load %arg2[%get3A_468, %get3A_469, %get3A_470] : memref<20x1000x128xf32, #tpu.memory_space<vmem>>, vector<1x1000x128xf32>
    %get3A_472 = vector.shape_cast %get3A_471 : vector<1x1000x128xf32> to vector<1000x128xf32>
    %convert_element_type3A_473 = arith.truncf %get3A_472 : vector<1000x128xf32> to vector<1000x128xbf16>
    %convert_element_type3A_474 = arith.extf %convert_element_type3A_473 : vector<1000x128xbf16> to vector<1000x128xf32>
    %sub3A_475 = arith.subf %get3A_472, %convert_element_type3A_474 : vector<1000x128xf32>
    %convert_element_type3A_476 = arith.truncf %sub3A_475 : vector<1000x128xf32> to vector<1000x128xbf16>
    %dot_general3A_477 = arith.constant dense<0.000000e+00> : vector<1000x256xf32>
    %dot_general3A_478 = tpu.matmul %convert_element_type3A_473, %convert_element_type3A_25, %dot_general3A_477 {dimension_numbers = #tpu.dot_dimension_numbers<[1], [0], [0], [1], [0, 0, 1, 1], [], []>, transpose_lhs_hint = false} : vector<1000x128xbf16>, vector<128x256xbf16>, vector<1000x256xf32> -> vector<1000x256xf32>
    %dot_general3A_479 = arith.constant dense<0.000000e+00> : vector<1000x256xf32>
    %dot_general3A_480 = tpu.matmul %convert_element_type3A_473, %convert_element_type3A_28, %dot_general3A_479 {dimension_numbers = #tpu.dot_dimension_numbers<[1], [0], [0], [1], [0, 0, 1, 1], [], []>, transpose_lhs_hint = false} : vector<1000x128xbf16>, vector<128x256xbf16>, vector<1000x256xf32> -> vector<1000x256xf32>
    %add3A_481 = arith.addf %dot_general3A_478, %dot_general3A_480 : vector<1000x256xf32>
    %dot_general3A_482 = arith.constant dense<0.000000e+00> : vector<1000x256xf32>
    %dot_general3A_483 = tpu.matmul %convert_element_type3A_476, %convert_element_type3A_25, %dot_general3A_482 {dimension_numbers = #tpu.dot_dimension_numbers<[1], [0], [0], [1], [0, 0, 1, 1], [], []>, transpose_lhs_hint = false} : vector<1000x128xbf16>, vector<128x256xbf16>, vector<1000x256xf32> -> vector<1000x256xf32>
    %add3A_484 = arith.addf %add3A_481, %dot_general3A_483 : vector<1000x256xf32>
    %add3A_485 = arith.addf %add3A_484, %add3A_21 : vector<1000x256xf32>
    %max3A_486 = arith.constant 0.000000e+00 : f32
    %max3A_487 = vector.broadcast %max3A_486 : f32 to vector<1000x256xf32>
    %max3A_488 = arith.maximumf %add3A_485, %max3A_487 : vector<1000x256xf32>
    %convert_element_type3A_489 = arith.truncf %max3A_488 : vector<1000x256xf32> to vector<1000x256xbf16>
    %convert_element_type3A_490 = arith.extf %convert_element_type3A_489 : vector<1000x256xbf16> to vector<1000x256xf32>
    %sub3A_491 = arith.subf %max3A_488, %convert_element_type3A_490 : vector<1000x256xf32>
    %convert_element_type3A_492 = arith.truncf %sub3A_491 : vector<1000x256xf32> to vector<1000x256xbf16>
    %dot_general3A_493 = arith.constant dense<0.000000e+00> : vector<1000x256xf32>
    %dot_general3A_494 = tpu.matmul %convert_element_type3A_489, %convert_element_type3A_32, %dot_general3A_493 {dimension_numbers = #tpu.dot_dimension_numbers<[1], [0], [0], [1], [0, 0, 1, 1], [], []>, transpose_lhs_hint = false} : vector<1000x256xbf16>, vector<256x256xbf16>, vector<1000x256xf32> -> vector<1000x256xf32>
    %dot_general3A_495 = arith.constant dense<0.000000e+00> : vector<1000x256xf32>
    %dot_general3A_496 = tpu.matmul %convert_element_type3A_489, %convert_element_type3A_35, %dot_general3A_495 {dimension_numbers = #tpu.dot_dimension_numbers<[1], [0], [0], [1], [0, 0, 1, 1], [], []>, transpose_lhs_hint = false} : vector<1000x256xbf16>, vector<256x256xbf16>, vector<1000x256xf32> -> vector<1000x256xf32>
    %add3A_497 = arith.addf %dot_general3A_494, %dot_general3A_496 : vector<1000x256xf32>
    %dot_general3A_498 = arith.constant dense<0.000000e+00> : vector<1000x256xf32>
    %dot_general3A_499 = tpu.matmul %convert_element_type3A_492, %convert_element_type3A_32, %dot_general3A_498 {dimension_numbers = #tpu.dot_dimension_numbers<[1], [0], [0], [1], [0, 0, 1, 1], [], []>, transpose_lhs_hint = false} : vector<1000x256xbf16>, vector<256x256xbf16>, vector<1000x256xf32> -> vector<1000x256xf32>
    %add3A_500 = arith.addf %add3A_497, %dot_general3A_499 : vector<1000x256xf32>
    %add3A_501 = vector.broadcast %get3A_38 : vector<1x256xf32> to vector<1000x256xf32>
    %add3A_502 = arith.addf %add3A_500, %add3A_501 : vector<1000x256xf32>
    %max3A_503 = arith.constant 0.000000e+00 : f32
    %max3A_504 = vector.broadcast %max3A_503 : f32 to vector<1000x256xf32>
    %max3A_505 = arith.maximumf %add3A_502, %max3A_504 : vector<1000x256xf32>
    %max3A_506 = arith.maximumf %max3A_467, %max3A_505 : vector<1000x256xf32>
    %get3A_507 = arith.constant 12 : index
    %get3A_508 = arith.constant 0 : index
    %get3A_509 = arith.constant 0 : index
    %get3A_510 = vector.load %arg2[%get3A_507, %get3A_508, %get3A_509] : memref<20x1000x128xf32, #tpu.memory_space<vmem>>, vector<1x1000x128xf32>
    %get3A_511 = vector.shape_cast %get3A_510 : vector<1x1000x128xf32> to vector<1000x128xf32>
    %convert_element_type3A_512 = arith.truncf %get3A_511 : vector<1000x128xf32> to vector<1000x128xbf16>
    %convert_element_type3A_513 = arith.extf %convert_element_type3A_512 : vector<1000x128xbf16> to vector<1000x128xf32>
    %sub3A_514 = arith.subf %get3A_511, %convert_element_type3A_513 : vector<1000x128xf32>
    %convert_element_type3A_515 = arith.truncf %sub3A_514 : vector<1000x128xf32> to vector<1000x128xbf16>
    %dot_general3A_516 = arith.constant dense<0.000000e+00> : vector<1000x256xf32>
    %dot_general3A_517 = tpu.matmul %convert_element_type3A_512, %convert_element_type3A_25, %dot_general3A_516 {dimension_numbers = #tpu.dot_dimension_numbers<[1], [0], [0], [1], [0, 0, 1, 1], [], []>, transpose_lhs_hint = false} : vector<1000x128xbf16>, vector<128x256xbf16>, vector<1000x256xf32> -> vector<1000x256xf32>
    %dot_general3A_518 = arith.constant dense<0.000000e+00> : vector<1000x256xf32>
    %dot_general3A_519 = tpu.matmul %convert_element_type3A_512, %convert_element_type3A_28, %dot_general3A_518 {dimension_numbers = #tpu.dot_dimension_numbers<[1], [0], [0], [1], [0, 0, 1, 1], [], []>, transpose_lhs_hint = false} : vector<1000x128xbf16>, vector<128x256xbf16>, vector<1000x256xf32> -> vector<1000x256xf32>
    %add3A_520 = arith.addf %dot_general3A_517, %dot_general3A_519 : vector<1000x256xf32>
    %dot_general3A_521 = arith.constant dense<0.000000e+00> : vector<1000x256xf32>
    %dot_general3A_522 = tpu.matmul %convert_element_type3A_515, %convert_element_type3A_25, %dot_general3A_521 {dimension_numbers = #tpu.dot_dimension_numbers<[1], [0], [0], [1], [0, 0, 1, 1], [], []>, transpose_lhs_hint = false} : vector<1000x128xbf16>, vector<128x256xbf16>, vector<1000x256xf32> -> vector<1000x256xf32>
    %add3A_523 = arith.addf %add3A_520, %dot_general3A_522 : vector<1000x256xf32>
    %add3A_524 = arith.addf %add3A_523, %add3A_21 : vector<1000x256xf32>
    %max3A_525 = arith.constant 0.000000e+00 : f32
    %max3A_526 = vector.broadcast %max3A_525 : f32 to vector<1000x256xf32>
    %max3A_527 = arith.maximumf %add3A_524, %max3A_526 : vector<1000x256xf32>
    %convert_element_type3A_528 = arith.truncf %max3A_527 : vector<1000x256xf32> to vector<1000x256xbf16>
    %convert_element_type3A_529 = arith.extf %convert_element_type3A_528 : vector<1000x256xbf16> to vector<1000x256xf32>
    %sub3A_530 = arith.subf %max3A_527, %convert_element_type3A_529 : vector<1000x256xf32>
    %convert_element_type3A_531 = arith.truncf %sub3A_530 : vector<1000x256xf32> to vector<1000x256xbf16>
    %dot_general3A_532 = arith.constant dense<0.000000e+00> : vector<1000x256xf32>
    %dot_general3A_533 = tpu.matmul %convert_element_type3A_528, %convert_element_type3A_32, %dot_general3A_532 {dimension_numbers = #tpu.dot_dimension_numbers<[1], [0], [0], [1], [0, 0, 1, 1], [], []>, transpose_lhs_hint = false} : vector<1000x256xbf16>, vector<256x256xbf16>, vector<1000x256xf32> -> vector<1000x256xf32>
    %dot_general3A_534 = arith.constant dense<0.000000e+00> : vector<1000x256xf32>
    %dot_general3A_535 = tpu.matmul %convert_element_type3A_528, %convert_element_type3A_35, %dot_general3A_534 {dimension_numbers = #tpu.dot_dimension_numbers<[1], [0], [0], [1], [0, 0, 1, 1], [], []>, transpose_lhs_hint = false} : vector<1000x256xbf16>, vector<256x256xbf16>, vector<1000x256xf32> -> vector<1000x256xf32>
    %add3A_536 = arith.addf %dot_general3A_533, %dot_general3A_535 : vector<1000x256xf32>
    %dot_general3A_537 = arith.constant dense<0.000000e+00> : vector<1000x256xf32>
    %dot_general3A_538 = tpu.matmul %convert_element_type3A_531, %convert_element_type3A_32, %dot_general3A_537 {dimension_numbers = #tpu.dot_dimension_numbers<[1], [0], [0], [1], [0, 0, 1, 1], [], []>, transpose_lhs_hint = false} : vector<1000x256xbf16>, vector<256x256xbf16>, vector<1000x256xf32> -> vector<1000x256xf32>
    %add3A_539 = arith.addf %add3A_536, %dot_general3A_538 : vector<1000x256xf32>
    %add3A_540 = vector.broadcast %get3A_38 : vector<1x256xf32> to vector<1000x256xf32>
    %add3A_541 = arith.addf %add3A_539, %add3A_540 : vector<1000x256xf32>
    %max3A_542 = arith.constant 0.000000e+00 : f32
    %max3A_543 = vector.broadcast %max3A_542 : f32 to vector<1000x256xf32>
    %max3A_544 = arith.maximumf %add3A_541, %max3A_543 : vector<1000x256xf32>
    %max3A_545 = arith.maximumf %max3A_506, %max3A_544 : vector<1000x256xf32>
    %get3A_546 = arith.constant 13 : index
    %get3A_547 = arith.constant 0 : index
    %get3A_548 = arith.constant 0 : index
    %get3A_549 = vector.load %arg2[%get3A_546, %get3A_547, %get3A_548] : memref<20x1000x128xf32, #tpu.memory_space<vmem>>, vector<1x1000x128xf32>
    %get3A_550 = vector.shape_cast %get3A_549 : vector<1x1000x128xf32> to vector<1000x128xf32>
    %convert_element_type3A_551 = arith.truncf %get3A_550 : vector<1000x128xf32> to vector<1000x128xbf16>
    %convert_element_type3A_552 = arith.extf %convert_element_type3A_551 : vector<1000x128xbf16> to vector<1000x128xf32>
    %sub3A_553 = arith.subf %get3A_550, %convert_element_type3A_552 : vector<1000x128xf32>
    %convert_element_type3A_554 = arith.truncf %sub3A_553 : vector<1000x128xf32> to vector<1000x128xbf16>
    %dot_general3A_555 = arith.constant dense<0.000000e+00> : vector<1000x256xf32>
    %dot_general3A_556 = tpu.matmul %convert_element_type3A_551, %convert_element_type3A_25, %dot_general3A_555 {dimension_numbers = #tpu.dot_dimension_numbers<[1], [0], [0], [1], [0, 0, 1, 1], [], []>, transpose_lhs_hint = false} : vector<1000x128xbf16>, vector<128x256xbf16>, vector<1000x256xf32> -> vector<1000x256xf32>
    %dot_general3A_557 = arith.constant dense<0.000000e+00> : vector<1000x256xf32>
    %dot_general3A_558 = tpu.matmul %convert_element_type3A_551, %convert_element_type3A_28, %dot_general3A_557 {dimension_numbers = #tpu.dot_dimension_numbers<[1], [0], [0], [1], [0, 0, 1, 1], [], []>, transpose_lhs_hint = false} : vector<1000x128xbf16>, vector<128x256xbf16>, vector<1000x256xf32> -> vector<1000x256xf32>
    %add3A_559 = arith.addf %dot_general3A_556, %dot_general3A_558 : vector<1000x256xf32>
    %dot_general3A_560 = arith.constant dense<0.000000e+00> : vector<1000x256xf32>
    %dot_general3A_561 = tpu.matmul %convert_element_type3A_554, %convert_element_type3A_25, %dot_general3A_560 {dimension_numbers = #tpu.dot_dimension_numbers<[1], [0], [0], [1], [0, 0, 1, 1], [], []>, transpose_lhs_hint = false} : vector<1000x128xbf16>, vector<128x256xbf16>, vector<1000x256xf32> -> vector<1000x256xf32>
    %add3A_562 = arith.addf %add3A_559, %dot_general3A_561 : vector<1000x256xf32>
    %add3A_563 = arith.addf %add3A_562, %add3A_21 : vector<1000x256xf32>
    %max3A_564 = arith.constant 0.000000e+00 : f32
    %max3A_565 = vector.broadcast %max3A_564 : f32 to vector<1000x256xf32>
    %max3A_566 = arith.maximumf %add3A_563, %max3A_565 : vector<1000x256xf32>
    %convert_element_type3A_567 = arith.truncf %max3A_566 : vector<1000x256xf32> to vector<1000x256xbf16>
    %convert_element_type3A_568 = arith.extf %convert_element_type3A_567 : vector<1000x256xbf16> to vector<1000x256xf32>
    %sub3A_569 = arith.subf %max3A_566, %convert_element_type3A_568 : vector<1000x256xf32>
    %convert_element_type3A_570 = arith.truncf %sub3A_569 : vector<1000x256xf32> to vector<1000x256xbf16>
    %dot_general3A_571 = arith.constant dense<0.000000e+00> : vector<1000x256xf32>
    %dot_general3A_572 = tpu.matmul %convert_element_type3A_567, %convert_element_type3A_32, %dot_general3A_571 {dimension_numbers = #tpu.dot_dimension_numbers<[1], [0], [0], [1], [0, 0, 1, 1], [], []>, transpose_lhs_hint = false} : vector<1000x256xbf16>, vector<256x256xbf16>, vector<1000x256xf32> -> vector<1000x256xf32>
    %dot_general3A_573 = arith.constant dense<0.000000e+00> : vector<1000x256xf32>
    %dot_general3A_574 = tpu.matmul %convert_element_type3A_567, %convert_element_type3A_35, %dot_general3A_573 {dimension_numbers = #tpu.dot_dimension_numbers<[1], [0], [0], [1], [0, 0, 1, 1], [], []>, transpose_lhs_hint = false} : vector<1000x256xbf16>, vector<256x256xbf16>, vector<1000x256xf32> -> vector<1000x256xf32>
    %add3A_575 = arith.addf %dot_general3A_572, %dot_general3A_574 : vector<1000x256xf32>
    %dot_general3A_576 = arith.constant dense<0.000000e+00> : vector<1000x256xf32>
    %dot_general3A_577 = tpu.matmul %convert_element_type3A_570, %convert_element_type3A_32, %dot_general3A_576 {dimension_numbers = #tpu.dot_dimension_numbers<[1], [0], [0], [1], [0, 0, 1, 1], [], []>, transpose_lhs_hint = false} : vector<1000x256xbf16>, vector<256x256xbf16>, vector<1000x256xf32> -> vector<1000x256xf32>
    %add3A_578 = arith.addf %add3A_575, %dot_general3A_577 : vector<1000x256xf32>
    %add3A_579 = vector.broadcast %get3A_38 : vector<1x256xf32> to vector<1000x256xf32>
    %add3A_580 = arith.addf %add3A_578, %add3A_579 : vector<1000x256xf32>
    %max3A_581 = arith.constant 0.000000e+00 : f32
    %max3A_582 = vector.broadcast %max3A_581 : f32 to vector<1000x256xf32>
    %max3A_583 = arith.maximumf %add3A_580, %max3A_582 : vector<1000x256xf32>
    %max3A_584 = arith.maximumf %max3A_545, %max3A_583 : vector<1000x256xf32>
    %get3A_585 = arith.constant 14 : index
    %get3A_586 = arith.constant 0 : index
    %get3A_587 = arith.constant 0 : index
    %get3A_588 = vector.load %arg2[%get3A_585, %get3A_586, %get3A_587] : memref<20x1000x128xf32, #tpu.memory_space<vmem>>, vector<1x1000x128xf32>
    %get3A_589 = vector.shape_cast %get3A_588 : vector<1x1000x128xf32> to vector<1000x128xf32>
    %convert_element_type3A_590 = arith.truncf %get3A_589 : vector<1000x128xf32> to vector<1000x128xbf16>
    %convert_element_type3A_591 = arith.extf %convert_element_type3A_590 : vector<1000x128xbf16> to vector<1000x128xf32>
    %sub3A_592 = arith.subf %get3A_589, %convert_element_type3A_591 : vector<1000x128xf32>
    %convert_element_type3A_593 = arith.truncf %sub3A_592 : vector<1000x128xf32> to vector<1000x128xbf16>
    %dot_general3A_594 = arith.constant dense<0.000000e+00> : vector<1000x256xf32>
    %dot_general3A_595 = tpu.matmul %convert_element_type3A_590, %convert_element_type3A_25, %dot_general3A_594 {dimension_numbers = #tpu.dot_dimension_numbers<[1], [0], [0], [1], [0, 0, 1, 1], [], []>, transpose_lhs_hint = false} : vector<1000x128xbf16>, vector<128x256xbf16>, vector<1000x256xf32> -> vector<1000x256xf32>
    %dot_general3A_596 = arith.constant dense<0.000000e+00> : vector<1000x256xf32>
    %dot_general3A_597 = tpu.matmul %convert_element_type3A_590, %convert_element_type3A_28, %dot_general3A_596 {dimension_numbers = #tpu.dot_dimension_numbers<[1], [0], [0], [1], [0, 0, 1, 1], [], []>, transpose_lhs_hint = false} : vector<1000x128xbf16>, vector<128x256xbf16>, vector<1000x256xf32> -> vector<1000x256xf32>
    %add3A_598 = arith.addf %dot_general3A_595, %dot_general3A_597 : vector<1000x256xf32>
    %dot_general3A_599 = arith.constant dense<0.000000e+00> : vector<1000x256xf32>
    %dot_general3A_600 = tpu.matmul %convert_element_type3A_593, %convert_element_type3A_25, %dot_general3A_599 {dimension_numbers = #tpu.dot_dimension_numbers<[1], [0], [0], [1], [0, 0, 1, 1], [], []>, transpose_lhs_hint = false} : vector<1000x128xbf16>, vector<128x256xbf16>, vector<1000x256xf32> -> vector<1000x256xf32>
    %add3A_601 = arith.addf %add3A_598, %dot_general3A_600 : vector<1000x256xf32>
    %add3A_602 = arith.addf %add3A_601, %add3A_21 : vector<1000x256xf32>
    %max3A_603 = arith.constant 0.000000e+00 : f32
    %max3A_604 = vector.broadcast %max3A_603 : f32 to vector<1000x256xf32>
    %max3A_605 = arith.maximumf %add3A_602, %max3A_604 : vector<1000x256xf32>
    %convert_element_type3A_606 = arith.truncf %max3A_605 : vector<1000x256xf32> to vector<1000x256xbf16>
    %convert_element_type3A_607 = arith.extf %convert_element_type3A_606 : vector<1000x256xbf16> to vector<1000x256xf32>
    %sub3A_608 = arith.subf %max3A_605, %convert_element_type3A_607 : vector<1000x256xf32>
    %convert_element_type3A_609 = arith.truncf %sub3A_608 : vector<1000x256xf32> to vector<1000x256xbf16>
    %dot_general3A_610 = arith.constant dense<0.000000e+00> : vector<1000x256xf32>
    %dot_general3A_611 = tpu.matmul %convert_element_type3A_606, %convert_element_type3A_32, %dot_general3A_610 {dimension_numbers = #tpu.dot_dimension_numbers<[1], [0], [0], [1], [0, 0, 1, 1], [], []>, transpose_lhs_hint = false} : vector<1000x256xbf16>, vector<256x256xbf16>, vector<1000x256xf32> -> vector<1000x256xf32>
    %dot_general3A_612 = arith.constant dense<0.000000e+00> : vector<1000x256xf32>
    %dot_general3A_613 = tpu.matmul %convert_element_type3A_606, %convert_element_type3A_35, %dot_general3A_612 {dimension_numbers = #tpu.dot_dimension_numbers<[1], [0], [0], [1], [0, 0, 1, 1], [], []>, transpose_lhs_hint = false} : vector<1000x256xbf16>, vector<256x256xbf16>, vector<1000x256xf32> -> vector<1000x256xf32>
    %add3A_614 = arith.addf %dot_general3A_611, %dot_general3A_613 : vector<1000x256xf32>
    %dot_general3A_615 = arith.constant dense<0.000000e+00> : vector<1000x256xf32>
    %dot_general3A_616 = tpu.matmul %convert_element_type3A_609, %convert_element_type3A_32, %dot_general3A_615 {dimension_numbers = #tpu.dot_dimension_numbers<[1], [0], [0], [1], [0, 0, 1, 1], [], []>, transpose_lhs_hint = false} : vector<1000x256xbf16>, vector<256x256xbf16>, vector<1000x256xf32> -> vector<1000x256xf32>
    %add3A_617 = arith.addf %add3A_614, %dot_general3A_616 : vector<1000x256xf32>
    %add3A_618 = vector.broadcast %get3A_38 : vector<1x256xf32> to vector<1000x256xf32>
    %add3A_619 = arith.addf %add3A_617, %add3A_618 : vector<1000x256xf32>
    %max3A_620 = arith.constant 0.000000e+00 : f32
    %max3A_621 = vector.broadcast %max3A_620 : f32 to vector<1000x256xf32>
    %max3A_622 = arith.maximumf %add3A_619, %max3A_621 : vector<1000x256xf32>
    %max3A_623 = arith.maximumf %max3A_584, %max3A_622 : vector<1000x256xf32>
    %get3A_624 = arith.constant 15 : index
    %get3A_625 = arith.constant 0 : index
    %get3A_626 = arith.constant 0 : index
    %get3A_627 = vector.load %arg2[%get3A_624, %get3A_625, %get3A_626] : memref<20x1000x128xf32, #tpu.memory_space<vmem>>, vector<1x1000x128xf32>
    %get3A_628 = vector.shape_cast %get3A_627 : vector<1x1000x128xf32> to vector<1000x128xf32>
    %convert_element_type3A_629 = arith.truncf %get3A_628 : vector<1000x128xf32> to vector<1000x128xbf16>
    %convert_element_type3A_630 = arith.extf %convert_element_type3A_629 : vector<1000x128xbf16> to vector<1000x128xf32>
    %sub3A_631 = arith.subf %get3A_628, %convert_element_type3A_630 : vector<1000x128xf32>
    %convert_element_type3A_632 = arith.truncf %sub3A_631 : vector<1000x128xf32> to vector<1000x128xbf16>
    %dot_general3A_633 = arith.constant dense<0.000000e+00> : vector<1000x256xf32>
    %dot_general3A_634 = tpu.matmul %convert_element_type3A_629, %convert_element_type3A_25, %dot_general3A_633 {dimension_numbers = #tpu.dot_dimension_numbers<[1], [0], [0], [1], [0, 0, 1, 1], [], []>, transpose_lhs_hint = false} : vector<1000x128xbf16>, vector<128x256xbf16>, vector<1000x256xf32> -> vector<1000x256xf32>
    %dot_general3A_635 = arith.constant dense<0.000000e+00> : vector<1000x256xf32>
    %dot_general3A_636 = tpu.matmul %convert_element_type3A_629, %convert_element_type3A_28, %dot_general3A_635 {dimension_numbers = #tpu.dot_dimension_numbers<[1], [0], [0], [1], [0, 0, 1, 1], [], []>, transpose_lhs_hint = false} : vector<1000x128xbf16>, vector<128x256xbf16>, vector<1000x256xf32> -> vector<1000x256xf32>
    %add3A_637 = arith.addf %dot_general3A_634, %dot_general3A_636 : vector<1000x256xf32>
    %dot_general3A_638 = arith.constant dense<0.000000e+00> : vector<1000x256xf32>
    %dot_general3A_639 = tpu.matmul %convert_element_type3A_632, %convert_element_type3A_25, %dot_general3A_638 {dimension_numbers = #tpu.dot_dimension_numbers<[1], [0], [0], [1], [0, 0, 1, 1], [], []>, transpose_lhs_hint = false} : vector<1000x128xbf16>, vector<128x256xbf16>, vector<1000x256xf32> -> vector<1000x256xf32>
    %add3A_640 = arith.addf %add3A_637, %dot_general3A_639 : vector<1000x256xf32>
    %add3A_641 = arith.addf %add3A_640, %add3A_21 : vector<1000x256xf32>
    %max3A_642 = arith.constant 0.000000e+00 : f32
    %max3A_643 = vector.broadcast %max3A_642 : f32 to vector<1000x256xf32>
    %max3A_644 = arith.maximumf %add3A_641, %max3A_643 : vector<1000x256xf32>
    %convert_element_type3A_645 = arith.truncf %max3A_644 : vector<1000x256xf32> to vector<1000x256xbf16>
    %convert_element_type3A_646 = arith.extf %convert_element_type3A_645 : vector<1000x256xbf16> to vector<1000x256xf32>
    %sub3A_647 = arith.subf %max3A_644, %convert_element_type3A_646 : vector<1000x256xf32>
    %convert_element_type3A_648 = arith.truncf %sub3A_647 : vector<1000x256xf32> to vector<1000x256xbf16>
    %dot_general3A_649 = arith.constant dense<0.000000e+00> : vector<1000x256xf32>
    %dot_general3A_650 = tpu.matmul %convert_element_type3A_645, %convert_element_type3A_32, %dot_general3A_649 {dimension_numbers = #tpu.dot_dimension_numbers<[1], [0], [0], [1], [0, 0, 1, 1], [], []>, transpose_lhs_hint = false} : vector<1000x256xbf16>, vector<256x256xbf16>, vector<1000x256xf32> -> vector<1000x256xf32>
    %dot_general3A_651 = arith.constant dense<0.000000e+00> : vector<1000x256xf32>
    %dot_general3A_652 = tpu.matmul %convert_element_type3A_645, %convert_element_type3A_35, %dot_general3A_651 {dimension_numbers = #tpu.dot_dimension_numbers<[1], [0], [0], [1], [0, 0, 1, 1], [], []>, transpose_lhs_hint = false} : vector<1000x256xbf16>, vector<256x256xbf16>, vector<1000x256xf32> -> vector<1000x256xf32>
    %add3A_653 = arith.addf %dot_general3A_650, %dot_general3A_652 : vector<1000x256xf32>
    %dot_general3A_654 = arith.constant dense<0.000000e+00> : vector<1000x256xf32>
    %dot_general3A_655 = tpu.matmul %convert_element_type3A_648, %convert_element_type3A_32, %dot_general3A_654 {dimension_numbers = #tpu.dot_dimension_numbers<[1], [0], [0], [1], [0, 0, 1, 1], [], []>, transpose_lhs_hint = false} : vector<1000x256xbf16>, vector<256x256xbf16>, vector<1000x256xf32> -> vector<1000x256xf32>
    %add3A_656 = arith.addf %add3A_653, %dot_general3A_655 : vector<1000x256xf32>
    %add3A_657 = vector.broadcast %get3A_38 : vector<1x256xf32> to vector<1000x256xf32>
    %add3A_658 = arith.addf %add3A_656, %add3A_657 : vector<1000x256xf32>
    %max3A_659 = arith.constant 0.000000e+00 : f32
    %max3A_660 = vector.broadcast %max3A_659 : f32 to vector<1000x256xf32>
    %max3A_661 = arith.maximumf %add3A_658, %max3A_660 : vector<1000x256xf32>
    %max3A_662 = arith.maximumf %max3A_623, %max3A_661 : vector<1000x256xf32>
    %get3A_663 = arith.constant 16 : index
    %get3A_664 = arith.constant 0 : index
    %get3A_665 = arith.constant 0 : index
    %get3A_666 = vector.load %arg2[%get3A_663, %get3A_664, %get3A_665] : memref<20x1000x128xf32, #tpu.memory_space<vmem>>, vector<1x1000x128xf32>
    %get3A_667 = vector.shape_cast %get3A_666 : vector<1x1000x128xf32> to vector<1000x128xf32>
    %convert_element_type3A_668 = arith.truncf %get3A_667 : vector<1000x128xf32> to vector<1000x128xbf16>
    %convert_element_type3A_669 = arith.extf %convert_element_type3A_668 : vector<1000x128xbf16> to vector<1000x128xf32>
    %sub3A_670 = arith.subf %get3A_667, %convert_element_type3A_669 : vector<1000x128xf32>
    %convert_element_type3A_671 = arith.truncf %sub3A_670 : vector<1000x128xf32> to vector<1000x128xbf16>
    %dot_general3A_672 = arith.constant dense<0.000000e+00> : vector<1000x256xf32>
    %dot_general3A_673 = tpu.matmul %convert_element_type3A_668, %convert_element_type3A_25, %dot_general3A_672 {dimension_numbers = #tpu.dot_dimension_numbers<[1], [0], [0], [1], [0, 0, 1, 1], [], []>, transpose_lhs_hint = false} : vector<1000x128xbf16>, vector<128x256xbf16>, vector<1000x256xf32> -> vector<1000x256xf32>
    %dot_general3A_674 = arith.constant dense<0.000000e+00> : vector<1000x256xf32>
    %dot_general3A_675 = tpu.matmul %convert_element_type3A_668, %convert_element_type3A_28, %dot_general3A_674 {dimension_numbers = #tpu.dot_dimension_numbers<[1], [0], [0], [1], [0, 0, 1, 1], [], []>, transpose_lhs_hint = false} : vector<1000x128xbf16>, vector<128x256xbf16>, vector<1000x256xf32> -> vector<1000x256xf32>
    %add3A_676 = arith.addf %dot_general3A_673, %dot_general3A_675 : vector<1000x256xf32>
    %dot_general3A_677 = arith.constant dense<0.000000e+00> : vector<1000x256xf32>
    %dot_general3A_678 = tpu.matmul %convert_element_type3A_671, %convert_element_type3A_25, %dot_general3A_677 {dimension_numbers = #tpu.dot_dimension_numbers<[1], [0], [0], [1], [0, 0, 1, 1], [], []>, transpose_lhs_hint = false} : vector<1000x128xbf16>, vector<128x256xbf16>, vector<1000x256xf32> -> vector<1000x256xf32>
    %add3A_679 = arith.addf %add3A_676, %dot_general3A_678 : vector<1000x256xf32>
    %add3A_680 = arith.addf %add3A_679, %add3A_21 : vector<1000x256xf32>
    %max3A_681 = arith.constant 0.000000e+00 : f32
    %max3A_682 = vector.broadcast %max3A_681 : f32 to vector<1000x256xf32>
    %max3A_683 = arith.maximumf %add3A_680, %max3A_682 : vector<1000x256xf32>
    %convert_element_type3A_684 = arith.truncf %max3A_683 : vector<1000x256xf32> to vector<1000x256xbf16>
    %convert_element_type3A_685 = arith.extf %convert_element_type3A_684 : vector<1000x256xbf16> to vector<1000x256xf32>
    %sub3A_686 = arith.subf %max3A_683, %convert_element_type3A_685 : vector<1000x256xf32>
    %convert_element_type3A_687 = arith.truncf %sub3A_686 : vector<1000x256xf32> to vector<1000x256xbf16>
    %dot_general3A_688 = arith.constant dense<0.000000e+00> : vector<1000x256xf32>
    %dot_general3A_689 = tpu.matmul %convert_element_type3A_684, %convert_element_type3A_32, %dot_general3A_688 {dimension_numbers = #tpu.dot_dimension_numbers<[1], [0], [0], [1], [0, 0, 1, 1], [], []>, transpose_lhs_hint = false} : vector<1000x256xbf16>, vector<256x256xbf16>, vector<1000x256xf32> -> vector<1000x256xf32>
    %dot_general3A_690 = arith.constant dense<0.000000e+00> : vector<1000x256xf32>
    %dot_general3A_691 = tpu.matmul %convert_element_type3A_684, %convert_element_type3A_35, %dot_general3A_690 {dimension_numbers = #tpu.dot_dimension_numbers<[1], [0], [0], [1], [0, 0, 1, 1], [], []>, transpose_lhs_hint = false} : vector<1000x256xbf16>, vector<256x256xbf16>, vector<1000x256xf32> -> vector<1000x256xf32>
    %add3A_692 = arith.addf %dot_general3A_689, %dot_general3A_691 : vector<1000x256xf32>
    %dot_general3A_693 = arith.constant dense<0.000000e+00> : vector<1000x256xf32>
    %dot_general3A_694 = tpu.matmul %convert_element_type3A_687, %convert_element_type3A_32, %dot_general3A_693 {dimension_numbers = #tpu.dot_dimension_numbers<[1], [0], [0], [1], [0, 0, 1, 1], [], []>, transpose_lhs_hint = false} : vector<1000x256xbf16>, vector<256x256xbf16>, vector<1000x256xf32> -> vector<1000x256xf32>
    %add3A_695 = arith.addf %add3A_692, %dot_general3A_694 : vector<1000x256xf32>
    %add3A_696 = vector.broadcast %get3A_38 : vector<1x256xf32> to vector<1000x256xf32>
    %add3A_697 = arith.addf %add3A_695, %add3A_696 : vector<1000x256xf32>
    %max3A_698 = arith.constant 0.000000e+00 : f32
    %max3A_699 = vector.broadcast %max3A_698 : f32 to vector<1000x256xf32>
    %max3A_700 = arith.maximumf %add3A_697, %max3A_699 : vector<1000x256xf32>
    %max3A_701 = arith.maximumf %max3A_662, %max3A_700 : vector<1000x256xf32>
    %get3A_702 = arith.constant 17 : index
    %get3A_703 = arith.constant 0 : index
    %get3A_704 = arith.constant 0 : index
    %get3A_705 = vector.load %arg2[%get3A_702, %get3A_703, %get3A_704] : memref<20x1000x128xf32, #tpu.memory_space<vmem>>, vector<1x1000x128xf32>
    %get3A_706 = vector.shape_cast %get3A_705 : vector<1x1000x128xf32> to vector<1000x128xf32>
    %convert_element_type3A_707 = arith.truncf %get3A_706 : vector<1000x128xf32> to vector<1000x128xbf16>
    %convert_element_type3A_708 = arith.extf %convert_element_type3A_707 : vector<1000x128xbf16> to vector<1000x128xf32>
    %sub3A_709 = arith.subf %get3A_706, %convert_element_type3A_708 : vector<1000x128xf32>
    %convert_element_type3A_710 = arith.truncf %sub3A_709 : vector<1000x128xf32> to vector<1000x128xbf16>
    %dot_general3A_711 = arith.constant dense<0.000000e+00> : vector<1000x256xf32>
    %dot_general3A_712 = tpu.matmul %convert_element_type3A_707, %convert_element_type3A_25, %dot_general3A_711 {dimension_numbers = #tpu.dot_dimension_numbers<[1], [0], [0], [1], [0, 0, 1, 1], [], []>, transpose_lhs_hint = false} : vector<1000x128xbf16>, vector<128x256xbf16>, vector<1000x256xf32> -> vector<1000x256xf32>
    %dot_general3A_713 = arith.constant dense<0.000000e+00> : vector<1000x256xf32>
    %dot_general3A_714 = tpu.matmul %convert_element_type3A_707, %convert_element_type3A_28, %dot_general3A_713 {dimension_numbers = #tpu.dot_dimension_numbers<[1], [0], [0], [1], [0, 0, 1, 1], [], []>, transpose_lhs_hint = false} : vector<1000x128xbf16>, vector<128x256xbf16>, vector<1000x256xf32> -> vector<1000x256xf32>
    %add3A_715 = arith.addf %dot_general3A_712, %dot_general3A_714 : vector<1000x256xf32>
    %dot_general3A_716 = arith.constant dense<0.000000e+00> : vector<1000x256xf32>
    %dot_general3A_717 = tpu.matmul %convert_element_type3A_710, %convert_element_type3A_25, %dot_general3A_716 {dimension_numbers = #tpu.dot_dimension_numbers<[1], [0], [0], [1], [0, 0, 1, 1], [], []>, transpose_lhs_hint = false} : vector<1000x128xbf16>, vector<128x256xbf16>, vector<1000x256xf32> -> vector<1000x256xf32>
    %add3A_718 = arith.addf %add3A_715, %dot_general3A_717 : vector<1000x256xf32>
    %add3A_719 = arith.addf %add3A_718, %add3A_21 : vector<1000x256xf32>
    %max3A_720 = arith.constant 0.000000e+00 : f32
    %max3A_721 = vector.broadcast %max3A_720 : f32 to vector<1000x256xf32>
    %max3A_722 = arith.maximumf %add3A_719, %max3A_721 : vector<1000x256xf32>
    %convert_element_type3A_723 = arith.truncf %max3A_722 : vector<1000x256xf32> to vector<1000x256xbf16>
    %convert_element_type3A_724 = arith.extf %convert_element_type3A_723 : vector<1000x256xbf16> to vector<1000x256xf32>
    %sub3A_725 = arith.subf %max3A_722, %convert_element_type3A_724 : vector<1000x256xf32>
    %convert_element_type3A_726 = arith.truncf %sub3A_725 : vector<1000x256xf32> to vector<1000x256xbf16>
    %dot_general3A_727 = arith.constant dense<0.000000e+00> : vector<1000x256xf32>
    %dot_general3A_728 = tpu.matmul %convert_element_type3A_723, %convert_element_type3A_32, %dot_general3A_727 {dimension_numbers = #tpu.dot_dimension_numbers<[1], [0], [0], [1], [0, 0, 1, 1], [], []>, transpose_lhs_hint = false} : vector<1000x256xbf16>, vector<256x256xbf16>, vector<1000x256xf32> -> vector<1000x256xf32>
    %dot_general3A_729 = arith.constant dense<0.000000e+00> : vector<1000x256xf32>
    %dot_general3A_730 = tpu.matmul %convert_element_type3A_723, %convert_element_type3A_35, %dot_general3A_729 {dimension_numbers = #tpu.dot_dimension_numbers<[1], [0], [0], [1], [0, 0, 1, 1], [], []>, transpose_lhs_hint = false} : vector<1000x256xbf16>, vector<256x256xbf16>, vector<1000x256xf32> -> vector<1000x256xf32>
    %add3A_731 = arith.addf %dot_general3A_728, %dot_general3A_730 : vector<1000x256xf32>
    %dot_general3A_732 = arith.constant dense<0.000000e+00> : vector<1000x256xf32>
    %dot_general3A_733 = tpu.matmul %convert_element_type3A_726, %convert_element_type3A_32, %dot_general3A_732 {dimension_numbers = #tpu.dot_dimension_numbers<[1], [0], [0], [1], [0, 0, 1, 1], [], []>, transpose_lhs_hint = false} : vector<1000x256xbf16>, vector<256x256xbf16>, vector<1000x256xf32> -> vector<1000x256xf32>
    %add3A_734 = arith.addf %add3A_731, %dot_general3A_733 : vector<1000x256xf32>
    %add3A_735 = vector.broadcast %get3A_38 : vector<1x256xf32> to vector<1000x256xf32>
    %add3A_736 = arith.addf %add3A_734, %add3A_735 : vector<1000x256xf32>
    %max3A_737 = arith.constant 0.000000e+00 : f32
    %max3A_738 = vector.broadcast %max3A_737 : f32 to vector<1000x256xf32>
    %max3A_739 = arith.maximumf %add3A_736, %max3A_738 : vector<1000x256xf32>
    %max3A_740 = arith.maximumf %max3A_701, %max3A_739 : vector<1000x256xf32>
    %get3A_741 = arith.constant 18 : index
    %get3A_742 = arith.constant 0 : index
    %get3A_743 = arith.constant 0 : index
    %get3A_744 = vector.load %arg2[%get3A_741, %get3A_742, %get3A_743] : memref<20x1000x128xf32, #tpu.memory_space<vmem>>, vector<1x1000x128xf32>
    %get3A_745 = vector.shape_cast %get3A_744 : vector<1x1000x128xf32> to vector<1000x128xf32>
    %convert_element_type3A_746 = arith.truncf %get3A_745 : vector<1000x128xf32> to vector<1000x128xbf16>
    %convert_element_type3A_747 = arith.extf %convert_element_type3A_746 : vector<1000x128xbf16> to vector<1000x128xf32>
    %sub3A_748 = arith.subf %get3A_745, %convert_element_type3A_747 : vector<1000x128xf32>
    %convert_element_type3A_749 = arith.truncf %sub3A_748 : vector<1000x128xf32> to vector<1000x128xbf16>
    %dot_general3A_750 = arith.constant dense<0.000000e+00> : vector<1000x256xf32>
    %dot_general3A_751 = tpu.matmul %convert_element_type3A_746, %convert_element_type3A_25, %dot_general3A_750 {dimension_numbers = #tpu.dot_dimension_numbers<[1], [0], [0], [1], [0, 0, 1, 1], [], []>, transpose_lhs_hint = false} : vector<1000x128xbf16>, vector<128x256xbf16>, vector<1000x256xf32> -> vector<1000x256xf32>
    %dot_general3A_752 = arith.constant dense<0.000000e+00> : vector<1000x256xf32>
    %dot_general3A_753 = tpu.matmul %convert_element_type3A_746, %convert_element_type3A_28, %dot_general3A_752 {dimension_numbers = #tpu.dot_dimension_numbers<[1], [0], [0], [1], [0, 0, 1, 1], [], []>, transpose_lhs_hint = false} : vector<1000x128xbf16>, vector<128x256xbf16>, vector<1000x256xf32> -> vector<1000x256xf32>
    %add3A_754 = arith.addf %dot_general3A_751, %dot_general3A_753 : vector<1000x256xf32>
    %dot_general3A_755 = arith.constant dense<0.000000e+00> : vector<1000x256xf32>
    %dot_general3A_756 = tpu.matmul %convert_element_type3A_749, %convert_element_type3A_25, %dot_general3A_755 {dimension_numbers = #tpu.dot_dimension_numbers<[1], [0], [0], [1], [0, 0, 1, 1], [], []>, transpose_lhs_hint = false} : vector<1000x128xbf16>, vector<128x256xbf16>, vector<1000x256xf32> -> vector<1000x256xf32>
    %add3A_757 = arith.addf %add3A_754, %dot_general3A_756 : vector<1000x256xf32>
    %add3A_758 = arith.addf %add3A_757, %add3A_21 : vector<1000x256xf32>
    %max3A_759 = arith.constant 0.000000e+00 : f32
    %max3A_760 = vector.broadcast %max3A_759 : f32 to vector<1000x256xf32>
    %max3A_761 = arith.maximumf %add3A_758, %max3A_760 : vector<1000x256xf32>
    %convert_element_type3A_762 = arith.truncf %max3A_761 : vector<1000x256xf32> to vector<1000x256xbf16>
    %convert_element_type3A_763 = arith.extf %convert_element_type3A_762 : vector<1000x256xbf16> to vector<1000x256xf32>
    %sub3A_764 = arith.subf %max3A_761, %convert_element_type3A_763 : vector<1000x256xf32>
    %convert_element_type3A_765 = arith.truncf %sub3A_764 : vector<1000x256xf32> to vector<1000x256xbf16>
    %dot_general3A_766 = arith.constant dense<0.000000e+00> : vector<1000x256xf32>
    %dot_general3A_767 = tpu.matmul %convert_element_type3A_762, %convert_element_type3A_32, %dot_general3A_766 {dimension_numbers = #tpu.dot_dimension_numbers<[1], [0], [0], [1], [0, 0, 1, 1], [], []>, transpose_lhs_hint = false} : vector<1000x256xbf16>, vector<256x256xbf16>, vector<1000x256xf32> -> vector<1000x256xf32>
    %dot_general3A_768 = arith.constant dense<0.000000e+00> : vector<1000x256xf32>
    %dot_general3A_769 = tpu.matmul %convert_element_type3A_762, %convert_element_type3A_35, %dot_general3A_768 {dimension_numbers = #tpu.dot_dimension_numbers<[1], [0], [0], [1], [0, 0, 1, 1], [], []>, transpose_lhs_hint = false} : vector<1000x256xbf16>, vector<256x256xbf16>, vector<1000x256xf32> -> vector<1000x256xf32>
    %add3A_770 = arith.addf %dot_general3A_767, %dot_general3A_769 : vector<1000x256xf32>
    %dot_general3A_771 = arith.constant dense<0.000000e+00> : vector<1000x256xf32>
    %dot_general3A_772 = tpu.matmul %convert_element_type3A_765, %convert_element_type3A_32, %dot_general3A_771 {dimension_numbers = #tpu.dot_dimension_numbers<[1], [0], [0], [1], [0, 0, 1, 1], [], []>, transpose_lhs_hint = false} : vector<1000x256xbf16>, vector<256x256xbf16>, vector<1000x256xf32> -> vector<1000x256xf32>
    %add3A_773 = arith.addf %add3A_770, %dot_general3A_772 : vector<1000x256xf32>
    %add3A_774 = vector.broadcast %get3A_38 : vector<1x256xf32> to vector<1000x256xf32>
    %add3A_775 = arith.addf %add3A_773, %add3A_774 : vector<1000x256xf32>
    %max3A_776 = arith.constant 0.000000e+00 : f32
    %max3A_777 = vector.broadcast %max3A_776 : f32 to vector<1000x256xf32>
    %max3A_778 = arith.maximumf %add3A_775, %max3A_777 : vector<1000x256xf32>
    %max3A_779 = arith.maximumf %max3A_740, %max3A_778 : vector<1000x256xf32>
    %get3A_780 = arith.constant 19 : index
    %get3A_781 = arith.constant 0 : index
    %get3A_782 = arith.constant 0 : index
    %get3A_783 = vector.load %arg2[%get3A_780, %get3A_781, %get3A_782] : memref<20x1000x128xf32, #tpu.memory_space<vmem>>, vector<1x1000x128xf32>
    %get3A_784 = vector.shape_cast %get3A_783 : vector<1x1000x128xf32> to vector<1000x128xf32>
    %convert_element_type3A_785 = arith.truncf %get3A_784 : vector<1000x128xf32> to vector<1000x128xbf16>
    %convert_element_type3A_786 = arith.extf %convert_element_type3A_785 : vector<1000x128xbf16> to vector<1000x128xf32>
    %sub3A_787 = arith.subf %get3A_784, %convert_element_type3A_786 : vector<1000x128xf32>
    %convert_element_type3A_788 = arith.truncf %sub3A_787 : vector<1000x128xf32> to vector<1000x128xbf16>
    %dot_general3A_789 = arith.constant dense<0.000000e+00> : vector<1000x256xf32>
    %dot_general3A_790 = tpu.matmul %convert_element_type3A_785, %convert_element_type3A_25, %dot_general3A_789 {dimension_numbers = #tpu.dot_dimension_numbers<[1], [0], [0], [1], [0, 0, 1, 1], [], []>, transpose_lhs_hint = false} : vector<1000x128xbf16>, vector<128x256xbf16>, vector<1000x256xf32> -> vector<1000x256xf32>
    %dot_general3A_791 = arith.constant dense<0.000000e+00> : vector<1000x256xf32>
    %dot_general3A_792 = tpu.matmul %convert_element_type3A_785, %convert_element_type3A_28, %dot_general3A_791 {dimension_numbers = #tpu.dot_dimension_numbers<[1], [0], [0], [1], [0, 0, 1, 1], [], []>, transpose_lhs_hint = false} : vector<1000x128xbf16>, vector<128x256xbf16>, vector<1000x256xf32> -> vector<1000x256xf32>
    %add3A_793 = arith.addf %dot_general3A_790, %dot_general3A_792 : vector<1000x256xf32>
    %dot_general3A_794 = arith.constant dense<0.000000e+00> : vector<1000x256xf32>
    %dot_general3A_795 = tpu.matmul %convert_element_type3A_788, %convert_element_type3A_25, %dot_general3A_794 {dimension_numbers = #tpu.dot_dimension_numbers<[1], [0], [0], [1], [0, 0, 1, 1], [], []>, transpose_lhs_hint = false} : vector<1000x128xbf16>, vector<128x256xbf16>, vector<1000x256xf32> -> vector<1000x256xf32>
    %add3A_796 = arith.addf %add3A_793, %dot_general3A_795 : vector<1000x256xf32>
    %add3A_797 = arith.addf %add3A_796, %add3A_21 : vector<1000x256xf32>
    %max3A_798 = arith.constant 0.000000e+00 : f32
    %max3A_799 = vector.broadcast %max3A_798 : f32 to vector<1000x256xf32>
    %max3A_800 = arith.maximumf %add3A_797, %max3A_799 : vector<1000x256xf32>
    %convert_element_type3A_801 = arith.truncf %max3A_800 : vector<1000x256xf32> to vector<1000x256xbf16>
    %convert_element_type3A_802 = arith.extf %convert_element_type3A_801 : vector<1000x256xbf16> to vector<1000x256xf32>
    %sub3A_803 = arith.subf %max3A_800, %convert_element_type3A_802 : vector<1000x256xf32>
    %convert_element_type3A_804 = arith.truncf %sub3A_803 : vector<1000x256xf32> to vector<1000x256xbf16>
    %dot_general3A_805 = arith.constant dense<0.000000e+00> : vector<1000x256xf32>
    %dot_general3A_806 = tpu.matmul %convert_element_type3A_801, %convert_element_type3A_32, %dot_general3A_805 {dimension_numbers = #tpu.dot_dimension_numbers<[1], [0], [0], [1], [0, 0, 1, 1], [], []>, transpose_lhs_hint = false} : vector<1000x256xbf16>, vector<256x256xbf16>, vector<1000x256xf32> -> vector<1000x256xf32>
    %dot_general3A_807 = arith.constant dense<0.000000e+00> : vector<1000x256xf32>
    %dot_general3A_808 = tpu.matmul %convert_element_type3A_801, %convert_element_type3A_35, %dot_general3A_807 {dimension_numbers = #tpu.dot_dimension_numbers<[1], [0], [0], [1], [0, 0, 1, 1], [], []>, transpose_lhs_hint = false} : vector<1000x256xbf16>, vector<256x256xbf16>, vector<1000x256xf32> -> vector<1000x256xf32>
    %add3A_809 = arith.addf %dot_general3A_806, %dot_general3A_808 : vector<1000x256xf32>
    %dot_general3A_810 = arith.constant dense<0.000000e+00> : vector<1000x256xf32>
    %dot_general3A_811 = tpu.matmul %convert_element_type3A_804, %convert_element_type3A_32, %dot_general3A_810 {dimension_numbers = #tpu.dot_dimension_numbers<[1], [0], [0], [1], [0, 0, 1, 1], [], []>, transpose_lhs_hint = false} : vector<1000x256xbf16>, vector<256x256xbf16>, vector<1000x256xf32> -> vector<1000x256xf32>
    %add3A_812 = arith.addf %add3A_809, %dot_general3A_811 : vector<1000x256xf32>
    %add3A_813 = vector.broadcast %get3A_38 : vector<1x256xf32> to vector<1000x256xf32>
    %add3A_814 = arith.addf %add3A_812, %add3A_813 : vector<1000x256xf32>
    %max3A_815 = arith.constant 0.000000e+00 : f32
    %max3A_816 = vector.broadcast %max3A_815 : f32 to vector<1000x256xf32>
    %max3A_817 = arith.maximumf %add3A_814, %max3A_816 : vector<1000x256xf32>
    %max3A_818 = arith.maximumf %max3A_779, %max3A_817 : vector<1000x256xf32>
    %swap3A = arith.constant 0 : index
    %swap3A_819 = arith.constant 0 : index
    %swap3A_820 = vector.load %arg8[%swap3A, %swap3A_819] : memref<1000x256xf32, #tpu.memory_space<vmem>>, vector<1000x256xf32>
    tpu.vector_store %arg8[%swap3A, %swap3A_819], %max3A_818 {strides = array<i32>} : memref<1000x256xf32, #tpu.memory_space<vmem>>, vector<1000x256xf32>,
    return
  }
  func.func @transform_0(%arg0: i32) -> (i32, i32) {
    %c0_i32 = arith.constant 0 : i32
    %c0_i32_0 = arith.constant 0 : i32
    return %arg0, %c0_i32 : i32, i32
  }
  func.func @transform_1(%arg0: i32) -> (i32, i32, i32) {
    %c0_i32 = arith.constant 0 : i32
    %c0_i32_0 = arith.constant 0 : i32
    %c0_i32_1 = arith.constant 0 : i32
    return %c0_i32, %arg0, %c0_i32_0 : i32, i32, i32
  }
  func.func @transform_2(%arg0: i32) -> (i32, i32) {
    %c0_i32 = arith.constant 0 : i32
    %c0_i32_0 = arith.constant 0 : i32
    %c0_i32_1 = arith.constant 0 : i32
    return %c0_i32, %c0_i32_0 : i32, i32
  }
  func.func @transform_3(%arg0: i32) -> (i32, i32) {
    %c0_i32 = arith.constant 0 : i32
    %c0_i32_0 = arith.constant 0 : i32
    %c0_i32_1 = arith.constant 0 : i32
    return %c0_i32, %c0_i32_0 : i32, i32
  }
  func.func @transform_4(%arg0: i32) -> (i32, i32) {
    %c0_i32 = arith.constant 0 : i32
    %c0_i32_0 = arith.constant 0 : i32
    %c0_i32_1 = arith.constant 0 : i32
    return %c0_i32, %c0_i32_0 : i32, i32
  }
  func.func @transform_5(%arg0: i32) -> (i32, i32) {
    %c0_i32 = arith.constant 0 : i32
    %c0_i32_0 = arith.constant 0 : i32
    %c0_i32_1 = arith.constant 0 : i32
    return %c0_i32, %c0_i32_0 : i32, i32
  }
  func.func @transform_6(%arg0: i32) -> (i32, i32) {
    %c0_i32 = arith.constant 0 : i32
    %c0_i32_0 = arith.constant 0 : i32
    %c0_i32_1 = arith.constant 0 : i32
    return %c0_i32, %c0_i32_0 : i32, i32
  }
  func.func @transform_7(%arg0: i32) -> (i32, i32) {
    %c0_i32 = arith.constant 0 : i32
    %c0_i32_0 = arith.constant 0 : i32
    return %arg0, %c0_i32 : i32, i32
  }
}

module attributes {stable_mosaic.version = 14 : i64} {
  func.func @body(%arg0: i32, %arg1: memref<1000x1xi32, #tpu.memory_space<vmem>>, %arg2: memref<1000x64xf32, #tpu.memory_space<vmem>>, %arg3: memref<1000x128xf32, #tpu.memory_space<vmem>>, %arg4: memref<1000x256xf32, #tpu.memory_space<vmem>>, %arg5: memref<64x1024xf32, #tpu.memory_space<vmem>>, %arg6: memref<128x1024xf32, #tpu.memory_space<vmem>>, %arg7: memref<256x1024xf32, #tpu.memory_space<vmem>>, %arg8: memref<1x1024xf32, #tpu.memory_space<vmem>>, %arg9: memref<8x1024xf32, #tpu.memory_space<vmem>>, %arg10: memref<8x128xf32, #tpu.memory_space<vmem>>) attributes {dimension_semantics = [#tpu.dimension_semantics<arbitrary>], iteration_bounds = array<i64: 10>, scalar_prefetch = 0 : i64, scratch_operands = 0 : i64, tpu.core_type = #tpu.core_type<tc>, window_params = [{transform_indices = @transform_0, window_bounds = array<i64: 1000, 1>}, {transform_indices = @transform_1, window_bounds = array<i64: 1000, 64>}, {transform_indices = @transform_2, window_bounds = array<i64: 1000, 128>}, {transform_indices = @transform_3, window_bounds = array<i64: 1000, 256>}, {pipeline_mode = #tpu.pipeline_mode<synchronous>, transform_indices = @transform_4, window_bounds = array<i64: 64, 1024>}, {pipeline_mode = #tpu.pipeline_mode<synchronous>, transform_indices = @transform_5, window_bounds = array<i64: 128, 1024>}, {pipeline_mode = #tpu.pipeline_mode<synchronous>, transform_indices = @transform_6, window_bounds = array<i64: 256, 1024>}, {pipeline_mode = #tpu.pipeline_mode<synchronous>, transform_indices = @transform_7, window_bounds = array<i64: 1, 1024>}, {pipeline_mode = #tpu.pipeline_mode<synchronous>, transform_indices = @transform_8, window_bounds = array<i64: 8, 1024>}, {pipeline_mode = #tpu.pipeline_mode<synchronous>, transform_indices = @transform_9, window_bounds = array<i64: 8, 128>}]} {
    %eq3A = arith.constant 0 : i32
    %eq3A_0 = arith.cmpi eq, %arg0, %eq3A : i32
    %convert_element_type3A = arith.extui %eq3A_0 : i1 to i32
    %cond3A = arith.constant 0 : i32
    %cond3A_1 = arith.cmpi ne, %convert_element_type3A, %cond3A : i32
    scf.if %cond3A_1 {
      %broadcast_in_dim3A_107 = arith.constant 0.000000e+00 : f32
      %broadcast_in_dim3A_108 = vector.broadcast %broadcast_in_dim3A_107 : f32 to vector<8x1024xf32>
      %swap3A_109 = arith.constant 0 : index
      %swap3A_110 = arith.constant 0 : index
      %swap3A_111 = vector.load %arg9[%swap3A_109, %swap3A_110] : memref<8x1024xf32, #tpu.memory_space<vmem>>, vector<8x1024xf32>
      tpu.vector_store %arg9[%swap3A_109, %swap3A_110], %broadcast_in_dim3A_108 {strides = array<i32>} : memref<8x1024xf32, #tpu.memory_space<vmem>>, vector<8x1024xf32>,
      %broadcast_in_dim3A_112 = arith.constant 0.000000e+00 : f32
      %broadcast_in_dim3A_113 = vector.broadcast %broadcast_in_dim3A_112 : f32 to vector<8x128xf32>
      %swap3A_114 = arith.constant 0 : index
      %swap3A_115 = arith.constant 0 : index
      %swap3A_116 = vector.load %arg10[%swap3A_114, %swap3A_115] : memref<8x128xf32, #tpu.memory_space<vmem>>, vector<8x128xf32>
      tpu.vector_store %arg10[%swap3A_114, %swap3A_115], %broadcast_in_dim3A_113 {strides = array<i32>} : memref<8x128xf32, #tpu.memory_space<vmem>>, vector<8x128xf32>,
    } else {
    }
    %get3A = arith.constant 0 : index
    %get3A_2 = arith.constant 0 : index
    %get3A_3 = vector.load %arg1[%get3A, %get3A_2] : memref<1000x1xi32, #tpu.memory_space<vmem>>, vector<1000x1xi32>
    %iota3A = tpu.iota {dimensions = array<i32: 1>} : vector<1x8xi32>
    %eq3A_4 = vector.broadcast %get3A_3 : vector<1000x1xi32> to vector<1000x8xi32>
    %eq3A_5 = vector.broadcast %iota3A : vector<1x8xi32> to vector<1000x8xi32>
    %eq3A_6 = arith.cmpi eq, %eq3A_4, %eq3A_5 : vector<1000x8xi32>
    %convert_element_type3A_7 = arith.extui %eq3A_6 : vector<1000x8xi1> to vector<1000x8xi32>
    %convert_element_type3A_8 = arith.sitofp %convert_element_type3A_7 : vector<1000x8xi32> to vector<1000x8xf32>
    %convert_element_type3A_9 = arith.truncf %convert_element_type3A_8 : vector<1000x8xf32> to vector<1000x8xbf16>
    %get3A_10 = arith.constant 0 : index
    %get3A_11 = arith.constant 0 : index
    %get3A_12 = vector.load %arg2[%get3A_10, %get3A_11] : memref<1000x64xf32, #tpu.memory_space<vmem>>, vector<1000x64xf32>
    %convert_element_type3A_13 = arith.truncf %get3A_12 : vector<1000x64xf32> to vector<1000x64xbf16>
    %convert_element_type3A_14 = arith.extf %convert_element_type3A_13 : vector<1000x64xbf16> to vector<1000x64xf32>
    %sub3A = arith.subf %get3A_12, %convert_element_type3A_14 : vector<1000x64xf32>
    %convert_element_type3A_15 = arith.truncf %sub3A : vector<1000x64xf32> to vector<1000x64xbf16>
    %get3A_16 = arith.constant 0 : index
    %get3A_17 = arith.constant 0 : index
    %get3A_18 = vector.load %arg5[%get3A_16, %get3A_17] : memref<64x1024xf32, #tpu.memory_space<vmem>>, vector<64x1024xf32>
    %convert_element_type3A_19 = arith.truncf %get3A_18 : vector<64x1024xf32> to vector<64x1024xbf16>
    %convert_element_type3A_20 = arith.extf %convert_element_type3A_19 : vector<64x1024xbf16> to vector<64x1024xf32>
    %sub3A_21 = arith.subf %get3A_18, %convert_element_type3A_20 : vector<64x1024xf32>
    %convert_element_type3A_22 = arith.truncf %sub3A_21 : vector<64x1024xf32> to vector<64x1024xbf16>
    %dot_general3A = arith.constant dense<0.000000e+00> : vector<1000x1024xf32>
    %dot_general3A_23 = tpu.matmul %convert_element_type3A_13, %convert_element_type3A_19, %dot_general3A {dimension_numbers = #tpu.dot_dimension_numbers<[1], [0], [0], [1], [0, 0, 1, 1], [], []>, transpose_lhs_hint = false} : vector<1000x64xbf16>, vector<64x1024xbf16>, vector<1000x1024xf32> -> vector<1000x1024xf32>
    %dot_general3A_24 = arith.constant dense<0.000000e+00> : vector<1000x1024xf32>
    %dot_general3A_25 = tpu.matmul %convert_element_type3A_13, %convert_element_type3A_22, %dot_general3A_24 {dimension_numbers = #tpu.dot_dimension_numbers<[1], [0], [0], [1], [0, 0, 1, 1], [], []>, transpose_lhs_hint = false} : vector<1000x64xbf16>, vector<64x1024xbf16>, vector<1000x1024xf32> -> vector<1000x1024xf32>
    %add3A = arith.addf %dot_general3A_23, %dot_general3A_25 : vector<1000x1024xf32>
    %dot_general3A_26 = arith.constant dense<0.000000e+00> : vector<1000x1024xf32>
    %dot_general3A_27 = tpu.matmul %convert_element_type3A_15, %convert_element_type3A_19, %dot_general3A_26 {dimension_numbers = #tpu.dot_dimension_numbers<[1], [0], [0], [1], [0, 0, 1, 1], [], []>, transpose_lhs_hint = false} : vector<1000x64xbf16>, vector<64x1024xbf16>, vector<1000x1024xf32> -> vector<1000x1024xf32>
    %add3A_28 = arith.addf %add3A, %dot_general3A_27 : vector<1000x1024xf32>
    %get3A_29 = arith.constant 0 : index
    %get3A_30 = arith.constant 0 : index
    %get3A_31 = vector.load %arg3[%get3A_29, %get3A_30] : memref<1000x128xf32, #tpu.memory_space<vmem>>, vector<1000x128xf32>
    %convert_element_type3A_32 = arith.truncf %get3A_31 : vector<1000x128xf32> to vector<1000x128xbf16>
    %convert_element_type3A_33 = arith.extf %convert_element_type3A_32 : vector<1000x128xbf16> to vector<1000x128xf32>
    %sub3A_34 = arith.subf %get3A_31, %convert_element_type3A_33 : vector<1000x128xf32>
    %convert_element_type3A_35 = arith.truncf %sub3A_34 : vector<1000x128xf32> to vector<1000x128xbf16>
    %get3A_36 = arith.constant 0 : index
    %get3A_37 = arith.constant 0 : index
    %get3A_38 = vector.load %arg6[%get3A_36, %get3A_37] : memref<128x1024xf32, #tpu.memory_space<vmem>>, vector<128x1024xf32>
    %convert_element_type3A_39 = arith.truncf %get3A_38 : vector<128x1024xf32> to vector<128x1024xbf16>
    %convert_element_type3A_40 = arith.extf %convert_element_type3A_39 : vector<128x1024xbf16> to vector<128x1024xf32>
    %sub3A_41 = arith.subf %get3A_38, %convert_element_type3A_40 : vector<128x1024xf32>
    %convert_element_type3A_42 = arith.truncf %sub3A_41 : vector<128x1024xf32> to vector<128x1024xbf16>
    %dot_general3A_43 = arith.constant dense<0.000000e+00> : vector<1000x1024xf32>
    %dot_general3A_44 = tpu.matmul %convert_element_type3A_32, %convert_element_type3A_39, %dot_general3A_43 {dimension_numbers = #tpu.dot_dimension_numbers<[1], [0], [0], [1], [0, 0, 1, 1], [], []>, transpose_lhs_hint = false} : vector<1000x128xbf16>, vector<128x1024xbf16>, vector<1000x1024xf32> -> vector<1000x1024xf32>
    %dot_general3A_45 = arith.constant dense<0.000000e+00> : vector<1000x1024xf32>
    %dot_general3A_46 = tpu.matmul %convert_element_type3A_32, %convert_element_type3A_42, %dot_general3A_45 {dimension_numbers = #tpu.dot_dimension_numbers<[1], [0], [0], [1], [0, 0, 1, 1], [], []>, transpose_lhs_hint = false} : vector<1000x128xbf16>, vector<128x1024xbf16>, vector<1000x1024xf32> -> vector<1000x1024xf32>
    %add3A_47 = arith.addf %dot_general3A_44, %dot_general3A_46 : vector<1000x1024xf32>
    %dot_general3A_48 = arith.constant dense<0.000000e+00> : vector<1000x1024xf32>
    %dot_general3A_49 = tpu.matmul %convert_element_type3A_35, %convert_element_type3A_39, %dot_general3A_48 {dimension_numbers = #tpu.dot_dimension_numbers<[1], [0], [0], [1], [0, 0, 1, 1], [], []>, transpose_lhs_hint = false} : vector<1000x128xbf16>, vector<128x1024xbf16>, vector<1000x1024xf32> -> vector<1000x1024xf32>
    %add3A_50 = arith.addf %add3A_47, %dot_general3A_49 : vector<1000x1024xf32>
    %add3A_51 = arith.addf %add3A_28, %add3A_50 : vector<1000x1024xf32>
    %get3A_52 = arith.constant 0 : index
    %get3A_53 = arith.constant 0 : index
    %get3A_54 = vector.load %arg4[%get3A_52, %get3A_53] : memref<1000x256xf32, #tpu.memory_space<vmem>>, vector<1000x256xf32>
    %convert_element_type3A_55 = arith.truncf %get3A_54 : vector<1000x256xf32> to vector<1000x256xbf16>
    %convert_element_type3A_56 = arith.extf %convert_element_type3A_55 : vector<1000x256xbf16> to vector<1000x256xf32>
    %sub3A_57 = arith.subf %get3A_54, %convert_element_type3A_56 : vector<1000x256xf32>
    %convert_element_type3A_58 = arith.truncf %sub3A_57 : vector<1000x256xf32> to vector<1000x256xbf16>
    %get3A_59 = arith.constant 0 : index
    %get3A_60 = arith.constant 0 : index
    %get3A_61 = vector.load %arg7[%get3A_59, %get3A_60] : memref<256x1024xf32, #tpu.memory_space<vmem>>, vector<256x1024xf32>
    %convert_element_type3A_62 = arith.truncf %get3A_61 : vector<256x1024xf32> to vector<256x1024xbf16>
    %convert_element_type3A_63 = arith.extf %convert_element_type3A_62 : vector<256x1024xbf16> to vector<256x1024xf32>
    %sub3A_64 = arith.subf %get3A_61, %convert_element_type3A_63 : vector<256x1024xf32>
    %convert_element_type3A_65 = arith.truncf %sub3A_64 : vector<256x1024xf32> to vector<256x1024xbf16>
    %dot_general3A_66 = arith.constant dense<0.000000e+00> : vector<1000x1024xf32>
    %dot_general3A_67 = tpu.matmul %convert_element_type3A_55, %convert_element_type3A_62, %dot_general3A_66 {dimension_numbers = #tpu.dot_dimension_numbers<[1], [0], [0], [1], [0, 0, 1, 1], [], []>, transpose_lhs_hint = false} : vector<1000x256xbf16>, vector<256x1024xbf16>, vector<1000x1024xf32> -> vector<1000x1024xf32>
    %dot_general3A_68 = arith.constant dense<0.000000e+00> : vector<1000x1024xf32>
    %dot_general3A_69 = tpu.matmul %convert_element_type3A_55, %convert_element_type3A_65, %dot_general3A_68 {dimension_numbers = #tpu.dot_dimension_numbers<[1], [0], [0], [1], [0, 0, 1, 1], [], []>, transpose_lhs_hint = false} : vector<1000x256xbf16>, vector<256x1024xbf16>, vector<1000x1024xf32> -> vector<1000x1024xf32>
    %add3A_70 = arith.addf %dot_general3A_67, %dot_general3A_69 : vector<1000x1024xf32>
    %dot_general3A_71 = arith.constant dense<0.000000e+00> : vector<1000x1024xf32>
    %dot_general3A_72 = tpu.matmul %convert_element_type3A_58, %convert_element_type3A_62, %dot_general3A_71 {dimension_numbers = #tpu.dot_dimension_numbers<[1], [0], [0], [1], [0, 0, 1, 1], [], []>, transpose_lhs_hint = false} : vector<1000x256xbf16>, vector<256x1024xbf16>, vector<1000x1024xf32> -> vector<1000x1024xf32>
    %add3A_73 = arith.addf %add3A_70, %dot_general3A_72 : vector<1000x1024xf32>
    %add3A_74 = arith.addf %add3A_51, %add3A_73 : vector<1000x1024xf32>
    %get3A_75 = arith.constant 0 : index
    %get3A_76 = arith.constant 0 : index
    %get3A_77 = vector.load %arg8[%get3A_75, %get3A_76] : memref<1x1024xf32, #tpu.memory_space<vmem>>, vector<1x1024xf32>
    %add3A_78 = vector.broadcast %get3A_77 : vector<1x1024xf32> to vector<1000x1024xf32>
    %add3A_79 = arith.addf %add3A_74, %add3A_78 : vector<1000x1024xf32>
    %max3A = arith.constant 0.000000e+00 : f32
    %max3A_80 = vector.broadcast %max3A : f32 to vector<1000x1024xf32>
    %max3A_81 = arith.maximumf %add3A_79, %max3A_80 : vector<1000x1024xf32>
    %convert_element_type3A_82 = arith.truncf %max3A_81 : vector<1000x1024xf32> to vector<1000x1024xbf16>
    %convert_element_type3A_83 = arith.extf %convert_element_type3A_82 : vector<1000x1024xbf16> to vector<1000x1024xf32>
    %sub3A_84 = arith.subf %max3A_81, %convert_element_type3A_83 : vector<1000x1024xf32>
    %convert_element_type3A_85 = arith.truncf %sub3A_84 : vector<1000x1024xf32> to vector<1000x1024xbf16>
    %get3A_86 = arith.constant 0 : index
    %get3A_87 = arith.constant 0 : index
    %get3A_88 = vector.load %arg9[%get3A_86, %get3A_87] : memref<8x1024xf32, #tpu.memory_space<vmem>>, vector<8x1024xf32>
    %dot_general3A_89 = arith.constant dense<0.000000e+00> : vector<8x1024xf32>
    %dot_general3A_90 = tpu.matmul %convert_element_type3A_9, %convert_element_type3A_82, %dot_general3A_89 {dimension_numbers = #tpu.dot_dimension_numbers<[0], [0], [1], [1], [0, 1, 1, 1], [], []>, transpose_lhs_hint = false} : vector<1000x8xbf16>, vector<1000x1024xbf16>, vector<8x1024xf32> -> vector<8x1024xf32>
    %dot_general3A_91 = arith.constant dense<0.000000e+00> : vector<8x1024xf32>
    %dot_general3A_92 = tpu.matmul %convert_element_type3A_9, %convert_element_type3A_85, %dot_general3A_91 {dimension_numbers = #tpu.dot_dimension_numbers<[0], [0], [1], [1], [0, 1, 1, 1], [], []>, transpose_lhs_hint = false} : vector<1000x8xbf16>, vector<1000x1024xbf16>, vector<8x1024xf32> -> vector<8x1024xf32>
    %add3A_93 = arith.addf %dot_general3A_90, %dot_general3A_92 : vector<8x1024xf32>
    %add3A_94 = arith.addf %get3A_88, %add3A_93 : vector<8x1024xf32>
    %swap3A = arith.constant 0 : index
    %swap3A_95 = arith.constant 0 : index
    %swap3A_96 = vector.load %arg9[%swap3A, %swap3A_95] : memref<8x1024xf32, #tpu.memory_space<vmem>>, vector<8x1024xf32>
    tpu.vector_store %arg9[%swap3A, %swap3A_95], %add3A_94 {strides = array<i32>} : memref<8x1024xf32, #tpu.memory_space<vmem>>, vector<8x1024xf32>,
    %get3A_97 = arith.constant 0 : index
    %get3A_98 = arith.constant 0 : index
    %get3A_99 = vector.load %arg10[%get3A_97, %get3A_98] : memref<8x128xf32, #tpu.memory_space<vmem>>, vector<8x128xf32>
    %broadcast_in_dim3A = arith.constant 1.000000e+00 : bf16
    %broadcast_in_dim3A_100 = vector.broadcast %broadcast_in_dim3A : bf16 to vector<1000x128xbf16>
    %dot_general3A_101 = arith.constant dense<0.000000e+00> : vector<8x128xf32>
    %dot_general3A_102 = tpu.matmul %convert_element_type3A_9, %broadcast_in_dim3A_100, %dot_general3A_101 {dimension_numbers = #tpu.dot_dimension_numbers<[0], [0], [1], [1], [0, 1, 1, 1], [], []>, transpose_lhs_hint = false} : vector<1000x8xbf16>, vector<1000x128xbf16>, vector<8x128xf32> -> vector<8x128xf32>
    %add3A_103 = arith.addf %get3A_99, %dot_general3A_102 : vector<8x128xf32>
    %swap3A_104 = arith.constant 0 : index
    %swap3A_105 = arith.constant 0 : index
    %swap3A_106 = vector.load %arg10[%swap3A_104, %swap3A_105] : memref<8x128xf32, #tpu.memory_space<vmem>>, vector<8x128xf32>
    tpu.vector_store %arg10[%swap3A_104, %swap3A_105], %add3A_103 {strides = array<i32>} : memref<8x128xf32, #tpu.memory_space<vmem>>, vector<8x128xf32>,
    return
  }
  func.func @transform_0(%arg0: i32) -> (i32, i32) {
    %c0_i32 = arith.constant 0 : i32
    %c0_i32_0 = arith.constant 0 : i32
    return %arg0, %c0_i32 : i32, i32
  }
  func.func @transform_1(%arg0: i32) -> (i32, i32) {
    %c0_i32 = arith.constant 0 : i32
    %c0_i32_0 = arith.constant 0 : i32
    return %arg0, %c0_i32 : i32, i32
  }
  func.func @transform_2(%arg0: i32) -> (i32, i32) {
    %c0_i32 = arith.constant 0 : i32
    %c0_i32_0 = arith.constant 0 : i32
    return %arg0, %c0_i32 : i32, i32
  }
  func.func @transform_3(%arg0: i32) -> (i32, i32) {
    %c0_i32 = arith.constant 0 : i32
    %c0_i32_0 = arith.constant 0 : i32
    return %arg0, %c0_i32 : i32, i32
  }
  func.func @transform_4(%arg0: i32) -> (i32, i32) {
    %c0_i32 = arith.constant 0 : i32
    %c0_i32_0 = arith.constant 0 : i32
    %c0_i32_1 = arith.constant 0 : i32
    return %c0_i32, %c0_i32_0 : i32, i32
  }
  func.func @transform_5(%arg0: i32) -> (i32, i32) {
    %c0_i32 = arith.constant 0 : i32
    %c0_i32_0 = arith.constant 0 : i32
    %c0_i32_1 = arith.constant 0 : i32
    return %c0_i32, %c0_i32_0 : i32, i32
  }
  func.func @transform_6(%arg0: i32) -> (i32, i32) {
    %c0_i32 = arith.constant 0 : i32
    %c0_i32_0 = arith.constant 0 : i32
    %c0_i32_1 = arith.constant 0 : i32
    return %c0_i32, %c0_i32_0 : i32, i32
  }
  func.func @transform_7(%arg0: i32) -> (i32, i32) {
    %c0_i32 = arith.constant 0 : i32
    %c0_i32_0 = arith.constant 0 : i32
    %c0_i32_1 = arith.constant 0 : i32
    return %c0_i32, %c0_i32_0 : i32, i32
  }
  func.func @transform_8(%arg0: i32) -> (i32, i32) {
    %c0_i32 = arith.constant 0 : i32
    %c0_i32_0 = arith.constant 0 : i32
    %c0_i32_1 = arith.constant 0 : i32
    return %c0_i32, %c0_i32_0 : i32, i32
  }
  func.func @transform_9(%arg0: i32) -> (i32, i32) {
    %c0_i32 = arith.constant 0 : i32
    %c0_i32_0 = arith.constant 0 : i32
    %c0_i32_1 = arith.constant 0 : i32
    return %c0_i32, %c0_i32_0 : i32, i32
  }
}

module attributes {stable_mosaic.version = 14 : i64} {
  func.func @body(%arg0: i32, %arg1: memref<1000x1xi32, #tpu.memory_space<vmem>>, %arg2: memref<1000x64xf32, #tpu.memory_space<vmem>>, %arg3: memref<1000x128xf32, #tpu.memory_space<vmem>>, %arg4: memref<1000x256xf32, #tpu.memory_space<vmem>>, %arg5: memref<8x1024xf32, #tpu.memory_space<vmem>>, %arg6: memref<8x128xf32, #tpu.memory_space<vmem>>, %arg7: memref<1024x256xf32, #tpu.memory_space<vmem>>, %arg8: memref<64x256xf32, #tpu.memory_space<vmem>>, %arg9: memref<128x256xf32, #tpu.memory_space<vmem>>, %arg10: memref<256x256xf32, #tpu.memory_space<vmem>>, %arg11: memref<1x256xf32, #tpu.memory_space<vmem>>, %arg12: memref<256x256xf32, #tpu.memory_space<vmem>>, %arg13: memref<1x256xf32, #tpu.memory_space<vmem>>, %arg14: memref<256x128xf32, #tpu.memory_space<vmem>>, %arg15: memref<1x128xf32, #tpu.memory_space<vmem>>, %arg16: memref<128x1xf32, #tpu.memory_space<vmem>>, %arg17: memref<1x1xf32, #tpu.memory_space<vmem>>, %arg18: memref<1000x1xf32, #tpu.memory_space<vmem>>) attributes {dimension_semantics = [#tpu.dimension_semantics<arbitrary>], iteration_bounds = array<i64: 10>, scalar_prefetch = 0 : i64, scratch_operands = 0 : i64, tpu.core_type = #tpu.core_type<tc>, window_params = [{transform_indices = @transform_0, window_bounds = array<i64: 1000, 1>}, {transform_indices = @transform_1, window_bounds = array<i64: 1000, 64>}, {transform_indices = @transform_2, window_bounds = array<i64: 1000, 128>}, {transform_indices = @transform_3, window_bounds = array<i64: 1000, 256>}, {pipeline_mode = #tpu.pipeline_mode<synchronous>, transform_indices = @transform_4, window_bounds = array<i64: 8, 1024>}, {pipeline_mode = #tpu.pipeline_mode<synchronous>, transform_indices = @transform_5, window_bounds = array<i64: 8, 128>}, {pipeline_mode = #tpu.pipeline_mode<synchronous>, transform_indices = @transform_6, window_bounds = array<i64: 1024, 256>}, {pipeline_mode = #tpu.pipeline_mode<synchronous>, transform_indices = @transform_7, window_bounds = array<i64: 64, 256>}, {pipeline_mode = #tpu.pipeline_mode<synchronous>, transform_indices = @transform_8, window_bounds = array<i64: 128, 256>}, {pipeline_mode = #tpu.pipeline_mode<synchronous>, transform_indices = @transform_9, window_bounds = array<i64: 256, 256>}, {pipeline_mode = #tpu.pipeline_mode<synchronous>, transform_indices = @transform_10, window_bounds = array<i64: 1, 256>}, {pipeline_mode = #tpu.pipeline_mode<synchronous>, transform_indices = @transform_11, window_bounds = array<i64: 256, 256>}, {pipeline_mode = #tpu.pipeline_mode<synchronous>, transform_indices = @transform_12, window_bounds = array<i64: 1, 256>}, {pipeline_mode = #tpu.pipeline_mode<synchronous>, transform_indices = @transform_13, window_bounds = array<i64: 256, 128>}, {pipeline_mode = #tpu.pipeline_mode<synchronous>, transform_indices = @transform_14, window_bounds = array<i64: 1, 128>}, {pipeline_mode = #tpu.pipeline_mode<synchronous>, transform_indices = @transform_15, window_bounds = array<i64: 128, 1>}, {pipeline_mode = #tpu.pipeline_mode<synchronous>, transform_indices = @transform_16, window_bounds = array<i64: 1, 1>}, {transform_indices = @transform_17, window_bounds = array<i64: 1000, 1>}]} {
    %get3A = arith.constant 0 : index
    %get3A_0 = arith.constant 0 : index
    %get3A_1 = vector.load %arg6[%get3A, %get3A_0] : memref<8x128xf32, #tpu.memory_space<vmem>>, vector<8x128xf32>
    %slice3A = vector.extract_strided_slice %get3A_1 {offsets = [0, 0], sizes = [8, 1], strides = [1, 1]} : vector<8x128xf32> to vector<8x1xf32>
    %get3A_2 = arith.constant 0 : index
    %get3A_3 = arith.constant 0 : index
    %get3A_4 = vector.load %arg5[%get3A_2, %get3A_3] : memref<8x1024xf32, #tpu.memory_space<vmem>>, vector<8x1024xf32>
    %max3A = arith.constant 1.000000e+00 : f32
    %max3A_5 = vector.broadcast %max3A : f32 to vector<8x1xf32>
    %max3A_6 = arith.maximumf %slice3A, %max3A_5 : vector<8x1xf32>
    %div3A = arith.constant 1.000000e+00 : f32
    %div3A_7 = vector.broadcast %div3A : f32 to vector<8x1xf32>
    %div3A_8 = arith.divf %div3A_7, %max3A_6 : vector<8x1xf32>
    %mul3A = vector.broadcast %div3A_8 : vector<8x1xf32> to vector<8x1024xf32>
    %mul3A_9 = arith.mulf %get3A_4, %mul3A : vector<8x1024xf32>
    %convert_element_type3A = arith.truncf %mul3A_9 : vector<8x1024xf32> to vector<8x1024xbf16>
    %convert_element_type3A_10 = arith.extf %convert_element_type3A : vector<8x1024xbf16> to vector<8x1024xf32>
    %sub3A = arith.subf %mul3A_9, %convert_element_type3A_10 : vector<8x1024xf32>
    %convert_element_type3A_11 = arith.truncf %sub3A : vector<8x1024xf32> to vector<8x1024xbf16>
    %get3A_12 = arith.constant 0 : index
    %get3A_13 = arith.constant 0 : index
    %get3A_14 = vector.load %arg7[%get3A_12, %get3A_13] : memref<1024x256xf32, #tpu.memory_space<vmem>>, vector<1024x256xf32>
    %convert_element_type3A_15 = arith.truncf %get3A_14 : vector<1024x256xf32> to vector<1024x256xbf16>
    %convert_element_type3A_16 = arith.extf %convert_element_type3A_15 : vector<1024x256xbf16> to vector<1024x256xf32>
    %sub3A_17 = arith.subf %get3A_14, %convert_element_type3A_16 : vector<1024x256xf32>
    %convert_element_type3A_18 = arith.truncf %sub3A_17 : vector<1024x256xf32> to vector<1024x256xbf16>
    %dot_general3A = arith.constant dense<0.000000e+00> : vector<8x256xf32>
    %dot_general3A_19 = tpu.matmul %convert_element_type3A, %convert_element_type3A_15, %dot_general3A {dimension_numbers = #tpu.dot_dimension_numbers<[1], [0], [0], [1], [0, 0, 1, 1], [], []>, transpose_lhs_hint = false} : vector<8x1024xbf16>, vector<1024x256xbf16>, vector<8x256xf32> -> vector<8x256xf32>
    %dot_general3A_20 = arith.constant dense<0.000000e+00> : vector<8x256xf32>
    %dot_general3A_21 = tpu.matmul %convert_element_type3A, %convert_element_type3A_18, %dot_general3A_20 {dimension_numbers = #tpu.dot_dimension_numbers<[1], [0], [0], [1], [0, 0, 1, 1], [], []>, transpose_lhs_hint = false} : vector<8x1024xbf16>, vector<1024x256xbf16>, vector<8x256xf32> -> vector<8x256xf32>
    %add3A = arith.addf %dot_general3A_19, %dot_general3A_21 : vector<8x256xf32>
    %dot_general3A_22 = arith.constant dense<0.000000e+00> : vector<8x256xf32>
    %dot_general3A_23 = tpu.matmul %convert_element_type3A_11, %convert_element_type3A_15, %dot_general3A_22 {dimension_numbers = #tpu.dot_dimension_numbers<[1], [0], [0], [1], [0, 0, 1, 1], [], []>, transpose_lhs_hint = false} : vector<8x1024xbf16>, vector<1024x256xbf16>, vector<8x256xf32> -> vector<8x256xf32>
    %add3A_24 = arith.addf %add3A, %dot_general3A_23 : vector<8x256xf32>
    %get3A_25 = arith.constant 0 : index
    %get3A_26 = arith.constant 0 : index
    %get3A_27 = vector.load %arg11[%get3A_25, %get3A_26] : memref<1x256xf32, #tpu.memory_space<vmem>>, vector<1x256xf32>
    %add3A_28 = vector.broadcast %get3A_27 : vector<1x256xf32> to vector<8x256xf32>
    %add3A_29 = arith.addf %add3A_24, %add3A_28 : vector<8x256xf32>
    %get3A_30 = arith.constant 0 : index
    %get3A_31 = arith.constant 0 : index
    %get3A_32 = vector.load %arg1[%get3A_30, %get3A_31] : memref<1000x1xi32, #tpu.memory_space<vmem>>, vector<1000x1xi32>
    %iota3A = tpu.iota {dimensions = array<i32: 1>} : vector<1x8xi32>
    %eq3A = vector.broadcast %get3A_32 : vector<1000x1xi32> to vector<1000x8xi32>
    %eq3A_33 = vector.broadcast %iota3A : vector<1x8xi32> to vector<1000x8xi32>
    %eq3A_34 = arith.cmpi eq, %eq3A, %eq3A_33 : vector<1000x8xi32>
    %convert_element_type3A_35 = arith.extui %eq3A_34 : vector<1000x8xi1> to vector<1000x8xi32>
    %convert_element_type3A_36 = arith.sitofp %convert_element_type3A_35 : vector<1000x8xi32> to vector<1000x8xf32>
    %convert_element_type3A_37 = arith.truncf %convert_element_type3A_36 : vector<1000x8xf32> to vector<1000x8xbf16>
    %convert_element_type3A_38 = arith.truncf %add3A_29 : vector<8x256xf32> to vector<8x256xbf16>
    %convert_element_type3A_39 = arith.extf %convert_element_type3A_38 : vector<8x256xbf16> to vector<8x256xf32>
    %sub3A_40 = arith.subf %add3A_29, %convert_element_type3A_39 : vector<8x256xf32>
    %convert_element_type3A_41 = arith.truncf %sub3A_40 : vector<8x256xf32> to vector<8x256xbf16>
    %dot_general3A_42 = arith.constant dense<0.000000e+00> : vector<1000x256xf32>
    %dot_general3A_43 = tpu.matmul %convert_element_type3A_37, %convert_element_type3A_38, %dot_general3A_42 {dimension_numbers = #tpu.dot_dimension_numbers<[1], [0], [0], [1], [0, 0, 1, 1], [], []>, transpose_lhs_hint = false} : vector<1000x8xbf16>, vector<8x256xbf16>, vector<1000x256xf32> -> vector<1000x256xf32>
    %dot_general3A_44 = arith.constant dense<0.000000e+00> : vector<1000x256xf32>
    %dot_general3A_45 = tpu.matmul %convert_element_type3A_37, %convert_element_type3A_41, %dot_general3A_44 {dimension_numbers = #tpu.dot_dimension_numbers<[1], [0], [0], [1], [0, 0, 1, 1], [], []>, transpose_lhs_hint = false} : vector<1000x8xbf16>, vector<8x256xbf16>, vector<1000x256xf32> -> vector<1000x256xf32>
    %add3A_46 = arith.addf %dot_general3A_43, %dot_general3A_45 : vector<1000x256xf32>
    %get3A_47 = arith.constant 0 : index
    %get3A_48 = arith.constant 0 : index
    %get3A_49 = vector.load %arg2[%get3A_47, %get3A_48] : memref<1000x64xf32, #tpu.memory_space<vmem>>, vector<1000x64xf32>
    %convert_element_type3A_50 = arith.truncf %get3A_49 : vector<1000x64xf32> to vector<1000x64xbf16>
    %convert_element_type3A_51 = arith.extf %convert_element_type3A_50 : vector<1000x64xbf16> to vector<1000x64xf32>
    %sub3A_52 = arith.subf %get3A_49, %convert_element_type3A_51 : vector<1000x64xf32>
    %convert_element_type3A_53 = arith.truncf %sub3A_52 : vector<1000x64xf32> to vector<1000x64xbf16>
    %get3A_54 = arith.constant 0 : index
    %get3A_55 = arith.constant 0 : index
    %get3A_56 = vector.load %arg8[%get3A_54, %get3A_55] : memref<64x256xf32, #tpu.memory_space<vmem>>, vector<64x256xf32>
    %convert_element_type3A_57 = arith.truncf %get3A_56 : vector<64x256xf32> to vector<64x256xbf16>
    %convert_element_type3A_58 = arith.extf %convert_element_type3A_57 : vector<64x256xbf16> to vector<64x256xf32>
    %sub3A_59 = arith.subf %get3A_56, %convert_element_type3A_58 : vector<64x256xf32>
    %convert_element_type3A_60 = arith.truncf %sub3A_59 : vector<64x256xf32> to vector<64x256xbf16>
    %dot_general3A_61 = arith.constant dense<0.000000e+00> : vector<1000x256xf32>
    %dot_general3A_62 = tpu.matmul %convert_element_type3A_50, %convert_element_type3A_57, %dot_general3A_61 {dimension_numbers = #tpu.dot_dimension_numbers<[1], [0], [0], [1], [0, 0, 1, 1], [], []>, transpose_lhs_hint = false} : vector<1000x64xbf16>, vector<64x256xbf16>, vector<1000x256xf32> -> vector<1000x256xf32>
    %dot_general3A_63 = arith.constant dense<0.000000e+00> : vector<1000x256xf32>
    %dot_general3A_64 = tpu.matmul %convert_element_type3A_50, %convert_element_type3A_60, %dot_general3A_63 {dimension_numbers = #tpu.dot_dimension_numbers<[1], [0], [0], [1], [0, 0, 1, 1], [], []>, transpose_lhs_hint = false} : vector<1000x64xbf16>, vector<64x256xbf16>, vector<1000x256xf32> -> vector<1000x256xf32>
    %add3A_65 = arith.addf %dot_general3A_62, %dot_general3A_64 : vector<1000x256xf32>
    %dot_general3A_66 = arith.constant dense<0.000000e+00> : vector<1000x256xf32>
    %dot_general3A_67 = tpu.matmul %convert_element_type3A_53, %convert_element_type3A_57, %dot_general3A_66 {dimension_numbers = #tpu.dot_dimension_numbers<[1], [0], [0], [1], [0, 0, 1, 1], [], []>, transpose_lhs_hint = false} : vector<1000x64xbf16>, vector<64x256xbf16>, vector<1000x256xf32> -> vector<1000x256xf32>
    %add3A_68 = arith.addf %add3A_65, %dot_general3A_67 : vector<1000x256xf32>
    %add3A_69 = arith.addf %add3A_46, %add3A_68 : vector<1000x256xf32>
    %get3A_70 = arith.constant 0 : index
    %get3A_71 = arith.constant 0 : index
    %get3A_72 = vector.load %arg3[%get3A_70, %get3A_71] : memref<1000x128xf32, #tpu.memory_space<vmem>>, vector<1000x128xf32>
    %convert_element_type3A_73 = arith.truncf %get3A_72 : vector<1000x128xf32> to vector<1000x128xbf16>
    %convert_element_type3A_74 = arith.extf %convert_element_type3A_73 : vector<1000x128xbf16> to vector<1000x128xf32>
    %sub3A_75 = arith.subf %get3A_72, %convert_element_type3A_74 : vector<1000x128xf32>
    %convert_element_type3A_76 = arith.truncf %sub3A_75 : vector<1000x128xf32> to vector<1000x128xbf16>
    %get3A_77 = arith.constant 0 : index
    %get3A_78 = arith.constant 0 : index
    %get3A_79 = vector.load %arg9[%get3A_77, %get3A_78] : memref<128x256xf32, #tpu.memory_space<vmem>>, vector<128x256xf32>
    %convert_element_type3A_80 = arith.truncf %get3A_79 : vector<128x256xf32> to vector<128x256xbf16>
    %convert_element_type3A_81 = arith.extf %convert_element_type3A_80 : vector<128x256xbf16> to vector<128x256xf32>
    %sub3A_82 = arith.subf %get3A_79, %convert_element_type3A_81 : vector<128x256xf32>
    %convert_element_type3A_83 = arith.truncf %sub3A_82 : vector<128x256xf32> to vector<128x256xbf16>
    %dot_general3A_84 = arith.constant dense<0.000000e+00> : vector<1000x256xf32>
    %dot_general3A_85 = tpu.matmul %convert_element_type3A_73, %convert_element_type3A_80, %dot_general3A_84 {dimension_numbers = #tpu.dot_dimension_numbers<[1], [0], [0], [1], [0, 0, 1, 1], [], []>, transpose_lhs_hint = false} : vector<1000x128xbf16>, vector<128x256xbf16>, vector<1000x256xf32> -> vector<1000x256xf32>
    %dot_general3A_86 = arith.constant dense<0.000000e+00> : vector<1000x256xf32>
    %dot_general3A_87 = tpu.matmul %convert_element_type3A_73, %convert_element_type3A_83, %dot_general3A_86 {dimension_numbers = #tpu.dot_dimension_numbers<[1], [0], [0], [1], [0, 0, 1, 1], [], []>, transpose_lhs_hint = false} : vector<1000x128xbf16>, vector<128x256xbf16>, vector<1000x256xf32> -> vector<1000x256xf32>
    %add3A_88 = arith.addf %dot_general3A_85, %dot_general3A_87 : vector<1000x256xf32>
    %dot_general3A_89 = arith.constant dense<0.000000e+00> : vector<1000x256xf32>
    %dot_general3A_90 = tpu.matmul %convert_element_type3A_76, %convert_element_type3A_80, %dot_general3A_89 {dimension_numbers = #tpu.dot_dimension_numbers<[1], [0], [0], [1], [0, 0, 1, 1], [], []>, transpose_lhs_hint = false} : vector<1000x128xbf16>, vector<128x256xbf16>, vector<1000x256xf32> -> vector<1000x256xf32>
    %add3A_91 = arith.addf %add3A_88, %dot_general3A_90 : vector<1000x256xf32>
    %add3A_92 = arith.addf %add3A_69, %add3A_91 : vector<1000x256xf32>
    %get3A_93 = arith.constant 0 : index
    %get3A_94 = arith.constant 0 : index
    %get3A_95 = vector.load %arg4[%get3A_93, %get3A_94] : memref<1000x256xf32, #tpu.memory_space<vmem>>, vector<1000x256xf32>
    %convert_element_type3A_96 = arith.truncf %get3A_95 : vector<1000x256xf32> to vector<1000x256xbf16>
    %convert_element_type3A_97 = arith.extf %convert_element_type3A_96 : vector<1000x256xbf16> to vector<1000x256xf32>
    %sub3A_98 = arith.subf %get3A_95, %convert_element_type3A_97 : vector<1000x256xf32>
    %convert_element_type3A_99 = arith.truncf %sub3A_98 : vector<1000x256xf32> to vector<1000x256xbf16>
    %get3A_100 = arith.constant 0 : index
    %get3A_101 = arith.constant 0 : index
    %get3A_102 = vector.load %arg10[%get3A_100, %get3A_101] : memref<256x256xf32, #tpu.memory_space<vmem>>, vector<256x256xf32>
    %convert_element_type3A_103 = arith.truncf %get3A_102 : vector<256x256xf32> to vector<256x256xbf16>
    %convert_element_type3A_104 = arith.extf %convert_element_type3A_103 : vector<256x256xbf16> to vector<256x256xf32>
    %sub3A_105 = arith.subf %get3A_102, %convert_element_type3A_104 : vector<256x256xf32>
    %convert_element_type3A_106 = arith.truncf %sub3A_105 : vector<256x256xf32> to vector<256x256xbf16>
    %dot_general3A_107 = arith.constant dense<0.000000e+00> : vector<1000x256xf32>
    %dot_general3A_108 = tpu.matmul %convert_element_type3A_96, %convert_element_type3A_103, %dot_general3A_107 {dimension_numbers = #tpu.dot_dimension_numbers<[1], [0], [0], [1], [0, 0, 1, 1], [], []>, transpose_lhs_hint = false} : vector<1000x256xbf16>, vector<256x256xbf16>, vector<1000x256xf32> -> vector<1000x256xf32>
    %dot_general3A_109 = arith.constant dense<0.000000e+00> : vector<1000x256xf32>
    %dot_general3A_110 = tpu.matmul %convert_element_type3A_96, %convert_element_type3A_106, %dot_general3A_109 {dimension_numbers = #tpu.dot_dimension_numbers<[1], [0], [0], [1], [0, 0, 1, 1], [], []>, transpose_lhs_hint = false} : vector<1000x256xbf16>, vector<256x256xbf16>, vector<1000x256xf32> -> vector<1000x256xf32>
    %add3A_111 = arith.addf %dot_general3A_108, %dot_general3A_110 : vector<1000x256xf32>
    %dot_general3A_112 = arith.constant dense<0.000000e+00> : vector<1000x256xf32>
    %dot_general3A_113 = tpu.matmul %convert_element_type3A_99, %convert_element_type3A_103, %dot_general3A_112 {dimension_numbers = #tpu.dot_dimension_numbers<[1], [0], [0], [1], [0, 0, 1, 1], [], []>, transpose_lhs_hint = false} : vector<1000x256xbf16>, vector<256x256xbf16>, vector<1000x256xf32> -> vector<1000x256xf32>
    %add3A_114 = arith.addf %add3A_111, %dot_general3A_113 : vector<1000x256xf32>
    %add3A_115 = arith.addf %add3A_92, %add3A_114 : vector<1000x256xf32>
    %max3A_116 = arith.constant 0.000000e+00 : f32
    %max3A_117 = vector.broadcast %max3A_116 : f32 to vector<1000x256xf32>
    %max3A_118 = arith.maximumf %add3A_115, %max3A_117 : vector<1000x256xf32>
    %convert_element_type3A_119 = arith.truncf %max3A_118 : vector<1000x256xf32> to vector<1000x256xbf16>
    %convert_element_type3A_120 = arith.extf %convert_element_type3A_119 : vector<1000x256xbf16> to vector<1000x256xf32>
    %sub3A_121 = arith.subf %max3A_118, %convert_element_type3A_120 : vector<1000x256xf32>
    %convert_element_type3A_122 = arith.truncf %sub3A_121 : vector<1000x256xf32> to vector<1000x256xbf16>
    %get3A_123 = arith.constant 0 : index
    %get3A_124 = arith.constant 0 : index
    %get3A_125 = vector.load %arg12[%get3A_123, %get3A_124] : memref<256x256xf32, #tpu.memory_space<vmem>>, vector<256x256xf32>
    %convert_element_type3A_126 = arith.truncf %get3A_125 : vector<256x256xf32> to vector<256x256xbf16>
    %convert_element_type3A_127 = arith.extf %convert_element_type3A_126 : vector<256x256xbf16> to vector<256x256xf32>
    %sub3A_128 = arith.subf %get3A_125, %convert_element_type3A_127 : vector<256x256xf32>
    %convert_element_type3A_129 = arith.truncf %sub3A_128 : vector<256x256xf32> to vector<256x256xbf16>
    %dot_general3A_130 = arith.constant dense<0.000000e+00> : vector<1000x256xf32>
    %dot_general3A_131 = tpu.matmul %convert_element_type3A_119, %convert_element_type3A_126, %dot_general3A_130 {dimension_numbers = #tpu.dot_dimension_numbers<[1], [0], [0], [1], [0, 0, 1, 1], [], []>, transpose_lhs_hint = false} : vector<1000x256xbf16>, vector<256x256xbf16>, vector<1000x256xf32> -> vector<1000x256xf32>
    %dot_general3A_132 = arith.constant dense<0.000000e+00> : vector<1000x256xf32>
    %dot_general3A_133 = tpu.matmul %convert_element_type3A_119, %convert_element_type3A_129, %dot_general3A_132 {dimension_numbers = #tpu.dot_dimension_numbers<[1], [0], [0], [1], [0, 0, 1, 1], [], []>, transpose_lhs_hint = false} : vector<1000x256xbf16>, vector<256x256xbf16>, vector<1000x256xf32> -> vector<1000x256xf32>
    %add3A_134 = arith.addf %dot_general3A_131, %dot_general3A_133 : vector<1000x256xf32>
    %dot_general3A_135 = arith.constant dense<0.000000e+00> : vector<1000x256xf32>
    %dot_general3A_136 = tpu.matmul %convert_element_type3A_122, %convert_element_type3A_126, %dot_general3A_135 {dimension_numbers = #tpu.dot_dimension_numbers<[1], [0], [0], [1], [0, 0, 1, 1], [], []>, transpose_lhs_hint = false} : vector<1000x256xbf16>, vector<256x256xbf16>, vector<1000x256xf32> -> vector<1000x256xf32>
    %add3A_137 = arith.addf %add3A_134, %dot_general3A_136 : vector<1000x256xf32>
    %get3A_138 = arith.constant 0 : index
    %get3A_139 = arith.constant 0 : index
    %get3A_140 = vector.load %arg13[%get3A_138, %get3A_139] : memref<1x256xf32, #tpu.memory_space<vmem>>, vector<1x256xf32>
    %add3A_141 = vector.broadcast %get3A_140 : vector<1x256xf32> to vector<1000x256xf32>
    %add3A_142 = arith.addf %add3A_137, %add3A_141 : vector<1000x256xf32>
    %max3A_143 = arith.constant 0.000000e+00 : f32
    %max3A_144 = vector.broadcast %max3A_143 : f32 to vector<1000x256xf32>
    %max3A_145 = arith.maximumf %add3A_142, %max3A_144 : vector<1000x256xf32>
    %convert_element_type3A_146 = arith.truncf %max3A_145 : vector<1000x256xf32> to vector<1000x256xbf16>
    %convert_element_type3A_147 = arith.extf %convert_element_type3A_146 : vector<1000x256xbf16> to vector<1000x256xf32>
    %sub3A_148 = arith.subf %max3A_145, %convert_element_type3A_147 : vector<1000x256xf32>
    %convert_element_type3A_149 = arith.truncf %sub3A_148 : vector<1000x256xf32> to vector<1000x256xbf16>
    %get3A_150 = arith.constant 0 : index
    %get3A_151 = arith.constant 0 : index
    %get3A_152 = vector.load %arg14[%get3A_150, %get3A_151] : memref<256x128xf32, #tpu.memory_space<vmem>>, vector<256x128xf32>
    %convert_element_type3A_153 = arith.truncf %get3A_152 : vector<256x128xf32> to vector<256x128xbf16>
    %convert_element_type3A_154 = arith.extf %convert_element_type3A_153 : vector<256x128xbf16> to vector<256x128xf32>
    %sub3A_155 = arith.subf %get3A_152, %convert_element_type3A_154 : vector<256x128xf32>
    %convert_element_type3A_156 = arith.truncf %sub3A_155 : vector<256x128xf32> to vector<256x128xbf16>
    %dot_general3A_157 = arith.constant dense<0.000000e+00> : vector<1000x128xf32>
    %dot_general3A_158 = tpu.matmul %convert_element_type3A_146, %convert_element_type3A_153, %dot_general3A_157 {dimension_numbers = #tpu.dot_dimension_numbers<[1], [0], [0], [1], [0, 0, 1, 1], [], []>, transpose_lhs_hint = false} : vector<1000x256xbf16>, vector<256x128xbf16>, vector<1000x128xf32> -> vector<1000x128xf32>
    %dot_general3A_159 = arith.constant dense<0.000000e+00> : vector<1000x128xf32>
    %dot_general3A_160 = tpu.matmul %convert_element_type3A_146, %convert_element_type3A_156, %dot_general3A_159 {dimension_numbers = #tpu.dot_dimension_numbers<[1], [0], [0], [1], [0, 0, 1, 1], [], []>, transpose_lhs_hint = false} : vector<1000x256xbf16>, vector<256x128xbf16>, vector<1000x128xf32> -> vector<1000x128xf32>
    %add3A_161 = arith.addf %dot_general3A_158, %dot_general3A_160 : vector<1000x128xf32>
    %dot_general3A_162 = arith.constant dense<0.000000e+00> : vector<1000x128xf32>
    %dot_general3A_163 = tpu.matmul %convert_element_type3A_149, %convert_element_type3A_153, %dot_general3A_162 {dimension_numbers = #tpu.dot_dimension_numbers<[1], [0], [0], [1], [0, 0, 1, 1], [], []>, transpose_lhs_hint = false} : vector<1000x256xbf16>, vector<256x128xbf16>, vector<1000x128xf32> -> vector<1000x128xf32>
    %add3A_164 = arith.addf %add3A_161, %dot_general3A_163 : vector<1000x128xf32>
    %get3A_165 = arith.constant 0 : index
    %get3A_166 = arith.constant 0 : index
    %get3A_167 = vector.load %arg15[%get3A_165, %get3A_166] : memref<1x128xf32, #tpu.memory_space<vmem>>, vector<1x128xf32>
    %add3A_168 = vector.broadcast %get3A_167 : vector<1x128xf32> to vector<1000x128xf32>
    %add3A_169 = arith.addf %add3A_164, %add3A_168 : vector<1000x128xf32>
    %gt3A = arith.constant 0.000000e+00 : f32
    %gt3A_170 = vector.broadcast %gt3A : f32 to vector<1000x128xf32>
    %gt3A_171 = arith.cmpf ogt, %add3A_169, %gt3A_170 : vector<1000x128xf32>
    %mul3A_172 = arith.constant 2.000000e-01 : f32
    %mul3A_173 = vector.broadcast %mul3A_172 : f32 to vector<1000x128xf32>
    %mul3A_174 = arith.mulf %mul3A_173, %add3A_169 : vector<1000x128xf32>
    %select_n3A = arith.select %gt3A_171, %add3A_169, %mul3A_174 : vector<1000x128xi1>, vector<1000x128xf32>
    %convert_element_type3A_175 = arith.truncf %select_n3A : vector<1000x128xf32> to vector<1000x128xbf16>
    %convert_element_type3A_176 = arith.extf %convert_element_type3A_175 : vector<1000x128xbf16> to vector<1000x128xf32>
    %sub3A_177 = arith.subf %select_n3A, %convert_element_type3A_176 : vector<1000x128xf32>
    %convert_element_type3A_178 = arith.truncf %sub3A_177 : vector<1000x128xf32> to vector<1000x128xbf16>
    %get3A_179 = arith.constant 0 : index
    %get3A_180 = arith.constant 0 : index
    %get3A_181 = vector.load %arg16[%get3A_179, %get3A_180] : memref<128x1xf32, #tpu.memory_space<vmem>>, vector<128x1xf32>
    %convert_element_type3A_182 = arith.truncf %get3A_181 : vector<128x1xf32> to vector<128x1xbf16>
    %convert_element_type3A_183 = arith.extf %convert_element_type3A_182 : vector<128x1xbf16> to vector<128x1xf32>
    %sub3A_184 = arith.subf %get3A_181, %convert_element_type3A_183 : vector<128x1xf32>
    %convert_element_type3A_185 = arith.truncf %sub3A_184 : vector<128x1xf32> to vector<128x1xbf16>
    %dot_general3A_186 = arith.constant dense<0.000000e+00> : vector<1000x1xf32>
    %dot_general3A_187 = tpu.matmul %convert_element_type3A_175, %convert_element_type3A_182, %dot_general3A_186 {dimension_numbers = #tpu.dot_dimension_numbers<[1], [0], [0], [1], [0, 0, 1, 1], [], []>, transpose_lhs_hint = false} : vector<1000x128xbf16>, vector<128x1xbf16>, vector<1000x1xf32> -> vector<1000x1xf32>
    %dot_general3A_188 = arith.constant dense<0.000000e+00> : vector<1000x1xf32>
    %dot_general3A_189 = tpu.matmul %convert_element_type3A_175, %convert_element_type3A_185, %dot_general3A_188 {dimension_numbers = #tpu.dot_dimension_numbers<[1], [0], [0], [1], [0, 0, 1, 1], [], []>, transpose_lhs_hint = false} : vector<1000x128xbf16>, vector<128x1xbf16>, vector<1000x1xf32> -> vector<1000x1xf32>
    %add3A_190 = arith.addf %dot_general3A_187, %dot_general3A_189 : vector<1000x1xf32>
    %dot_general3A_191 = arith.constant dense<0.000000e+00> : vector<1000x1xf32>
    %dot_general3A_192 = tpu.matmul %convert_element_type3A_178, %convert_element_type3A_182, %dot_general3A_191 {dimension_numbers = #tpu.dot_dimension_numbers<[1], [0], [0], [1], [0, 0, 1, 1], [], []>, transpose_lhs_hint = false} : vector<1000x128xbf16>, vector<128x1xbf16>, vector<1000x1xf32> -> vector<1000x1xf32>
    %add3A_193 = arith.addf %add3A_190, %dot_general3A_192 : vector<1000x1xf32>
    %get3A_194 = arith.constant 0 : index
    %get3A_195 = arith.constant 0 : index
    %get3A_196 = vector.load %arg17[%get3A_194, %get3A_195] : memref<1x1xf32, #tpu.memory_space<vmem>>, vector<1x1xf32>
    %add3A_197 = vector.broadcast %get3A_196 : vector<1x1xf32> to vector<1000x1xf32>
    %add3A_198 = arith.addf %add3A_193, %add3A_197 : vector<1000x1xf32>
    %swap3A = arith.constant 0 : index
    %swap3A_199 = arith.constant 0 : index
    %swap3A_200 = vector.load %arg18[%swap3A, %swap3A_199] : memref<1000x1xf32, #tpu.memory_space<vmem>>, vector<1000x1xf32>
    tpu.vector_store %arg18[%swap3A, %swap3A_199], %add3A_198 {strides = array<i32>} : memref<1000x1xf32, #tpu.memory_space<vmem>>, vector<1000x1xf32>,
    return
  }
  func.func @transform_0(%arg0: i32) -> (i32, i32) {
    %c0_i32 = arith.constant 0 : i32
    %c0_i32_0 = arith.constant 0 : i32
    return %arg0, %c0_i32 : i32, i32
  }
  func.func @transform_1(%arg0: i32) -> (i32, i32) {
    %c0_i32 = arith.constant 0 : i32
    %c0_i32_0 = arith.constant 0 : i32
    return %arg0, %c0_i32 : i32, i32
  }
  func.func @transform_2(%arg0: i32) -> (i32, i32) {
    %c0_i32 = arith.constant 0 : i32
    %c0_i32_0 = arith.constant 0 : i32
    return %arg0, %c0_i32 : i32, i32
  }
  func.func @transform_3(%arg0: i32) -> (i32, i32) {
    %c0_i32 = arith.constant 0 : i32
    %c0_i32_0 = arith.constant 0 : i32
    return %arg0, %c0_i32 : i32, i32
  }
  func.func @transform_4(%arg0: i32) -> (i32, i32) {
    %c0_i32 = arith.constant 0 : i32
    %c0_i32_0 = arith.constant 0 : i32
    %c0_i32_1 = arith.constant 0 : i32
    return %c0_i32, %c0_i32_0 : i32, i32
  }
  func.func @transform_5(%arg0: i32) -> (i32, i32) {
    %c0_i32 = arith.constant 0 : i32
    %c0_i32_0 = arith.constant 0 : i32
    %c0_i32_1 = arith.constant 0 : i32
    return %c0_i32, %c0_i32_0 : i32, i32
  }
  func.func @transform_6(%arg0: i32) -> (i32, i32) {
    %c0_i32 = arith.constant 0 : i32
    %c0_i32_0 = arith.constant 0 : i32
    %c0_i32_1 = arith.constant 0 : i32
    return %c0_i32, %c0_i32_0 : i32, i32
  }
  func.func @transform_7(%arg0: i32) -> (i32, i32) {
    %c0_i32 = arith.constant 0 : i32
    %c0_i32_0 = arith.constant 0 : i32
    %c0_i32_1 = arith.constant 0 : i32
    return %c0_i32, %c0_i32_0 : i32, i32
  }
  func.func @transform_8(%arg0: i32) -> (i32, i32) {
    %c0_i32 = arith.constant 0 : i32
    %c0_i32_0 = arith.constant 0 : i32
    %c0_i32_1 = arith.constant 0 : i32
    return %c0_i32, %c0_i32_0 : i32, i32
  }
  func.func @transform_9(%arg0: i32) -> (i32, i32) {
    %c0_i32 = arith.constant 0 : i32
    %c0_i32_0 = arith.constant 0 : i32
    %c0_i32_1 = arith.constant 0 : i32
    return %c0_i32, %c0_i32_0 : i32, i32
  }
  func.func @transform_10(%arg0: i32) -> (i32, i32) {
    %c0_i32 = arith.constant 0 : i32
    %c0_i32_0 = arith.constant 0 : i32
    %c0_i32_1 = arith.constant 0 : i32
    return %c0_i32, %c0_i32_0 : i32, i32
  }
  func.func @transform_11(%arg0: i32) -> (i32, i32) {
    %c0_i32 = arith.constant 0 : i32
    %c0_i32_0 = arith.constant 0 : i32
    %c0_i32_1 = arith.constant 0 : i32
    return %c0_i32, %c0_i32_0 : i32, i32
  }
  func.func @transform_12(%arg0: i32) -> (i32, i32) {
    %c0_i32 = arith.constant 0 : i32
    %c0_i32_0 = arith.constant 0 : i32
    %c0_i32_1 = arith.constant 0 : i32
    return %c0_i32, %c0_i32_0 : i32, i32
  }
  func.func @transform_13(%arg0: i32) -> (i32, i32) {
    %c0_i32 = arith.constant 0 : i32
    %c0_i32_0 = arith.constant 0 : i32
    %c0_i32_1 = arith.constant 0 : i32
    return %c0_i32, %c0_i32_0 : i32, i32
  }
  func.func @transform_14(%arg0: i32) -> (i32, i32) {
    %c0_i32 = arith.constant 0 : i32
    %c0_i32_0 = arith.constant 0 : i32
    %c0_i32_1 = arith.constant 0 : i32
    return %c0_i32, %c0_i32_0 : i32, i32
  }
  func.func @transform_15(%arg0: i32) -> (i32, i32) {
    %c0_i32 = arith.constant 0 : i32
    %c0_i32_0 = arith.constant 0 : i32
    %c0_i32_1 = arith.constant 0 : i32
    return %c0_i32, %c0_i32_0 : i32, i32
  }
  func.func @transform_16(%arg0: i32) -> (i32, i32) {
    %c0_i32 = arith.constant 0 : i32
    %c0_i32_0 = arith.constant 0 : i32
    %c0_i32_1 = arith.constant 0 : i32
    return %c0_i32, %c0_i32_0 : i32, i32
  }
  func.func @transform_17(%arg0: i32) -> (i32, i32) {
    %c0_i32 = arith.constant 0 : i32
    %c0_i32_0 = arith.constant 0 : i32
    return %arg0, %c0_i32 : i32, i32
  }
}

</mosaic_0001>

<sc_bundles>
// kernel: kernel.10.cloned.1.call-start
scs
__scs_entry_jumppad:
0x0: {  	(pc) =	sbr.rel $0x88, $3  }
0x1: {  	(tag) =	ssettag $0x0;
	lr =	simm.s32 $0x1  }
0x2: {  	[smem:$0x3F87] =	sst lr;
	_ =	strace $0xD0000000  }
0x3: {  	_ = 	snop  }
0x4: {  	_ = 	snop  }
0x5: {  	_ = 	snop  }
0x6: {  	_ = 	snop  }
0x7: {  	_ = 	snop  }
__scs_overlays_trampoline_lowered:
0x8: {  	[smem:$0x3F96] =	sst s0  }
0x9: {  	[smem:$0x3F97] =	sst s1  }
0xa: {  	[smem:$0x3F98] =	sst s2  }
0xb: {  	[smem:$0x3F99] =	sst s3  }
0xc: {  	[smem:$0x3F9A] =	sst s4  }
0xd: {  	[smem:$0x3F9B] =	sst s5  }
0xe: {  	[smem:$0x3F9C] =	sst s6  }
0xf: {  	[smem:$0x3F9D] =	sst s7  }
0x10: {  	[smem:$0x3F9E] =	sst s8  }
0x11: {  	[smem:$0x3F9F] =	sst s9;
	s0 =	simm.s32 @!p0 $0x0  }
0x12: {  	s1 =	sld [smem:$0x3F85];
	s0 =	simm.s32 @p0 $0x1  }
0x13: {  	[smem:$0x3FA0] =	sst s0;
	s0 =	simm.s32 @!p1 $0x0  }
0x14: {  	s2 =	sld [smem:$0x3F84];
	s0 =	simm.s32 @p1 $0x1  }
0x15: {  	[smem:$0x3FA1] =	sst s0;
	s0 =	simm.s32 @!p2 $0x0  }
0x16: {  	s3 =	sld [smem:$0x3FDB];
	s0 =	simm.s32 @p2 $0x1  }
0x17: {  	s4 =	simm.s32 $0x1BF5;
	[smem:$0x3FA3] =	sst s0  }
0x18: {  	s0 =	sld [smem:$0x3F86];
	_ =	swait.ge [sflag:s4], $0x0  }
0x19: {  	s7 =	sld [smem:$0x3F87]  }
0x1a: {  	s8 =	sadd.s32 $0xFFFFE003, lr  }
0x1b: {  	s9 =	sadd.s32 $0xFFFFFEF7, lr;
	s5 =	simm.s32 $0xFFFFFFFF;
	p2 =	slt.u32 s8, $0xFFFFF086  }
0x1c: {  	p1 =	slt.u32 s9, $0xF7A;
	s5 =	simm.s32 @!p2 $0x0  }
0x1d: {  	s5 =	simm.s32 @p1 $0x1;
	p0 =	seq.s32 s7, s2  }
0x1e: {  	s7 =	smul.u32 @!p0 $0xF7A, s2;
	p2 =	seq.s32 @!p0 s5, $0x0  }
0x1f: {  	s9 =	smul.u32 $0xF7A, s1;
	s8 =	simm.s32 @!p0 $0x1BF5;
	p2 =	por !p2, p0  }
0x20: {  	[sflag:s8] =	ssyncset.s32 @!p0 $0xFFFFF086;
	s6 =	sadd.s32 @!p0 s3, s7;
	s7 =	simm.s32 @!p0 $0x108  }
0x21: {  	s3 =	sadd.s32 s3, s9;
	s6 =	sadd.s32 @!p0 $0x88, s6;
	s7 =	simm.s32 @p2 $0x1082  }
0x22: {  	[simem:s7], [sflag:s8] =	dma.local @!p0 [hbm:s6], $0xF7A  }
0x23: {  	s9 =	sor.u32 $0xD0000000, s2;
	s6 =	simm.s32 $0x108;
	_ =	swait.ge @!p0 [sflag:s8], $0x0  }
0x24: {  	s3 =	sadd.s32 $0x88, s3;
	s6 =	simm.s32 @!p1 $0x1082;
	[sflag:s4] =	ssyncset.s32 $0xFFFFF086  }
0x25: {  	[simem:s6], [sflag:s4] =	dma.local [hbm:s3], $0xF7A  }
0x26: {  	[smem:$0x3F87] =	sst s1;
	(tag) =	ssettag s2;
	_ =	strace s9  }
0x27: {  	s1 =	sld [smem:$0x3F97]  }
0x28: {  	s2 =	sld [smem:$0x3F98]  }
0x29: {  	s4 =	sld [smem:$0x3F9A]  }
0x2a: {  	p0 =	seq.s32 s5, $0x0;
	s5 =	sld [smem:$0x3F9B]  }
0x2b: {  	s6 =	sld [smem:$0x3F9C]  }
0x2c: {  	s7 =	sld [smem:$0x3F9D]  }
0x2d: {  	s3 =	simm.s32 $0x108;
	s8 =	sld [smem:$0x3F9E]  }
0x2e: {  	s3 =	simm.s32 @!p0 $0x1082;
	s9 =	sld [smem:$0x3F9F]  }
0x2f: {  	lr =	sadd.s32 s0, s3;
	s0 =	sld [smem:$0x3F96]  }
0x30: {  	s3 =	sld [smem:$0x3F99]  }
0x31: {  	[smem:$0x3FA2] =	sst s10  }
0x32: {  	s10 =	sld [smem:$0x3FA0];
	_ =	sdelay $0x3  }
0x33: {  	p0 =	seq.s32 s10, $0x1;
	s10 =	sld [smem:$0x3FA2];
	_ =	sdelay $0x3  }
0x34: {  	[smem:$0x3FA2] =	sst s10  }
0x35: {  	s10 =	sld [smem:$0x3FA1];
	_ =	sdelay $0x3  }
0x36: {  	p1 =	seq.s32 s10, $0x1;
	s10 =	sld [smem:$0x3FA2];
	_ =	sdelay $0x3  }
0x37: {  	[smem:$0x3FA2] =	sst s10  }
0x38: {  	s10 =	sld [smem:$0x3FA3]  }
0x39: {  	_ = 	snop;
	(pc) =	sbr.ind lr, $3  }
0x3a: {  	_ = 	snop  }
0x3b: {  	_ = 	snop  }
0x3c: {  	p2 =	seq.s32 s10, $0x1;
	s10 =	sld [smem:$0x3FA2]  }
0x3d: {  	_ =	shalt  }
0x3e: {  	_ =	shalt  }
0x3f: {  	_ =	shalt  }
0x40: {  	_ =	shalt  }
0x41: {  	_ =	shalt  }
0x42: {  	_ =	shalt  }
0x43: {  	_ =	shalt  }
0x44: {  	_ =	shalt  }
0x45: {  	_ =	shalt  }
0x46: {  	_ =	shalt  }
0x47: {  	_ =	shalt  }
0x48: {  	_ =	shalt  }
0x49: {  	_ =	shalt  }
0x4a: {  	_ =	shalt  }
0x4b: {  	_ =	shalt  }
0x4c: {  	_ =	shalt  }
0x4d: {  	_ =	shalt  }
0x4e: {  	_ =	shalt  }
0x4f: {  	_ =	shalt  }
0x50: {  	_ =	shalt  }
0x51: {  	_ =	shalt  }
0x52: {  	_ =	shalt  }
0x53: {  	_ =	shalt  }
0x54: {  	_ =	shalt  }
0x55: {  	_ =	shalt  }
0x56: {  	_ =	shalt  }
0x57: {  	_ =	shalt  }
0x58: {  	_ =	shalt  }
0x59: {  	_ =	shalt  }
0x5a: {  	_ =	shalt  }
0x5b: {  	_ =	shalt  }
0x5c: {  	_ =	shalt  }
0x5d: {  	_ =	shalt  }
0x5e: {  	_ =	shalt  }
0x5f: {  	_ =	shalt  }
0x60: {  	_ =	shalt  }
0x61: {  	_ =	shalt  }
0x62: {  	_ =	shalt  }
0x63: {  	_ =	shalt  }
0x64: {  	_ =	shalt  }
0x65: {  	_ =	shalt  }
0x66: {  	_ =	shalt  }
0x67: {  	_ =	shalt  }
0x68: {  	_ =	shalt  }
0x69: {  	_ =	shalt  }
0x6a: {  	_ =	shalt  }
0x6b: {  	_ =	shalt  }
0x6c: {  	_ =	shalt  }
0x6d: {  	_ =	shalt  }
0x6e: {  	_ =	shalt  }
0x6f: {  	_ =	shalt  }
0x70: {  	_ =	shalt  }
0x71: {  	_ =	shalt  }
0x72: {  	_ =	shalt  }
0x73: {  	_ =	shalt  }
0x74: {  	_ =	shalt  }
0x75: {  	_ =	shalt  }
0x76: {  	_ =	shalt  }
0x77: {  	_ =	shalt  }
0x78: {  	_ =	shalt  }
0x79: {  	_ =	shalt  }
0x7a: {  	_ =	shalt  }
0x7b: {  	_ =	shalt  }
0x7c: {  	_ =	shalt  }
0x7d: {  	_ =	shalt  }
0x7e: {  	_ =	shalt  }
0x7f: {  	_ =	shalt  }
0x80: {  	_ =	shalt  }
0x81: {  	_ =	shalt  }
0x82: {  	_ =	shalt  }
0x83: {  	_ =	shalt  }
0x84: {  	_ =	shalt  }
0x85: {  	_ =	shalt  }
0x86: {  	_ =	shalt  }
0x87: {  	_ =	shalt  }
.Lfunc_end0:
.L_simem_size_0:
called_computation_lowered:
.L_overlay_start_0:
0x88: {  	s2 =	sld [smem:$0x3FD9]  }
0x89: {  	s3 =	sld [smem:$0x3FFE];
	_ =	sdelay $0x1  }
0x8a: {  	s1 =	srdreg.scid  }
0x8b: {  	s0 =	sand.u32 $0x1, s1  }
0x8c: {  	s16 =	sshll.u32 s0, $0xA;
	s2 =	sadd.s32 s3, s2  }
0x8d: {  	s2 =	sadd.s32 s2, s16  }
0x8e: {  	[smem:$0x3FAE] =	sst s2  }
0x8f: {  	_ = 	snop  }
0x90: {  	(tm) =	ssettm $0x1  }
0x91: {  	s17 =	sld [smem:$0x3FFB];
	_ =	sdelay $0x3  }
0x92: {  	_ =	strace s17  }
0x93: {  	s2 =	sld [smem:$0x3FFC];
	_ =	sdelay $0x3  }
0x94: {  	_ =	strace s2  }
0x95: {  	s2 =	sld [smem:$0x3FFD];
	_ =	sdelay $0x3  }
0x96: {  	_ =	strace s2  }
0x97: {  	_ =	strace $0x8FFFFFFF  }
0x98: {  	s18 =	sld [smem:$0x3FDB];
	_ =	sdelay $0x1  }
0x99: {  	s19 =	simm.s32 $_scs_section_size  }
0x9a: {  	s4 =	simm.s32 $_size__tile_overlayer_lowered;
	s5 =	simm.s32 $_tile_overlayer_lowered  }
0x9b: {  	s22 =	simm.s32 $0x1BFF;
	s21 =	sshll.u32 s5, $0x1;
	s2 =	sadd.s32 s19, s18  }
0x9c: {  	s6 =	simm.s32 $0x0;
	s20 =	sshll.u32 s4, $0x1;
	s4 =	sadd.s32 s21, s2  }
0x9d: {  	[timem:s6], [sflag:s22] =	dma.local [hbm:s4], s20  }
0x9e: {  	_ =	swait.ge [sflag:s22], s20  }
0x9f: {  	s3 =	ssub.s32 $0x0, s20;
	[sflag:s22] =	ssyncset.done $0x0  }
0xa0: {  	[sflag:s22] =	ssyncadd.s32 s3;
	_ =	sdelay $0x1  }
0xa1: {  	s23 =	simm.s32 $0x1B8B  }
0xa2: {  	_ =	swait.ge [sflag:s23], $0x1  }
0xa3: {  	[sflag:s23] =	ssyncset.done $0x0  }
0xa4: {  	s25 =	simm.s32 $0x1B8E;
	s24 =	sld [smem:$0x3FFE];
	[sflag:s23] =	ssyncadd.s32 $0xFFFFFFFF  }
0xa5: {  	s26 =	simm.s32 $execute0_lowered;
	[smem:$0x3FD2] =	sst s25  }
0xa6: {  	s4 =	sshll.u32 s26, $0x1;
	_ =	strace $0x80000046;
	[dreg:$0x1] =	wrdreg $0xFFFFFFFF  }
0xa7: {  	s28 =	simm.s32 $_size_execute0_lowered;
	s2 =	sadd.s32 s2, s4;
	[dreg:$0x0] =	wrdreg $0x0  }
0xa8: {  	s4 =	sshll.u32 s28, $0x1;
	[dreg:$0x2] =	wrdreg s2  }
0xa9: {  	[dreg:$0x3] =	wrdreg s4  }
0xaa: {  	[dreg:$0x4] =	wrdreg $0xC0  }
0xab: {  	_ =	task [dreg:s6], $0x5FFFF  }
0xac: {  	[dreg:$0x1] =	wrdreg $0xFFFFFFFF  }
0xad: {  	[dreg:$0x0] =	wrdreg $0x60  }
0xae: {  	[dreg:$0x2] =	wrdreg s24  }
0xaf: {  	[dreg:$0x3] =	wrdreg $0x9  }
0xb0: {  	_ =	task.clear_ibuf [dreg:s6], $0x4FFFF;
	_ =	strace $0x90000046  }
0xb1: {  	s29 =	simm.s32 $0x9;
	_ =	strace $0x80000048  }
0xb2: {  	_ =	swait.ge [sflag:s29], $0x1  }
0xb3: {  	[sflag:s29] =	ssyncadd.s32 $0xFFFFFFFF  }
0xb4: {  	_ =	strace $0x90000048  }
0xb5: {  	_ =	sfence  }
0xb6: {  	s30 =	sld [smem:$0x0];
	_ =	sdelay $0x2  }
0xb7: {  	s31 =	sshll.u32 s1, $0xD;
	s1 =	sshrl.u32 s1, $0x2  }
0xb8: {  	s3 =	sand.u32 $0x4000, s31;
	s1 =	sadd.s32 s1, s30  }
0xb9: {  	s0 =	sor.u32 s3, s0;
	s1 =	sshll.u32 s1, $0x11  }
0xba: {  	s0 =	sor.u32 s1, s0  }
0xbb: {  	s0 =	sadd.s32 $0x8F2B, s0  }
0xbc: {  	[sflag:s0] =	ssyncadd.remote.s32 $0x1  }
0xbd: {  	_ =	sfence.sel $0xFFFF  }
0xbe: {  	[dreg:$0x0] =	wrdreg $0xFFFFFFFF;
	(pc) =	sbr.abs _section_cstart, $3  }
0xbf: {  	[dreg:$0x1] =	wrdreg $0xFFFFFFFF  }
0xc0: {  	_ =	task.clear_ibuf [dreg:s6], $0x2FFFF;
	_ =	strace $0x9FFFFFFF  }
0xc1: {  	(tm) =	ssettm $0x7FFFFFFF  }
tec
execute0_lowered:
.L_overlay_start_1:
0x0: {  	(tag) =	ssettag $0x1  }
0x1: {  	s4 =	rddreg [dreg:$0x0]  }
0x2: {  	s0 =	rddreg [dreg:$0x1];
	s1 =	simm.s32 $0x0;
	s5 =	srdreg.scid  }
0x3: {  	s2 =	stileid.u32;
	[smem:$0x7FF] =	sst s1  }
0x4: {  	s3 =	sadd.s32 $0x5800, s4;
	s9 =	sand.u32 $0x1, s5;
	s29 =	sshll.u32 s2, $0x5  }
0x5: {  	s8 =	sshll.u32 s2, $0x8;
	s31 =	sshll.u32 s2, $0x1;
	_ =	strace $0x80000047  }
0x6: {  	s6 =	ssub.s32 $0x2, s9;
	s7 =	sadd.s32 s29, s4;
	s30 =	sadd.s32 s8, s4  }
0x7: {  	s11 =	sshll.u32 s9, $0x7;
	s4 =	sadd.s32 $0x3EF00, s4;
	s13 =	sshll.u32 s9, $0x4  }
0x8: {  	s9 =	sor.u32 s9, s31;
	s10 =	sshrl.u32 s6, $0x1;
	s12 =	sadd.s32 s11, s30  }
0x9: {  	s7 =	sadd.s32 s13, s7;
	s8 =	sor.u32 s11, s8;
	s6 =	ssub.s32 s6, s10  }
0xa: {  	s7 =	sadd.s32 $0x8000, s7;
	s5 =	smax.u32 s6, $0x1;
	s6 =	sadd.s32 $0xE200, s12  }
.LBB2_1:
0xb: {  	p0 =	sgt.u32 s9, $0x61A  }
0xc: {  	s10 =	simm.s32 @!p0 $0x0;
	s11 =	simm.s32 @!p0 $0x3  }
0xd: {  	[tilespmem:s10], [sflag:$0x3] =	stream.linear.gather @!p0 [hbm4b:s7+s10], $0x80, $0x38;
	[tilespmem:$0x480] =	vst v63  }
0xe: {  	_ =	swait.ge @!p0 [sflag:s11], $0x80  }
0xf: {  	s12 =	sadd.s32 $0x0, s8;
	s13 =	simm.s32 @!p0 $0x1;
	[sflag:s11] =	ssyncset.done @!p0 $0x0  }
0x10: {  	s12 =	sadd.s32 $0xFFFCF300, s12;
	[sflag:s11] =	ssyncadd.s32 @!p0 $0xFFFFFF80;
	s11 =	simm.s32 @!p0 $0x80  }
0x11: {  	[tilespmem:s11], [sflag:$0x1] =	stream.indirect.gather @!p0 [hbm4b:s3+s11], $0x8, s10, s11, $0xb8;
	[tilespmem:$0x480] =	vst v63  }
0x12: {  	p1 =	seq.s32 @!p0 s12, $0x0;
	_ =	swait.ge @!p0 [sflag:s13], $0x400  }
0x13: {  	p2 =	por !p1, p0;
	[sflag:s13] =	ssyncset.done @!p0 $0x0  }
0x14: {  	s10 =	simm.s32 @!p2 $0x0;
	s11 =	simm.s32 @!p2 $0x80;
	[sflag:s13] =	ssyncadd.s32 @!p0 $0xFFFFFC00  }
0x15: {  	[hbm4b:s4+s10] =	stream.linear.scatter @!p2 [tilespmem:s11], [sflag:$0x2], $0x200, $0x38;
	[tilespmem:$0x480] =	vst v63  }
0x16: {  	s10 =	simm.s32 @!p2 $0x2  }
0x17: {  	p0 =	por p1, p0;
	_ =	swait.ge @!p2 [sflag:s10], $0x200  }
0x18: {  	s11 =	sadd.s32 @!p0 $0x0, s6;
	[sflag:s10] =	ssyncset.done @!p2 $0x0  }
0x19: {  	s12 =	simm.s32 @!p0 $0x80;
	[sflag:s10] =	ssyncadd.s32 @!p2 $0xFFFFFE00;
	s10 =	simm.s32 @!p0 $0x0  }
0x1a: {  	[hbm4b:s11+s10] =	stream.linear.scatter @!p0 [tilespmem:s12], [sflag:$0x3], $0x400, $0x38;
	[tilespmem:$0x480] =	vst v63  }
0x1b: {  	s13 =	sadd.s32 $0x20, s9;
	s14 =	simm.s32 @!p0 $0x3;
	s10 =	simm.s32 $0x1000  }
0x1c: {  	s12 =	simm.s32 $0x2000;
	s11 =	sadd.s32 $0x200, s7;
	_ =	swait.ge @!p0 [sflag:s14], $0x400  }
.LBB2_2:
0x1d: {  	p2 =	sgt.u32 s13, $0x61A;
	[sflag:s14] =	ssyncset.done @!p0 $0x0  }
0x1e: {  	s15 =	smov.u32 s10;
	s10 =	smov.u32 s12;
	s12 =	sadd.s32 $0x1000, s12  }
0x1f: {  	s16 =	simm.s32 @!p2 $0x0;
	s17 =	simm.s32 @!p2 $0x3;
	[sflag:s14] =	ssyncadd.s32 @!p0 $0xFFFFFC00  }
0x20: {  	[tilespmem:s16], [sflag:$0x3] =	stream.linear.gather @!p2 [hbm4b:s11+s16], $0x80, $0x38;
	[tilespmem:$0x480] =	vst v63  }
0x21: {  	p1 =	sne.s32 s12, $0x31000;
	_ =	swait.ge @!p2 [sflag:s17], $0x80  }
0x22: {  	s14 =	sadd.s32 s15, s8;
	s18 =	simm.s32 @!p2 $0x1;
	[sflag:s17] =	ssyncset.done @!p2 $0x0  }
0x23: {  	s14 =	sadd.s32 $0xFFFCF300, s14;
	[sflag:s17] =	ssyncadd.s32 @!p2 $0xFFFFFF80;
	s17 =	simm.s32 @!p2 $0x80  }
0x24: {  	[tilespmem:s17], [sflag:$0x1] =	stream.indirect.gather @!p2 [hbm4b:s3+s17], $0x8, s16, s17, $0xb8;
	[tilespmem:$0x480] =	vst v63  }
0x25: {  	p0 =	seq.s32 @!p2 s14, $0x0;
	_ =	swait.ge @!p2 [sflag:s18], $0x400  }
0x26: {  	p3 =	por !p0, p2;
	[sflag:s18] =	ssyncset.done @!p2 $0x0  }
0x27: {  	s14 =	simm.s32 @!p3 $0x0;
	s16 =	simm.s32 @!p3 $0x80;
	[sflag:s18] =	ssyncadd.s32 @!p2 $0xFFFFFC00  }
0x28: {  	[hbm4b:s4+s14] =	stream.linear.scatter @!p3 [tilespmem:s16], [sflag:$0x2], $0x200, $0x38;
	[tilespmem:$0x480] =	vst v63  }
0x29: {  	s14 =	simm.s32 @!p3 $0x2  }
.Ltmp0:
0x2a: {  	p0 =	por p0, p2;
	_ =	swait.ge @!p3 [sflag:s14], $0x200;
	(pc) =	sbr.rel @p1 .LBB2_2-.Ltmp0, $4  }
0x2b: {  	s15 =	sadd.s32 @!p0 s15, s6;
	s16 =	simm.s32 @!p0 $0x80;
	[sflag:s14] =	ssyncset.done @!p3 $0x0  }
0x2c: {  	s17 =	simm.s32 @!p0 $0x0;
	[sflag:s14] =	ssyncadd.s32 @!p3 $0xFFFFFE00;
	s14 =	simm.s32 @!p0 $0x3  }
0x2d: {  	[hbm4b:s15+s17] =	stream.linear.scatter @!p0 [tilespmem:s16], [sflag:$0x3], $0x400, $0x38;
	[tilespmem:$0x480] =	vst v63  }
0x2e: {  	s13 =	sadd.s32 $0x20, s13;
	s11 =	sadd.s32 $0x200, s11;
	_ =	swait.ge @!p0 [sflag:s14], $0x400  }
0x2f: {  	p1 =	sgt.u32 s13, $0x61A;
	[sflag:s14] =	ssyncset.done @!p0 $0x0  }
0x30: {  	s12 =	simm.s32 @!p1 $0x0;
	s13 =	simm.s32 @!p1 $0x3;
	[sflag:s14] =	ssyncadd.s32 @!p0 $0xFFFFFC00  }
0x31: {  	[tilespmem:s12], [sflag:$0x3] =	stream.linear.gather @!p1 [hbm4b:s11+s12], $0x80, $0x38;
	[tilespmem:$0x480] =	vst v63  }
0x32: {  	_ =	swait.ge @!p1 [sflag:s13], $0x80  }
0x33: {  	s31 =	sadd.s32 s10, s8;
	s14 =	simm.s32 @!p1 $0x1;
	[sflag:s13] =	ssyncset.done @!p1 $0x0  }
0x34: {  	s11 =	sadd.s32 $0xFFFCF300, s31;
	[sflag:s13] =	ssyncadd.s32 @!p1 $0xFFFFFF80;
	s13 =	simm.s32 @!p1 $0x80  }
0x35: {  	[tilespmem:s13], [sflag:$0x1] =	stream.indirect.gather @!p1 [hbm4b:s3+s13], $0x8, s12, s13, $0xb8;
	[tilespmem:$0x480] =	vst v63  }
0x36: {  	p0 =	seq.s32 @!p1 s11, $0x0;
	_ =	swait.ge @!p1 [sflag:s14], $0x400  }
0x37: {  	p2 =	por !p0, p1;
	[sflag:s14] =	ssyncset.done @!p1 $0x0  }
0x38: {  	s11 =	simm.s32 @!p2 $0x0;
	s12 =	simm.s32 @!p2 $0x80;
	[sflag:s14] =	ssyncadd.s32 @!p1 $0xFFFFFC00  }
0x39: {  	[hbm4b:s4+s11] =	stream.linear.scatter @!p2 [tilespmem:s12], [sflag:$0x2], $0x200, $0x38;
	[tilespmem:$0x480] =	vst v63  }
0x3a: {  	s1 =	sadd.s32 $0x1, s1;
	p0 =	por p0, p1;
	s11 =	simm.s32 @!p2 $0x2  }
0x3b: {  	s10 =	sadd.s32 @!p0 s10, s6;
	s13 =	simm.s32 @!p0 $0x3;
	_ =	swait.ge @!p2 [sflag:s11], $0x200  }
0x3c: {  	p1 =	sne.s32 s1, s5;
	s12 =	simm.s32 @!p0 $0x80;
	[sflag:s11] =	ssyncset.done @!p2 $0x0  }
.Ltmp1:
0x3d: {  	[sflag:s11] =	ssyncadd.s32 @!p2 $0xFFFFFE00;
	s11 =	simm.s32 @!p0 $0x0;
	(pc) =	sbr.rel @p1 .LBB2_1-.Ltmp1, $4  }
0x3e: {  	[hbm4b:s10+s11] =	stream.linear.scatter @!p0 [tilespmem:s12], [sflag:$0x3], $0x400, $0x38;
	[tilespmem:$0x480] =	vst v63  }
0x3f: {  	_ =	swait.ge @!p0 [sflag:s13], $0x400  }
0x40: {  	[sflag:s13] =	ssyncset.done @!p0 $0x0  }
0x41: {  	[sflag:s13] =	ssyncadd.s32 @!p0 $0xFFFFFC00  }
0x42: {  	_ =	sfence.sel $0x180000  }
0x43: {  	[bflag:$0x0] =	sbarrier.arrive $0xFFFF  }
0x44: {  	p0 =	sne.s32 s2, $0x0;
	_ =	strace $0x90000047  }
0x45: {  	s0 =	sadd.s32 @!p0 $0x100000, s0;
	[bflag:$0x2] =	sbarrier.arrive $0xFFFF  }
0x46: {  	[sflag:s0] =	ssyncadd.tile.s32 @!p0 $0x1;
	_ =	shalt  }
.Lfunc_end2:
_tile_overlayer_lowered:
.L_overlay_start_2:
0x47: {  	(tag) =	ssettag $0x2  }
0x48: {  	s0 =	rddreg [dreg:$0x0];
	s2 =	stileid.u32  }
0x49: {  	s1 =	rddreg [dreg:$0x1];
	p0 =	sne.s32 s2, $0x0  }
0x4a: {  	s3 =	rddreg [dreg:$0x2];
	[bflag:$0x3] =	sbarrier.arrive $0xFFFF;
	s2 =	simm.s32 @!p0 $0x1C02  }
0x4b: {  	[timem:s3], [sflag:s2] =	dma.local @!p0 [hbm:s0], s1  }
0x4c: {  	s0 =	simm.s32 @!p0 $0x2  }
0x4d: {  	_ =	swait.ge @!p0 [sflag:s0], s1  }
0x4e: {  	s1 =	ssub.s32 @!p0 $0x0, s1;
	[sflag:s0] =	ssyncset.done @!p0 $0x0  }
0x4f: {  	[sflag:s0] =	ssyncadd.s32 @!p0 s1  }
0x50: {  	[bflag:$0x3] =	sbarrier.arrive $0xFFFF  }
0x51: {  	_ =	shalt  }

// kernel: kernel.13.cloned.1.call-start
scs
__scs_entry_jumppad:
0x0: {  	(pc) =	sbr.rel $0x88, $3  }
0x1: {  	(tag) =	ssettag $0x0;
	lr =	simm.s32 $0x1  }
0x2: {  	[smem:$0x3F87] =	sst lr;
	_ =	strace $0xD0000000  }
0x3: {  	_ = 	snop  }
0x4: {  	_ = 	snop  }
0x5: {  	_ = 	snop  }
0x6: {  	_ = 	snop  }
0x7: {  	_ = 	snop  }
__scs_overlays_trampoline_lowered:
0x8: {  	[smem:$0x3F96] =	sst s0  }
0x9: {  	[smem:$0x3F97] =	sst s1  }
0xa: {  	[smem:$0x3F98] =	sst s2  }
0xb: {  	[smem:$0x3F99] =	sst s3  }
0xc: {  	[smem:$0x3F9A] =	sst s4  }
0xd: {  	[smem:$0x3F9B] =	sst s5  }
0xe: {  	[smem:$0x3F9C] =	sst s6  }
0xf: {  	[smem:$0x3F9D] =	sst s7  }
0x10: {  	[smem:$0x3F9E] =	sst s8  }
0x11: {  	[smem:$0x3F9F] =	sst s9;
	s0 =	simm.s32 @!p0 $0x0  }
0x12: {  	s1 =	sld [smem:$0x3F85];
	s0 =	simm.s32 @p0 $0x1  }
0x13: {  	[smem:$0x3FA0] =	sst s0;
	s0 =	simm.s32 @!p1 $0x0  }
0x14: {  	s2 =	sld [smem:$0x3F84];
	s0 =	simm.s32 @p1 $0x1  }
0x15: {  	[smem:$0x3FA1] =	sst s0;
	s0 =	simm.s32 @!p2 $0x0  }
0x16: {  	s3 =	sld [smem:$0x3FDB];
	s0 =	simm.s32 @p2 $0x1  }
0x17: {  	s4 =	simm.s32 $0x1BF5;
	[smem:$0x3FA3] =	sst s0  }
0x18: {  	s0 =	sld [smem:$0x3F86];
	_ =	swait.ge [sflag:s4], $0x0  }
0x19: {  	s7 =	sld [smem:$0x3F87]  }
0x1a: {  	s8 =	sadd.s32 $0xFFFFE003, lr  }
0x1b: {  	s9 =	sadd.s32 $0xFFFFFEF7, lr;
	s5 =	simm.s32 $0xFFFFFFFF;
	p2 =	slt.u32 s8, $0xFFFFF086  }
0x1c: {  	p1 =	slt.u32 s9, $0xF7A;
	s5 =	simm.s32 @!p2 $0x0  }
0x1d: {  	s5 =	simm.s32 @p1 $0x1;
	p0 =	seq.s32 s7, s2  }
0x1e: {  	s7 =	smul.u32 @!p0 $0xF7A, s2;
	p2 =	seq.s32 @!p0 s5, $0x0  }
0x1f: {  	s9 =	smul.u32 $0xF7A, s1;
	s8 =	simm.s32 @!p0 $0x1BF5;
	p2 =	por !p2, p0  }
0x20: {  	[sflag:s8] =	ssyncset.s32 @!p0 $0xFFFFF086;
	s6 =	sadd.s32 @!p0 s3, s7;
	s7 =	simm.s32 @!p0 $0x108  }
0x21: {  	s3 =	sadd.s32 s3, s9;
	s6 =	sadd.s32 @!p0 $0x88, s6;
	s7 =	simm.s32 @p2 $0x1082  }
0x22: {  	[simem:s7], [sflag:s8] =	dma.local @!p0 [hbm:s6], $0xF7A  }
0x23: {  	s9 =	sor.u32 $0xD0000000, s2;
	s6 =	simm.s32 $0x108;
	_ =	swait.ge @!p0 [sflag:s8], $0x0  }
0x24: {  	s3 =	sadd.s32 $0x88, s3;
	s6 =	simm.s32 @!p1 $0x1082;
	[sflag:s4] =	ssyncset.s32 $0xFFFFF086  }
0x25: {  	[simem:s6], [sflag:s4] =	dma.local [hbm:s3], $0xF7A  }
0x26: {  	[smem:$0x3F87] =	sst s1;
	(tag) =	ssettag s2;
	_ =	strace s9  }
0x27: {  	s1 =	sld [smem:$0x3F97]  }
0x28: {  	s2 =	sld [smem:$0x3F98]  }
0x29: {  	s4 =	sld [smem:$0x3F9A]  }
0x2a: {  	p0 =	seq.s32 s5, $0x0;
	s5 =	sld [smem:$0x3F9B]  }
0x2b: {  	s6 =	sld [smem:$0x3F9C]  }
0x2c: {  	s7 =	sld [smem:$0x3F9D]  }
0x2d: {  	s3 =	simm.s32 $0x108;
	s8 =	sld [smem:$0x3F9E]  }
0x2e: {  	s3 =	simm.s32 @!p0 $0x1082;
	s9 =	sld [smem:$0x3F9F]  }
0x2f: {  	lr =	sadd.s32 s0, s3;
	s0 =	sld [smem:$0x3F96]  }
0x30: {  	s3 =	sld [smem:$0x3F99]  }
0x31: {  	[smem:$0x3FA2] =	sst s10  }
0x32: {  	s10 =	sld [smem:$0x3FA0];
	_ =	sdelay $0x3  }
0x33: {  	p0 =	seq.s32 s10, $0x1;
	s10 =	sld [smem:$0x3FA2];
	_ =	sdelay $0x3  }
0x34: {  	[smem:$0x3FA2] =	sst s10  }
0x35: {  	s10 =	sld [smem:$0x3FA1];
	_ =	sdelay $0x3  }
0x36: {  	p1 =	seq.s32 s10, $0x1;
	s10 =	sld [smem:$0x3FA2];
	_ =	sdelay $0x3  }
0x37: {  	[smem:$0x3FA2] =	sst s10  }
0x38: {  	s10 =	sld [smem:$0x3FA3]  }
0x39: {  	_ = 	snop;
	(pc) =	sbr.ind lr, $3  }
0x3a: {  	_ = 	snop  }
0x3b: {  	_ = 	snop  }
0x3c: {  	p2 =	seq.s32 s10, $0x1;
	s10 =	sld [smem:$0x3FA2]  }
0x3d: {  	_ =	shalt  }
0x3e: {  	_ =	shalt  }
0x3f: {  	_ =	shalt  }
0x40: {  	_ =	shalt  }
0x41: {  	_ =	shalt  }
0x42: {  	_ =	shalt  }
0x43: {  	_ =	shalt  }
0x44: {  	_ =	shalt  }
0x45: {  	_ =	shalt  }
0x46: {  	_ =	shalt  }
0x47: {  	_ =	shalt  }
0x48: {  	_ =	shalt  }
0x49: {  	_ =	shalt  }
0x4a: {  	_ =	shalt  }
0x4b: {  	_ =	shalt  }
0x4c: {  	_ =	shalt  }
0x4d: {  	_ =	shalt  }
0x4e: {  	_ =	shalt  }
0x4f: {  	_ =	shalt  }
0x50: {  	_ =	shalt  }
0x51: {  	_ =	shalt  }
0x52: {  	_ =	shalt  }
0x53: {  	_ =	shalt  }
0x54: {  	_ =	shalt  }
0x55: {  	_ =	shalt  }
0x56: {  	_ =	shalt  }
0x57: {  	_ =	shalt  }
0x58: {  	_ =	shalt  }
0x59: {  	_ =	shalt  }
0x5a: {  	_ =	shalt  }
0x5b: {  	_ =	shalt  }
0x5c: {  	_ =	shalt  }
0x5d: {  	_ =	shalt  }
0x5e: {  	_ =	shalt  }
0x5f: {  	_ =	shalt  }
0x60: {  	_ =	shalt  }
0x61: {  	_ =	shalt  }
0x62: {  	_ =	shalt  }
0x63: {  	_ =	shalt  }
0x64: {  	_ =	shalt  }
0x65: {  	_ =	shalt  }
0x66: {  	_ =	shalt  }
0x67: {  	_ =	shalt  }
0x68: {  	_ =	shalt  }
0x69: {  	_ =	shalt  }
0x6a: {  	_ =	shalt  }
0x6b: {  	_ =	shalt  }
0x6c: {  	_ =	shalt  }
0x6d: {  	_ =	shalt  }
0x6e: {  	_ =	shalt  }
0x6f: {  	_ =	shalt  }
0x70: {  	_ =	shalt  }
0x71: {  	_ =	shalt  }
0x72: {  	_ =	shalt  }
0x73: {  	_ =	shalt  }
0x74: {  	_ =	shalt  }
0x75: {  	_ =	shalt  }
0x76: {  	_ =	shalt  }
0x77: {  	_ =	shalt  }
0x78: {  	_ =	shalt  }
0x79: {  	_ =	shalt  }
0x7a: {  	_ =	shalt  }
0x7b: {  	_ =	shalt  }
0x7c: {  	_ =	shalt  }
0x7d: {  	_ =	shalt  }
0x7e: {  	_ =	shalt  }
0x7f: {  	_ =	shalt  }
0x80: {  	_ =	shalt  }
0x81: {  	_ =	shalt  }
0x82: {  	_ =	shalt  }
0x83: {  	_ =	shalt  }
0x84: {  	_ =	shalt  }
0x85: {  	_ =	shalt  }
0x86: {  	_ =	shalt  }
0x87: {  	_ =	shalt  }
.Lfunc_end0:
.L_simem_size_0:
called_computation.1_lowered:
.L_overlay_start_0:
0x88: {  	s2 =	sld [smem:$0x3FD9]  }
0x89: {  	s3 =	sld [smem:$0x3FFE];
	_ =	sdelay $0x1  }
0x8a: {  	s1 =	srdreg.scid  }
0x8b: {  	s0 =	sand.u32 $0x1, s1  }
0x8c: {  	s16 =	sshll.u32 s0, $0xA;
	s2 =	sadd.s32 s3, s2  }
0x8d: {  	s2 =	sadd.s32 s2, s16  }
0x8e: {  	[smem:$0x3FAE] =	sst s2  }
0x8f: {  	_ = 	snop  }
0x90: {  	(tm) =	ssettm $0x1  }
0x91: {  	s17 =	sld [smem:$0x3FFB];
	_ =	sdelay $0x3  }
0x92: {  	_ =	strace s17  }
0x93: {  	s2 =	sld [smem:$0x3FFC];
	_ =	sdelay $0x3  }
0x94: {  	_ =	strace s2  }
0x95: {  	s2 =	sld [smem:$0x3FFD];
	_ =	sdelay $0x3  }
0x96: {  	_ =	strace s2  }
0x97: {  	_ =	strace $0x8FFFFFFF  }
0x98: {  	s18 =	sld [smem:$0x3FDB];
	_ =	sdelay $0x1  }
0x99: {  	s19 =	simm.s32 $_scs_section_size  }
0x9a: {  	s4 =	simm.s32 $_size__tile_overlayer_lowered;
	s5 =	simm.s32 $_tile_overlayer_lowered  }
0x9b: {  	s22 =	simm.s32 $0x1BFF;
	s21 =	sshll.u32 s5, $0x1;
	s2 =	sadd.s32 s19, s18  }
0x9c: {  	s6 =	simm.s32 $0x0;
	s20 =	sshll.u32 s4, $0x1;
	s4 =	sadd.s32 s21, s2  }
0x9d: {  	[timem:s6], [sflag:s22] =	dma.local [hbm:s4], s20  }
0x9e: {  	_ =	swait.ge [sflag:s22], s20  }
0x9f: {  	s3 =	ssub.s32 $0x0, s20;
	[sflag:s22] =	ssyncset.done $0x0  }
0xa0: {  	[sflag:s22] =	ssyncadd.s32 s3;
	_ =	sdelay $0x1  }
0xa1: {  	s23 =	simm.s32 $0x1B8B  }
0xa2: {  	_ =	swait.ge [sflag:s23], $0x1  }
0xa3: {  	[sflag:s23] =	ssyncset.done $0x0  }
0xa4: {  	s25 =	simm.s32 $0x1B8E;
	s24 =	sld [smem:$0x3FFE];
	[sflag:s23] =	ssyncadd.s32 $0xFFFFFFFF  }
0xa5: {  	s26 =	simm.s32 $execute0_lowered;
	[smem:$0x3FD2] =	sst s25  }
0xa6: {  	s4 =	sshll.u32 s26, $0x1;
	_ =	strace $0x80000049;
	[dreg:$0x1] =	wrdreg $0xFFFFFFFF  }
0xa7: {  	s28 =	simm.s32 $_size_execute0_lowered;
	s2 =	sadd.s32 s2, s4;
	[dreg:$0x0] =	wrdreg $0x0  }
0xa8: {  	s4 =	sshll.u32 s28, $0x1;
	[dreg:$0x2] =	wrdreg s2  }
0xa9: {  	[dreg:$0x3] =	wrdreg s4  }
0xaa: {  	[dreg:$0x4] =	wrdreg $0xC0  }
0xab: {  	_ =	task [dreg:s6], $0x5FFFF  }
0xac: {  	[dreg:$0x1] =	wrdreg $0xFFFFFFFF  }
0xad: {  	[dreg:$0x0] =	wrdreg $0x60  }
0xae: {  	[dreg:$0x2] =	wrdreg s24  }
0xaf: {  	[dreg:$0x3] =	wrdreg $0x9  }
0xb0: {  	_ =	task.clear_ibuf [dreg:s6], $0x4FFFF;
	_ =	strace $0x90000049  }
0xb1: {  	s29 =	simm.s32 $0x9;
	_ =	strace $0x8000004B  }
0xb2: {  	_ =	swait.ge [sflag:s29], $0x1  }
0xb3: {  	[sflag:s29] =	ssyncadd.s32 $0xFFFFFFFF  }
0xb4: {  	_ =	strace $0x9000004B  }
0xb5: {  	_ =	sfence  }
0xb6: {  	s30 =	sld [smem:$0x0];
	_ =	sdelay $0x2  }
0xb7: {  	s31 =	sshll.u32 s1, $0xD;
	s1 =	sshrl.u32 s1, $0x2  }
0xb8: {  	s3 =	sand.u32 $0x4000, s31;
	s1 =	sadd.s32 s1, s30  }
0xb9: {  	s0 =	sor.u32 s3, s0;
	s1 =	sshll.u32 s1, $0x11  }
0xba: {  	s0 =	sor.u32 s1, s0  }
0xbb: {  	s0 =	sadd.s32 $0x8F2B, s0  }
0xbc: {  	[sflag:s0] =	ssyncadd.remote.s32 $0x1  }
0xbd: {  	_ =	sfence.sel $0xFFFF  }
0xbe: {  	[dreg:$0x0] =	wrdreg $0xFFFFFFFF;
	(pc) =	sbr.abs _section_cstart, $3  }
0xbf: {  	[dreg:$0x1] =	wrdreg $0xFFFFFFFF  }
0xc0: {  	_ =	task.clear_ibuf [dreg:s6], $0x2FFFF;
	_ =	strace $0x9FFFFFFF  }
0xc1: {  	(tm) =	ssettm $0x7FFFFFFF  }
tec
execute0_lowered:
.L_overlay_start_1:
0x0: {  	(tag) =	ssettag $0x1  }
0x1: {  	s4 =	rddreg [dreg:$0x0]  }
0x2: {  	s0 =	rddreg [dreg:$0x1];
	s1 =	simm.s32 $0x0;
	s5 =	srdreg.scid  }
0x3: {  	s2 =	stileid.u32;
	[smem:$0x7FF] =	sst s1  }
0x4: {  	s3 =	sadd.s32 $0x35400, s4;
	s9 =	sand.u32 $0x1, s5;
	s29 =	sshll.u32 s2, $0x5  }
0x5: {  	s8 =	sshll.u32 s2, $0xB;
	s31 =	sshll.u32 s2, $0x1;
	_ =	strace $0x8000004A  }
0x6: {  	s6 =	ssub.s32 $0x2, s9;
	s7 =	sadd.s32 s29, s4;
	s30 =	sadd.s32 s8, s4  }
0x7: {  	s11 =	sshll.u32 s9, $0xA;
	s4 =	sadd.s32 $0x1CF600, s4;
	s13 =	sshll.u32 s9, $0x4  }
0x8: {  	s9 =	sor.u32 s9, s31;
	s10 =	sshrl.u32 s6, $0x1;
	s12 =	sadd.s32 s11, s30  }
0x9: {  	s7 =	sadd.s32 s13, s7;
	s8 =	sor.u32 s11, s8;
	s6 =	ssub.s32 s6, s10  }
0xa: {  	s7 =	sadd.s32 $0x8000, s7;
	s5 =	smax.u32 s6, $0x1;
	s6 =	sadd.s32 $0x48E00, s12  }
.LBB2_1:
0xb: {  	p0 =	sgt.u32 s9, $0x61A  }
0xc: {  	s10 =	simm.s32 @!p0 $0x0;
	s11 =	simm.s32 @!p0 $0x3  }
0xd: {  	[tilespmem:s10], [sflag:$0x3] =	stream.linear.gather @!p0 [hbm4b:s7+s10], $0x80, $0x38;
	[tilespmem:$0x2080] =	vst v63  }
0xe: {  	_ =	swait.ge @!p0 [sflag:s11], $0x80  }
0xf: {  	s12 =	sadd.s32 $0x0, s8;
	s13 =	simm.s32 @!p0 $0x1;
	[sflag:s11] =	ssyncset.done @!p0 $0x0  }
0x10: {  	s12 =	sadd.s32 $0xFFE79800, s12;
	[sflag:s11] =	ssyncadd.s32 @!p0 $0xFFFFFF80;
	s11 =	simm.s32 @!p0 $0x80  }
0x11: {  	[tilespmem:s11], [sflag:$0x1] =	stream.indirect.gather @!p0 [hbm4b:s3+s11], $0x40, s10, s11, $0xb8;
	[tilespmem:$0x2080] =	vst v63  }
0x12: {  	p1 =	seq.s32 @!p0 s12, $0x0;
	_ =	swait.ge @!p0 [sflag:s13], $0x2000  }
0x13: {  	p2 =	por !p1, p0;
	[sflag:s13] =	ssyncset.done @!p0 $0x0  }
0x14: {  	s10 =	simm.s32 @!p2 $0x0;
	s11 =	simm.s32 @!p2 $0x80;
	[sflag:s13] =	ssyncadd.s32 @!p0 $0xFFFFE000  }
0x15: {  	[hbm4b:s4+s10] =	stream.linear.scatter @!p2 [tilespmem:s11], [sflag:$0x2], $0x1000, $0x38;
	[tilespmem:$0x2080] =	vst v63  }
0x16: {  	s10 =	simm.s32 @!p2 $0x2  }
0x17: {  	p0 =	por p1, p0;
	_ =	swait.ge @!p2 [sflag:s10], $0x1000  }
0x18: {  	s11 =	sadd.s32 @!p0 $0x0, s6;
	[sflag:s10] =	ssyncset.done @!p2 $0x0  }
0x19: {  	s12 =	simm.s32 @!p0 $0x80;
	[sflag:s10] =	ssyncadd.s32 @!p2 $0xFFFFF000;
	s10 =	simm.s32 @!p0 $0x0  }
0x1a: {  	[hbm4b:s11+s10] =	stream.linear.scatter @!p0 [tilespmem:s12], [sflag:$0x3], $0x2000, $0x38;
	[tilespmem:$0x2080] =	vst v63  }
0x1b: {  	s13 =	sadd.s32 $0x20, s9;
	s14 =	simm.s32 @!p0 $0x3;
	s10 =	simm.s32 $0x8000  }
0x1c: {  	s12 =	simm.s32 $0x10000;
	s11 =	sadd.s32 $0x200, s7;
	_ =	swait.ge @!p0 [sflag:s14], $0x2000  }
.LBB2_2:
0x1d: {  	p2 =	sgt.u32 s13, $0x61A;
	[sflag:s14] =	ssyncset.done @!p0 $0x0  }
0x1e: {  	s15 =	smov.u32 s10;
	s10 =	smov.u32 s12;
	s12 =	sadd.s32 $0x8000, s12  }
0x1f: {  	s16 =	simm.s32 @!p2 $0x0;
	s17 =	simm.s32 @!p2 $0x3;
	[sflag:s14] =	ssyncadd.s32 @!p0 $0xFFFFE000  }
0x20: {  	[tilespmem:s16], [sflag:$0x3] =	stream.linear.gather @!p2 [hbm4b:s11+s16], $0x80, $0x38;
	[tilespmem:$0x2080] =	vst v63  }
0x21: {  	p1 =	sne.s32 s12, $0x188000;
	_ =	swait.ge @!p2 [sflag:s17], $0x80  }
0x22: {  	s14 =	sadd.s32 s15, s8;
	s18 =	simm.s32 @!p2 $0x1;
	[sflag:s17] =	ssyncset.done @!p2 $0x0  }
0x23: {  	s14 =	sadd.s32 $0xFFE79800, s14;
	[sflag:s17] =	ssyncadd.s32 @!p2 $0xFFFFFF80;
	s17 =	simm.s32 @!p2 $0x80  }
0x24: {  	[tilespmem:s17], [sflag:$0x1] =	stream.indirect.gather @!p2 [hbm4b:s3+s17], $0x40, s16, s17, $0xb8;
	[tilespmem:$0x2080] =	vst v63  }
0x25: {  	p0 =	seq.s32 @!p2 s14, $0x0;
	_ =	swait.ge @!p2 [sflag:s18], $0x2000  }
0x26: {  	p3 =	por !p0, p2;
	[sflag:s18] =	ssyncset.done @!p2 $0x0  }
0x27: {  	s14 =	simm.s32 @!p3 $0x0;
	s16 =	simm.s32 @!p3 $0x80;
	[sflag:s18] =	ssyncadd.s32 @!p2 $0xFFFFE000  }
0x28: {  	[hbm4b:s4+s14] =	stream.linear.scatter @!p3 [tilespmem:s16], [sflag:$0x2], $0x1000, $0x38;
	[tilespmem:$0x2080] =	vst v63  }
0x29: {  	s14 =	simm.s32 @!p3 $0x2  }
.Ltmp0:
0x2a: {  	p0 =	por p0, p2;
	_ =	swait.ge @!p3 [sflag:s14], $0x1000;
	(pc) =	sbr.rel @p1 .LBB2_2-.Ltmp0, $4  }
0x2b: {  	s15 =	sadd.s32 @!p0 s15, s6;
	s16 =	simm.s32 @!p0 $0x80;
	[sflag:s14] =	ssyncset.done @!p3 $0x0  }
0x2c: {  	s17 =	simm.s32 @!p0 $0x0;
	[sflag:s14] =	ssyncadd.s32 @!p3 $0xFFFFF000;
	s14 =	simm.s32 @!p0 $0x3  }
0x2d: {  	[hbm4b:s15+s17] =	stream.linear.scatter @!p0 [tilespmem:s16], [sflag:$0x3], $0x2000, $0x38;
	[tilespmem:$0x2080] =	vst v63  }
0x2e: {  	s13 =	sadd.s32 $0x20, s13;
	s11 =	sadd.s32 $0x200, s11;
	_ =	swait.ge @!p0 [sflag:s14], $0x2000  }
0x2f: {  	p1 =	sgt.u32 s13, $0x61A;
	[sflag:s14] =	ssyncset.done @!p0 $0x0  }
0x30: {  	s12 =	simm.s32 @!p1 $0x0;
	s13 =	simm.s32 @!p1 $0x3;
	[sflag:s14] =	ssyncadd.s32 @!p0 $0xFFFFE000  }
0x31: {  	[tilespmem:s12], [sflag:$0x3] =	stream.linear.gather @!p1 [hbm4b:s11+s12], $0x80, $0x38;
	[tilespmem:$0x2080] =	vst v63  }
0x32: {  	_ =	swait.ge @!p1 [sflag:s13], $0x80  }
0x33: {  	s31 =	sadd.s32 s10, s8;
	s14 =	simm.s32 @!p1 $0x1;
	[sflag:s13] =	ssyncset.done @!p1 $0x0  }
0x34: {  	s11 =	sadd.s32 $0xFFE79800, s31;
	[sflag:s13] =	ssyncadd.s32 @!p1 $0xFFFFFF80;
	s13 =	simm.s32 @!p1 $0x80  }
0x35: {  	[tilespmem:s13], [sflag:$0x1] =	stream.indirect.gather @!p1 [hbm4b:s3+s13], $0x40, s12, s13, $0xb8;
	[tilespmem:$0x2080] =	vst v63  }
0x36: {  	p0 =	seq.s32 @!p1 s11, $0x0;
	_ =	swait.ge @!p1 [sflag:s14], $0x2000  }
0x37: {  	p2 =	por !p0, p1;
	[sflag:s14] =	ssyncset.done @!p1 $0x0  }
0x38: {  	s11 =	simm.s32 @!p2 $0x0;
	s12 =	simm.s32 @!p2 $0x80;
	[sflag:s14] =	ssyncadd.s32 @!p1 $0xFFFFE000  }
0x39: {  	[hbm4b:s4+s11] =	stream.linear.scatter @!p2 [tilespmem:s12], [sflag:$0x2], $0x1000, $0x38;
	[tilespmem:$0x2080] =	vst v63  }
0x3a: {  	s1 =	sadd.s32 $0x1, s1;
	p0 =	por p0, p1;
	s11 =	simm.s32 @!p2 $0x2  }
0x3b: {  	s10 =	sadd.s32 @!p0 s10, s6;
	s13 =	simm.s32 @!p0 $0x3;
	_ =	swait.ge @!p2 [sflag:s11], $0x1000  }
0x3c: {  	p1 =	sne.s32 s1, s5;
	s12 =	simm.s32 @!p0 $0x80;
	[sflag:s11] =	ssyncset.done @!p2 $0x0  }
.Ltmp1:
0x3d: {  	[sflag:s11] =	ssyncadd.s32 @!p2 $0xFFFFF000;
	s11 =	simm.s32 @!p0 $0x0;
	(pc) =	sbr.rel @p1 .LBB2_1-.Ltmp1, $4  }
0x3e: {  	[hbm4b:s10+s11] =	stream.linear.scatter @!p0 [tilespmem:s12], [sflag:$0x3], $0x2000, $0x38;
	[tilespmem:$0x2080] =	vst v63  }
0x3f: {  	_ =	swait.ge @!p0 [sflag:s13], $0x2000  }
0x40: {  	[sflag:s13] =	ssyncset.done @!p0 $0x0  }
0x41: {  	[sflag:s13] =	ssyncadd.s32 @!p0 $0xFFFFE000  }
0x42: {  	_ =	sfence.sel $0x180000  }
0x43: {  	[bflag:$0x0] =	sbarrier.arrive $0xFFFF  }
0x44: {  	p0 =	sne.s32 s2, $0x0;
	_ =	strace $0x9000004A  }
0x45: {  	s0 =	sadd.s32 @!p0 $0x100000, s0;
	[bflag:$0x2] =	sbarrier.arrive $0xFFFF  }
0x46: {  	[sflag:s0] =	ssyncadd.tile.s32 @!p0 $0x1;
	_ =	shalt  }
.Lfunc_end2:
_tile_overlayer_lowered:
.L_overlay_start_2:
0x47: {  	(tag) =	ssettag $0x2  }
0x48: {  	s0 =	rddreg [dreg:$0x0];
	s2 =	stileid.u32  }
0x49: {  	s1 =	rddreg [dreg:$0x1];
	p0 =	sne.s32 s2, $0x0  }
0x4a: {  	s3 =	rddreg [dreg:$0x2];
	[bflag:$0x3] =	sbarrier.arrive $0xFFFF;
	s2 =	simm.s32 @!p0 $0x1C02  }
0x4b: {  	[timem:s3], [sflag:s2] =	dma.local @!p0 [hbm:s0], s1  }
0x4c: {  	s0 =	simm.s32 @!p0 $0x2  }
0x4d: {  	_ =	swait.ge @!p0 [sflag:s0], s1  }
0x4e: {  	s1 =	ssub.s32 @!p0 $0x0, s1;
	[sflag:s0] =	ssyncset.done @!p0 $0x0  }
0x4f: {  	[sflag:s0] =	ssyncadd.s32 @!p0 s1  }
0x50: {  	[bflag:$0x3] =	sbarrier.arrive $0xFFFF  }
0x51: {  	_ =	shalt  }

// kernel: kernel.16.cloned.1.call-start
scs
__scs_entry_jumppad:
0x0: {  	(pc) =	sbr.rel $0x88, $3  }
0x1: {  	(tag) =	ssettag $0x0;
	lr =	simm.s32 $0x1  }
0x2: {  	[smem:$0x3F87] =	sst lr;
	_ =	strace $0xD0000000  }
0x3: {  	_ = 	snop  }
0x4: {  	_ = 	snop  }
0x5: {  	_ = 	snop  }
0x6: {  	_ = 	snop  }
0x7: {  	_ = 	snop  }
__scs_overlays_trampoline_lowered:
0x8: {  	[smem:$0x3F96] =	sst s0  }
0x9: {  	[smem:$0x3F97] =	sst s1  }
0xa: {  	[smem:$0x3F98] =	sst s2  }
0xb: {  	[smem:$0x3F99] =	sst s3  }
0xc: {  	[smem:$0x3F9A] =	sst s4  }
0xd: {  	[smem:$0x3F9B] =	sst s5  }
0xe: {  	[smem:$0x3F9C] =	sst s6  }
0xf: {  	[smem:$0x3F9D] =	sst s7  }
0x10: {  	[smem:$0x3F9E] =	sst s8  }
0x11: {  	[smem:$0x3F9F] =	sst s9;
	s0 =	simm.s32 @!p0 $0x0  }
0x12: {  	s1 =	sld [smem:$0x3F85];
	s0 =	simm.s32 @p0 $0x1  }
0x13: {  	[smem:$0x3FA0] =	sst s0;
	s0 =	simm.s32 @!p1 $0x0  }
0x14: {  	s2 =	sld [smem:$0x3F84];
	s0 =	simm.s32 @p1 $0x1  }
0x15: {  	[smem:$0x3FA1] =	sst s0;
	s0 =	simm.s32 @!p2 $0x0  }
0x16: {  	s3 =	sld [smem:$0x3FDB];
	s0 =	simm.s32 @p2 $0x1  }
0x17: {  	s4 =	simm.s32 $0x1BF5;
	[smem:$0x3FA3] =	sst s0  }
0x18: {  	s0 =	sld [smem:$0x3F86];
	_ =	swait.ge [sflag:s4], $0x0  }
0x19: {  	s7 =	sld [smem:$0x3F87]  }
0x1a: {  	s8 =	sadd.s32 $0xFFFFE003, lr  }
0x1b: {  	s9 =	sadd.s32 $0xFFFFFEF7, lr;
	s5 =	simm.s32 $0xFFFFFFFF;
	p2 =	slt.u32 s8, $0xFFFFF086  }
0x1c: {  	p1 =	slt.u32 s9, $0xF7A;
	s5 =	simm.s32 @!p2 $0x0  }
0x1d: {  	s5 =	simm.s32 @p1 $0x1;
	p0 =	seq.s32 s7, s2  }
0x1e: {  	s7 =	smul.u32 @!p0 $0xF7A, s2;
	p2 =	seq.s32 @!p0 s5, $0x0  }
0x1f: {  	s9 =	smul.u32 $0xF7A, s1;
	s8 =	simm.s32 @!p0 $0x1BF5;
	p2 =	por !p2, p0  }
0x20: {  	[sflag:s8] =	ssyncset.s32 @!p0 $0xFFFFF086;
	s6 =	sadd.s32 @!p0 s3, s7;
	s7 =	simm.s32 @!p0 $0x108  }
0x21: {  	s3 =	sadd.s32 s3, s9;
	s6 =	sadd.s32 @!p0 $0x88, s6;
	s7 =	simm.s32 @p2 $0x1082  }
0x22: {  	[simem:s7], [sflag:s8] =	dma.local @!p0 [hbm:s6], $0xF7A  }
0x23: {  	s9 =	sor.u32 $0xD0000000, s2;
	s6 =	simm.s32 $0x108;
	_ =	swait.ge @!p0 [sflag:s8], $0x0  }
0x24: {  	s3 =	sadd.s32 $0x88, s3;
	s6 =	simm.s32 @!p1 $0x1082;
	[sflag:s4] =	ssyncset.s32 $0xFFFFF086  }
0x25: {  	[simem:s6], [sflag:s4] =	dma.local [hbm:s3], $0xF7A  }
0x26: {  	[smem:$0x3F87] =	sst s1;
	(tag) =	ssettag s2;
	_ =	strace s9  }
0x27: {  	s1 =	sld [smem:$0x3F97]  }
0x28: {  	s2 =	sld [smem:$0x3F98]  }
0x29: {  	s4 =	sld [smem:$0x3F9A]  }
0x2a: {  	p0 =	seq.s32 s5, $0x0;
	s5 =	sld [smem:$0x3F9B]  }
0x2b: {  	s6 =	sld [smem:$0x3F9C]  }
0x2c: {  	s7 =	sld [smem:$0x3F9D]  }
0x2d: {  	s3 =	simm.s32 $0x108;
	s8 =	sld [smem:$0x3F9E]  }
0x2e: {  	s3 =	simm.s32 @!p0 $0x1082;
	s9 =	sld [smem:$0x3F9F]  }
0x2f: {  	lr =	sadd.s32 s0, s3;
	s0 =	sld [smem:$0x3F96]  }
0x30: {  	s3 =	sld [smem:$0x3F99]  }
0x31: {  	[smem:$0x3FA2] =	sst s10  }
0x32: {  	s10 =	sld [smem:$0x3FA0];
	_ =	sdelay $0x3  }
0x33: {  	p0 =	seq.s32 s10, $0x1;
	s10 =	sld [smem:$0x3FA2];
	_ =	sdelay $0x3  }
0x34: {  	[smem:$0x3FA2] =	sst s10  }
0x35: {  	s10 =	sld [smem:$0x3FA1];
	_ =	sdelay $0x3  }
0x36: {  	p1 =	seq.s32 s10, $0x1;
	s10 =	sld [smem:$0x3FA2];
	_ =	sdelay $0x3  }
0x37: {  	[smem:$0x3FA2] =	sst s10  }
0x38: {  	s10 =	sld [smem:$0x3FA3]  }
0x39: {  	_ = 	snop;
	(pc) =	sbr.ind lr, $3  }
0x3a: {  	_ = 	snop  }
0x3b: {  	_ = 	snop  }
0x3c: {  	p2 =	seq.s32 s10, $0x1;
	s10 =	sld [smem:$0x3FA2]  }
0x3d: {  	_ =	shalt  }
0x3e: {  	_ =	shalt  }
0x3f: {  	_ =	shalt  }
0x40: {  	_ =	shalt  }
0x41: {  	_ =	shalt  }
0x42: {  	_ =	shalt  }
0x43: {  	_ =	shalt  }
0x44: {  	_ =	shalt  }
0x45: {  	_ =	shalt  }
0x46: {  	_ =	shalt  }
0x47: {  	_ =	shalt  }
0x48: {  	_ =	shalt  }
0x49: {  	_ =	shalt  }
0x4a: {  	_ =	shalt  }
0x4b: {  	_ =	shalt  }
0x4c: {  	_ =	shalt  }
0x4d: {  	_ =	shalt  }
0x4e: {  	_ =	shalt  }
0x4f: {  	_ =	shalt  }
0x50: {  	_ =	shalt  }
0x51: {  	_ =	shalt  }
0x52: {  	_ =	shalt  }
0x53: {  	_ =	shalt  }
0x54: {  	_ =	shalt  }
0x55: {  	_ =	shalt  }
0x56: {  	_ =	shalt  }
0x57: {  	_ =	shalt  }
0x58: {  	_ =	shalt  }
0x59: {  	_ =	shalt  }
0x5a: {  	_ =	shalt  }
0x5b: {  	_ =	shalt  }
0x5c: {  	_ =	shalt  }
0x5d: {  	_ =	shalt  }
0x5e: {  	_ =	shalt  }
0x5f: {  	_ =	shalt  }
0x60: {  	_ =	shalt  }
0x61: {  	_ =	shalt  }
0x62: {  	_ =	shalt  }
0x63: {  	_ =	shalt  }
0x64: {  	_ =	shalt  }
0x65: {  	_ =	shalt  }
0x66: {  	_ =	shalt  }
0x67: {  	_ =	shalt  }
0x68: {  	_ =	shalt  }
0x69: {  	_ =	shalt  }
0x6a: {  	_ =	shalt  }
0x6b: {  	_ =	shalt  }
0x6c: {  	_ =	shalt  }
0x6d: {  	_ =	shalt  }
0x6e: {  	_ =	shalt  }
0x6f: {  	_ =	shalt  }
0x70: {  	_ =	shalt  }
0x71: {  	_ =	shalt  }
0x72: {  	_ =	shalt  }
0x73: {  	_ =	shalt  }
0x74: {  	_ =	shalt  }
0x75: {  	_ =	shalt  }
0x76: {  	_ =	shalt  }
0x77: {  	_ =	shalt  }
0x78: {  	_ =	shalt  }
0x79: {  	_ =	shalt  }
0x7a: {  	_ =	shalt  }
0x7b: {  	_ =	shalt  }
0x7c: {  	_ =	shalt  }
0x7d: {  	_ =	shalt  }
0x7e: {  	_ =	shalt  }
0x7f: {  	_ =	shalt  }
0x80: {  	_ =	shalt  }
0x81: {  	_ =	shalt  }
0x82: {  	_ =	shalt  }
0x83: {  	_ =	shalt  }
0x84: {  	_ =	shalt  }
0x85: {  	_ =	shalt  }
0x86: {  	_ =	shalt  }
0x87: {  	_ =	shalt  }
.Lfunc_end0:
.L_simem_size_0:
called_computation.2_lowered:
.L_overlay_start_0:
0x88: {  	s2 =	sld [smem:$0x3FD9]  }
0x89: {  	s3 =	sld [smem:$0x3FFE];
	_ =	sdelay $0x1  }
0x8a: {  	s1 =	srdreg.scid  }
0x8b: {  	s0 =	sand.u32 $0x1, s1  }
0x8c: {  	s16 =	sshll.u32 s0, $0xA;
	s2 =	sadd.s32 s3, s2  }
0x8d: {  	s2 =	sadd.s32 s2, s16  }
0x8e: {  	[smem:$0x3FAE] =	sst s2  }
0x8f: {  	_ = 	snop  }
0x90: {  	(tm) =	ssettm $0x1  }
0x91: {  	s17 =	sld [smem:$0x3FFB];
	_ =	sdelay $0x3  }
0x92: {  	_ =	strace s17  }
0x93: {  	s2 =	sld [smem:$0x3FFC];
	_ =	sdelay $0x3  }
0x94: {  	_ =	strace s2  }
0x95: {  	s2 =	sld [smem:$0x3FFD];
	_ =	sdelay $0x3  }
0x96: {  	_ =	strace s2  }
0x97: {  	_ =	strace $0x8FFFFFFF  }
0x98: {  	s18 =	sld [smem:$0x3FDB];
	_ =	sdelay $0x1  }
0x99: {  	s19 =	simm.s32 $_scs_section_size  }
0x9a: {  	s4 =	simm.s32 $_size__tile_overlayer_lowered;
	s5 =	simm.s32 $_tile_overlayer_lowered  }
0x9b: {  	s22 =	simm.s32 $0x1BFF;
	s21 =	sshll.u32 s5, $0x1;
	s2 =	sadd.s32 s19, s18  }
0x9c: {  	s6 =	simm.s32 $0x0;
	s20 =	sshll.u32 s4, $0x1;
	s4 =	sadd.s32 s21, s2  }
0x9d: {  	[timem:s6], [sflag:s22] =	dma.local [hbm:s4], s20  }
0x9e: {  	_ =	swait.ge [sflag:s22], s20  }
0x9f: {  	s3 =	ssub.s32 $0x0, s20;
	[sflag:s22] =	ssyncset.done $0x0  }
0xa0: {  	[sflag:s22] =	ssyncadd.s32 s3;
	_ =	sdelay $0x1  }
0xa1: {  	s23 =	simm.s32 $0x1B8B  }
0xa2: {  	_ =	swait.ge [sflag:s23], $0x1  }
0xa3: {  	[sflag:s23] =	ssyncset.done $0x0  }
0xa4: {  	s25 =	simm.s32 $0x1B8E;
	s24 =	sld [smem:$0x3FFE];
	[sflag:s23] =	ssyncadd.s32 $0xFFFFFFFF  }
0xa5: {  	s26 =	simm.s32 $execute0_lowered;
	[smem:$0x3FD2] =	sst s25  }
0xa6: {  	s4 =	sshll.u32 s26, $0x1;
	_ =	strace $0x8000004C;
	[dreg:$0x1] =	wrdreg $0xFFFFFFFF  }
0xa7: {  	s28 =	simm.s32 $_size_execute0_lowered;
	s2 =	sadd.s32 s2, s4;
	[dreg:$0x0] =	wrdreg $0x0  }
0xa8: {  	s4 =	sshll.u32 s28, $0x1;
	[dreg:$0x2] =	wrdreg s2  }
0xa9: {  	[dreg:$0x3] =	wrdreg s4  }
0xaa: {  	[dreg:$0x4] =	wrdreg $0xC0  }
0xab: {  	_ =	task [dreg:s6], $0x5FFFF  }
0xac: {  	[dreg:$0x1] =	wrdreg $0xFFFFFFFF  }
0xad: {  	[dreg:$0x0] =	wrdreg $0x60  }
0xae: {  	[dreg:$0x2] =	wrdreg s24  }
0xaf: {  	[dreg:$0x3] =	wrdreg $0x9  }
0xb0: {  	_ =	task.clear_ibuf [dreg:s6], $0x4FFFF;
	_ =	strace $0x9000004C  }
0xb1: {  	s29 =	simm.s32 $0x9;
	_ =	strace $0x8000004E  }
0xb2: {  	_ =	swait.ge [sflag:s29], $0x1  }
0xb3: {  	[sflag:s29] =	ssyncadd.s32 $0xFFFFFFFF  }
0xb4: {  	_ =	strace $0x9000004E  }
0xb5: {  	_ =	sfence  }
0xb6: {  	s30 =	sld [smem:$0x0];
	_ =	sdelay $0x2  }
0xb7: {  	s31 =	sshll.u32 s1, $0xD;
	s1 =	sshrl.u32 s1, $0x2  }
0xb8: {  	s3 =	sand.u32 $0x4000, s31;
	s1 =	sadd.s32 s1, s30  }
0xb9: {  	s0 =	sor.u32 s3, s0;
	s1 =	sshll.u32 s1, $0x11  }
0xba: {  	s0 =	sor.u32 s1, s0  }
0xbb: {  	s0 =	sadd.s32 $0x8F2B, s0  }
0xbc: {  	[sflag:s0] =	ssyncadd.remote.s32 $0x1  }
0xbd: {  	_ =	sfence.sel $0xFFFF  }
0xbe: {  	[dreg:$0x0] =	wrdreg $0xFFFFFFFF;
	(pc) =	sbr.abs _section_cstart, $3  }
0xbf: {  	[dreg:$0x1] =	wrdreg $0xFFFFFFFF  }
0xc0: {  	_ =	task.clear_ibuf [dreg:s6], $0x2FFFF;
	_ =	strace $0x9FFFFFFF  }
0xc1: {  	(tm) =	ssettm $0x7FFFFFFF  }
tec
execute0_lowered:
.L_overlay_start_1:
0x0: {  	(tag) =	ssettag $0x1  }
0x1: {  	s4 =	rddreg [dreg:$0x0]  }
0x2: {  	s0 =	rddreg [dreg:$0x1];
	s1 =	simm.s32 $0x0;
	s5 =	srdreg.scid  }
0x3: {  	s2 =	stileid.u32;
	[smem:$0x7FF] =	sst s1  }
0x4: {  	s3 =	sadd.s32 $0x35400, s4;
	s9 =	sand.u32 $0x1, s5;
	s29 =	sshll.u32 s2, $0x5  }
0x5: {  	s8 =	sshll.u32 s2, $0xC;
	s31 =	sshll.u32 s2, $0x1;
	_ =	strace $0x8000004D  }
0x6: {  	s6 =	ssub.s32 $0x2, s9;
	s7 =	sadd.s32 s29, s4;
	s30 =	sadd.s32 s8, s4  }
0x7: {  	s11 =	sshll.u32 s9, $0xB;
	s4 =	sadd.s32 $0x369600, s4;
	s13 =	sshll.u32 s9, $0x4  }
0x8: {  	s9 =	sor.u32 s9, s31;
	s10 =	sshrl.u32 s6, $0x1;
	s12 =	sadd.s32 s11, s30  }
0x9: {  	s7 =	sadd.s32 s13, s7;
	s8 =	sor.u32 s11, s8;
	s6 =	ssub.s32 s6, s10  }
0xa: {  	s7 =	sadd.s32 $0x8000, s7;
	s5 =	smax.u32 s6, $0x1;
	s6 =	sadd.s32 $0x5C600, s12  }
.LBB2_1:
0xb: {  	p0 =	sgt.u32 s9, $0x61A  }
0xc: {  	s10 =	simm.s32 @!p0 $0x0;
	s11 =	simm.s32 @!p0 $0x3  }
0xd: {  	[tilespmem:s10], [sflag:$0x3] =	stream.linear.gather @!p0 [hbm4b:s7+s10], $0x80, $0x38;
	[tilespmem:$0x4080] =	vst v63  }
0xe: {  	_ =	swait.ge @!p0 [sflag:s11], $0x80  }
0xf: {  	s12 =	sadd.s32 $0x0, s8;
	s13 =	simm.s32 @!p0 $0x1;
	[sflag:s11] =	ssyncset.done @!p0 $0x0  }
0x10: {  	s12 =	sadd.s32 $0xFFCF3000, s12;
	[sflag:s11] =	ssyncadd.s32 @!p0 $0xFFFFFF80;
	s11 =	simm.s32 @!p0 $0x80  }
0x11: {  	[tilespmem:s11], [sflag:$0x1] =	stream.indirect.gather @!p0 [hbm4b:s3+s11], $0x80, s10, s11, $0xb8;
	[tilespmem:$0x4080] =	vst v63  }
0x12: {  	p1 =	seq.s32 @!p0 s12, $0x0;
	_ =	swait.ge @!p0 [sflag:s13], $0x4000  }
0x13: {  	p2 =	por !p1, p0;
	[sflag:s13] =	ssyncset.done @!p0 $0x0  }
0x14: {  	s10 =	simm.s32 @!p2 $0x0;
	s11 =	simm.s32 @!p2 $0x80;
	[sflag:s13] =	ssyncadd.s32 @!p0 $0xFFFFC000  }
0x15: {  	[hbm4b:s4+s10] =	stream.linear.scatter @!p2 [tilespmem:s11], [sflag:$0x2], $0x2000, $0x38;
	[tilespmem:$0x4080] =	vst v63  }
0x16: {  	s10 =	simm.s32 @!p2 $0x2  }
0x17: {  	p0 =	por p1, p0;
	_ =	swait.ge @!p2 [sflag:s10], $0x2000  }
0x18: {  	s11 =	sadd.s32 @!p0 $0x0, s6;
	[sflag:s10] =	ssyncset.done @!p2 $0x0  }
0x19: {  	s12 =	simm.s32 @!p0 $0x80;
	[sflag:s10] =	ssyncadd.s32 @!p2 $0xFFFFE000;
	s10 =	simm.s32 @!p0 $0x0  }
0x1a: {  	[hbm4b:s11+s10] =	stream.linear.scatter @!p0 [tilespmem:s12], [sflag:$0x3], $0x4000, $0x38;
	[tilespmem:$0x4080] =	vst v63  }
0x1b: {  	s13 =	sadd.s32 $0x20, s9;
	s14 =	simm.s32 @!p0 $0x3;
	s10 =	simm.s32 $0x10000  }
0x1c: {  	s12 =	simm.s32 $0x20000;
	s11 =	sadd.s32 $0x200, s7;
	_ =	swait.ge @!p0 [sflag:s14], $0x4000  }
.LBB2_2:
0x1d: {  	p2 =	sgt.u32 s13, $0x61A;
	[sflag:s14] =	ssyncset.done @!p0 $0x0  }
0x1e: {  	s15 =	smov.u32 s10;
	s10 =	smov.u32 s12;
	s12 =	sadd.s32 $0x10000, s12  }
0x1f: {  	s16 =	simm.s32 @!p2 $0x0;
	s17 =	simm.s32 @!p2 $0x3;
	[sflag:s14] =	ssyncadd.s32 @!p0 $0xFFFFC000  }
0x20: {  	[tilespmem:s16], [sflag:$0x3] =	stream.linear.gather @!p2 [hbm4b:s11+s16], $0x80, $0x38;
	[tilespmem:$0x4080] =	vst v63  }
0x21: {  	p1 =	sne.s32 s12, $0x310000;
	_ =	swait.ge @!p2 [sflag:s17], $0x80  }
0x22: {  	s14 =	sadd.s32 s15, s8;
	s18 =	simm.s32 @!p2 $0x1;
	[sflag:s17] =	ssyncset.done @!p2 $0x0  }
0x23: {  	s14 =	sadd.s32 $0xFFCF3000, s14;
	[sflag:s17] =	ssyncadd.s32 @!p2 $0xFFFFFF80;
	s17 =	simm.s32 @!p2 $0x80  }
0x24: {  	[tilespmem:s17], [sflag:$0x1] =	stream.indirect.gather @!p2 [hbm4b:s3+s17], $0x80, s16, s17, $0xb8;
	[tilespmem:$0x4080] =	vst v63  }
0x25: {  	p0 =	seq.s32 @!p2 s14, $0x0;
	_ =	swait.ge @!p2 [sflag:s18], $0x4000  }
0x26: {  	p3 =	por !p0, p2;
	[sflag:s18] =	ssyncset.done @!p2 $0x0  }
0x27: {  	s14 =	simm.s32 @!p3 $0x0;
	s16 =	simm.s32 @!p3 $0x80;
	[sflag:s18] =	ssyncadd.s32 @!p2 $0xFFFFC000  }
0x28: {  	[hbm4b:s4+s14] =	stream.linear.scatter @!p3 [tilespmem:s16], [sflag:$0x2], $0x2000, $0x38;
	[tilespmem:$0x4080] =	vst v63  }
0x29: {  	s14 =	simm.s32 @!p3 $0x2  }
.Ltmp0:
0x2a: {  	p0 =	por p0, p2;
	_ =	swait.ge @!p3 [sflag:s14], $0x2000;
	(pc) =	sbr.rel @p1 .LBB2_2-.Ltmp0, $4  }
0x2b: {  	s15 =	sadd.s32 @!p0 s15, s6;
	s16 =	simm.s32 @!p0 $0x80;
	[sflag:s14] =	ssyncset.done @!p3 $0x0  }
0x2c: {  	s17 =	simm.s32 @!p0 $0x0;
	[sflag:s14] =	ssyncadd.s32 @!p3 $0xFFFFE000;
	s14 =	simm.s32 @!p0 $0x3  }
0x2d: {  	[hbm4b:s15+s17] =	stream.linear.scatter @!p0 [tilespmem:s16], [sflag:$0x3], $0x4000, $0x38;
	[tilespmem:$0x4080] =	vst v63  }
0x2e: {  	s13 =	sadd.s32 $0x20, s13;
	s11 =	sadd.s32 $0x200, s11;
	_ =	swait.ge @!p0 [sflag:s14], $0x4000  }
0x2f: {  	p1 =	sgt.u32 s13, $0x61A;
	[sflag:s14] =	ssyncset.done @!p0 $0x0  }
0x30: {  	s12 =	simm.s32 @!p1 $0x0;
	s13 =	simm.s32 @!p1 $0x3;
	[sflag:s14] =	ssyncadd.s32 @!p0 $0xFFFFC000  }
0x31: {  	[tilespmem:s12], [sflag:$0x3] =	stream.linear.gather @!p1 [hbm4b:s11+s12], $0x80, $0x38;
	[tilespmem:$0x4080] =	vst v63  }
0x32: {  	_ =	swait.ge @!p1 [sflag:s13], $0x80  }
0x33: {  	s31 =	sadd.s32 s10, s8;
	s14 =	simm.s32 @!p1 $0x1;
	[sflag:s13] =	ssyncset.done @!p1 $0x0  }
0x34: {  	s11 =	sadd.s32 $0xFFCF3000, s31;
	[sflag:s13] =	ssyncadd.s32 @!p1 $0xFFFFFF80;
	s13 =	simm.s32 @!p1 $0x80  }
0x35: {  	[tilespmem:s13], [sflag:$0x1] =	stream.indirect.gather @!p1 [hbm4b:s3+s13], $0x80, s12, s13, $0xb8;
	[tilespmem:$0x4080] =	vst v63  }
0x36: {  	p0 =	seq.s32 @!p1 s11, $0x0;
	_ =	swait.ge @!p1 [sflag:s14], $0x4000  }
0x37: {  	p2 =	por !p0, p1;
	[sflag:s14] =	ssyncset.done @!p1 $0x0  }
0x38: {  	s11 =	simm.s32 @!p2 $0x0;
	s12 =	simm.s32 @!p2 $0x80;
	[sflag:s14] =	ssyncadd.s32 @!p1 $0xFFFFC000  }
0x39: {  	[hbm4b:s4+s11] =	stream.linear.scatter @!p2 [tilespmem:s12], [sflag:$0x2], $0x2000, $0x38;
	[tilespmem:$0x4080] =	vst v63  }
0x3a: {  	s1 =	sadd.s32 $0x1, s1;
	p0 =	por p0, p1;
	s11 =	simm.s32 @!p2 $0x2  }
0x3b: {  	s10 =	sadd.s32 @!p0 s10, s6;
	s13 =	simm.s32 @!p0 $0x3;
	_ =	swait.ge @!p2 [sflag:s11], $0x2000  }
0x3c: {  	p1 =	sne.s32 s1, s5;
	s12 =	simm.s32 @!p0 $0x80;
	[sflag:s11] =	ssyncset.done @!p2 $0x0  }
.Ltmp1:
0x3d: {  	[sflag:s11] =	ssyncadd.s32 @!p2 $0xFFFFE000;
	s11 =	simm.s32 @!p0 $0x0;
	(pc) =	sbr.rel @p1 .LBB2_1-.Ltmp1, $4  }
0x3e: {  	[hbm4b:s10+s11] =	stream.linear.scatter @!p0 [tilespmem:s12], [sflag:$0x3], $0x4000, $0x38;
	[tilespmem:$0x4080] =	vst v63  }
0x3f: {  	_ =	swait.ge @!p0 [sflag:s13], $0x4000  }
0x40: {  	[sflag:s13] =	ssyncset.done @!p0 $0x0  }
0x41: {  	[sflag:s13] =	ssyncadd.s32 @!p0 $0xFFFFC000  }
0x42: {  	_ =	sfence.sel $0x180000  }
0x43: {  	[bflag:$0x0] =	sbarrier.arrive $0xFFFF  }
0x44: {  	p0 =	sne.s32 s2, $0x0;
	_ =	strace $0x9000004D  }
0x45: {  	s0 =	sadd.s32 @!p0 $0x100000, s0;
	[bflag:$0x2] =	sbarrier.arrive $0xFFFF  }
0x46: {  	[sflag:s0] =	ssyncadd.tile.s32 @!p0 $0x1;
	_ =	shalt  }
.Lfunc_end2:
_tile_overlayer_lowered:
.L_overlay_start_2:
0x47: {  	(tag) =	ssettag $0x2  }
0x48: {  	s0 =	rddreg [dreg:$0x0];
	s2 =	stileid.u32  }
0x49: {  	s1 =	rddreg [dreg:$0x1];
	p0 =	sne.s32 s2, $0x0  }
0x4a: {  	s3 =	rddreg [dreg:$0x2];
	[bflag:$0x3] =	sbarrier.arrive $0xFFFF;
	s2 =	simm.s32 @!p0 $0x1C02  }
0x4b: {  	[timem:s3], [sflag:s2] =	dma.local @!p0 [hbm:s0], s1  }
0x4c: {  	s0 =	simm.s32 @!p0 $0x2  }
0x4d: {  	_ =	swait.ge @!p0 [sflag:s0], s1  }
0x4e: {  	s1 =	ssub.s32 @!p0 $0x0, s1;
	[sflag:s0] =	ssyncset.done @!p0 $0x0  }
0x4f: {  	[sflag:s0] =	ssyncadd.s32 @!p0 s1  }
0x50: {  	[bflag:$0x3] =	sbarrier.arrive $0xFFFF  }
0x51: {  	_ =	shalt  }

</sc_bundles>
